<compile_context>
chip_gen: v7x
topology: tpu7x:2x2x1
jax: 0.10.2.dev20260603
libtpu: 0.0.44.dev20260713+nightly
codegen_flags: <defaults>
</compile_context>

<pallas_src>
import functools
import math

import jax
import jax.numpy as jnp
from jax import lax
from jax.experimental import pallas as pl
from jax.experimental.pallas import tpu as pltpu
from jax.experimental.pallas import tpu_sc as plsc

_B, _S, _NC, _NA, _V = 16, 128, 6, 16, 512
_EOS = 3
_TOL = 3
_ALPHA = 2.0
_M = _B * _S * _NA
_BLK = 1024
_GRID = _M // _BLK
_SHIFT_W = [math.exp(-_ALPHA * abs(s)) for s in range(-_TOL, _TOL + 1)]
_W_TOT = sum(_SHIFT_W)

_NWORK = 32
_RPW = _M // _NWORK
_NSH = 2 * _TOL + 1
_GCHUNK = 128
_NCHUNK = _NSH * _RPW // _GCHUNK


def _sc_gather_body(xf_hbm, tok_hbm, g_hbm, tok_v, idx_v, val_v, dot_v, sem):
    wid = lax.axis_index("s") * 2 + lax.axis_index("c")
    base = wid * _RPW
    pltpu.sync_copy(tok_hbm.at[pl.ds(base, _RPW)], tok_v)

    jlane = lax.iota(jnp.int32, 16)

    def idx_body(i, _):
        t = jnp.clip(tok_v[pl.ds(i * 16, 16)], 0, _V - 1)
        rv = ((base + i * 16) + jlane) * _V
        for k, s in enumerate(range(-_TOL, _TOL + 1)):
            idx_v[pl.ds(k * _RPW + i * 16, 16)] = rv + jnp.clip(t + s, 0, _V - 1)
        return ()

    lax.fori_loop(0, _RPW // 16, idx_body, (), unroll=4)

    copies = [
        pltpu.async_copy(
            xf_hbm.at[idx_v.at[pl.ds(c * _GCHUNK, _GCHUNK)]],
            val_v.at[pl.ds(c * _GCHUNK, _GCHUNK)],
            sem,
        )
        for c in range(_NCHUNK)
    ]
    for cp in copies:
        cp.wait()

    def dot_body(i, _):
        acc = jnp.zeros((16,), jnp.float32)
        for k in range(_NSH):
            acc = acc + jnp.float32(_SHIFT_W[k]) * val_v[pl.ds(k * _RPW + i * 16, 16)]
        dot_v[pl.ds(i * 16, 16)] = acc
        return ()

    lax.fori_loop(0, _RPW // 16, dot_body, (), unroll=4)
    pltpu.sync_copy(dot_v, g_hbm.at[pl.ds(base, _RPW)])


@functools.partial(
    pl.kernel,
    out_type=jax.ShapeDtypeStruct((_M,), jnp.float32),
    mesh=plsc.VectorSubcoreMesh(core_axis_name="c", subcore_axis_name="s"),
    scratch_types=[
        pltpu.VMEM((_RPW,), jnp.int32),
        pltpu.VMEM((_NSH * _RPW,), jnp.int32),
        pltpu.VMEM((_NSH * _RPW,), jnp.float32),
        pltpu.VMEM((_RPW,), jnp.float32),
        pltpu.SemaphoreType.DMA,
    ],
)
def _sc_gather(xf_hbm, tok_hbm, g_hbm, tok_v, idx_v, val_v, dot_v, sem):
    _sc_gather_body(xf_hbm, tok_hbm, g_hbm, tok_v, idx_v, val_v, dot_v, sem)


def _prep_body(clT_ref, cmds_ref, am_ref, wm_ref, cnum_ref, cden_ref):
    cmds = cmds_ref[...]
    eos = (cmds == _EOS).astype(jnp.float32)
    r = lax.broadcasted_iota(jnp.int32, (_S, _S), 0)
    c = lax.broadcasted_iota(jnp.int32, (_S, _S), 1)
    lower = (r <= c).astype(jnp.float32)
    cum = jnp.dot(eos, lower, preferred_element_type=jnp.float32)
    valid = (cum <= 1.0).astype(jnp.float32)

    x0 = clT_ref[0]
    m = x0
    for ci in range(1, _NC):
        m = jnp.maximum(m, clT_ref[ci])
    ssum = jnp.zeros_like(m)
    xt = jnp.zeros_like(m)
    for ci in range(_NC):
        xc = clT_ref[ci]
        ssum = ssum + jnp.exp(xc - m)
        xt = xt + jnp.where(cmds == ci, xc, 0.0)
    lse = m + jnp.log(ssum)
    closs = lse - xt
    closs = jnp.where(jnp.isnan(closs), 0.0, closs)
    cnum_ref[0, 0] = jnp.sum(closs * valid)
    cden_ref[0, 0] = jnp.sum(valid)

    for a in range(_NA):
        acc = jnp.zeros((_B, _S), jnp.float32)
        for ci in range(_NC):
            acc = acc + jnp.where(cmds == ci, am_ref[ci, a], 0.0)
        wm_ref[:, a, :] = acc * valid


def _args_body(x_ref, g_ref, wm_ref, num_ref, den_ref):
    @pl.when(pl.program_id(0) == 0)
    def _init():
        num_ref[0, 0] = jnp.float32(0.0)
        den_ref[0, 0] = jnp.float32(0.0)

    x = x_ref[...]
    m = jnp.max(x, axis=1, keepdims=True)
    e = jnp.exp(x - m)
    ssum = jnp.sum(e, axis=1, keepdims=True)
    lse = m + jnp.log(ssum)

    g = g_ref[...]
    loss = (jnp.float32(_W_TOT) * lse - g) * jnp.float32(1.0 / (_W_TOT + 1e-8))
    loss = jnp.where(jnp.isnan(loss), 0.0, loss)
    wm = wm_ref[...]
    num_ref[0, 0] += jnp.sum(loss * wm)
    den_ref[0, 0] += jnp.sum(wm)


def kernel(command_logits, unified_args_logits, commands, args_tokens, args_mask):
    clT = command_logits.astype(jnp.float32).transpose(2, 0, 1)
    cmds = commands.astype(jnp.int32)

    x32 = unified_args_logits.astype(jnp.float32)
    xf = x32.reshape(_M * _V)
    tok_flat = args_tokens.astype(jnp.int32).reshape(_M)
    gdot = _sc_gather(xf, tok_flat)

    wm_bas, cnum, cden = pl.pallas_call(
        _prep_body,
        out_shape=(
            jax.ShapeDtypeStruct((_B, _NA, _S), jnp.float32),
            jax.ShapeDtypeStruct((1, 1), jnp.float32),
            jax.ShapeDtypeStruct((1, 1), jnp.float32),
        ),
        in_specs=[
            pl.BlockSpec(memory_space=pltpu.VMEM),
            pl.BlockSpec(memory_space=pltpu.VMEM),
            pl.BlockSpec(memory_space=pltpu.SMEM),
        ],
        out_specs=(
            pl.BlockSpec(memory_space=pltpu.VMEM),
            pl.BlockSpec(memory_space=pltpu.SMEM),
            pl.BlockSpec(memory_space=pltpu.SMEM),
        ),
    )(clT, cmds, args_mask.astype(jnp.float32))

    wm_col = wm_bas.transpose(0, 2, 1).reshape(_M, 1)
    x2 = x32.reshape(_M, _V)

    num, den = pl.pallas_call(
        _args_body,
        grid=(_GRID,),
        out_shape=(
            jax.ShapeDtypeStruct((1, 1), jnp.float32),
            jax.ShapeDtypeStruct((1, 1), jnp.float32),
        ),
        in_specs=[
            pl.BlockSpec((_BLK, _V), lambda i: (i, 0)),
            pl.BlockSpec((_BLK, 1), lambda i: (i, 0)),
            pl.BlockSpec((_BLK, 1), lambda i: (i, 0)),
        ],
        out_specs=(
            pl.BlockSpec((1, 1), lambda i: (0, 0), memory_space=pltpu.SMEM),
            pl.BlockSpec((1, 1), lambda i: (0, 0), memory_space=pltpu.SMEM),
        ),
    )(x2, gdot.reshape(_M, 1), wm_col)

    loss_cmd = cnum[0, 0] / (cden[0, 0] + 1e-8)
    den_s = den[0, 0]
    la = num[0, 0] / (den_s + 1e-8)
    loss_args = jnp.where(den_s < 1.0, jnp.float32(0.0), la)
    total = loss_cmd + loss_args
    return total, loss_cmd, loss_args

# --- scband reference (transcript-rebuilt; emitter-appended) ---
"""Pipeline reference for scband-unified-cadloss-79611513799125 (READ-ONLY COPY).

The authoritative reference and input builder live on the scoring server;
editing this copy changes nothing except your own understanding.
"""

import jax, jax.numpy as jnp
import numpy as np

B, S, NC, NA, V = 16, 128, 6, 16, 512
EOS_IDX = 3
TOL = 3
ALPHA = 2.0
W_CMD = 1.0
W_ARGS = 1.0
TEMPLATE_LENS = [1, 16, 8, 1, 12, 4]  # stand-in for CMD_SEQUENCE_TEMPLATES lengths


def _make_args_mask():
    am = np.zeros((NC, NA), dtype=np.float32)
    for cmd_idx in range(NC):
        seq_len = min(TEMPLATE_LENS[cmd_idx], NA)
        am[cmd_idx, :seq_len] = 1.0
    return jnp.asarray(am)


def setup_inputs(seed: int = 0) -> dict:
    key = jax.random.key(seed)
    k1, k2, k3, k4 = jax.random.split(key, 4)
    command_logits = jax.random.normal(k1, (B, S, NC), dtype=jnp.float32)
    unified_args_logits = jax.random.normal(k2, (B, S, NA, V), dtype=jnp.float32)
    commands = jax.random.randint(k3, (B, S), 0, NC)
    args_tokens = jax.random.randint(k4, (B, S, NA), 0, V)
    return {
        "command_logits": command_logits,
        "unified_args_logits": unified_args_logits,
        "commands": commands,
        "args_tokens": args_tokens,
        "args_mask": _make_args_mask(),
    }


def _valid_mask(commands):
    eos_cumsum = jnp.cumsum((commands == EOS_IDX).astype(jnp.int32), axis=-1)
    return (eos_cumsum <= 1).astype(jnp.float32)


def _cmd_loss(logits, targets, valid_mask):
    logits = logits.astype(jnp.float32).reshape(-1, NC)
    tgt = targets.reshape(-1)
    logp = jax.nn.log_softmax(logits, axis=-1)
    loss = -jnp.take_along_axis(logp, tgt[:, None], axis=1)[:, 0]
    loss = jnp.where(jnp.isnan(loss), jnp.zeros_like(loss), loss)
    mf = valid_mask.reshape(-1)
    return (loss * mf).sum() / (mf.sum() + 1e-08)


def _args_loss(logits, targets, commands, valid_mask, args_mask):
    logits = logits.astype(jnp.float32)
    cmd_mask = args_mask[commands]                      # gather [B,S,NA]
    combined_mask = valid_mask[..., None] * cmd_mask
    log_probs = jax.nn.log_softmax(logits, axis=-1)
    tc = jnp.clip(targets, 0, V - 1)
    M = B * S * NA
    target_dist = jnp.zeros((M, V), dtype=jnp.float32)
    rows = jnp.arange(M)
    for shift in range(-TOL, TOL + 1):
        shifted = jnp.clip(tc + shift, 0, V - 1).reshape(-1)
        w = jnp.exp(jnp.asarray(-ALPHA * abs(shift), dtype=jnp.float32))
        target_dist = target_dist.at[rows, shifted].add(w)   # scatter-add along vocab dim
    target_dist = target_dist.reshape(B, S, NA, V)
    target_dist = target_dist / (target_dist.sum(axis=-1, keepdims=True) + 1e-08)
    loss_per_pos = -jnp.sum(target_dist * log_probs, axis=-1)
    loss_per_pos = jnp.where(jnp.isnan(loss_per_pos), jnp.zeros_like(loss_per_pos), loss_per_pos)
    la = (loss_per_pos * combined_mask).sum() / (combined_mask.sum() + 1e-08)
    return jnp.where(combined_mask.sum() < 1, jnp.asarray(0.0, jnp.float32), la)


def reference(command_logits, unified_args_logits, commands, args_tokens, args_mask):
    valid_mask = _valid_mask(commands)
    loss_cmd = _cmd_loss(command_logits, commands, valid_mask)
    loss_args = _args_loss(unified_args_logits, args_tokens, commands, valid_mask, args_mask)
    total = W_CMD * loss_cmd + W_ARGS * loss_args
    return total, loss_cmd, loss_args

if __name__ == "__main__":
    import jax
    _d = setup_inputs()
    print(jax.jit(kernel)(*tuple(_d.values())))

</pallas_src>

<mosaic_0001>
#map = affine_map<(d0, d1) -> (0)>
module attributes {stable_mosaic.version = 14 : i64} {
  func.func @_sc_gather(%arg0: i32, %arg1: i32, %arg2: memref<16777216xf32, #tpu.memory_space<hbm>>, %arg3: memref<32768xi32, #tpu.memory_space<hbm>>, %arg4: memref<32768xf32, #tpu.memory_space<hbm>>, %arg5: memref<1024xi32, #tpu.memory_space<vmem>>, %arg6: memref<7168xi32, #tpu.memory_space<vmem>>, %arg7: memref<7168xf32, #tpu.memory_space<vmem>>, %arg8: memref<1024xf32, #tpu.memory_space<vmem>>, %arg9: memref<!tpu.dma_semaphore, #tpu.memory_space<semaphore_mem>>) attributes {dimension_semantics = [#tpu.dimension_semantics<core_parallel>, #tpu.dimension_semantics<subcore_parallel>], iteration_bounds = array<i64: 2, 16>, scalar_prefetch = 0 : i64, scratch_operands = 5 : i64, tpu.core_type = #tpu.core_type<sc_vector_subcore>, window_params = [{transform_indices = #map}, {transform_indices = #map}, {transform_indices = #map}]} {
    %mul3A = arith.constant 2 : i32
    %mul3A_0 = arith.muli %arg1, %mul3A : i32
    %add3A = arith.addi %mul3A_0, %arg0 : i32
    %mul3A_1 = arith.constant 1024 : i32
    %mul3A_2 = arith.muli %add3A, %mul3A_1 : i32
    "tpu.region"() ({
      %run_scoped3A = tpu.sem_alloc : memref<!tpu.dma_semaphore, #tpu.memory_space<semaphore_mem>>
      %dma_start3A_682 = tpu.memref_slice %arg3[%mul3A_2] : memref<32768xi32, #tpu.memory_space<hbm>> -> memref<1024xi32, #tpu.memory_space<hbm>>
      %dma_start3A_683 = tpu.memref_slice %arg3[%mul3A_2] : memref<32768xi32, #tpu.memory_space<hbm>> -> memref<1024xi32, #tpu.memory_space<hbm>>
      tpu.enqueue_dma source(%dma_start3A_683 : memref<1024xi32, #tpu.memory_space<hbm>>) target(%arg5 : memref<1024xi32, #tpu.memory_space<vmem>>) target_semaphore(%run_scoped3A : memref<!tpu.dma_semaphore, #tpu.memory_space<semaphore_mem>>)
      %dma_wait3A_684 = tpu.memref_slice %arg3[%mul3A_2] : memref<32768xi32, #tpu.memory_space<hbm>> -> memref<1024xi32, #tpu.memory_space<hbm>>
      %dma_wait3A_685 = tpu.memref_slice %arg3[%mul3A_2] : memref<32768xi32, #tpu.memory_space<hbm>> -> memref<1024xi32, #tpu.memory_space<hbm>>
      tpu.wait_dma2 semaphore(%run_scoped3A : memref<!tpu.dma_semaphore, #tpu.memory_space<semaphore_mem>>) src(%dma_wait3A_685 : memref<1024xi32, #tpu.memory_space<hbm>>) dst(%arg5 : memref<1024xi32, #tpu.memory_space<vmem>>)
      tpu.yield
    }) : () -> ()
    %iota3A = tpu.iota {dimensions = array<i32: 0>} : vector<16xi32>
    %scan3A = arith.constant 0 : i32
    %scan3A_3 = arith.constant 64 : i32
    %scan3A_4 = arith.addi %scan3A, %scan3A_3 : i32
    %scan3A_5 = arith.constant 4 : i32
    scf.for %scan3A_682 = %scan3A to %scan3A_4 step %scan3A_5  : i32 {
      %mul3A_683 = arith.constant 16 : i32
      %mul3A_684 = arith.muli %scan3A_682, %mul3A_683 : i32
      %get3A = arith.index_cast %mul3A_684 : i32 to index
      %get3A_685 = tpu.vector_load %arg5[%get3A] {strides = array<i32>} : memref<1024xi32, #tpu.memory_space<vmem>>, vector<16xi32>,
      %get3A_686 = vector.shape_cast %get3A_685 : vector<16xi32> to vector<16xi32>
      %jit3A = arith.constant 0 : i32
      %jit3A_687 = arith.constant 511 : i32
      %max3A = vector.broadcast %jit3A : i32 to vector<16xi32>
      %max3A_688 = arith.maxsi %max3A, %get3A_686 : vector<16xi32>
      %min3A = vector.broadcast %jit3A_687 : i32 to vector<16xi32>
      %min3A_689 = arith.minsi %min3A, %max3A_688 : vector<16xi32>
      %mul3A_690 = arith.constant 16 : i32
      %mul3A_691 = arith.muli %scan3A_682, %mul3A_690 : i32
      %add3A_692 = arith.addi %mul3A_2, %mul3A_691 : i32
      %add3A_693 = vector.broadcast %add3A_692 : i32 to vector<16xi32>
      %add3A_694 = arith.addi %add3A_693, %iota3A : vector<16xi32>
      %mul3A_695 = arith.constant 512 : i32
      %mul3A_696 = vector.broadcast %mul3A_695 : i32 to vector<16xi32>
      %mul3A_697 = arith.muli %add3A_694, %mul3A_696 : vector<16xi32>
      %add3A_698 = arith.constant -3 : i32
      %add3A_699 = vector.broadcast %add3A_698 : i32 to vector<16xi32>
      %add3A_700 = arith.addi %min3A_689, %add3A_699 : vector<16xi32>
      %jit3A_701 = arith.constant 0 : i32
      %jit3A_702 = arith.constant 511 : i32
      %max3A_703 = vector.broadcast %jit3A_701 : i32 to vector<16xi32>
      %max3A_704 = arith.maxsi %max3A_703, %add3A_700 : vector<16xi32>
      %min3A_705 = vector.broadcast %jit3A_702 : i32 to vector<16xi32>
      %min3A_706 = arith.minsi %min3A_705, %max3A_704 : vector<16xi32>
      %add3A_707 = arith.addi %mul3A_697, %min3A_706 : vector<16xi32>
      %mul3A_708 = arith.constant 16 : i32
      %mul3A_709 = arith.muli %scan3A_682, %mul3A_708 : i32
      %add3A_710 = arith.constant 0 : i32
      %add3A_711 = arith.addi %add3A_710, %mul3A_709 : i32
      %swap3A = arith.index_cast %add3A_711 : i32 to index
      %swap3A_712 = tpu.vector_load %arg6[%swap3A] {strides = array<i32>} : memref<7168xi32, #tpu.memory_space<vmem>>, vector<16xi32>,
      %swap3A_713 = vector.shape_cast %swap3A_712 : vector<16xi32> to vector<16xi32>
      %swap3A_714 = vector.shape_cast %add3A_707 : vector<16xi32> to vector<16xi32>
      tpu.vector_store %arg6[%swap3A], %swap3A_714 {strides = array<i32>} : memref<7168xi32, #tpu.memory_space<vmem>>, vector<16xi32>,
      %add3A_715 = arith.constant -2 : i32
      %add3A_716 = vector.broadcast %add3A_715 : i32 to vector<16xi32>
      %add3A_717 = arith.addi %min3A_689, %add3A_716 : vector<16xi32>
      %jit3A_718 = arith.constant 0 : i32
      %jit3A_719 = arith.constant 511 : i32
      %max3A_720 = vector.broadcast %jit3A_718 : i32 to vector<16xi32>
      %max3A_721 = arith.maxsi %max3A_720, %add3A_717 : vector<16xi32>
      %min3A_722 = vector.broadcast %jit3A_719 : i32 to vector<16xi32>
      %min3A_723 = arith.minsi %min3A_722, %max3A_721 : vector<16xi32>
      %add3A_724 = arith.addi %mul3A_697, %min3A_723 : vector<16xi32>
      %mul3A_725 = arith.constant 16 : i32
      %mul3A_726 = arith.muli %scan3A_682, %mul3A_725 : i32
      %add3A_727 = arith.constant 1024 : i32
      %add3A_728 = arith.addi %add3A_727, %mul3A_726 : i32
      %swap3A_729 = arith.index_cast %add3A_728 : i32 to index
      %swap3A_730 = tpu.vector_load %arg6[%swap3A_729] {strides = array<i32>} : memref<7168xi32, #tpu.memory_space<vmem>>, vector<16xi32>,
      %swap3A_731 = vector.shape_cast %swap3A_730 : vector<16xi32> to vector<16xi32>
      %swap3A_732 = vector.shape_cast %add3A_724 : vector<16xi32> to vector<16xi32>
      tpu.vector_store %arg6[%swap3A_729], %swap3A_732 {strides = array<i32>} : memref<7168xi32, #tpu.memory_space<vmem>>, vector<16xi32>,
      %add3A_733 = arith.constant -1 : i32
      %add3A_734 = vector.broadcast %add3A_733 : i32 to vector<16xi32>
      %add3A_735 = arith.addi %min3A_689, %add3A_734 : vector<16xi32>
      %jit3A_736 = arith.constant 0 : i32
      %jit3A_737 = arith.constant 511 : i32
      %max3A_738 = vector.broadcast %jit3A_736 : i32 to vector<16xi32>
      %max3A_739 = arith.maxsi %max3A_738, %add3A_735 : vector<16xi32>
      %min3A_740 = vector.broadcast %jit3A_737 : i32 to vector<16xi32>
      %min3A_741 = arith.minsi %min3A_740, %max3A_739 : vector<16xi32>
      %add3A_742 = arith.addi %mul3A_697, %min3A_741 : vector<16xi32>
      %mul3A_743 = arith.constant 16 : i32
      %mul3A_744 = arith.muli %scan3A_682, %mul3A_743 : i32
      %add3A_745 = arith.constant 2048 : i32
      %add3A_746 = arith.addi %add3A_745, %mul3A_744 : i32
      %swap3A_747 = arith.index_cast %add3A_746 : i32 to index
      %swap3A_748 = tpu.vector_load %arg6[%swap3A_747] {strides = array<i32>} : memref<7168xi32, #tpu.memory_space<vmem>>, vector<16xi32>,
      %swap3A_749 = vector.shape_cast %swap3A_748 : vector<16xi32> to vector<16xi32>
      %swap3A_750 = vector.shape_cast %add3A_742 : vector<16xi32> to vector<16xi32>
      tpu.vector_store %arg6[%swap3A_747], %swap3A_750 {strides = array<i32>} : memref<7168xi32, #tpu.memory_space<vmem>>, vector<16xi32>,
      %add3A_751 = arith.constant 0 : i32
      %add3A_752 = vector.broadcast %add3A_751 : i32 to vector<16xi32>
      %add3A_753 = arith.addi %min3A_689, %add3A_752 : vector<16xi32>
      %jit3A_754 = arith.constant 0 : i32
      %jit3A_755 = arith.constant 511 : i32
      %max3A_756 = vector.broadcast %jit3A_754 : i32 to vector<16xi32>
      %max3A_757 = arith.maxsi %max3A_756, %add3A_753 : vector<16xi32>
      %min3A_758 = vector.broadcast %jit3A_755 : i32 to vector<16xi32>
      %min3A_759 = arith.minsi %min3A_758, %max3A_757 : vector<16xi32>
      %add3A_760 = arith.addi %mul3A_697, %min3A_759 : vector<16xi32>
      %mul3A_761 = arith.constant 16 : i32
      %mul3A_762 = arith.muli %scan3A_682, %mul3A_761 : i32
      %add3A_763 = arith.constant 3072 : i32
      %add3A_764 = arith.addi %add3A_763, %mul3A_762 : i32
      %swap3A_765 = arith.index_cast %add3A_764 : i32 to index
      %swap3A_766 = tpu.vector_load %arg6[%swap3A_765] {strides = array<i32>} : memref<7168xi32, #tpu.memory_space<vmem>>, vector<16xi32>,
      %swap3A_767 = vector.shape_cast %swap3A_766 : vector<16xi32> to vector<16xi32>
      %swap3A_768 = vector.shape_cast %add3A_760 : vector<16xi32> to vector<16xi32>
      tpu.vector_store %arg6[%swap3A_765], %swap3A_768 {strides = array<i32>} : memref<7168xi32, #tpu.memory_space<vmem>>, vector<16xi32>,
      %add3A_769 = arith.constant 1 : i32
      %add3A_770 = vector.broadcast %add3A_769 : i32 to vector<16xi32>
      %add3A_771 = arith.addi %min3A_689, %add3A_770 : vector<16xi32>
      %jit3A_772 = arith.constant 0 : i32
      %jit3A_773 = arith.constant 511 : i32
      %max3A_774 = vector.broadcast %jit3A_772 : i32 to vector<16xi32>
      %max3A_775 = arith.maxsi %max3A_774, %add3A_771 : vector<16xi32>
      %min3A_776 = vector.broadcast %jit3A_773 : i32 to vector<16xi32>
      %min3A_777 = arith.minsi %min3A_776, %max3A_775 : vector<16xi32>
      %add3A_778 = arith.addi %mul3A_697, %min3A_777 : vector<16xi32>
      %mul3A_779 = arith.constant 16 : i32
      %mul3A_780 = arith.muli %scan3A_682, %mul3A_779 : i32
      %add3A_781 = arith.constant 4096 : i32
      %add3A_782 = arith.addi %add3A_781, %mul3A_780 : i32
      %swap3A_783 = arith.index_cast %add3A_782 : i32 to index
      %swap3A_784 = tpu.vector_load %arg6[%swap3A_783] {strides = array<i32>} : memref<7168xi32, #tpu.memory_space<vmem>>, vector<16xi32>,
      %swap3A_785 = vector.shape_cast %swap3A_784 : vector<16xi32> to vector<16xi32>
      %swap3A_786 = vector.shape_cast %add3A_778 : vector<16xi32> to vector<16xi32>
      tpu.vector_store %arg6[%swap3A_783], %swap3A_786 {strides = array<i32>} : memref<7168xi32, #tpu.memory_space<vmem>>, vector<16xi32>,
      %add3A_787 = arith.constant 2 : i32
      %add3A_788 = vector.broadcast %add3A_787 : i32 to vector<16xi32>
      %add3A_789 = arith.addi %min3A_689, %add3A_788 : vector<16xi32>
      %jit3A_790 = arith.constant 0 : i32
      %jit3A_791 = arith.constant 511 : i32
      %max3A_792 = vector.broadcast %jit3A_790 : i32 to vector<16xi32>
      %max3A_793 = arith.maxsi %max3A_792, %add3A_789 : vector<16xi32>
      %min3A_794 = vector.broadcast %jit3A_791 : i32 to vector<16xi32>
      %min3A_795 = arith.minsi %min3A_794, %max3A_793 : vector<16xi32>
      %add3A_796 = arith.addi %mul3A_697, %min3A_795 : vector<16xi32>
      %mul3A_797 = arith.constant 16 : i32
      %mul3A_798 = arith.muli %scan3A_682, %mul3A_797 : i32
      %add3A_799 = arith.constant 5120 : i32
      %add3A_800 = arith.addi %add3A_799, %mul3A_798 : i32
      %swap3A_801 = arith.index_cast %add3A_800 : i32 to index
      %swap3A_802 = tpu.vector_load %arg6[%swap3A_801] {strides = array<i32>} : memref<7168xi32, #tpu.memory_space<vmem>>, vector<16xi32>,
      %swap3A_803 = vector.shape_cast %swap3A_802 : vector<16xi32> to vector<16xi32>
      %swap3A_804 = vector.shape_cast %add3A_796 : vector<16xi32> to vector<16xi32>
      tpu.vector_store %arg6[%swap3A_801], %swap3A_804 {strides = array<i32>} : memref<7168xi32, #tpu.memory_space<vmem>>, vector<16xi32>,
      %add3A_805 = arith.constant 3 : i32
      %add3A_806 = vector.broadcast %add3A_805 : i32 to vector<16xi32>
      %add3A_807 = arith.addi %min3A_689, %add3A_806 : vector<16xi32>
      %jit3A_808 = arith.constant 0 : i32
      %jit3A_809 = arith.constant 511 : i32
      %max3A_810 = vector.broadcast %jit3A_808 : i32 to vector<16xi32>
      %max3A_811 = arith.maxsi %max3A_810, %add3A_807 : vector<16xi32>
      %min3A_812 = vector.broadcast %jit3A_809 : i32 to vector<16xi32>
      %min3A_813 = arith.minsi %min3A_812, %max3A_811 : vector<16xi32>
      %add3A_814 = arith.addi %mul3A_697, %min3A_813 : vector<16xi32>
      %mul3A_815 = arith.constant 16 : i32
      %mul3A_816 = arith.muli %scan3A_682, %mul3A_815 : i32
      %add3A_817 = arith.constant 6144 : i32
      %add3A_818 = arith.addi %add3A_817, %mul3A_816 : i32
      %swap3A_819 = arith.index_cast %add3A_818 : i32 to index
      %swap3A_820 = tpu.vector_load %arg6[%swap3A_819] {strides = array<i32>} : memref<7168xi32, #tpu.memory_space<vmem>>, vector<16xi32>,
      %swap3A_821 = vector.shape_cast %swap3A_820 : vector<16xi32> to vector<16xi32>
      %swap3A_822 = vector.shape_cast %add3A_814 : vector<16xi32> to vector<16xi32>
      tpu.vector_store %arg6[%swap3A_819], %swap3A_822 {strides = array<i32>} : memref<7168xi32, #tpu.memory_space<vmem>>, vector<16xi32>,
      %scan3A_823 = arith.constant 1 : i32
      %scan3A_824 = arith.addi %scan3A_682, %scan3A_823 : i32
      %mul3A_825 = arith.constant 16 : i32
      %mul3A_826 = arith.muli %scan3A_824, %mul3A_825 : i32
      %get3A_827 = arith.index_cast %mul3A_826 : i32 to index
      %get3A_828 = tpu.vector_load %arg5[%get3A_827] {strides = array<i32>} : memref<1024xi32, #tpu.memory_space<vmem>>, vector<16xi32>,
      %get3A_829 = vector.shape_cast %get3A_828 : vector<16xi32> to vector<16xi32>
      %jit3A_830 = arith.constant 0 : i32
      %jit3A_831 = arith.constant 511 : i32
      %max3A_832 = vector.broadcast %jit3A_830 : i32 to vector<16xi32>
      %max3A_833 = arith.maxsi %max3A_832, %get3A_829 : vector<16xi32>
      %min3A_834 = vector.broadcast %jit3A_831 : i32 to vector<16xi32>
      %min3A_835 = arith.minsi %min3A_834, %max3A_833 : vector<16xi32>
      %mul3A_836 = arith.constant 16 : i32
      %mul3A_837 = arith.muli %scan3A_824, %mul3A_836 : i32
      %add3A_838 = arith.addi %mul3A_2, %mul3A_837 : i32
      %add3A_839 = vector.broadcast %add3A_838 : i32 to vector<16xi32>
      %add3A_840 = arith.addi %add3A_839, %iota3A : vector<16xi32>
      %mul3A_841 = arith.constant 512 : i32
      %mul3A_842 = vector.broadcast %mul3A_841 : i32 to vector<16xi32>
      %mul3A_843 = arith.muli %add3A_840, %mul3A_842 : vector<16xi32>
      %add3A_844 = arith.constant -3 : i32
      %add3A_845 = vector.broadcast %add3A_844 : i32 to vector<16xi32>
      %add3A_846 = arith.addi %min3A_835, %add3A_845 : vector<16xi32>
      %jit3A_847 = arith.constant 0 : i32
      %jit3A_848 = arith.constant 511 : i32
      %max3A_849 = vector.broadcast %jit3A_847 : i32 to vector<16xi32>
      %max3A_850 = arith.maxsi %max3A_849, %add3A_846 : vector<16xi32>
      %min3A_851 = vector.broadcast %jit3A_848 : i32 to vector<16xi32>
      %min3A_852 = arith.minsi %min3A_851, %max3A_850 : vector<16xi32>
      %add3A_853 = arith.addi %mul3A_843, %min3A_852 : vector<16xi32>
      %mul3A_854 = arith.constant 16 : i32
      %mul3A_855 = arith.muli %scan3A_824, %mul3A_854 : i32
      %add3A_856 = arith.constant 0 : i32
      %add3A_857 = arith.addi %add3A_856, %mul3A_855 : i32
      %swap3A_858 = arith.index_cast %add3A_857 : i32 to index
      %swap3A_859 = tpu.vector_load %arg6[%swap3A_858] {strides = array<i32>} : memref<7168xi32, #tpu.memory_space<vmem>>, vector<16xi32>,
      %swap3A_860 = vector.shape_cast %swap3A_859 : vector<16xi32> to vector<16xi32>
      %swap3A_861 = vector.shape_cast %add3A_853 : vector<16xi32> to vector<16xi32>
      tpu.vector_store %arg6[%swap3A_858], %swap3A_861 {strides = array<i32>} : memref<7168xi32, #tpu.memory_space<vmem>>, vector<16xi32>,
      %add3A_862 = arith.constant -2 : i32
      %add3A_863 = vector.broadcast %add3A_862 : i32 to vector<16xi32>
      %add3A_864 = arith.addi %min3A_835, %add3A_863 : vector<16xi32>
      %jit3A_865 = arith.constant 0 : i32
      %jit3A_866 = arith.constant 511 : i32
      %max3A_867 = vector.broadcast %jit3A_865 : i32 to vector<16xi32>
      %max3A_868 = arith.maxsi %max3A_867, %add3A_864 : vector<16xi32>
      %min3A_869 = vector.broadcast %jit3A_866 : i32 to vector<16xi32>
      %min3A_870 = arith.minsi %min3A_869, %max3A_868 : vector<16xi32>
      %add3A_871 = arith.addi %mul3A_843, %min3A_870 : vector<16xi32>
      %mul3A_872 = arith.constant 16 : i32
      %mul3A_873 = arith.muli %scan3A_824, %mul3A_872 : i32
      %add3A_874 = arith.constant 1024 : i32
      %add3A_875 = arith.addi %add3A_874, %mul3A_873 : i32
      %swap3A_876 = arith.index_cast %add3A_875 : i32 to index
      %swap3A_877 = tpu.vector_load %arg6[%swap3A_876] {strides = array<i32>} : memref<7168xi32, #tpu.memory_space<vmem>>, vector<16xi32>,
      %swap3A_878 = vector.shape_cast %swap3A_877 : vector<16xi32> to vector<16xi32>
      %swap3A_879 = vector.shape_cast %add3A_871 : vector<16xi32> to vector<16xi32>
      tpu.vector_store %arg6[%swap3A_876], %swap3A_879 {strides = array<i32>} : memref<7168xi32, #tpu.memory_space<vmem>>, vector<16xi32>,
      %add3A_880 = arith.constant -1 : i32
      %add3A_881 = vector.broadcast %add3A_880 : i32 to vector<16xi32>
      %add3A_882 = arith.addi %min3A_835, %add3A_881 : vector<16xi32>
      %jit3A_883 = arith.constant 0 : i32
      %jit3A_884 = arith.constant 511 : i32
      %max3A_885 = vector.broadcast %jit3A_883 : i32 to vector<16xi32>
      %max3A_886 = arith.maxsi %max3A_885, %add3A_882 : vector<16xi32>
      %min3A_887 = vector.broadcast %jit3A_884 : i32 to vector<16xi32>
      %min3A_888 = arith.minsi %min3A_887, %max3A_886 : vector<16xi32>
      %add3A_889 = arith.addi %mul3A_843, %min3A_888 : vector<16xi32>
      %mul3A_890 = arith.constant 16 : i32
      %mul3A_891 = arith.muli %scan3A_824, %mul3A_890 : i32
      %add3A_892 = arith.constant 2048 : i32
      %add3A_893 = arith.addi %add3A_892, %mul3A_891 : i32
      %swap3A_894 = arith.index_cast %add3A_893 : i32 to index
      %swap3A_895 = tpu.vector_load %arg6[%swap3A_894] {strides = array<i32>} : memref<7168xi32, #tpu.memory_space<vmem>>, vector<16xi32>,
      %swap3A_896 = vector.shape_cast %swap3A_895 : vector<16xi32> to vector<16xi32>
      %swap3A_897 = vector.shape_cast %add3A_889 : vector<16xi32> to vector<16xi32>
      tpu.vector_store %arg6[%swap3A_894], %swap3A_897 {strides = array<i32>} : memref<7168xi32, #tpu.memory_space<vmem>>, vector<16xi32>,
      %add3A_898 = arith.constant 0 : i32
      %add3A_899 = vector.broadcast %add3A_898 : i32 to vector<16xi32>
      %add3A_900 = arith.addi %min3A_835, %add3A_899 : vector<16xi32>
      %jit3A_901 = arith.constant 0 : i32
      %jit3A_902 = arith.constant 511 : i32
      %max3A_903 = vector.broadcast %jit3A_901 : i32 to vector<16xi32>
      %max3A_904 = arith.maxsi %max3A_903, %add3A_900 : vector<16xi32>
      %min3A_905 = vector.broadcast %jit3A_902 : i32 to vector<16xi32>
      %min3A_906 = arith.minsi %min3A_905, %max3A_904 : vector<16xi32>
      %add3A_907 = arith.addi %mul3A_843, %min3A_906 : vector<16xi32>
      %mul3A_908 = arith.constant 16 : i32
      %mul3A_909 = arith.muli %scan3A_824, %mul3A_908 : i32
      %add3A_910 = arith.constant 3072 : i32
      %add3A_911 = arith.addi %add3A_910, %mul3A_909 : i32
      %swap3A_912 = arith.index_cast %add3A_911 : i32 to index
      %swap3A_913 = tpu.vector_load %arg6[%swap3A_912] {strides = array<i32>} : memref<7168xi32, #tpu.memory_space<vmem>>, vector<16xi32>,
      %swap3A_914 = vector.shape_cast %swap3A_913 : vector<16xi32> to vector<16xi32>
      %swap3A_915 = vector.shape_cast %add3A_907 : vector<16xi32> to vector<16xi32>
      tpu.vector_store %arg6[%swap3A_912], %swap3A_915 {strides = array<i32>} : memref<7168xi32, #tpu.memory_space<vmem>>, vector<16xi32>,
      %add3A_916 = arith.constant 1 : i32
      %add3A_917 = vector.broadcast %add3A_916 : i32 to vector<16xi32>
      %add3A_918 = arith.addi %min3A_835, %add3A_917 : vector<16xi32>
      %jit3A_919 = arith.constant 0 : i32
      %jit3A_920 = arith.constant 511 : i32
      %max3A_921 = vector.broadcast %jit3A_919 : i32 to vector<16xi32>
      %max3A_922 = arith.maxsi %max3A_921, %add3A_918 : vector<16xi32>
      %min3A_923 = vector.broadcast %jit3A_920 : i32 to vector<16xi32>
      %min3A_924 = arith.minsi %min3A_923, %max3A_922 : vector<16xi32>
      %add3A_925 = arith.addi %mul3A_843, %min3A_924 : vector<16xi32>
      %mul3A_926 = arith.constant 16 : i32
      %mul3A_927 = arith.muli %scan3A_824, %mul3A_926 : i32
      %add3A_928 = arith.constant 4096 : i32
      %add3A_929 = arith.addi %add3A_928, %mul3A_927 : i32
      %swap3A_930 = arith.index_cast %add3A_929 : i32 to index
      %swap3A_931 = tpu.vector_load %arg6[%swap3A_930] {strides = array<i32>} : memref<7168xi32, #tpu.memory_space<vmem>>, vector<16xi32>,
      %swap3A_932 = vector.shape_cast %swap3A_931 : vector<16xi32> to vector<16xi32>
      %swap3A_933 = vector.shape_cast %add3A_925 : vector<16xi32> to vector<16xi32>
      tpu.vector_store %arg6[%swap3A_930], %swap3A_933 {strides = array<i32>} : memref<7168xi32, #tpu.memory_space<vmem>>, vector<16xi32>,
      %add3A_934 = arith.constant 2 : i32
      %add3A_935 = vector.broadcast %add3A_934 : i32 to vector<16xi32>
      %add3A_936 = arith.addi %min3A_835, %add3A_935 : vector<16xi32>
      %jit3A_937 = arith.constant 0 : i32
      %jit3A_938 = arith.constant 511 : i32
      %max3A_939 = vector.broadcast %jit3A_937 : i32 to vector<16xi32>
      %max3A_940 = arith.maxsi %max3A_939, %add3A_936 : vector<16xi32>
      %min3A_941 = vector.broadcast %jit3A_938 : i32 to vector<16xi32>
      %min3A_942 = arith.minsi %min3A_941, %max3A_940 : vector<16xi32>
      %add3A_943 = arith.addi %mul3A_843, %min3A_942 : vector<16xi32>
      %mul3A_944 = arith.constant 16 : i32
      %mul3A_945 = arith.muli %scan3A_824, %mul3A_944 : i32
      %add3A_946 = arith.constant 5120 : i32
      %add3A_947 = arith.addi %add3A_946, %mul3A_945 : i32
      %swap3A_948 = arith.index_cast %add3A_947 : i32 to index
      %swap3A_949 = tpu.vector_load %arg6[%swap3A_948] {strides = array<i32>} : memref<7168xi32, #tpu.memory_space<vmem>>, vector<16xi32>,
      %swap3A_950 = vector.shape_cast %swap3A_949 : vector<16xi32> to vector<16xi32>
      %swap3A_951 = vector.shape_cast %add3A_943 : vector<16xi32> to vector<16xi32>
      tpu.vector_store %arg6[%swap3A_948], %swap3A_951 {strides = array<i32>} : memref<7168xi32, #tpu.memory_space<vmem>>, vector<16xi32>,
      %add3A_952 = arith.constant 3 : i32
      %add3A_953 = vector.broadcast %add3A_952 : i32 to vector<16xi32>
      %add3A_954 = arith.addi %min3A_835, %add3A_953 : vector<16xi32>
      %jit3A_955 = arith.constant 0 : i32
      %jit3A_956 = arith.constant 511 : i32
      %max3A_957 = vector.broadcast %jit3A_955 : i32 to vector<16xi32>
      %max3A_958 = arith.maxsi %max3A_957, %add3A_954 : vector<16xi32>
      %min3A_959 = vector.broadcast %jit3A_956 : i32 to vector<16xi32>
      %min3A_960 = arith.minsi %min3A_959, %max3A_958 : vector<16xi32>
      %add3A_961 = arith.addi %mul3A_843, %min3A_960 : vector<16xi32>
      %mul3A_962 = arith.constant 16 : i32
      %mul3A_963 = arith.muli %scan3A_824, %mul3A_962 : i32
      %add3A_964 = arith.constant 6144 : i32
      %add3A_965 = arith.addi %add3A_964, %mul3A_963 : i32
      %swap3A_966 = arith.index_cast %add3A_965 : i32 to index
      %swap3A_967 = tpu.vector_load %arg6[%swap3A_966] {strides = array<i32>} : memref<7168xi32, #tpu.memory_space<vmem>>, vector<16xi32>,
      %swap3A_968 = vector.shape_cast %swap3A_967 : vector<16xi32> to vector<16xi32>
      %swap3A_969 = vector.shape_cast %add3A_961 : vector<16xi32> to vector<16xi32>
      tpu.vector_store %arg6[%swap3A_966], %swap3A_969 {strides = array<i32>} : memref<7168xi32, #tpu.memory_space<vmem>>, vector<16xi32>,
      %scan3A_970 = arith.constant 2 : i32
      %scan3A_971 = arith.addi %scan3A_682, %scan3A_970 : i32
      %mul3A_972 = arith.constant 16 : i32
      %mul3A_973 = arith.muli %scan3A_971, %mul3A_972 : i32
      %get3A_974 = arith.index_cast %mul3A_973 : i32 to index
      %get3A_975 = tpu.vector_load %arg5[%get3A_974] {strides = array<i32>} : memref<1024xi32, #tpu.memory_space<vmem>>, vector<16xi32>,
      %get3A_976 = vector.shape_cast %get3A_975 : vector<16xi32> to vector<16xi32>
      %jit3A_977 = arith.constant 0 : i32
      %jit3A_978 = arith.constant 511 : i32
      %max3A_979 = vector.broadcast %jit3A_977 : i32 to vector<16xi32>
      %max3A_980 = arith.maxsi %max3A_979, %get3A_976 : vector<16xi32>
      %min3A_981 = vector.broadcast %jit3A_978 : i32 to vector<16xi32>
      %min3A_982 = arith.minsi %min3A_981, %max3A_980 : vector<16xi32>
      %mul3A_983 = arith.constant 16 : i32
      %mul3A_984 = arith.muli %scan3A_971, %mul3A_983 : i32
      %add3A_985 = arith.addi %mul3A_2, %mul3A_984 : i32
      %add3A_986 = vector.broadcast %add3A_985 : i32 to vector<16xi32>
      %add3A_987 = arith.addi %add3A_986, %iota3A : vector<16xi32>
      %mul3A_988 = arith.constant 512 : i32
      %mul3A_989 = vector.broadcast %mul3A_988 : i32 to vector<16xi32>
      %mul3A_990 = arith.muli %add3A_987, %mul3A_989 : vector<16xi32>
      %add3A_991 = arith.constant -3 : i32
      %add3A_992 = vector.broadcast %add3A_991 : i32 to vector<16xi32>
      %add3A_993 = arith.addi %min3A_982, %add3A_992 : vector<16xi32>
      %jit3A_994 = arith.constant 0 : i32
      %jit3A_995 = arith.constant 511 : i32
      %max3A_996 = vector.broadcast %jit3A_994 : i32 to vector<16xi32>
      %max3A_997 = arith.maxsi %max3A_996, %add3A_993 : vector<16xi32>
      %min3A_998 = vector.broadcast %jit3A_995 : i32 to vector<16xi32>
      %min3A_999 = arith.minsi %min3A_998, %max3A_997 : vector<16xi32>
      %add3A_1000 = arith.addi %mul3A_990, %min3A_999 : vector<16xi32>
      %mul3A_1001 = arith.constant 16 : i32
      %mul3A_1002 = arith.muli %scan3A_971, %mul3A_1001 : i32
      %add3A_1003 = arith.constant 0 : i32
      %add3A_1004 = arith.addi %add3A_1003, %mul3A_1002 : i32
      %swap3A_1005 = arith.index_cast %add3A_1004 : i32 to index
      %swap3A_1006 = tpu.vector_load %arg6[%swap3A_1005] {strides = array<i32>} : memref<7168xi32, #tpu.memory_space<vmem>>, vector<16xi32>,
      %swap3A_1007 = vector.shape_cast %swap3A_1006 : vector<16xi32> to vector<16xi32>
      %swap3A_1008 = vector.shape_cast %add3A_1000 : vector<16xi32> to vector<16xi32>
      tpu.vector_store %arg6[%swap3A_1005], %swap3A_1008 {strides = array<i32>} : memref<7168xi32, #tpu.memory_space<vmem>>, vector<16xi32>,
      %add3A_1009 = arith.constant -2 : i32
      %add3A_1010 = vector.broadcast %add3A_1009 : i32 to vector<16xi32>
      %add3A_1011 = arith.addi %min3A_982, %add3A_1010 : vector<16xi32>
      %jit3A_1012 = arith.constant 0 : i32
      %jit3A_1013 = arith.constant 511 : i32
      %max3A_1014 = vector.broadcast %jit3A_1012 : i32 to vector<16xi32>
      %max3A_1015 = arith.maxsi %max3A_1014, %add3A_1011 : vector<16xi32>
      %min3A_1016 = vector.broadcast %jit3A_1013 : i32 to vector<16xi32>
      %min3A_1017 = arith.minsi %min3A_1016, %max3A_1015 : vector<16xi32>
      %add3A_1018 = arith.addi %mul3A_990, %min3A_1017 : vector<16xi32>
      %mul3A_1019 = arith.constant 16 : i32
      %mul3A_1020 = arith.muli %scan3A_971, %mul3A_1019 : i32
      %add3A_1021 = arith.constant 1024 : i32
      %add3A_1022 = arith.addi %add3A_1021, %mul3A_1020 : i32
      %swap3A_1023 = arith.index_cast %add3A_1022 : i32 to index
      %swap3A_1024 = tpu.vector_load %arg6[%swap3A_1023] {strides = array<i32>} : memref<7168xi32, #tpu.memory_space<vmem>>, vector<16xi32>,
      %swap3A_1025 = vector.shape_cast %swap3A_1024 : vector<16xi32> to vector<16xi32>
      %swap3A_1026 = vector.shape_cast %add3A_1018 : vector<16xi32> to vector<16xi32>
      tpu.vector_store %arg6[%swap3A_1023], %swap3A_1026 {strides = array<i32>} : memref<7168xi32, #tpu.memory_space<vmem>>, vector<16xi32>,
      %add3A_1027 = arith.constant -1 : i32
      %add3A_1028 = vector.broadcast %add3A_1027 : i32 to vector<16xi32>
      %add3A_1029 = arith.addi %min3A_982, %add3A_1028 : vector<16xi32>
      %jit3A_1030 = arith.constant 0 : i32
      %jit3A_1031 = arith.constant 511 : i32
      %max3A_1032 = vector.broadcast %jit3A_1030 : i32 to vector<16xi32>
      %max3A_1033 = arith.maxsi %max3A_1032, %add3A_1029 : vector<16xi32>
      %min3A_1034 = vector.broadcast %jit3A_1031 : i32 to vector<16xi32>
      %min3A_1035 = arith.minsi %min3A_1034, %max3A_1033 : vector<16xi32>
      %add3A_1036 = arith.addi %mul3A_990, %min3A_1035 : vector<16xi32>
      %mul3A_1037 = arith.constant 16 : i32
      %mul3A_1038 = arith.muli %scan3A_971, %mul3A_1037 : i32
      %add3A_1039 = arith.constant 2048 : i32
      %add3A_1040 = arith.addi %add3A_1039, %mul3A_1038 : i32
      %swap3A_1041 = arith.index_cast %add3A_1040 : i32 to index
      %swap3A_1042 = tpu.vector_load %arg6[%swap3A_1041] {strides = array<i32>} : memref<7168xi32, #tpu.memory_space<vmem>>, vector<16xi32>,
      %swap3A_1043 = vector.shape_cast %swap3A_1042 : vector<16xi32> to vector<16xi32>
      %swap3A_1044 = vector.shape_cast %add3A_1036 : vector<16xi32> to vector<16xi32>
      tpu.vector_store %arg6[%swap3A_1041], %swap3A_1044 {strides = array<i32>} : memref<7168xi32, #tpu.memory_space<vmem>>, vector<16xi32>,
      %add3A_1045 = arith.constant 0 : i32
      %add3A_1046 = vector.broadcast %add3A_1045 : i32 to vector<16xi32>
      %add3A_1047 = arith.addi %min3A_982, %add3A_1046 : vector<16xi32>
      %jit3A_1048 = arith.constant 0 : i32
      %jit3A_1049 = arith.constant 511 : i32
      %max3A_1050 = vector.broadcast %jit3A_1048 : i32 to vector<16xi32>
      %max3A_1051 = arith.maxsi %max3A_1050, %add3A_1047 : vector<16xi32>
      %min3A_1052 = vector.broadcast %jit3A_1049 : i32 to vector<16xi32>
      %min3A_1053 = arith.minsi %min3A_1052, %max3A_1051 : vector<16xi32>
      %add3A_1054 = arith.addi %mul3A_990, %min3A_1053 : vector<16xi32>
      %mul3A_1055 = arith.constant 16 : i32
      %mul3A_1056 = arith.muli %scan3A_971, %mul3A_1055 : i32
      %add3A_1057 = arith.constant 3072 : i32
      %add3A_1058 = arith.addi %add3A_1057, %mul3A_1056 : i32
      %swap3A_1059 = arith.index_cast %add3A_1058 : i32 to index
      %swap3A_1060 = tpu.vector_load %arg6[%swap3A_1059] {strides = array<i32>} : memref<7168xi32, #tpu.memory_space<vmem>>, vector<16xi32>,
      %swap3A_1061 = vector.shape_cast %swap3A_1060 : vector<16xi32> to vector<16xi32>
      %swap3A_1062 = vector.shape_cast %add3A_1054 : vector<16xi32> to vector<16xi32>
      tpu.vector_store %arg6[%swap3A_1059], %swap3A_1062 {strides = array<i32>} : memref<7168xi32, #tpu.memory_space<vmem>>, vector<16xi32>,
      %add3A_1063 = arith.constant 1 : i32
      %add3A_1064 = vector.broadcast %add3A_1063 : i32 to vector<16xi32>
      %add3A_1065 = arith.addi %min3A_982, %add3A_1064 : vector<16xi32>
      %jit3A_1066 = arith.constant 0 : i32
      %jit3A_1067 = arith.constant 511 : i32
      %max3A_1068 = vector.broadcast %jit3A_1066 : i32 to vector<16xi32>
      %max3A_1069 = arith.maxsi %max3A_1068, %add3A_1065 : vector<16xi32>
      %min3A_1070 = vector.broadcast %jit3A_1067 : i32 to vector<16xi32>
      %min3A_1071 = arith.minsi %min3A_1070, %max3A_1069 : vector<16xi32>
      %add3A_1072 = arith.addi %mul3A_990, %min3A_1071 : vector<16xi32>
      %mul3A_1073 = arith.constant 16 : i32
      %mul3A_1074 = arith.muli %scan3A_971, %mul3A_1073 : i32
      %add3A_1075 = arith.constant 4096 : i32
      %add3A_1076 = arith.addi %add3A_1075, %mul3A_1074 : i32
      %swap3A_1077 = arith.index_cast %add3A_1076 : i32 to index
      %swap3A_1078 = tpu.vector_load %arg6[%swap3A_1077] {strides = array<i32>} : memref<7168xi32, #tpu.memory_space<vmem>>, vector<16xi32>,
      %swap3A_1079 = vector.shape_cast %swap3A_1078 : vector<16xi32> to vector<16xi32>
      %swap3A_1080 = vector.shape_cast %add3A_1072 : vector<16xi32> to vector<16xi32>
      tpu.vector_store %arg6[%swap3A_1077], %swap3A_1080 {strides = array<i32>} : memref<7168xi32, #tpu.memory_space<vmem>>, vector<16xi32>,
      %add3A_1081 = arith.constant 2 : i32
      %add3A_1082 = vector.broadcast %add3A_1081 : i32 to vector<16xi32>
      %add3A_1083 = arith.addi %min3A_982, %add3A_1082 : vector<16xi32>
      %jit3A_1084 = arith.constant 0 : i32
      %jit3A_1085 = arith.constant 511 : i32
      %max3A_1086 = vector.broadcast %jit3A_1084 : i32 to vector<16xi32>
      %max3A_1087 = arith.maxsi %max3A_1086, %add3A_1083 : vector<16xi32>
      %min3A_1088 = vector.broadcast %jit3A_1085 : i32 to vector<16xi32>
      %min3A_1089 = arith.minsi %min3A_1088, %max3A_1087 : vector<16xi32>
      %add3A_1090 = arith.addi %mul3A_990, %min3A_1089 : vector<16xi32>
      %mul3A_1091 = arith.constant 16 : i32
      %mul3A_1092 = arith.muli %scan3A_971, %mul3A_1091 : i32
      %add3A_1093 = arith.constant 5120 : i32
      %add3A_1094 = arith.addi %add3A_1093, %mul3A_1092 : i32
      %swap3A_1095 = arith.index_cast %add3A_1094 : i32 to index
      %swap3A_1096 = tpu.vector_load %arg6[%swap3A_1095] {strides = array<i32>} : memref<7168xi32, #tpu.memory_space<vmem>>, vector<16xi32>,
      %swap3A_1097 = vector.shape_cast %swap3A_1096 : vector<16xi32> to vector<16xi32>
      %swap3A_1098 = vector.shape_cast %add3A_1090 : vector<16xi32> to vector<16xi32>
      tpu.vector_store %arg6[%swap3A_1095], %swap3A_1098 {strides = array<i32>} : memref<7168xi32, #tpu.memory_space<vmem>>, vector<16xi32>,
      %add3A_1099 = arith.constant 3 : i32
      %add3A_1100 = vector.broadcast %add3A_1099 : i32 to vector<16xi32>
      %add3A_1101 = arith.addi %min3A_982, %add3A_1100 : vector<16xi32>
      %jit3A_1102 = arith.constant 0 : i32
      %jit3A_1103 = arith.constant 511 : i32
      %max3A_1104 = vector.broadcast %jit3A_1102 : i32 to vector<16xi32>
      %max3A_1105 = arith.maxsi %max3A_1104, %add3A_1101 : vector<16xi32>
      %min3A_1106 = vector.broadcast %jit3A_1103 : i32 to vector<16xi32>
      %min3A_1107 = arith.minsi %min3A_1106, %max3A_1105 : vector<16xi32>
      %add3A_1108 = arith.addi %mul3A_990, %min3A_1107 : vector<16xi32>
      %mul3A_1109 = arith.constant 16 : i32
      %mul3A_1110 = arith.muli %scan3A_971, %mul3A_1109 : i32
      %add3A_1111 = arith.constant 6144 : i32
      %add3A_1112 = arith.addi %add3A_1111, %mul3A_1110 : i32
      %swap3A_1113 = arith.index_cast %add3A_1112 : i32 to index
      %swap3A_1114 = tpu.vector_load %arg6[%swap3A_1113] {strides = array<i32>} : memref<7168xi32, #tpu.memory_space<vmem>>, vector<16xi32>,
      %swap3A_1115 = vector.shape_cast %swap3A_1114 : vector<16xi32> to vector<16xi32>
      %swap3A_1116 = vector.shape_cast %add3A_1108 : vector<16xi32> to vector<16xi32>
      tpu.vector_store %arg6[%swap3A_1113], %swap3A_1116 {strides = array<i32>} : memref<7168xi32, #tpu.memory_space<vmem>>, vector<16xi32>,
      %scan3A_1117 = arith.constant 3 : i32
      %scan3A_1118 = arith.addi %scan3A_682, %scan3A_1117 : i32
      %mul3A_1119 = arith.constant 16 : i32
      %mul3A_1120 = arith.muli %scan3A_1118, %mul3A_1119 : i32
      %get3A_1121 = arith.index_cast %mul3A_1120 : i32 to index
      %get3A_1122 = tpu.vector_load %arg5[%get3A_1121] {strides = array<i32>} : memref<1024xi32, #tpu.memory_space<vmem>>, vector<16xi32>,
      %get3A_1123 = vector.shape_cast %get3A_1122 : vector<16xi32> to vector<16xi32>
      %jit3A_1124 = arith.constant 0 : i32
      %jit3A_1125 = arith.constant 511 : i32
      %max3A_1126 = vector.broadcast %jit3A_1124 : i32 to vector<16xi32>
      %max3A_1127 = arith.maxsi %max3A_1126, %get3A_1123 : vector<16xi32>
      %min3A_1128 = vector.broadcast %jit3A_1125 : i32 to vector<16xi32>
      %min3A_1129 = arith.minsi %min3A_1128, %max3A_1127 : vector<16xi32>
      %mul3A_1130 = arith.constant 16 : i32
      %mul3A_1131 = arith.muli %scan3A_1118, %mul3A_1130 : i32
      %add3A_1132 = arith.addi %mul3A_2, %mul3A_1131 : i32
      %add3A_1133 = vector.broadcast %add3A_1132 : i32 to vector<16xi32>
      %add3A_1134 = arith.addi %add3A_1133, %iota3A : vector<16xi32>
      %mul3A_1135 = arith.constant 512 : i32
      %mul3A_1136 = vector.broadcast %mul3A_1135 : i32 to vector<16xi32>
      %mul3A_1137 = arith.muli %add3A_1134, %mul3A_1136 : vector<16xi32>
      %add3A_1138 = arith.constant -3 : i32
      %add3A_1139 = vector.broadcast %add3A_1138 : i32 to vector<16xi32>
      %add3A_1140 = arith.addi %min3A_1129, %add3A_1139 : vector<16xi32>
      %jit3A_1141 = arith.constant 0 : i32
      %jit3A_1142 = arith.constant 511 : i32
      %max3A_1143 = vector.broadcast %jit3A_1141 : i32 to vector<16xi32>
      %max3A_1144 = arith.maxsi %max3A_1143, %add3A_1140 : vector<16xi32>
      %min3A_1145 = vector.broadcast %jit3A_1142 : i32 to vector<16xi32>
      %min3A_1146 = arith.minsi %min3A_1145, %max3A_1144 : vector<16xi32>
      %add3A_1147 = arith.addi %mul3A_1137, %min3A_1146 : vector<16xi32>
      %mul3A_1148 = arith.constant 16 : i32
      %mul3A_1149 = arith.muli %scan3A_1118, %mul3A_1148 : i32
      %add3A_1150 = arith.constant 0 : i32
      %add3A_1151 = arith.addi %add3A_1150, %mul3A_1149 : i32
      %swap3A_1152 = arith.index_cast %add3A_1151 : i32 to index
      %swap3A_1153 = tpu.vector_load %arg6[%swap3A_1152] {strides = array<i32>} : memref<7168xi32, #tpu.memory_space<vmem>>, vector<16xi32>,
      %swap3A_1154 = vector.shape_cast %swap3A_1153 : vector<16xi32> to vector<16xi32>
      %swap3A_1155 = vector.shape_cast %add3A_1147 : vector<16xi32> to vector<16xi32>
      tpu.vector_store %arg6[%swap3A_1152], %swap3A_1155 {strides = array<i32>} : memref<7168xi32, #tpu.memory_space<vmem>>, vector<16xi32>,
      %add3A_1156 = arith.constant -2 : i32
      %add3A_1157 = vector.broadcast %add3A_1156 : i32 to vector<16xi32>
      %add3A_1158 = arith.addi %min3A_1129, %add3A_1157 : vector<16xi32>
      %jit3A_1159 = arith.constant 0 : i32
      %jit3A_1160 = arith.constant 511 : i32
      %max3A_1161 = vector.broadcast %jit3A_1159 : i32 to vector<16xi32>
      %max3A_1162 = arith.maxsi %max3A_1161, %add3A_1158 : vector<16xi32>
      %min3A_1163 = vector.broadcast %jit3A_1160 : i32 to vector<16xi32>
      %min3A_1164 = arith.minsi %min3A_1163, %max3A_1162 : vector<16xi32>
      %add3A_1165 = arith.addi %mul3A_1137, %min3A_1164 : vector<16xi32>
      %mul3A_1166 = arith.constant 16 : i32
      %mul3A_1167 = arith.muli %scan3A_1118, %mul3A_1166 : i32
      %add3A_1168 = arith.constant 1024 : i32
      %add3A_1169 = arith.addi %add3A_1168, %mul3A_1167 : i32
      %swap3A_1170 = arith.index_cast %add3A_1169 : i32 to index
      %swap3A_1171 = tpu.vector_load %arg6[%swap3A_1170] {strides = array<i32>} : memref<7168xi32, #tpu.memory_space<vmem>>, vector<16xi32>,
      %swap3A_1172 = vector.shape_cast %swap3A_1171 : vector<16xi32> to vector<16xi32>
      %swap3A_1173 = vector.shape_cast %add3A_1165 : vector<16xi32> to vector<16xi32>
      tpu.vector_store %arg6[%swap3A_1170], %swap3A_1173 {strides = array<i32>} : memref<7168xi32, #tpu.memory_space<vmem>>, vector<16xi32>,
      %add3A_1174 = arith.constant -1 : i32
      %add3A_1175 = vector.broadcast %add3A_1174 : i32 to vector<16xi32>
      %add3A_1176 = arith.addi %min3A_1129, %add3A_1175 : vector<16xi32>
      %jit3A_1177 = arith.constant 0 : i32
      %jit3A_1178 = arith.constant 511 : i32
      %max3A_1179 = vector.broadcast %jit3A_1177 : i32 to vector<16xi32>
      %max3A_1180 = arith.maxsi %max3A_1179, %add3A_1176 : vector<16xi32>
      %min3A_1181 = vector.broadcast %jit3A_1178 : i32 to vector<16xi32>
      %min3A_1182 = arith.minsi %min3A_1181, %max3A_1180 : vector<16xi32>
      %add3A_1183 = arith.addi %mul3A_1137, %min3A_1182 : vector<16xi32>
      %mul3A_1184 = arith.constant 16 : i32
      %mul3A_1185 = arith.muli %scan3A_1118, %mul3A_1184 : i32
      %add3A_1186 = arith.constant 2048 : i32
      %add3A_1187 = arith.addi %add3A_1186, %mul3A_1185 : i32
      %swap3A_1188 = arith.index_cast %add3A_1187 : i32 to index
      %swap3A_1189 = tpu.vector_load %arg6[%swap3A_1188] {strides = array<i32>} : memref<7168xi32, #tpu.memory_space<vmem>>, vector<16xi32>,
      %swap3A_1190 = vector.shape_cast %swap3A_1189 : vector<16xi32> to vector<16xi32>
      %swap3A_1191 = vector.shape_cast %add3A_1183 : vector<16xi32> to vector<16xi32>
      tpu.vector_store %arg6[%swap3A_1188], %swap3A_1191 {strides = array<i32>} : memref<7168xi32, #tpu.memory_space<vmem>>, vector<16xi32>,
      %add3A_1192 = arith.constant 0 : i32
      %add3A_1193 = vector.broadcast %add3A_1192 : i32 to vector<16xi32>
      %add3A_1194 = arith.addi %min3A_1129, %add3A_1193 : vector<16xi32>
      %jit3A_1195 = arith.constant 0 : i32
      %jit3A_1196 = arith.constant 511 : i32
      %max3A_1197 = vector.broadcast %jit3A_1195 : i32 to vector<16xi32>
      %max3A_1198 = arith.maxsi %max3A_1197, %add3A_1194 : vector<16xi32>
      %min3A_1199 = vector.broadcast %jit3A_1196 : i32 to vector<16xi32>
      %min3A_1200 = arith.minsi %min3A_1199, %max3A_1198 : vector<16xi32>
      %add3A_1201 = arith.addi %mul3A_1137, %min3A_1200 : vector<16xi32>
      %mul3A_1202 = arith.constant 16 : i32
      %mul3A_1203 = arith.muli %scan3A_1118, %mul3A_1202 : i32
      %add3A_1204 = arith.constant 3072 : i32
      %add3A_1205 = arith.addi %add3A_1204, %mul3A_1203 : i32
      %swap3A_1206 = arith.index_cast %add3A_1205 : i32 to index
      %swap3A_1207 = tpu.vector_load %arg6[%swap3A_1206] {strides = array<i32>} : memref<7168xi32, #tpu.memory_space<vmem>>, vector<16xi32>,
      %swap3A_1208 = vector.shape_cast %swap3A_1207 : vector<16xi32> to vector<16xi32>
      %swap3A_1209 = vector.shape_cast %add3A_1201 : vector<16xi32> to vector<16xi32>
      tpu.vector_store %arg6[%swap3A_1206], %swap3A_1209 {strides = array<i32>} : memref<7168xi32, #tpu.memory_space<vmem>>, vector<16xi32>,
      %add3A_1210 = arith.constant 1 : i32
      %add3A_1211 = vector.broadcast %add3A_1210 : i32 to vector<16xi32>
      %add3A_1212 = arith.addi %min3A_1129, %add3A_1211 : vector<16xi32>
      %jit3A_1213 = arith.constant 0 : i32
      %jit3A_1214 = arith.constant 511 : i32
      %max3A_1215 = vector.broadcast %jit3A_1213 : i32 to vector<16xi32>
      %max3A_1216 = arith.maxsi %max3A_1215, %add3A_1212 : vector<16xi32>
      %min3A_1217 = vector.broadcast %jit3A_1214 : i32 to vector<16xi32>
      %min3A_1218 = arith.minsi %min3A_1217, %max3A_1216 : vector<16xi32>
      %add3A_1219 = arith.addi %mul3A_1137, %min3A_1218 : vector<16xi32>
      %mul3A_1220 = arith.constant 16 : i32
      %mul3A_1221 = arith.muli %scan3A_1118, %mul3A_1220 : i32
      %add3A_1222 = arith.constant 4096 : i32
      %add3A_1223 = arith.addi %add3A_1222, %mul3A_1221 : i32
      %swap3A_1224 = arith.index_cast %add3A_1223 : i32 to index
      %swap3A_1225 = tpu.vector_load %arg6[%swap3A_1224] {strides = array<i32>} : memref<7168xi32, #tpu.memory_space<vmem>>, vector<16xi32>,
      %swap3A_1226 = vector.shape_cast %swap3A_1225 : vector<16xi32> to vector<16xi32>
      %swap3A_1227 = vector.shape_cast %add3A_1219 : vector<16xi32> to vector<16xi32>
      tpu.vector_store %arg6[%swap3A_1224], %swap3A_1227 {strides = array<i32>} : memref<7168xi32, #tpu.memory_space<vmem>>, vector<16xi32>,
      %add3A_1228 = arith.constant 2 : i32
      %add3A_1229 = vector.broadcast %add3A_1228 : i32 to vector<16xi32>
      %add3A_1230 = arith.addi %min3A_1129, %add3A_1229 : vector<16xi32>
      %jit3A_1231 = arith.constant 0 : i32
      %jit3A_1232 = arith.constant 511 : i32
      %max3A_1233 = vector.broadcast %jit3A_1231 : i32 to vector<16xi32>
      %max3A_1234 = arith.maxsi %max3A_1233, %add3A_1230 : vector<16xi32>
      %min3A_1235 = vector.broadcast %jit3A_1232 : i32 to vector<16xi32>
      %min3A_1236 = arith.minsi %min3A_1235, %max3A_1234 : vector<16xi32>
      %add3A_1237 = arith.addi %mul3A_1137, %min3A_1236 : vector<16xi32>
      %mul3A_1238 = arith.constant 16 : i32
      %mul3A_1239 = arith.muli %scan3A_1118, %mul3A_1238 : i32
      %add3A_1240 = arith.constant 5120 : i32
      %add3A_1241 = arith.addi %add3A_1240, %mul3A_1239 : i32
      %swap3A_1242 = arith.index_cast %add3A_1241 : i32 to index
      %swap3A_1243 = tpu.vector_load %arg6[%swap3A_1242] {strides = array<i32>} : memref<7168xi32, #tpu.memory_space<vmem>>, vector<16xi32>,
      %swap3A_1244 = vector.shape_cast %swap3A_1243 : vector<16xi32> to vector<16xi32>
      %swap3A_1245 = vector.shape_cast %add3A_1237 : vector<16xi32> to vector<16xi32>
      tpu.vector_store %arg6[%swap3A_1242], %swap3A_1245 {strides = array<i32>} : memref<7168xi32, #tpu.memory_space<vmem>>, vector<16xi32>,
      %add3A_1246 = arith.constant 3 : i32
      %add3A_1247 = vector.broadcast %add3A_1246 : i32 to vector<16xi32>
      %add3A_1248 = arith.addi %min3A_1129, %add3A_1247 : vector<16xi32>
      %jit3A_1249 = arith.constant 0 : i32
      %jit3A_1250 = arith.constant 511 : i32
      %max3A_1251 = vector.broadcast %jit3A_1249 : i32 to vector<16xi32>
      %max3A_1252 = arith.maxsi %max3A_1251, %add3A_1248 : vector<16xi32>
      %min3A_1253 = vector.broadcast %jit3A_1250 : i32 to vector<16xi32>
      %min3A_1254 = arith.minsi %min3A_1253, %max3A_1252 : vector<16xi32>
      %add3A_1255 = arith.addi %mul3A_1137, %min3A_1254 : vector<16xi32>
      %mul3A_1256 = arith.constant 16 : i32
      %mul3A_1257 = arith.muli %scan3A_1118, %mul3A_1256 : i32
      %add3A_1258 = arith.constant 6144 : i32
      %add3A_1259 = arith.addi %add3A_1258, %mul3A_1257 : i32
      %swap3A_1260 = arith.index_cast %add3A_1259 : i32 to index
      %swap3A_1261 = tpu.vector_load %arg6[%swap3A_1260] {strides = array<i32>} : memref<7168xi32, #tpu.memory_space<vmem>>, vector<16xi32>,
      %swap3A_1262 = vector.shape_cast %swap3A_1261 : vector<16xi32> to vector<16xi32>
      %swap3A_1263 = vector.shape_cast %add3A_1255 : vector<16xi32> to vector<16xi32>
      tpu.vector_store %arg6[%swap3A_1260], %swap3A_1263 {strides = array<i32>} : memref<7168xi32, #tpu.memory_space<vmem>>, vector<16xi32>,
    }
    %scan3A_6 = arith.constant 64 : i32
    %dma_start3A = arith.constant 0 : i32
    %dma_start3A_7 = tpu.memref_slice %arg7[%dma_start3A] : memref<7168xf32, #tpu.memory_space<vmem>> -> memref<128xf32, #tpu.memory_space<vmem>>
    %dma_start3A_8 = arith.constant 0 : i32
    %dma_start3A_9 = tpu.memref_slice %arg6[%dma_start3A_8] : memref<7168xi32, #tpu.memory_space<vmem>> -> memref<128xi32, #tpu.memory_space<vmem>>
    %dma_start3A_10 = arith.constant 0 : i32
    %dma_start3A_11 = tpu.memref_slice %arg2[%dma_start3A_10] : memref<16777216xf32, #tpu.memory_space<hbm>> -> memref<16777216xf32, #tpu.memory_space<hbm>>
    tpu.enqueue_indirect_dma source(%dma_start3A_11 : memref<16777216xf32, #tpu.memory_space<hbm>>) target(%dma_start3A_7 : memref<128xf32, #tpu.memory_space<vmem>>) offsets(%dma_start3A_9 : memref<128xi32, #tpu.memory_space<vmem>>) semaphore(%arg9 : memref<!tpu.dma_semaphore, #tpu.memory_space<semaphore_mem>>)
    %dma_start3A_12 = arith.constant 128 : i32
    %dma_start3A_13 = tpu.memref_slice %arg7[%dma_start3A_12] : memref<7168xf32, #tpu.memory_space<vmem>> -> memref<128xf32, #tpu.memory_space<vmem>>
    %dma_start3A_14 = arith.constant 128 : i32
    %dma_start3A_15 = tpu.memref_slice %arg6[%dma_start3A_14] : memref<7168xi32, #tpu.memory_space<vmem>> -> memref<128xi32, #tpu.memory_space<vmem>>
    %dma_start3A_16 = arith.constant 0 : i32
    %dma_start3A_17 = tpu.memref_slice %arg2[%dma_start3A_16] : memref<16777216xf32, #tpu.memory_space<hbm>> -> memref<16777216xf32, #tpu.memory_space<hbm>>
    tpu.enqueue_indirect_dma source(%dma_start3A_17 : memref<16777216xf32, #tpu.memory_space<hbm>>) target(%dma_start3A_13 : memref<128xf32, #tpu.memory_space<vmem>>) offsets(%dma_start3A_15 : memref<128xi32, #tpu.memory_space<vmem>>) semaphore(%arg9 : memref<!tpu.dma_semaphore, #tpu.memory_space<semaphore_mem>>)
    %dma_start3A_18 = arith.constant 256 : i32
    %dma_start3A_19 = tpu.memref_slice %arg7[%dma_start3A_18] : memref<7168xf32, #tpu.memory_space<vmem>> -> memref<128xf32, #tpu.memory_space<vmem>>
    %dma_start3A_20 = arith.constant 256 : i32
    %dma_start3A_21 = tpu.memref_slice %arg6[%dma_start3A_20] : memref<7168xi32, #tpu.memory_space<vmem>> -> memref<128xi32, #tpu.memory_space<vmem>>
    %dma_start3A_22 = arith.constant 0 : i32
    %dma_start3A_23 = tpu.memref_slice %arg2[%dma_start3A_22] : memref<16777216xf32, #tpu.memory_space<hbm>> -> memref<16777216xf32, #tpu.memory_space<hbm>>
    tpu.enqueue_indirect_dma source(%dma_start3A_23 : memref<16777216xf32, #tpu.memory_space<hbm>>) target(%dma_start3A_19 : memref<128xf32, #tpu.memory_space<vmem>>) offsets(%dma_start3A_21 : memref<128xi32, #tpu.memory_space<vmem>>) semaphore(%arg9 : memref<!tpu.dma_semaphore, #tpu.memory_space<semaphore_mem>>)
    %dma_start3A_24 = arith.constant 384 : i32
    %dma_start3A_25 = tpu.memref_slice %arg7[%dma_start3A_24] : memref<7168xf32, #tpu.memory_space<vmem>> -> memref<128xf32, #tpu.memory_space<vmem>>
    %dma_start3A_26 = arith.constant 384 : i32
    %dma_start3A_27 = tpu.memref_slice %arg6[%dma_start3A_26] : memref<7168xi32, #tpu.memory_space<vmem>> -> memref<128xi32, #tpu.memory_space<vmem>>
    %dma_start3A_28 = arith.constant 0 : i32
    %dma_start3A_29 = tpu.memref_slice %arg2[%dma_start3A_28] : memref<16777216xf32, #tpu.memory_space<hbm>> -> memref<16777216xf32, #tpu.memory_space<hbm>>
    tpu.enqueue_indirect_dma source(%dma_start3A_29 : memref<16777216xf32, #tpu.memory_space<hbm>>) target(%dma_start3A_25 : memref<128xf32, #tpu.memory_space<vmem>>) offsets(%dma_start3A_27 : memref<128xi32, #tpu.memory_space<vmem>>) semaphore(%arg9 : memref<!tpu.dma_semaphore, #tpu.memory_space<semaphore_mem>>)
    %dma_start3A_30 = arith.constant 512 : i32
    %dma_start3A_31 = tpu.memref_slice %arg7[%dma_start3A_30] : memref<7168xf32, #tpu.memory_space<vmem>> -> memref<128xf32, #tpu.memory_space<vmem>>
    %dma_start3A_32 = arith.constant 512 : i32
    %dma_start3A_33 = tpu.memref_slice %arg6[%dma_start3A_32] : memref<7168xi32, #tpu.memory_space<vmem>> -> memref<128xi32, #tpu.memory_space<vmem>>
    %dma_start3A_34 = arith.constant 0 : i32
    %dma_start3A_35 = tpu.memref_slice %arg2[%dma_start3A_34] : memref<16777216xf32, #tpu.memory_space<hbm>> -> memref<16777216xf32, #tpu.memory_space<hbm>>
    tpu.enqueue_indirect_dma source(%dma_start3A_35 : memref<16777216xf32, #tpu.memory_space<hbm>>) target(%dma_start3A_31 : memref<128xf32, #tpu.memory_space<vmem>>) offsets(%dma_start3A_33 : memref<128xi32, #tpu.memory_space<vmem>>) semaphore(%arg9 : memref<!tpu.dma_semaphore, #tpu.memory_space<semaphore_mem>>)
    %dma_start3A_36 = arith.constant 640 : i32
    %dma_start3A_37 = tpu.memref_slice %arg7[%dma_start3A_36] : memref<7168xf32, #tpu.memory_space<vmem>> -> memref<128xf32, #tpu.memory_space<vmem>>
    %dma_start3A_38 = arith.constant 640 : i32
    %dma_start3A_39 = tpu.memref_slice %arg6[%dma_start3A_38] : memref<7168xi32, #tpu.memory_space<vmem>> -> memref<128xi32, #tpu.memory_space<vmem>>
    %dma_start3A_40 = arith.constant 0 : i32
    %dma_start3A_41 = tpu.memref_slice %arg2[%dma_start3A_40] : memref<16777216xf32, #tpu.memory_space<hbm>> -> memref<16777216xf32, #tpu.memory_space<hbm>>
    tpu.enqueue_indirect_dma source(%dma_start3A_41 : memref<16777216xf32, #tpu.memory_space<hbm>>) target(%dma_start3A_37 : memref<128xf32, #tpu.memory_space<vmem>>) offsets(%dma_start3A_39 : memref<128xi32, #tpu.memory_space<vmem>>) semaphore(%arg9 : memref<!tpu.dma_semaphore, #tpu.memory_space<semaphore_mem>>)
    %dma_start3A_42 = arith.constant 768 : i32
    %dma_start3A_43 = tpu.memref_slice %arg7[%dma_start3A_42] : memref<7168xf32, #tpu.memory_space<vmem>> -> memref<128xf32, #tpu.memory_space<vmem>>
    %dma_start3A_44 = arith.constant 768 : i32
    %dma_start3A_45 = tpu.memref_slice %arg6[%dma_start3A_44] : memref<7168xi32, #tpu.memory_space<vmem>> -> memref<128xi32, #tpu.memory_space<vmem>>
    %dma_start3A_46 = arith.constant 0 : i32
    %dma_start3A_47 = tpu.memref_slice %arg2[%dma_start3A_46] : memref<16777216xf32, #tpu.memory_space<hbm>> -> memref<16777216xf32, #tpu.memory_space<hbm>>
    tpu.enqueue_indirect_dma source(%dma_start3A_47 : memref<16777216xf32, #tpu.memory_space<hbm>>) target(%dma_start3A_43 : memref<128xf32, #tpu.memory_space<vmem>>) offsets(%dma_start3A_45 : memref<128xi32, #tpu.memory_space<vmem>>) semaphore(%arg9 : memref<!tpu.dma_semaphore, #tpu.memory_space<semaphore_mem>>)
    %dma_start3A_48 = arith.constant 896 : i32
    %dma_start3A_49 = tpu.memref_slice %arg7[%dma_start3A_48] : memref<7168xf32, #tpu.memory_space<vmem>> -> memref<128xf32, #tpu.memory_space<vmem>>
    %dma_start3A_50 = arith.constant 896 : i32
    %dma_start3A_51 = tpu.memref_slice %arg6[%dma_start3A_50] : memref<7168xi32, #tpu.memory_space<vmem>> -> memref<128xi32, #tpu.memory_space<vmem>>
    %dma_start3A_52 = arith.constant 0 : i32
    %dma_start3A_53 = tpu.memref_slice %arg2[%dma_start3A_52] : memref<16777216xf32, #tpu.memory_space<hbm>> -> memref<16777216xf32, #tpu.memory_space<hbm>>
    tpu.enqueue_indirect_dma source(%dma_start3A_53 : memref<16777216xf32, #tpu.memory_space<hbm>>) target(%dma_start3A_49 : memref<128xf32, #tpu.memory_space<vmem>>) offsets(%dma_start3A_51 : memref<128xi32, #tpu.memory_space<vmem>>) semaphore(%arg9 : memref<!tpu.dma_semaphore, #tpu.memory_space<semaphore_mem>>)
    %dma_start3A_54 = arith.constant 1024 : i32
    %dma_start3A_55 = tpu.memref_slice %arg7[%dma_start3A_54] : memref<7168xf32, #tpu.memory_space<vmem>> -> memref<128xf32, #tpu.memory_space<vmem>>
    %dma_start3A_56 = arith.constant 1024 : i32
    %dma_start3A_57 = tpu.memref_slice %arg6[%dma_start3A_56] : memref<7168xi32, #tpu.memory_space<vmem>> -> memref<128xi32, #tpu.memory_space<vmem>>
    %dma_start3A_58 = arith.constant 0 : i32
    %dma_start3A_59 = tpu.memref_slice %arg2[%dma_start3A_58] : memref<16777216xf32, #tpu.memory_space<hbm>> -> memref<16777216xf32, #tpu.memory_space<hbm>>
    tpu.enqueue_indirect_dma source(%dma_start3A_59 : memref<16777216xf32, #tpu.memory_space<hbm>>) target(%dma_start3A_55 : memref<128xf32, #tpu.memory_space<vmem>>) offsets(%dma_start3A_57 : memref<128xi32, #tpu.memory_space<vmem>>) semaphore(%arg9 : memref<!tpu.dma_semaphore, #tpu.memory_space<semaphore_mem>>)
    %dma_start3A_60 = arith.constant 1152 : i32
    %dma_start3A_61 = tpu.memref_slice %arg7[%dma_start3A_60] : memref<7168xf32, #tpu.memory_space<vmem>> -> memref<128xf32, #tpu.memory_space<vmem>>
    %dma_start3A_62 = arith.constant 1152 : i32
    %dma_start3A_63 = tpu.memref_slice %arg6[%dma_start3A_62] : memref<7168xi32, #tpu.memory_space<vmem>> -> memref<128xi32, #tpu.memory_space<vmem>>
    %dma_start3A_64 = arith.constant 0 : i32
    %dma_start3A_65 = tpu.memref_slice %arg2[%dma_start3A_64] : memref<16777216xf32, #tpu.memory_space<hbm>> -> memref<16777216xf32, #tpu.memory_space<hbm>>
    tpu.enqueue_indirect_dma source(%dma_start3A_65 : memref<16777216xf32, #tpu.memory_space<hbm>>) target(%dma_start3A_61 : memref<128xf32, #tpu.memory_space<vmem>>) offsets(%dma_start3A_63 : memref<128xi32, #tpu.memory_space<vmem>>) semaphore(%arg9 : memref<!tpu.dma_semaphore, #tpu.memory_space<semaphore_mem>>)
    %dma_start3A_66 = arith.constant 1280 : i32
    %dma_start3A_67 = tpu.memref_slice %arg7[%dma_start3A_66] : memref<7168xf32, #tpu.memory_space<vmem>> -> memref<128xf32, #tpu.memory_space<vmem>>
    %dma_start3A_68 = arith.constant 1280 : i32
    %dma_start3A_69 = tpu.memref_slice %arg6[%dma_start3A_68] : memref<7168xi32, #tpu.memory_space<vmem>> -> memref<128xi32, #tpu.memory_space<vmem>>
    %dma_start3A_70 = arith.constant 0 : i32
    %dma_start3A_71 = tpu.memref_slice %arg2[%dma_start3A_70] : memref<16777216xf32, #tpu.memory_space<hbm>> -> memref<16777216xf32, #tpu.memory_space<hbm>>
    tpu.enqueue_indirect_dma source(%dma_start3A_71 : memref<16777216xf32, #tpu.memory_space<hbm>>) target(%dma_start3A_67 : memref<128xf32, #tpu.memory_space<vmem>>) offsets(%dma_start3A_69 : memref<128xi32, #tpu.memory_space<vmem>>) semaphore(%arg9 : memref<!tpu.dma_semaphore, #tpu.memory_space<semaphore_mem>>)
    %dma_start3A_72 = arith.constant 1408 : i32
    %dma_start3A_73 = tpu.memref_slice %arg7[%dma_start3A_72] : memref<7168xf32, #tpu.memory_space<vmem>> -> memref<128xf32, #tpu.memory_space<vmem>>
    %dma_start3A_74 = arith.constant 1408 : i32
    %dma_start3A_75 = tpu.memref_slice %arg6[%dma_start3A_74] : memref<7168xi32, #tpu.memory_space<vmem>> -> memref<128xi32, #tpu.memory_space<vmem>>
    %dma_start3A_76 = arith.constant 0 : i32
    %dma_start3A_77 = tpu.memref_slice %arg2[%dma_start3A_76] : memref<16777216xf32, #tpu.memory_space<hbm>> -> memref<16777216xf32, #tpu.memory_space<hbm>>
    tpu.enqueue_indirect_dma source(%dma_start3A_77 : memref<16777216xf32, #tpu.memory_space<hbm>>) target(%dma_start3A_73 : memref<128xf32, #tpu.memory_space<vmem>>) offsets(%dma_start3A_75 : memref<128xi32, #tpu.memory_space<vmem>>) semaphore(%arg9 : memref<!tpu.dma_semaphore, #tpu.memory_space<semaphore_mem>>)
    %dma_start3A_78 = arith.constant 1536 : i32
    %dma_start3A_79 = tpu.memref_slice %arg7[%dma_start3A_78] : memref<7168xf32, #tpu.memory_space<vmem>> -> memref<128xf32, #tpu.memory_space<vmem>>
    %dma_start3A_80 = arith.constant 1536 : i32
    %dma_start3A_81 = tpu.memref_slice %arg6[%dma_start3A_80] : memref<7168xi32, #tpu.memory_space<vmem>> -> memref<128xi32, #tpu.memory_space<vmem>>
    %dma_start3A_82 = arith.constant 0 : i32
    %dma_start3A_83 = tpu.memref_slice %arg2[%dma_start3A_82] : memref<16777216xf32, #tpu.memory_space<hbm>> -> memref<16777216xf32, #tpu.memory_space<hbm>>
    tpu.enqueue_indirect_dma source(%dma_start3A_83 : memref<16777216xf32, #tpu.memory_space<hbm>>) target(%dma_start3A_79 : memref<128xf32, #tpu.memory_space<vmem>>) offsets(%dma_start3A_81 : memref<128xi32, #tpu.memory_space<vmem>>) semaphore(%arg9 : memref<!tpu.dma_semaphore, #tpu.memory_space<semaphore_mem>>)
    %dma_start3A_84 = arith.constant 1664 : i32
    %dma_start3A_85 = tpu.memref_slice %arg7[%dma_start3A_84] : memref<7168xf32, #tpu.memory_space<vmem>> -> memref<128xf32, #tpu.memory_space<vmem>>
    %dma_start3A_86 = arith.constant 1664 : i32
    %dma_start3A_87 = tpu.memref_slice %arg6[%dma_start3A_86] : memref<7168xi32, #tpu.memory_space<vmem>> -> memref<128xi32, #tpu.memory_space<vmem>>
    %dma_start3A_88 = arith.constant 0 : i32
    %dma_start3A_89 = tpu.memref_slice %arg2[%dma_start3A_88] : memref<16777216xf32, #tpu.memory_space<hbm>> -> memref<16777216xf32, #tpu.memory_space<hbm>>
    tpu.enqueue_indirect_dma source(%dma_start3A_89 : memref<16777216xf32, #tpu.memory_space<hbm>>) target(%dma_start3A_85 : memref<128xf32, #tpu.memory_space<vmem>>) offsets(%dma_start3A_87 : memref<128xi32, #tpu.memory_space<vmem>>) semaphore(%arg9 : memref<!tpu.dma_semaphore, #tpu.memory_space<semaphore_mem>>)
    %dma_start3A_90 = arith.constant 1792 : i32
    %dma_start3A_91 = tpu.memref_slice %arg7[%dma_start3A_90] : memref<7168xf32, #tpu.memory_space<vmem>> -> memref<128xf32, #tpu.memory_space<vmem>>
    %dma_start3A_92 = arith.constant 1792 : i32
    %dma_start3A_93 = tpu.memref_slice %arg6[%dma_start3A_92] : memref<7168xi32, #tpu.memory_space<vmem>> -> memref<128xi32, #tpu.memory_space<vmem>>
    %dma_start3A_94 = arith.constant 0 : i32
    %dma_start3A_95 = tpu.memref_slice %arg2[%dma_start3A_94] : memref<16777216xf32, #tpu.memory_space<hbm>> -> memref<16777216xf32, #tpu.memory_space<hbm>>
    tpu.enqueue_indirect_dma source(%dma_start3A_95 : memref<16777216xf32, #tpu.memory_space<hbm>>) target(%dma_start3A_91 : memref<128xf32, #tpu.memory_space<vmem>>) offsets(%dma_start3A_93 : memref<128xi32, #tpu.memory_space<vmem>>) semaphore(%arg9 : memref<!tpu.dma_semaphore, #tpu.memory_space<semaphore_mem>>)
    %dma_start3A_96 = arith.constant 1920 : i32
    %dma_start3A_97 = tpu.memref_slice %arg7[%dma_start3A_96] : memref<7168xf32, #tpu.memory_space<vmem>> -> memref<128xf32, #tpu.memory_space<vmem>>
    %dma_start3A_98 = arith.constant 1920 : i32
    %dma_start3A_99 = tpu.memref_slice %arg6[%dma_start3A_98] : memref<7168xi32, #tpu.memory_space<vmem>> -> memref<128xi32, #tpu.memory_space<vmem>>
    %dma_start3A_100 = arith.constant 0 : i32
    %dma_start3A_101 = tpu.memref_slice %arg2[%dma_start3A_100] : memref<16777216xf32, #tpu.memory_space<hbm>> -> memref<16777216xf32, #tpu.memory_space<hbm>>
    tpu.enqueue_indirect_dma source(%dma_start3A_101 : memref<16777216xf32, #tpu.memory_space<hbm>>) target(%dma_start3A_97 : memref<128xf32, #tpu.memory_space<vmem>>) offsets(%dma_start3A_99 : memref<128xi32, #tpu.memory_space<vmem>>) semaphore(%arg9 : memref<!tpu.dma_semaphore, #tpu.memory_space<semaphore_mem>>)
    %dma_start3A_102 = arith.constant 2048 : i32
    %dma_start3A_103 = tpu.memref_slice %arg7[%dma_start3A_102] : memref<7168xf32, #tpu.memory_space<vmem>> -> memref<128xf32, #tpu.memory_space<vmem>>
    %dma_start3A_104 = arith.constant 2048 : i32
    %dma_start3A_105 = tpu.memref_slice %arg6[%dma_start3A_104] : memref<7168xi32, #tpu.memory_space<vmem>> -> memref<128xi32, #tpu.memory_space<vmem>>
    %dma_start3A_106 = arith.constant 0 : i32
    %dma_start3A_107 = tpu.memref_slice %arg2[%dma_start3A_106] : memref<16777216xf32, #tpu.memory_space<hbm>> -> memref<16777216xf32, #tpu.memory_space<hbm>>
    tpu.enqueue_indirect_dma source(%dma_start3A_107 : memref<16777216xf32, #tpu.memory_space<hbm>>) target(%dma_start3A_103 : memref<128xf32, #tpu.memory_space<vmem>>) offsets(%dma_start3A_105 : memref<128xi32, #tpu.memory_space<vmem>>) semaphore(%arg9 : memref<!tpu.dma_semaphore, #tpu.memory_space<semaphore_mem>>)
    %dma_start3A_108 = arith.constant 2176 : i32
    %dma_start3A_109 = tpu.memref_slice %arg7[%dma_start3A_108] : memref<7168xf32, #tpu.memory_space<vmem>> -> memref<128xf32, #tpu.memory_space<vmem>>
    %dma_start3A_110 = arith.constant 2176 : i32
    %dma_start3A_111 = tpu.memref_slice %arg6[%dma_start3A_110] : memref<7168xi32, #tpu.memory_space<vmem>> -> memref<128xi32, #tpu.memory_space<vmem>>
    %dma_start3A_112 = arith.constant 0 : i32
    %dma_start3A_113 = tpu.memref_slice %arg2[%dma_start3A_112] : memref<16777216xf32, #tpu.memory_space<hbm>> -> memref<16777216xf32, #tpu.memory_space<hbm>>
    tpu.enqueue_indirect_dma source(%dma_start3A_113 : memref<16777216xf32, #tpu.memory_space<hbm>>) target(%dma_start3A_109 : memref<128xf32, #tpu.memory_space<vmem>>) offsets(%dma_start3A_111 : memref<128xi32, #tpu.memory_space<vmem>>) semaphore(%arg9 : memref<!tpu.dma_semaphore, #tpu.memory_space<semaphore_mem>>)
    %dma_start3A_114 = arith.constant 2304 : i32
    %dma_start3A_115 = tpu.memref_slice %arg7[%dma_start3A_114] : memref<7168xf32, #tpu.memory_space<vmem>> -> memref<128xf32, #tpu.memory_space<vmem>>
    %dma_start3A_116 = arith.constant 2304 : i32
    %dma_start3A_117 = tpu.memref_slice %arg6[%dma_start3A_116] : memref<7168xi32, #tpu.memory_space<vmem>> -> memref<128xi32, #tpu.memory_space<vmem>>
    %dma_start3A_118 = arith.constant 0 : i32
    %dma_start3A_119 = tpu.memref_slice %arg2[%dma_start3A_118] : memref<16777216xf32, #tpu.memory_space<hbm>> -> memref<16777216xf32, #tpu.memory_space<hbm>>
    tpu.enqueue_indirect_dma source(%dma_start3A_119 : memref<16777216xf32, #tpu.memory_space<hbm>>) target(%dma_start3A_115 : memref<128xf32, #tpu.memory_space<vmem>>) offsets(%dma_start3A_117 : memref<128xi32, #tpu.memory_space<vmem>>) semaphore(%arg9 : memref<!tpu.dma_semaphore, #tpu.memory_space<semaphore_mem>>)
    %dma_start3A_120 = arith.constant 2432 : i32
    %dma_start3A_121 = tpu.memref_slice %arg7[%dma_start3A_120] : memref<7168xf32, #tpu.memory_space<vmem>> -> memref<128xf32, #tpu.memory_space<vmem>>
    %dma_start3A_122 = arith.constant 2432 : i32
    %dma_start3A_123 = tpu.memref_slice %arg6[%dma_start3A_122] : memref<7168xi32, #tpu.memory_space<vmem>> -> memref<128xi32, #tpu.memory_space<vmem>>
    %dma_start3A_124 = arith.constant 0 : i32
    %dma_start3A_125 = tpu.memref_slice %arg2[%dma_start3A_124] : memref<16777216xf32, #tpu.memory_space<hbm>> -> memref<16777216xf32, #tpu.memory_space<hbm>>
    tpu.enqueue_indirect_dma source(%dma_start3A_125 : memref<16777216xf32, #tpu.memory_space<hbm>>) target(%dma_start3A_121 : memref<128xf32, #tpu.memory_space<vmem>>) offsets(%dma_start3A_123 : memref<128xi32, #tpu.memory_space<vmem>>) semaphore(%arg9 : memref<!tpu.dma_semaphore, #tpu.memory_space<semaphore_mem>>)
    %dma_start3A_126 = arith.constant 2560 : i32
    %dma_start3A_127 = tpu.memref_slice %arg7[%dma_start3A_126] : memref<7168xf32, #tpu.memory_space<vmem>> -> memref<128xf32, #tpu.memory_space<vmem>>
    %dma_start3A_128 = arith.constant 2560 : i32
    %dma_start3A_129 = tpu.memref_slice %arg6[%dma_start3A_128] : memref<7168xi32, #tpu.memory_space<vmem>> -> memref<128xi32, #tpu.memory_space<vmem>>
    %dma_start3A_130 = arith.constant 0 : i32
    %dma_start3A_131 = tpu.memref_slice %arg2[%dma_start3A_130] : memref<16777216xf32, #tpu.memory_space<hbm>> -> memref<16777216xf32, #tpu.memory_space<hbm>>
    tpu.enqueue_indirect_dma source(%dma_start3A_131 : memref<16777216xf32, #tpu.memory_space<hbm>>) target(%dma_start3A_127 : memref<128xf32, #tpu.memory_space<vmem>>) offsets(%dma_start3A_129 : memref<128xi32, #tpu.memory_space<vmem>>) semaphore(%arg9 : memref<!tpu.dma_semaphore, #tpu.memory_space<semaphore_mem>>)
    %dma_start3A_132 = arith.constant 2688 : i32
    %dma_start3A_133 = tpu.memref_slice %arg7[%dma_start3A_132] : memref<7168xf32, #tpu.memory_space<vmem>> -> memref<128xf32, #tpu.memory_space<vmem>>
    %dma_start3A_134 = arith.constant 2688 : i32
    %dma_start3A_135 = tpu.memref_slice %arg6[%dma_start3A_134] : memref<7168xi32, #tpu.memory_space<vmem>> -> memref<128xi32, #tpu.memory_space<vmem>>
    %dma_start3A_136 = arith.constant 0 : i32
    %dma_start3A_137 = tpu.memref_slice %arg2[%dma_start3A_136] : memref<16777216xf32, #tpu.memory_space<hbm>> -> memref<16777216xf32, #tpu.memory_space<hbm>>
    tpu.enqueue_indirect_dma source(%dma_start3A_137 : memref<16777216xf32, #tpu.memory_space<hbm>>) target(%dma_start3A_133 : memref<128xf32, #tpu.memory_space<vmem>>) offsets(%dma_start3A_135 : memref<128xi32, #tpu.memory_space<vmem>>) semaphore(%arg9 : memref<!tpu.dma_semaphore, #tpu.memory_space<semaphore_mem>>)
    %dma_start3A_138 = arith.constant 2816 : i32
    %dma_start3A_139 = tpu.memref_slice %arg7[%dma_start3A_138] : memref<7168xf32, #tpu.memory_space<vmem>> -> memref<128xf32, #tpu.memory_space<vmem>>
    %dma_start3A_140 = arith.constant 2816 : i32
    %dma_start3A_141 = tpu.memref_slice %arg6[%dma_start3A_140] : memref<7168xi32, #tpu.memory_space<vmem>> -> memref<128xi32, #tpu.memory_space<vmem>>
    %dma_start3A_142 = arith.constant 0 : i32
    %dma_start3A_143 = tpu.memref_slice %arg2[%dma_start3A_142] : memref<16777216xf32, #tpu.memory_space<hbm>> -> memref<16777216xf32, #tpu.memory_space<hbm>>
    tpu.enqueue_indirect_dma source(%dma_start3A_143 : memref<16777216xf32, #tpu.memory_space<hbm>>) target(%dma_start3A_139 : memref<128xf32, #tpu.memory_space<vmem>>) offsets(%dma_start3A_141 : memref<128xi32, #tpu.memory_space<vmem>>) semaphore(%arg9 : memref<!tpu.dma_semaphore, #tpu.memory_space<semaphore_mem>>)
    %dma_start3A_144 = arith.constant 2944 : i32
    %dma_start3A_145 = tpu.memref_slice %arg7[%dma_start3A_144] : memref<7168xf32, #tpu.memory_space<vmem>> -> memref<128xf32, #tpu.memory_space<vmem>>
    %dma_start3A_146 = arith.constant 2944 : i32
    %dma_start3A_147 = tpu.memref_slice %arg6[%dma_start3A_146] : memref<7168xi32, #tpu.memory_space<vmem>> -> memref<128xi32, #tpu.memory_space<vmem>>
    %dma_start3A_148 = arith.constant 0 : i32
    %dma_start3A_149 = tpu.memref_slice %arg2[%dma_start3A_148] : memref<16777216xf32, #tpu.memory_space<hbm>> -> memref<16777216xf32, #tpu.memory_space<hbm>>
    tpu.enqueue_indirect_dma source(%dma_start3A_149 : memref<16777216xf32, #tpu.memory_space<hbm>>) target(%dma_start3A_145 : memref<128xf32, #tpu.memory_space<vmem>>) offsets(%dma_start3A_147 : memref<128xi32, #tpu.memory_space<vmem>>) semaphore(%arg9 : memref<!tpu.dma_semaphore, #tpu.memory_space<semaphore_mem>>)
    %dma_start3A_150 = arith.constant 3072 : i32
    %dma_start3A_151 = tpu.memref_slice %arg7[%dma_start3A_150] : memref<7168xf32, #tpu.memory_space<vmem>> -> memref<128xf32, #tpu.memory_space<vmem>>
    %dma_start3A_152 = arith.constant 3072 : i32
    %dma_start3A_153 = tpu.memref_slice %arg6[%dma_start3A_152] : memref<7168xi32, #tpu.memory_space<vmem>> -> memref<128xi32, #tpu.memory_space<vmem>>
    %dma_start3A_154 = arith.constant 0 : i32
    %dma_start3A_155 = tpu.memref_slice %arg2[%dma_start3A_154] : memref<16777216xf32, #tpu.memory_space<hbm>> -> memref<16777216xf32, #tpu.memory_space<hbm>>
    tpu.enqueue_indirect_dma source(%dma_start3A_155 : memref<16777216xf32, #tpu.memory_space<hbm>>) target(%dma_start3A_151 : memref<128xf32, #tpu.memory_space<vmem>>) offsets(%dma_start3A_153 : memref<128xi32, #tpu.memory_space<vmem>>) semaphore(%arg9 : memref<!tpu.dma_semaphore, #tpu.memory_space<semaphore_mem>>)
    %dma_start3A_156 = arith.constant 3200 : i32
    %dma_start3A_157 = tpu.memref_slice %arg7[%dma_start3A_156] : memref<7168xf32, #tpu.memory_space<vmem>> -> memref<128xf32, #tpu.memory_space<vmem>>
    %dma_start3A_158 = arith.constant 3200 : i32
    %dma_start3A_159 = tpu.memref_slice %arg6[%dma_start3A_158] : memref<7168xi32, #tpu.memory_space<vmem>> -> memref<128xi32, #tpu.memory_space<vmem>>
    %dma_start3A_160 = arith.constant 0 : i32
    %dma_start3A_161 = tpu.memref_slice %arg2[%dma_start3A_160] : memref<16777216xf32, #tpu.memory_space<hbm>> -> memref<16777216xf32, #tpu.memory_space<hbm>>
    tpu.enqueue_indirect_dma source(%dma_start3A_161 : memref<16777216xf32, #tpu.memory_space<hbm>>) target(%dma_start3A_157 : memref<128xf32, #tpu.memory_space<vmem>>) offsets(%dma_start3A_159 : memref<128xi32, #tpu.memory_space<vmem>>) semaphore(%arg9 : memref<!tpu.dma_semaphore, #tpu.memory_space<semaphore_mem>>)
    %dma_start3A_162 = arith.constant 3328 : i32
    %dma_start3A_163 = tpu.memref_slice %arg7[%dma_start3A_162] : memref<7168xf32, #tpu.memory_space<vmem>> -> memref<128xf32, #tpu.memory_space<vmem>>
    %dma_start3A_164 = arith.constant 3328 : i32
    %dma_start3A_165 = tpu.memref_slice %arg6[%dma_start3A_164] : memref<7168xi32, #tpu.memory_space<vmem>> -> memref<128xi32, #tpu.memory_space<vmem>>
    %dma_start3A_166 = arith.constant 0 : i32
    %dma_start3A_167 = tpu.memref_slice %arg2[%dma_start3A_166] : memref<16777216xf32, #tpu.memory_space<hbm>> -> memref<16777216xf32, #tpu.memory_space<hbm>>
    tpu.enqueue_indirect_dma source(%dma_start3A_167 : memref<16777216xf32, #tpu.memory_space<hbm>>) target(%dma_start3A_163 : memref<128xf32, #tpu.memory_space<vmem>>) offsets(%dma_start3A_165 : memref<128xi32, #tpu.memory_space<vmem>>) semaphore(%arg9 : memref<!tpu.dma_semaphore, #tpu.memory_space<semaphore_mem>>)
    %dma_start3A_168 = arith.constant 3456 : i32
    %dma_start3A_169 = tpu.memref_slice %arg7[%dma_start3A_168] : memref<7168xf32, #tpu.memory_space<vmem>> -> memref<128xf32, #tpu.memory_space<vmem>>
    %dma_start3A_170 = arith.constant 3456 : i32
    %dma_start3A_171 = tpu.memref_slice %arg6[%dma_start3A_170] : memref<7168xi32, #tpu.memory_space<vmem>> -> memref<128xi32, #tpu.memory_space<vmem>>
    %dma_start3A_172 = arith.constant 0 : i32
    %dma_start3A_173 = tpu.memref_slice %arg2[%dma_start3A_172] : memref<16777216xf32, #tpu.memory_space<hbm>> -> memref<16777216xf32, #tpu.memory_space<hbm>>
    tpu.enqueue_indirect_dma source(%dma_start3A_173 : memref<16777216xf32, #tpu.memory_space<hbm>>) target(%dma_start3A_169 : memref<128xf32, #tpu.memory_space<vmem>>) offsets(%dma_start3A_171 : memref<128xi32, #tpu.memory_space<vmem>>) semaphore(%arg9 : memref<!tpu.dma_semaphore, #tpu.memory_space<semaphore_mem>>)
    %dma_start3A_174 = arith.constant 3584 : i32
    %dma_start3A_175 = tpu.memref_slice %arg7[%dma_start3A_174] : memref<7168xf32, #tpu.memory_space<vmem>> -> memref<128xf32, #tpu.memory_space<vmem>>
    %dma_start3A_176 = arith.constant 3584 : i32
    %dma_start3A_177 = tpu.memref_slice %arg6[%dma_start3A_176] : memref<7168xi32, #tpu.memory_space<vmem>> -> memref<128xi32, #tpu.memory_space<vmem>>
    %dma_start3A_178 = arith.constant 0 : i32
    %dma_start3A_179 = tpu.memref_slice %arg2[%dma_start3A_178] : memref<16777216xf32, #tpu.memory_space<hbm>> -> memref<16777216xf32, #tpu.memory_space<hbm>>
    tpu.enqueue_indirect_dma source(%dma_start3A_179 : memref<16777216xf32, #tpu.memory_space<hbm>>) target(%dma_start3A_175 : memref<128xf32, #tpu.memory_space<vmem>>) offsets(%dma_start3A_177 : memref<128xi32, #tpu.memory_space<vmem>>) semaphore(%arg9 : memref<!tpu.dma_semaphore, #tpu.memory_space<semaphore_mem>>)
    %dma_start3A_180 = arith.constant 3712 : i32
    %dma_start3A_181 = tpu.memref_slice %arg7[%dma_start3A_180] : memref<7168xf32, #tpu.memory_space<vmem>> -> memref<128xf32, #tpu.memory_space<vmem>>
    %dma_start3A_182 = arith.constant 3712 : i32
    %dma_start3A_183 = tpu.memref_slice %arg6[%dma_start3A_182] : memref<7168xi32, #tpu.memory_space<vmem>> -> memref<128xi32, #tpu.memory_space<vmem>>
    %dma_start3A_184 = arith.constant 0 : i32
    %dma_start3A_185 = tpu.memref_slice %arg2[%dma_start3A_184] : memref<16777216xf32, #tpu.memory_space<hbm>> -> memref<16777216xf32, #tpu.memory_space<hbm>>
    tpu.enqueue_indirect_dma source(%dma_start3A_185 : memref<16777216xf32, #tpu.memory_space<hbm>>) target(%dma_start3A_181 : memref<128xf32, #tpu.memory_space<vmem>>) offsets(%dma_start3A_183 : memref<128xi32, #tpu.memory_space<vmem>>) semaphore(%arg9 : memref<!tpu.dma_semaphore, #tpu.memory_space<semaphore_mem>>)
    %dma_start3A_186 = arith.constant 3840 : i32
    %dma_start3A_187 = tpu.memref_slice %arg7[%dma_start3A_186] : memref<7168xf32, #tpu.memory_space<vmem>> -> memref<128xf32, #tpu.memory_space<vmem>>
    %dma_start3A_188 = arith.constant 3840 : i32
    %dma_start3A_189 = tpu.memref_slice %arg6[%dma_start3A_188] : memref<7168xi32, #tpu.memory_space<vmem>> -> memref<128xi32, #tpu.memory_space<vmem>>
    %dma_start3A_190 = arith.constant 0 : i32
    %dma_start3A_191 = tpu.memref_slice %arg2[%dma_start3A_190] : memref<16777216xf32, #tpu.memory_space<hbm>> -> memref<16777216xf32, #tpu.memory_space<hbm>>
    tpu.enqueue_indirect_dma source(%dma_start3A_191 : memref<16777216xf32, #tpu.memory_space<hbm>>) target(%dma_start3A_187 : memref<128xf32, #tpu.memory_space<vmem>>) offsets(%dma_start3A_189 : memref<128xi32, #tpu.memory_space<vmem>>) semaphore(%arg9 : memref<!tpu.dma_semaphore, #tpu.memory_space<semaphore_mem>>)
    %dma_start3A_192 = arith.constant 3968 : i32
    %dma_start3A_193 = tpu.memref_slice %arg7[%dma_start3A_192] : memref<7168xf32, #tpu.memory_space<vmem>> -> memref<128xf32, #tpu.memory_space<vmem>>
    %dma_start3A_194 = arith.constant 3968 : i32
    %dma_start3A_195 = tpu.memref_slice %arg6[%dma_start3A_194] : memref<7168xi32, #tpu.memory_space<vmem>> -> memref<128xi32, #tpu.memory_space<vmem>>
    %dma_start3A_196 = arith.constant 0 : i32
    %dma_start3A_197 = tpu.memref_slice %arg2[%dma_start3A_196] : memref<16777216xf32, #tpu.memory_space<hbm>> -> memref<16777216xf32, #tpu.memory_space<hbm>>
    tpu.enqueue_indirect_dma source(%dma_start3A_197 : memref<16777216xf32, #tpu.memory_space<hbm>>) target(%dma_start3A_193 : memref<128xf32, #tpu.memory_space<vmem>>) offsets(%dma_start3A_195 : memref<128xi32, #tpu.memory_space<vmem>>) semaphore(%arg9 : memref<!tpu.dma_semaphore, #tpu.memory_space<semaphore_mem>>)
    %dma_start3A_198 = arith.constant 4096 : i32
    %dma_start3A_199 = tpu.memref_slice %arg7[%dma_start3A_198] : memref<7168xf32, #tpu.memory_space<vmem>> -> memref<128xf32, #tpu.memory_space<vmem>>
    %dma_start3A_200 = arith.constant 4096 : i32
    %dma_start3A_201 = tpu.memref_slice %arg6[%dma_start3A_200] : memref<7168xi32, #tpu.memory_space<vmem>> -> memref<128xi32, #tpu.memory_space<vmem>>
    %dma_start3A_202 = arith.constant 0 : i32
    %dma_start3A_203 = tpu.memref_slice %arg2[%dma_start3A_202] : memref<16777216xf32, #tpu.memory_space<hbm>> -> memref<16777216xf32, #tpu.memory_space<hbm>>
    tpu.enqueue_indirect_dma source(%dma_start3A_203 : memref<16777216xf32, #tpu.memory_space<hbm>>) target(%dma_start3A_199 : memref<128xf32, #tpu.memory_space<vmem>>) offsets(%dma_start3A_201 : memref<128xi32, #tpu.memory_space<vmem>>) semaphore(%arg9 : memref<!tpu.dma_semaphore, #tpu.memory_space<semaphore_mem>>)
    %dma_start3A_204 = arith.constant 4224 : i32
    %dma_start3A_205 = tpu.memref_slice %arg7[%dma_start3A_204] : memref<7168xf32, #tpu.memory_space<vmem>> -> memref<128xf32, #tpu.memory_space<vmem>>
    %dma_start3A_206 = arith.constant 4224 : i32
    %dma_start3A_207 = tpu.memref_slice %arg6[%dma_start3A_206] : memref<7168xi32, #tpu.memory_space<vmem>> -> memref<128xi32, #tpu.memory_space<vmem>>
    %dma_start3A_208 = arith.constant 0 : i32
    %dma_start3A_209 = tpu.memref_slice %arg2[%dma_start3A_208] : memref<16777216xf32, #tpu.memory_space<hbm>> -> memref<16777216xf32, #tpu.memory_space<hbm>>
    tpu.enqueue_indirect_dma source(%dma_start3A_209 : memref<16777216xf32, #tpu.memory_space<hbm>>) target(%dma_start3A_205 : memref<128xf32, #tpu.memory_space<vmem>>) offsets(%dma_start3A_207 : memref<128xi32, #tpu.memory_space<vmem>>) semaphore(%arg9 : memref<!tpu.dma_semaphore, #tpu.memory_space<semaphore_mem>>)
    %dma_start3A_210 = arith.constant 4352 : i32
    %dma_start3A_211 = tpu.memref_slice %arg7[%dma_start3A_210] : memref<7168xf32, #tpu.memory_space<vmem>> -> memref<128xf32, #tpu.memory_space<vmem>>
    %dma_start3A_212 = arith.constant 4352 : i32
    %dma_start3A_213 = tpu.memref_slice %arg6[%dma_start3A_212] : memref<7168xi32, #tpu.memory_space<vmem>> -> memref<128xi32, #tpu.memory_space<vmem>>
    %dma_start3A_214 = arith.constant 0 : i32
    %dma_start3A_215 = tpu.memref_slice %arg2[%dma_start3A_214] : memref<16777216xf32, #tpu.memory_space<hbm>> -> memref<16777216xf32, #tpu.memory_space<hbm>>
    tpu.enqueue_indirect_dma source(%dma_start3A_215 : memref<16777216xf32, #tpu.memory_space<hbm>>) target(%dma_start3A_211 : memref<128xf32, #tpu.memory_space<vmem>>) offsets(%dma_start3A_213 : memref<128xi32, #tpu.memory_space<vmem>>) semaphore(%arg9 : memref<!tpu.dma_semaphore, #tpu.memory_space<semaphore_mem>>)
    %dma_start3A_216 = arith.constant 4480 : i32
    %dma_start3A_217 = tpu.memref_slice %arg7[%dma_start3A_216] : memref<7168xf32, #tpu.memory_space<vmem>> -> memref<128xf32, #tpu.memory_space<vmem>>
    %dma_start3A_218 = arith.constant 4480 : i32
    %dma_start3A_219 = tpu.memref_slice %arg6[%dma_start3A_218] : memref<7168xi32, #tpu.memory_space<vmem>> -> memref<128xi32, #tpu.memory_space<vmem>>
    %dma_start3A_220 = arith.constant 0 : i32
    %dma_start3A_221 = tpu.memref_slice %arg2[%dma_start3A_220] : memref<16777216xf32, #tpu.memory_space<hbm>> -> memref<16777216xf32, #tpu.memory_space<hbm>>
    tpu.enqueue_indirect_dma source(%dma_start3A_221 : memref<16777216xf32, #tpu.memory_space<hbm>>) target(%dma_start3A_217 : memref<128xf32, #tpu.memory_space<vmem>>) offsets(%dma_start3A_219 : memref<128xi32, #tpu.memory_space<vmem>>) semaphore(%arg9 : memref<!tpu.dma_semaphore, #tpu.memory_space<semaphore_mem>>)
    %dma_start3A_222 = arith.constant 4608 : i32
    %dma_start3A_223 = tpu.memref_slice %arg7[%dma_start3A_222] : memref<7168xf32, #tpu.memory_space<vmem>> -> memref<128xf32, #tpu.memory_space<vmem>>
    %dma_start3A_224 = arith.constant 4608 : i32
    %dma_start3A_225 = tpu.memref_slice %arg6[%dma_start3A_224] : memref<7168xi32, #tpu.memory_space<vmem>> -> memref<128xi32, #tpu.memory_space<vmem>>
    %dma_start3A_226 = arith.constant 0 : i32
    %dma_start3A_227 = tpu.memref_slice %arg2[%dma_start3A_226] : memref<16777216xf32, #tpu.memory_space<hbm>> -> memref<16777216xf32, #tpu.memory_space<hbm>>
    tpu.enqueue_indirect_dma source(%dma_start3A_227 : memref<16777216xf32, #tpu.memory_space<hbm>>) target(%dma_start3A_223 : memref<128xf32, #tpu.memory_space<vmem>>) offsets(%dma_start3A_225 : memref<128xi32, #tpu.memory_space<vmem>>) semaphore(%arg9 : memref<!tpu.dma_semaphore, #tpu.memory_space<semaphore_mem>>)
    %dma_start3A_228 = arith.constant 4736 : i32
    %dma_start3A_229 = tpu.memref_slice %arg7[%dma_start3A_228] : memref<7168xf32, #tpu.memory_space<vmem>> -> memref<128xf32, #tpu.memory_space<vmem>>
    %dma_start3A_230 = arith.constant 4736 : i32
    %dma_start3A_231 = tpu.memref_slice %arg6[%dma_start3A_230] : memref<7168xi32, #tpu.memory_space<vmem>> -> memref<128xi32, #tpu.memory_space<vmem>>
    %dma_start3A_232 = arith.constant 0 : i32
    %dma_start3A_233 = tpu.memref_slice %arg2[%dma_start3A_232] : memref<16777216xf32, #tpu.memory_space<hbm>> -> memref<16777216xf32, #tpu.memory_space<hbm>>
    tpu.enqueue_indirect_dma source(%dma_start3A_233 : memref<16777216xf32, #tpu.memory_space<hbm>>) target(%dma_start3A_229 : memref<128xf32, #tpu.memory_space<vmem>>) offsets(%dma_start3A_231 : memref<128xi32, #tpu.memory_space<vmem>>) semaphore(%arg9 : memref<!tpu.dma_semaphore, #tpu.memory_space<semaphore_mem>>)
    %dma_start3A_234 = arith.constant 4864 : i32
    %dma_start3A_235 = tpu.memref_slice %arg7[%dma_start3A_234] : memref<7168xf32, #tpu.memory_space<vmem>> -> memref<128xf32, #tpu.memory_space<vmem>>
    %dma_start3A_236 = arith.constant 4864 : i32
    %dma_start3A_237 = tpu.memref_slice %arg6[%dma_start3A_236] : memref<7168xi32, #tpu.memory_space<vmem>> -> memref<128xi32, #tpu.memory_space<vmem>>
    %dma_start3A_238 = arith.constant 0 : i32
    %dma_start3A_239 = tpu.memref_slice %arg2[%dma_start3A_238] : memref<16777216xf32, #tpu.memory_space<hbm>> -> memref<16777216xf32, #tpu.memory_space<hbm>>
    tpu.enqueue_indirect_dma source(%dma_start3A_239 : memref<16777216xf32, #tpu.memory_space<hbm>>) target(%dma_start3A_235 : memref<128xf32, #tpu.memory_space<vmem>>) offsets(%dma_start3A_237 : memref<128xi32, #tpu.memory_space<vmem>>) semaphore(%arg9 : memref<!tpu.dma_semaphore, #tpu.memory_space<semaphore_mem>>)
    %dma_start3A_240 = arith.constant 4992 : i32
    %dma_start3A_241 = tpu.memref_slice %arg7[%dma_start3A_240] : memref<7168xf32, #tpu.memory_space<vmem>> -> memref<128xf32, #tpu.memory_space<vmem>>
    %dma_start3A_242 = arith.constant 4992 : i32
    %dma_start3A_243 = tpu.memref_slice %arg6[%dma_start3A_242] : memref<7168xi32, #tpu.memory_space<vmem>> -> memref<128xi32, #tpu.memory_space<vmem>>
    %dma_start3A_244 = arith.constant 0 : i32
    %dma_start3A_245 = tpu.memref_slice %arg2[%dma_start3A_244] : memref<16777216xf32, #tpu.memory_space<hbm>> -> memref<16777216xf32, #tpu.memory_space<hbm>>
    tpu.enqueue_indirect_dma source(%dma_start3A_245 : memref<16777216xf32, #tpu.memory_space<hbm>>) target(%dma_start3A_241 : memref<128xf32, #tpu.memory_space<vmem>>) offsets(%dma_start3A_243 : memref<128xi32, #tpu.memory_space<vmem>>) semaphore(%arg9 : memref<!tpu.dma_semaphore, #tpu.memory_space<semaphore_mem>>)
    %dma_start3A_246 = arith.constant 5120 : i32
    %dma_start3A_247 = tpu.memref_slice %arg7[%dma_start3A_246] : memref<7168xf32, #tpu.memory_space<vmem>> -> memref<128xf32, #tpu.memory_space<vmem>>
    %dma_start3A_248 = arith.constant 5120 : i32
    %dma_start3A_249 = tpu.memref_slice %arg6[%dma_start3A_248] : memref<7168xi32, #tpu.memory_space<vmem>> -> memref<128xi32, #tpu.memory_space<vmem>>
    %dma_start3A_250 = arith.constant 0 : i32
    %dma_start3A_251 = tpu.memref_slice %arg2[%dma_start3A_250] : memref<16777216xf32, #tpu.memory_space<hbm>> -> memref<16777216xf32, #tpu.memory_space<hbm>>
    tpu.enqueue_indirect_dma source(%dma_start3A_251 : memref<16777216xf32, #tpu.memory_space<hbm>>) target(%dma_start3A_247 : memref<128xf32, #tpu.memory_space<vmem>>) offsets(%dma_start3A_249 : memref<128xi32, #tpu.memory_space<vmem>>) semaphore(%arg9 : memref<!tpu.dma_semaphore, #tpu.memory_space<semaphore_mem>>)
    %dma_start3A_252 = arith.constant 5248 : i32
    %dma_start3A_253 = tpu.memref_slice %arg7[%dma_start3A_252] : memref<7168xf32, #tpu.memory_space<vmem>> -> memref<128xf32, #tpu.memory_space<vmem>>
    %dma_start3A_254 = arith.constant 5248 : i32
    %dma_start3A_255 = tpu.memref_slice %arg6[%dma_start3A_254] : memref<7168xi32, #tpu.memory_space<vmem>> -> memref<128xi32, #tpu.memory_space<vmem>>
    %dma_start3A_256 = arith.constant 0 : i32
    %dma_start3A_257 = tpu.memref_slice %arg2[%dma_start3A_256] : memref<16777216xf32, #tpu.memory_space<hbm>> -> memref<16777216xf32, #tpu.memory_space<hbm>>
    tpu.enqueue_indirect_dma source(%dma_start3A_257 : memref<16777216xf32, #tpu.memory_space<hbm>>) target(%dma_start3A_253 : memref<128xf32, #tpu.memory_space<vmem>>) offsets(%dma_start3A_255 : memref<128xi32, #tpu.memory_space<vmem>>) semaphore(%arg9 : memref<!tpu.dma_semaphore, #tpu.memory_space<semaphore_mem>>)
    %dma_start3A_258 = arith.constant 5376 : i32
    %dma_start3A_259 = tpu.memref_slice %arg7[%dma_start3A_258] : memref<7168xf32, #tpu.memory_space<vmem>> -> memref<128xf32, #tpu.memory_space<vmem>>
    %dma_start3A_260 = arith.constant 5376 : i32
    %dma_start3A_261 = tpu.memref_slice %arg6[%dma_start3A_260] : memref<7168xi32, #tpu.memory_space<vmem>> -> memref<128xi32, #tpu.memory_space<vmem>>
    %dma_start3A_262 = arith.constant 0 : i32
    %dma_start3A_263 = tpu.memref_slice %arg2[%dma_start3A_262] : memref<16777216xf32, #tpu.memory_space<hbm>> -> memref<16777216xf32, #tpu.memory_space<hbm>>
    tpu.enqueue_indirect_dma source(%dma_start3A_263 : memref<16777216xf32, #tpu.memory_space<hbm>>) target(%dma_start3A_259 : memref<128xf32, #tpu.memory_space<vmem>>) offsets(%dma_start3A_261 : memref<128xi32, #tpu.memory_space<vmem>>) semaphore(%arg9 : memref<!tpu.dma_semaphore, #tpu.memory_space<semaphore_mem>>)
    %dma_start3A_264 = arith.constant 5504 : i32
    %dma_start3A_265 = tpu.memref_slice %arg7[%dma_start3A_264] : memref<7168xf32, #tpu.memory_space<vmem>> -> memref<128xf32, #tpu.memory_space<vmem>>
    %dma_start3A_266 = arith.constant 5504 : i32
    %dma_start3A_267 = tpu.memref_slice %arg6[%dma_start3A_266] : memref<7168xi32, #tpu.memory_space<vmem>> -> memref<128xi32, #tpu.memory_space<vmem>>
    %dma_start3A_268 = arith.constant 0 : i32
    %dma_start3A_269 = tpu.memref_slice %arg2[%dma_start3A_268] : memref<16777216xf32, #tpu.memory_space<hbm>> -> memref<16777216xf32, #tpu.memory_space<hbm>>
    tpu.enqueue_indirect_dma source(%dma_start3A_269 : memref<16777216xf32, #tpu.memory_space<hbm>>) target(%dma_start3A_265 : memref<128xf32, #tpu.memory_space<vmem>>) offsets(%dma_start3A_267 : memref<128xi32, #tpu.memory_space<vmem>>) semaphore(%arg9 : memref<!tpu.dma_semaphore, #tpu.memory_space<semaphore_mem>>)
    %dma_start3A_270 = arith.constant 5632 : i32
    %dma_start3A_271 = tpu.memref_slice %arg7[%dma_start3A_270] : memref<7168xf32, #tpu.memory_space<vmem>> -> memref<128xf32, #tpu.memory_space<vmem>>
    %dma_start3A_272 = arith.constant 5632 : i32
    %dma_start3A_273 = tpu.memref_slice %arg6[%dma_start3A_272] : memref<7168xi32, #tpu.memory_space<vmem>> -> memref<128xi32, #tpu.memory_space<vmem>>
    %dma_start3A_274 = arith.constant 0 : i32
    %dma_start3A_275 = tpu.memref_slice %arg2[%dma_start3A_274] : memref<16777216xf32, #tpu.memory_space<hbm>> -> memref<16777216xf32, #tpu.memory_space<hbm>>
    tpu.enqueue_indirect_dma source(%dma_start3A_275 : memref<16777216xf32, #tpu.memory_space<hbm>>) target(%dma_start3A_271 : memref<128xf32, #tpu.memory_space<vmem>>) offsets(%dma_start3A_273 : memref<128xi32, #tpu.memory_space<vmem>>) semaphore(%arg9 : memref<!tpu.dma_semaphore, #tpu.memory_space<semaphore_mem>>)
    %dma_start3A_276 = arith.constant 5760 : i32
    %dma_start3A_277 = tpu.memref_slice %arg7[%dma_start3A_276] : memref<7168xf32, #tpu.memory_space<vmem>> -> memref<128xf32, #tpu.memory_space<vmem>>
    %dma_start3A_278 = arith.constant 5760 : i32
    %dma_start3A_279 = tpu.memref_slice %arg6[%dma_start3A_278] : memref<7168xi32, #tpu.memory_space<vmem>> -> memref<128xi32, #tpu.memory_space<vmem>>
    %dma_start3A_280 = arith.constant 0 : i32
    %dma_start3A_281 = tpu.memref_slice %arg2[%dma_start3A_280] : memref<16777216xf32, #tpu.memory_space<hbm>> -> memref<16777216xf32, #tpu.memory_space<hbm>>
    tpu.enqueue_indirect_dma source(%dma_start3A_281 : memref<16777216xf32, #tpu.memory_space<hbm>>) target(%dma_start3A_277 : memref<128xf32, #tpu.memory_space<vmem>>) offsets(%dma_start3A_279 : memref<128xi32, #tpu.memory_space<vmem>>) semaphore(%arg9 : memref<!tpu.dma_semaphore, #tpu.memory_space<semaphore_mem>>)
    %dma_start3A_282 = arith.constant 5888 : i32
    %dma_start3A_283 = tpu.memref_slice %arg7[%dma_start3A_282] : memref<7168xf32, #tpu.memory_space<vmem>> -> memref<128xf32, #tpu.memory_space<vmem>>
    %dma_start3A_284 = arith.constant 5888 : i32
    %dma_start3A_285 = tpu.memref_slice %arg6[%dma_start3A_284] : memref<7168xi32, #tpu.memory_space<vmem>> -> memref<128xi32, #tpu.memory_space<vmem>>
    %dma_start3A_286 = arith.constant 0 : i32
    %dma_start3A_287 = tpu.memref_slice %arg2[%dma_start3A_286] : memref<16777216xf32, #tpu.memory_space<hbm>> -> memref<16777216xf32, #tpu.memory_space<hbm>>
    tpu.enqueue_indirect_dma source(%dma_start3A_287 : memref<16777216xf32, #tpu.memory_space<hbm>>) target(%dma_start3A_283 : memref<128xf32, #tpu.memory_space<vmem>>) offsets(%dma_start3A_285 : memref<128xi32, #tpu.memory_space<vmem>>) semaphore(%arg9 : memref<!tpu.dma_semaphore, #tpu.memory_space<semaphore_mem>>)
    %dma_start3A_288 = arith.constant 6016 : i32
    %dma_start3A_289 = tpu.memref_slice %arg7[%dma_start3A_288] : memref<7168xf32, #tpu.memory_space<vmem>> -> memref<128xf32, #tpu.memory_space<vmem>>
    %dma_start3A_290 = arith.constant 6016 : i32
    %dma_start3A_291 = tpu.memref_slice %arg6[%dma_start3A_290] : memref<7168xi32, #tpu.memory_space<vmem>> -> memref<128xi32, #tpu.memory_space<vmem>>
    %dma_start3A_292 = arith.constant 0 : i32
    %dma_start3A_293 = tpu.memref_slice %arg2[%dma_start3A_292] : memref<16777216xf32, #tpu.memory_space<hbm>> -> memref<16777216xf32, #tpu.memory_space<hbm>>
    tpu.enqueue_indirect_dma source(%dma_start3A_293 : memref<16777216xf32, #tpu.memory_space<hbm>>) target(%dma_start3A_289 : memref<128xf32, #tpu.memory_space<vmem>>) offsets(%dma_start3A_291 : memref<128xi32, #tpu.memory_space<vmem>>) semaphore(%arg9 : memref<!tpu.dma_semaphore, #tpu.memory_space<semaphore_mem>>)
    %dma_start3A_294 = arith.constant 6144 : i32
    %dma_start3A_295 = tpu.memref_slice %arg7[%dma_start3A_294] : memref<7168xf32, #tpu.memory_space<vmem>> -> memref<128xf32, #tpu.memory_space<vmem>>
    %dma_start3A_296 = arith.constant 6144 : i32
    %dma_start3A_297 = tpu.memref_slice %arg6[%dma_start3A_296] : memref<7168xi32, #tpu.memory_space<vmem>> -> memref<128xi32, #tpu.memory_space<vmem>>
    %dma_start3A_298 = arith.constant 0 : i32
    %dma_start3A_299 = tpu.memref_slice %arg2[%dma_start3A_298] : memref<16777216xf32, #tpu.memory_space<hbm>> -> memref<16777216xf32, #tpu.memory_space<hbm>>
    tpu.enqueue_indirect_dma source(%dma_start3A_299 : memref<16777216xf32, #tpu.memory_space<hbm>>) target(%dma_start3A_295 : memref<128xf32, #tpu.memory_space<vmem>>) offsets(%dma_start3A_297 : memref<128xi32, #tpu.memory_space<vmem>>) semaphore(%arg9 : memref<!tpu.dma_semaphore, #tpu.memory_space<semaphore_mem>>)
    %dma_start3A_300 = arith.constant 6272 : i32
    %dma_start3A_301 = tpu.memref_slice %arg7[%dma_start3A_300] : memref<7168xf32, #tpu.memory_space<vmem>> -> memref<128xf32, #tpu.memory_space<vmem>>
    %dma_start3A_302 = arith.constant 6272 : i32
    %dma_start3A_303 = tpu.memref_slice %arg6[%dma_start3A_302] : memref<7168xi32, #tpu.memory_space<vmem>> -> memref<128xi32, #tpu.memory_space<vmem>>
    %dma_start3A_304 = arith.constant 0 : i32
    %dma_start3A_305 = tpu.memref_slice %arg2[%dma_start3A_304] : memref<16777216xf32, #tpu.memory_space<hbm>> -> memref<16777216xf32, #tpu.memory_space<hbm>>
    tpu.enqueue_indirect_dma source(%dma_start3A_305 : memref<16777216xf32, #tpu.memory_space<hbm>>) target(%dma_start3A_301 : memref<128xf32, #tpu.memory_space<vmem>>) offsets(%dma_start3A_303 : memref<128xi32, #tpu.memory_space<vmem>>) semaphore(%arg9 : memref<!tpu.dma_semaphore, #tpu.memory_space<semaphore_mem>>)
    %dma_start3A_306 = arith.constant 6400 : i32
    %dma_start3A_307 = tpu.memref_slice %arg7[%dma_start3A_306] : memref<7168xf32, #tpu.memory_space<vmem>> -> memref<128xf32, #tpu.memory_space<vmem>>
    %dma_start3A_308 = arith.constant 6400 : i32
    %dma_start3A_309 = tpu.memref_slice %arg6[%dma_start3A_308] : memref<7168xi32, #tpu.memory_space<vmem>> -> memref<128xi32, #tpu.memory_space<vmem>>
    %dma_start3A_310 = arith.constant 0 : i32
    %dma_start3A_311 = tpu.memref_slice %arg2[%dma_start3A_310] : memref<16777216xf32, #tpu.memory_space<hbm>> -> memref<16777216xf32, #tpu.memory_space<hbm>>
    tpu.enqueue_indirect_dma source(%dma_start3A_311 : memref<16777216xf32, #tpu.memory_space<hbm>>) target(%dma_start3A_307 : memref<128xf32, #tpu.memory_space<vmem>>) offsets(%dma_start3A_309 : memref<128xi32, #tpu.memory_space<vmem>>) semaphore(%arg9 : memref<!tpu.dma_semaphore, #tpu.memory_space<semaphore_mem>>)
    %dma_start3A_312 = arith.constant 6528 : i32
    %dma_start3A_313 = tpu.memref_slice %arg7[%dma_start3A_312] : memref<7168xf32, #tpu.memory_space<vmem>> -> memref<128xf32, #tpu.memory_space<vmem>>
    %dma_start3A_314 = arith.constant 6528 : i32
    %dma_start3A_315 = tpu.memref_slice %arg6[%dma_start3A_314] : memref<7168xi32, #tpu.memory_space<vmem>> -> memref<128xi32, #tpu.memory_space<vmem>>
    %dma_start3A_316 = arith.constant 0 : i32
    %dma_start3A_317 = tpu.memref_slice %arg2[%dma_start3A_316] : memref<16777216xf32, #tpu.memory_space<hbm>> -> memref<16777216xf32, #tpu.memory_space<hbm>>
    tpu.enqueue_indirect_dma source(%dma_start3A_317 : memref<16777216xf32, #tpu.memory_space<hbm>>) target(%dma_start3A_313 : memref<128xf32, #tpu.memory_space<vmem>>) offsets(%dma_start3A_315 : memref<128xi32, #tpu.memory_space<vmem>>) semaphore(%arg9 : memref<!tpu.dma_semaphore, #tpu.memory_space<semaphore_mem>>)
    %dma_start3A_318 = arith.constant 6656 : i32
    %dma_start3A_319 = tpu.memref_slice %arg7[%dma_start3A_318] : memref<7168xf32, #tpu.memory_space<vmem>> -> memref<128xf32, #tpu.memory_space<vmem>>
    %dma_start3A_320 = arith.constant 6656 : i32
    %dma_start3A_321 = tpu.memref_slice %arg6[%dma_start3A_320] : memref<7168xi32, #tpu.memory_space<vmem>> -> memref<128xi32, #tpu.memory_space<vmem>>
    %dma_start3A_322 = arith.constant 0 : i32
    %dma_start3A_323 = tpu.memref_slice %arg2[%dma_start3A_322] : memref<16777216xf32, #tpu.memory_space<hbm>> -> memref<16777216xf32, #tpu.memory_space<hbm>>
    tpu.enqueue_indirect_dma source(%dma_start3A_323 : memref<16777216xf32, #tpu.memory_space<hbm>>) target(%dma_start3A_319 : memref<128xf32, #tpu.memory_space<vmem>>) offsets(%dma_start3A_321 : memref<128xi32, #tpu.memory_space<vmem>>) semaphore(%arg9 : memref<!tpu.dma_semaphore, #tpu.memory_space<semaphore_mem>>)
    %dma_start3A_324 = arith.constant 6784 : i32
    %dma_start3A_325 = tpu.memref_slice %arg7[%dma_start3A_324] : memref<7168xf32, #tpu.memory_space<vmem>> -> memref<128xf32, #tpu.memory_space<vmem>>
    %dma_start3A_326 = arith.constant 6784 : i32
    %dma_start3A_327 = tpu.memref_slice %arg6[%dma_start3A_326] : memref<7168xi32, #tpu.memory_space<vmem>> -> memref<128xi32, #tpu.memory_space<vmem>>
    %dma_start3A_328 = arith.constant 0 : i32
    %dma_start3A_329 = tpu.memref_slice %arg2[%dma_start3A_328] : memref<16777216xf32, #tpu.memory_space<hbm>> -> memref<16777216xf32, #tpu.memory_space<hbm>>
    tpu.enqueue_indirect_dma source(%dma_start3A_329 : memref<16777216xf32, #tpu.memory_space<hbm>>) target(%dma_start3A_325 : memref<128xf32, #tpu.memory_space<vmem>>) offsets(%dma_start3A_327 : memref<128xi32, #tpu.memory_space<vmem>>) semaphore(%arg9 : memref<!tpu.dma_semaphore, #tpu.memory_space<semaphore_mem>>)
    %dma_start3A_330 = arith.constant 6912 : i32
    %dma_start3A_331 = tpu.memref_slice %arg7[%dma_start3A_330] : memref<7168xf32, #tpu.memory_space<vmem>> -> memref<128xf32, #tpu.memory_space<vmem>>
    %dma_start3A_332 = arith.constant 6912 : i32
    %dma_start3A_333 = tpu.memref_slice %arg6[%dma_start3A_332] : memref<7168xi32, #tpu.memory_space<vmem>> -> memref<128xi32, #tpu.memory_space<vmem>>
    %dma_start3A_334 = arith.constant 0 : i32
    %dma_start3A_335 = tpu.memref_slice %arg2[%dma_start3A_334] : memref<16777216xf32, #tpu.memory_space<hbm>> -> memref<16777216xf32, #tpu.memory_space<hbm>>
    tpu.enqueue_indirect_dma source(%dma_start3A_335 : memref<16777216xf32, #tpu.memory_space<hbm>>) target(%dma_start3A_331 : memref<128xf32, #tpu.memory_space<vmem>>) offsets(%dma_start3A_333 : memref<128xi32, #tpu.memory_space<vmem>>) semaphore(%arg9 : memref<!tpu.dma_semaphore, #tpu.memory_space<semaphore_mem>>)
    %dma_start3A_336 = arith.constant 7040 : i32
    %dma_start3A_337 = tpu.memref_slice %arg7[%dma_start3A_336] : memref<7168xf32, #tpu.memory_space<vmem>> -> memref<128xf32, #tpu.memory_space<vmem>>
    %dma_start3A_338 = arith.constant 7040 : i32
    %dma_start3A_339 = tpu.memref_slice %arg6[%dma_start3A_338] : memref<7168xi32, #tpu.memory_space<vmem>> -> memref<128xi32, #tpu.memory_space<vmem>>
    %dma_start3A_340 = arith.constant 0 : i32
    %dma_start3A_341 = tpu.memref_slice %arg2[%dma_start3A_340] : memref<16777216xf32, #tpu.memory_space<hbm>> -> memref<16777216xf32, #tpu.memory_space<hbm>>
    tpu.enqueue_indirect_dma source(%dma_start3A_341 : memref<16777216xf32, #tpu.memory_space<hbm>>) target(%dma_start3A_337 : memref<128xf32, #tpu.memory_space<vmem>>) offsets(%dma_start3A_339 : memref<128xi32, #tpu.memory_space<vmem>>) semaphore(%arg9 : memref<!tpu.dma_semaphore, #tpu.memory_space<semaphore_mem>>)
    %dma_wait3A = arith.constant 0 : i32
    %dma_wait3A_342 = tpu.memref_slice %arg7[%dma_wait3A] : memref<7168xf32, #tpu.memory_space<vmem>> -> memref<128xf32, #tpu.memory_space<vmem>>
    %dma_wait3A_343 = arith.constant 0 : i32
    %dma_wait3A_344 = tpu.memref_slice %arg6[%dma_wait3A_343] : memref<7168xi32, #tpu.memory_space<vmem>> -> memref<128xi32, #tpu.memory_space<vmem>>
    %dma_wait3A_345 = arith.constant 0 : i32
    %dma_wait3A_346 = tpu.memref_slice %arg2[%dma_wait3A_345] : memref<16777216xf32, #tpu.memory_space<hbm>> -> memref<16777216xf32, #tpu.memory_space<hbm>>
    tpu.wait_indirect_dma semaphore(%arg9 : memref<!tpu.dma_semaphore, #tpu.memory_space<semaphore_mem>>) src(%dma_wait3A_346 : memref<16777216xf32, #tpu.memory_space<hbm>>) dst(%dma_wait3A_342 : memref<128xf32, #tpu.memory_space<vmem>>)
    %dma_wait3A_347 = arith.constant 128 : i32
    %dma_wait3A_348 = tpu.memref_slice %arg7[%dma_wait3A_347] : memref<7168xf32, #tpu.memory_space<vmem>> -> memref<128xf32, #tpu.memory_space<vmem>>
    %dma_wait3A_349 = arith.constant 128 : i32
    %dma_wait3A_350 = tpu.memref_slice %arg6[%dma_wait3A_349] : memref<7168xi32, #tpu.memory_space<vmem>> -> memref<128xi32, #tpu.memory_space<vmem>>
    %dma_wait3A_351 = arith.constant 0 : i32
    %dma_wait3A_352 = tpu.memref_slice %arg2[%dma_wait3A_351] : memref<16777216xf32, #tpu.memory_space<hbm>> -> memref<16777216xf32, #tpu.memory_space<hbm>>
    tpu.wait_indirect_dma semaphore(%arg9 : memref<!tpu.dma_semaphore, #tpu.memory_space<semaphore_mem>>) src(%dma_wait3A_352 : memref<16777216xf32, #tpu.memory_space<hbm>>) dst(%dma_wait3A_348 : memref<128xf32, #tpu.memory_space<vmem>>)
    %dma_wait3A_353 = arith.constant 256 : i32
    %dma_wait3A_354 = tpu.memref_slice %arg7[%dma_wait3A_353] : memref<7168xf32, #tpu.memory_space<vmem>> -> memref<128xf32, #tpu.memory_space<vmem>>
    %dma_wait3A_355 = arith.constant 256 : i32
    %dma_wait3A_356 = tpu.memref_slice %arg6[%dma_wait3A_355] : memref<7168xi32, #tpu.memory_space<vmem>> -> memref<128xi32, #tpu.memory_space<vmem>>
    %dma_wait3A_357 = arith.constant 0 : i32
    %dma_wait3A_358 = tpu.memref_slice %arg2[%dma_wait3A_357] : memref<16777216xf32, #tpu.memory_space<hbm>> -> memref<16777216xf32, #tpu.memory_space<hbm>>
    tpu.wait_indirect_dma semaphore(%arg9 : memref<!tpu.dma_semaphore, #tpu.memory_space<semaphore_mem>>) src(%dma_wait3A_358 : memref<16777216xf32, #tpu.memory_space<hbm>>) dst(%dma_wait3A_354 : memref<128xf32, #tpu.memory_space<vmem>>)
    %dma_wait3A_359 = arith.constant 384 : i32
    %dma_wait3A_360 = tpu.memref_slice %arg7[%dma_wait3A_359] : memref<7168xf32, #tpu.memory_space<vmem>> -> memref<128xf32, #tpu.memory_space<vmem>>
    %dma_wait3A_361 = arith.constant 384 : i32
    %dma_wait3A_362 = tpu.memref_slice %arg6[%dma_wait3A_361] : memref<7168xi32, #tpu.memory_space<vmem>> -> memref<128xi32, #tpu.memory_space<vmem>>
    %dma_wait3A_363 = arith.constant 0 : i32
    %dma_wait3A_364 = tpu.memref_slice %arg2[%dma_wait3A_363] : memref<16777216xf32, #tpu.memory_space<hbm>> -> memref<16777216xf32, #tpu.memory_space<hbm>>
    tpu.wait_indirect_dma semaphore(%arg9 : memref<!tpu.dma_semaphore, #tpu.memory_space<semaphore_mem>>) src(%dma_wait3A_364 : memref<16777216xf32, #tpu.memory_space<hbm>>) dst(%dma_wait3A_360 : memref<128xf32, #tpu.memory_space<vmem>>)
    %dma_wait3A_365 = arith.constant 512 : i32
    %dma_wait3A_366 = tpu.memref_slice %arg7[%dma_wait3A_365] : memref<7168xf32, #tpu.memory_space<vmem>> -> memref<128xf32, #tpu.memory_space<vmem>>
    %dma_wait3A_367 = arith.constant 512 : i32
    %dma_wait3A_368 = tpu.memref_slice %arg6[%dma_wait3A_367] : memref<7168xi32, #tpu.memory_space<vmem>> -> memref<128xi32, #tpu.memory_space<vmem>>
    %dma_wait3A_369 = arith.constant 0 : i32
    %dma_wait3A_370 = tpu.memref_slice %arg2[%dma_wait3A_369] : memref<16777216xf32, #tpu.memory_space<hbm>> -> memref<16777216xf32, #tpu.memory_space<hbm>>
    tpu.wait_indirect_dma semaphore(%arg9 : memref<!tpu.dma_semaphore, #tpu.memory_space<semaphore_mem>>) src(%dma_wait3A_370 : memref<16777216xf32, #tpu.memory_space<hbm>>) dst(%dma_wait3A_366 : memref<128xf32, #tpu.memory_space<vmem>>)
    %dma_wait3A_371 = arith.constant 640 : i32
    %dma_wait3A_372 = tpu.memref_slice %arg7[%dma_wait3A_371] : memref<7168xf32, #tpu.memory_space<vmem>> -> memref<128xf32, #tpu.memory_space<vmem>>
    %dma_wait3A_373 = arith.constant 640 : i32
    %dma_wait3A_374 = tpu.memref_slice %arg6[%dma_wait3A_373] : memref<7168xi32, #tpu.memory_space<vmem>> -> memref<128xi32, #tpu.memory_space<vmem>>
    %dma_wait3A_375 = arith.constant 0 : i32
    %dma_wait3A_376 = tpu.memref_slice %arg2[%dma_wait3A_375] : memref<16777216xf32, #tpu.memory_space<hbm>> -> memref<16777216xf32, #tpu.memory_space<hbm>>
    tpu.wait_indirect_dma semaphore(%arg9 : memref<!tpu.dma_semaphore, #tpu.memory_space<semaphore_mem>>) src(%dma_wait3A_376 : memref<16777216xf32, #tpu.memory_space<hbm>>) dst(%dma_wait3A_372 : memref<128xf32, #tpu.memory_space<vmem>>)
    %dma_wait3A_377 = arith.constant 768 : i32
    %dma_wait3A_378 = tpu.memref_slice %arg7[%dma_wait3A_377] : memref<7168xf32, #tpu.memory_space<vmem>> -> memref<128xf32, #tpu.memory_space<vmem>>
    %dma_wait3A_379 = arith.constant 768 : i32
    %dma_wait3A_380 = tpu.memref_slice %arg6[%dma_wait3A_379] : memref<7168xi32, #tpu.memory_space<vmem>> -> memref<128xi32, #tpu.memory_space<vmem>>
    %dma_wait3A_381 = arith.constant 0 : i32
    %dma_wait3A_382 = tpu.memref_slice %arg2[%dma_wait3A_381] : memref<16777216xf32, #tpu.memory_space<hbm>> -> memref<16777216xf32, #tpu.memory_space<hbm>>
    tpu.wait_indirect_dma semaphore(%arg9 : memref<!tpu.dma_semaphore, #tpu.memory_space<semaphore_mem>>) src(%dma_wait3A_382 : memref<16777216xf32, #tpu.memory_space<hbm>>) dst(%dma_wait3A_378 : memref<128xf32, #tpu.memory_space<vmem>>)
    %dma_wait3A_383 = arith.constant 896 : i32
    %dma_wait3A_384 = tpu.memref_slice %arg7[%dma_wait3A_383] : memref<7168xf32, #tpu.memory_space<vmem>> -> memref<128xf32, #tpu.memory_space<vmem>>
    %dma_wait3A_385 = arith.constant 896 : i32
    %dma_wait3A_386 = tpu.memref_slice %arg6[%dma_wait3A_385] : memref<7168xi32, #tpu.memory_space<vmem>> -> memref<128xi32, #tpu.memory_space<vmem>>
    %dma_wait3A_387 = arith.constant 0 : i32
    %dma_wait3A_388 = tpu.memref_slice %arg2[%dma_wait3A_387] : memref<16777216xf32, #tpu.memory_space<hbm>> -> memref<16777216xf32, #tpu.memory_space<hbm>>
    tpu.wait_indirect_dma semaphore(%arg9 : memref<!tpu.dma_semaphore, #tpu.memory_space<semaphore_mem>>) src(%dma_wait3A_388 : memref<16777216xf32, #tpu.memory_space<hbm>>) dst(%dma_wait3A_384 : memref<128xf32, #tpu.memory_space<vmem>>)
    %dma_wait3A_389 = arith.constant 1024 : i32
    %dma_wait3A_390 = tpu.memref_slice %arg7[%dma_wait3A_389] : memref<7168xf32, #tpu.memory_space<vmem>> -> memref<128xf32, #tpu.memory_space<vmem>>
    %dma_wait3A_391 = arith.constant 1024 : i32
    %dma_wait3A_392 = tpu.memref_slice %arg6[%dma_wait3A_391] : memref<7168xi32, #tpu.memory_space<vmem>> -> memref<128xi32, #tpu.memory_space<vmem>>
    %dma_wait3A_393 = arith.constant 0 : i32
    %dma_wait3A_394 = tpu.memref_slice %arg2[%dma_wait3A_393] : memref<16777216xf32, #tpu.memory_space<hbm>> -> memref<16777216xf32, #tpu.memory_space<hbm>>
    tpu.wait_indirect_dma semaphore(%arg9 : memref<!tpu.dma_semaphore, #tpu.memory_space<semaphore_mem>>) src(%dma_wait3A_394 : memref<16777216xf32, #tpu.memory_space<hbm>>) dst(%dma_wait3A_390 : memref<128xf32, #tpu.memory_space<vmem>>)
    %dma_wait3A_395 = arith.constant 1152 : i32
    %dma_wait3A_396 = tpu.memref_slice %arg7[%dma_wait3A_395] : memref<7168xf32, #tpu.memory_space<vmem>> -> memref<128xf32, #tpu.memory_space<vmem>>
    %dma_wait3A_397 = arith.constant 1152 : i32
    %dma_wait3A_398 = tpu.memref_slice %arg6[%dma_wait3A_397] : memref<7168xi32, #tpu.memory_space<vmem>> -> memref<128xi32, #tpu.memory_space<vmem>>
    %dma_wait3A_399 = arith.constant 0 : i32
    %dma_wait3A_400 = tpu.memref_slice %arg2[%dma_wait3A_399] : memref<16777216xf32, #tpu.memory_space<hbm>> -> memref<16777216xf32, #tpu.memory_space<hbm>>
    tpu.wait_indirect_dma semaphore(%arg9 : memref<!tpu.dma_semaphore, #tpu.memory_space<semaphore_mem>>) src(%dma_wait3A_400 : memref<16777216xf32, #tpu.memory_space<hbm>>) dst(%dma_wait3A_396 : memref<128xf32, #tpu.memory_space<vmem>>)
    %dma_wait3A_401 = arith.constant 1280 : i32
    %dma_wait3A_402 = tpu.memref_slice %arg7[%dma_wait3A_401] : memref<7168xf32, #tpu.memory_space<vmem>> -> memref<128xf32, #tpu.memory_space<vmem>>
    %dma_wait3A_403 = arith.constant 1280 : i32
    %dma_wait3A_404 = tpu.memref_slice %arg6[%dma_wait3A_403] : memref<7168xi32, #tpu.memory_space<vmem>> -> memref<128xi32, #tpu.memory_space<vmem>>
    %dma_wait3A_405 = arith.constant 0 : i32
    %dma_wait3A_406 = tpu.memref_slice %arg2[%dma_wait3A_405] : memref<16777216xf32, #tpu.memory_space<hbm>> -> memref<16777216xf32, #tpu.memory_space<hbm>>
    tpu.wait_indirect_dma semaphore(%arg9 : memref<!tpu.dma_semaphore, #tpu.memory_space<semaphore_mem>>) src(%dma_wait3A_406 : memref<16777216xf32, #tpu.memory_space<hbm>>) dst(%dma_wait3A_402 : memref<128xf32, #tpu.memory_space<vmem>>)
    %dma_wait3A_407 = arith.constant 1408 : i32
    %dma_wait3A_408 = tpu.memref_slice %arg7[%dma_wait3A_407] : memref<7168xf32, #tpu.memory_space<vmem>> -> memref<128xf32, #tpu.memory_space<vmem>>
    %dma_wait3A_409 = arith.constant 1408 : i32
    %dma_wait3A_410 = tpu.memref_slice %arg6[%dma_wait3A_409] : memref<7168xi32, #tpu.memory_space<vmem>> -> memref<128xi32, #tpu.memory_space<vmem>>
    %dma_wait3A_411 = arith.constant 0 : i32
    %dma_wait3A_412 = tpu.memref_slice %arg2[%dma_wait3A_411] : memref<16777216xf32, #tpu.memory_space<hbm>> -> memref<16777216xf32, #tpu.memory_space<hbm>>
    tpu.wait_indirect_dma semaphore(%arg9 : memref<!tpu.dma_semaphore, #tpu.memory_space<semaphore_mem>>) src(%dma_wait3A_412 : memref<16777216xf32, #tpu.memory_space<hbm>>) dst(%dma_wait3A_408 : memref<128xf32, #tpu.memory_space<vmem>>)
    %dma_wait3A_413 = arith.constant 1536 : i32
    %dma_wait3A_414 = tpu.memref_slice %arg7[%dma_wait3A_413] : memref<7168xf32, #tpu.memory_space<vmem>> -> memref<128xf32, #tpu.memory_space<vmem>>
    %dma_wait3A_415 = arith.constant 1536 : i32
    %dma_wait3A_416 = tpu.memref_slice %arg6[%dma_wait3A_415] : memref<7168xi32, #tpu.memory_space<vmem>> -> memref<128xi32, #tpu.memory_space<vmem>>
    %dma_wait3A_417 = arith.constant 0 : i32
    %dma_wait3A_418 = tpu.memref_slice %arg2[%dma_wait3A_417] : memref<16777216xf32, #tpu.memory_space<hbm>> -> memref<16777216xf32, #tpu.memory_space<hbm>>
    tpu.wait_indirect_dma semaphore(%arg9 : memref<!tpu.dma_semaphore, #tpu.memory_space<semaphore_mem>>) src(%dma_wait3A_418 : memref<16777216xf32, #tpu.memory_space<hbm>>) dst(%dma_wait3A_414 : memref<128xf32, #tpu.memory_space<vmem>>)
    %dma_wait3A_419 = arith.constant 1664 : i32
    %dma_wait3A_420 = tpu.memref_slice %arg7[%dma_wait3A_419] : memref<7168xf32, #tpu.memory_space<vmem>> -> memref<128xf32, #tpu.memory_space<vmem>>
    %dma_wait3A_421 = arith.constant 1664 : i32
    %dma_wait3A_422 = tpu.memref_slice %arg6[%dma_wait3A_421] : memref<7168xi32, #tpu.memory_space<vmem>> -> memref<128xi32, #tpu.memory_space<vmem>>
    %dma_wait3A_423 = arith.constant 0 : i32
    %dma_wait3A_424 = tpu.memref_slice %arg2[%dma_wait3A_423] : memref<16777216xf32, #tpu.memory_space<hbm>> -> memref<16777216xf32, #tpu.memory_space<hbm>>
    tpu.wait_indirect_dma semaphore(%arg9 : memref<!tpu.dma_semaphore, #tpu.memory_space<semaphore_mem>>) src(%dma_wait3A_424 : memref<16777216xf32, #tpu.memory_space<hbm>>) dst(%dma_wait3A_420 : memref<128xf32, #tpu.memory_space<vmem>>)
    %dma_wait3A_425 = arith.constant 1792 : i32
    %dma_wait3A_426 = tpu.memref_slice %arg7[%dma_wait3A_425] : memref<7168xf32, #tpu.memory_space<vmem>> -> memref<128xf32, #tpu.memory_space<vmem>>
    %dma_wait3A_427 = arith.constant 1792 : i32
    %dma_wait3A_428 = tpu.memref_slice %arg6[%dma_wait3A_427] : memref<7168xi32, #tpu.memory_space<vmem>> -> memref<128xi32, #tpu.memory_space<vmem>>
    %dma_wait3A_429 = arith.constant 0 : i32
    %dma_wait3A_430 = tpu.memref_slice %arg2[%dma_wait3A_429] : memref<16777216xf32, #tpu.memory_space<hbm>> -> memref<16777216xf32, #tpu.memory_space<hbm>>
    tpu.wait_indirect_dma semaphore(%arg9 : memref<!tpu.dma_semaphore, #tpu.memory_space<semaphore_mem>>) src(%dma_wait3A_430 : memref<16777216xf32, #tpu.memory_space<hbm>>) dst(%dma_wait3A_426 : memref<128xf32, #tpu.memory_space<vmem>>)
    %dma_wait3A_431 = arith.constant 1920 : i32
    %dma_wait3A_432 = tpu.memref_slice %arg7[%dma_wait3A_431] : memref<7168xf32, #tpu.memory_space<vmem>> -> memref<128xf32, #tpu.memory_space<vmem>>
    %dma_wait3A_433 = arith.constant 1920 : i32
    %dma_wait3A_434 = tpu.memref_slice %arg6[%dma_wait3A_433] : memref<7168xi32, #tpu.memory_space<vmem>> -> memref<128xi32, #tpu.memory_space<vmem>>
    %dma_wait3A_435 = arith.constant 0 : i32
    %dma_wait3A_436 = tpu.memref_slice %arg2[%dma_wait3A_435] : memref<16777216xf32, #tpu.memory_space<hbm>> -> memref<16777216xf32, #tpu.memory_space<hbm>>
    tpu.wait_indirect_dma semaphore(%arg9 : memref<!tpu.dma_semaphore, #tpu.memory_space<semaphore_mem>>) src(%dma_wait3A_436 : memref<16777216xf32, #tpu.memory_space<hbm>>) dst(%dma_wait3A_432 : memref<128xf32, #tpu.memory_space<vmem>>)
    %dma_wait3A_437 = arith.constant 2048 : i32
    %dma_wait3A_438 = tpu.memref_slice %arg7[%dma_wait3A_437] : memref<7168xf32, #tpu.memory_space<vmem>> -> memref<128xf32, #tpu.memory_space<vmem>>
    %dma_wait3A_439 = arith.constant 2048 : i32
    %dma_wait3A_440 = tpu.memref_slice %arg6[%dma_wait3A_439] : memref<7168xi32, #tpu.memory_space<vmem>> -> memref<128xi32, #tpu.memory_space<vmem>>
    %dma_wait3A_441 = arith.constant 0 : i32
    %dma_wait3A_442 = tpu.memref_slice %arg2[%dma_wait3A_441] : memref<16777216xf32, #tpu.memory_space<hbm>> -> memref<16777216xf32, #tpu.memory_space<hbm>>
    tpu.wait_indirect_dma semaphore(%arg9 : memref<!tpu.dma_semaphore, #tpu.memory_space<semaphore_mem>>) src(%dma_wait3A_442 : memref<16777216xf32, #tpu.memory_space<hbm>>) dst(%dma_wait3A_438 : memref<128xf32, #tpu.memory_space<vmem>>)
    %dma_wait3A_443 = arith.constant 2176 : i32
    %dma_wait3A_444 = tpu.memref_slice %arg7[%dma_wait3A_443] : memref<7168xf32, #tpu.memory_space<vmem>> -> memref<128xf32, #tpu.memory_space<vmem>>
    %dma_wait3A_445 = arith.constant 2176 : i32
    %dma_wait3A_446 = tpu.memref_slice %arg6[%dma_wait3A_445] : memref<7168xi32, #tpu.memory_space<vmem>> -> memref<128xi32, #tpu.memory_space<vmem>>
    %dma_wait3A_447 = arith.constant 0 : i32
    %dma_wait3A_448 = tpu.memref_slice %arg2[%dma_wait3A_447] : memref<16777216xf32, #tpu.memory_space<hbm>> -> memref<16777216xf32, #tpu.memory_space<hbm>>
    tpu.wait_indirect_dma semaphore(%arg9 : memref<!tpu.dma_semaphore, #tpu.memory_space<semaphore_mem>>) src(%dma_wait3A_448 : memref<16777216xf32, #tpu.memory_space<hbm>>) dst(%dma_wait3A_444 : memref<128xf32, #tpu.memory_space<vmem>>)
    %dma_wait3A_449 = arith.constant 2304 : i32
    %dma_wait3A_450 = tpu.memref_slice %arg7[%dma_wait3A_449] : memref<7168xf32, #tpu.memory_space<vmem>> -> memref<128xf32, #tpu.memory_space<vmem>>
    %dma_wait3A_451 = arith.constant 2304 : i32
    %dma_wait3A_452 = tpu.memref_slice %arg6[%dma_wait3A_451] : memref<7168xi32, #tpu.memory_space<vmem>> -> memref<128xi32, #tpu.memory_space<vmem>>
    %dma_wait3A_453 = arith.constant 0 : i32
    %dma_wait3A_454 = tpu.memref_slice %arg2[%dma_wait3A_453] : memref<16777216xf32, #tpu.memory_space<hbm>> -> memref<16777216xf32, #tpu.memory_space<hbm>>
    tpu.wait_indirect_dma semaphore(%arg9 : memref<!tpu.dma_semaphore, #tpu.memory_space<semaphore_mem>>) src(%dma_wait3A_454 : memref<16777216xf32, #tpu.memory_space<hbm>>) dst(%dma_wait3A_450 : memref<128xf32, #tpu.memory_space<vmem>>)
    %dma_wait3A_455 = arith.constant 2432 : i32
    %dma_wait3A_456 = tpu.memref_slice %arg7[%dma_wait3A_455] : memref<7168xf32, #tpu.memory_space<vmem>> -> memref<128xf32, #tpu.memory_space<vmem>>
    %dma_wait3A_457 = arith.constant 2432 : i32
    %dma_wait3A_458 = tpu.memref_slice %arg6[%dma_wait3A_457] : memref<7168xi32, #tpu.memory_space<vmem>> -> memref<128xi32, #tpu.memory_space<vmem>>
    %dma_wait3A_459 = arith.constant 0 : i32
    %dma_wait3A_460 = tpu.memref_slice %arg2[%dma_wait3A_459] : memref<16777216xf32, #tpu.memory_space<hbm>> -> memref<16777216xf32, #tpu.memory_space<hbm>>
    tpu.wait_indirect_dma semaphore(%arg9 : memref<!tpu.dma_semaphore, #tpu.memory_space<semaphore_mem>>) src(%dma_wait3A_460 : memref<16777216xf32, #tpu.memory_space<hbm>>) dst(%dma_wait3A_456 : memref<128xf32, #tpu.memory_space<vmem>>)
    %dma_wait3A_461 = arith.constant 2560 : i32
    %dma_wait3A_462 = tpu.memref_slice %arg7[%dma_wait3A_461] : memref<7168xf32, #tpu.memory_space<vmem>> -> memref<128xf32, #tpu.memory_space<vmem>>
    %dma_wait3A_463 = arith.constant 2560 : i32
    %dma_wait3A_464 = tpu.memref_slice %arg6[%dma_wait3A_463] : memref<7168xi32, #tpu.memory_space<vmem>> -> memref<128xi32, #tpu.memory_space<vmem>>
    %dma_wait3A_465 = arith.constant 0 : i32
    %dma_wait3A_466 = tpu.memref_slice %arg2[%dma_wait3A_465] : memref<16777216xf32, #tpu.memory_space<hbm>> -> memref<16777216xf32, #tpu.memory_space<hbm>>
    tpu.wait_indirect_dma semaphore(%arg9 : memref<!tpu.dma_semaphore, #tpu.memory_space<semaphore_mem>>) src(%dma_wait3A_466 : memref<16777216xf32, #tpu.memory_space<hbm>>) dst(%dma_wait3A_462 : memref<128xf32, #tpu.memory_space<vmem>>)
    %dma_wait3A_467 = arith.constant 2688 : i32
    %dma_wait3A_468 = tpu.memref_slice %arg7[%dma_wait3A_467] : memref<7168xf32, #tpu.memory_space<vmem>> -> memref<128xf32, #tpu.memory_space<vmem>>
    %dma_wait3A_469 = arith.constant 2688 : i32
    %dma_wait3A_470 = tpu.memref_slice %arg6[%dma_wait3A_469] : memref<7168xi32, #tpu.memory_space<vmem>> -> memref<128xi32, #tpu.memory_space<vmem>>
    %dma_wait3A_471 = arith.constant 0 : i32
    %dma_wait3A_472 = tpu.memref_slice %arg2[%dma_wait3A_471] : memref<16777216xf32, #tpu.memory_space<hbm>> -> memref<16777216xf32, #tpu.memory_space<hbm>>
    tpu.wait_indirect_dma semaphore(%arg9 : memref<!tpu.dma_semaphore, #tpu.memory_space<semaphore_mem>>) src(%dma_wait3A_472 : memref<16777216xf32, #tpu.memory_space<hbm>>) dst(%dma_wait3A_468 : memref<128xf32, #tpu.memory_space<vmem>>)
    %dma_wait3A_473 = arith.constant 2816 : i32
    %dma_wait3A_474 = tpu.memref_slice %arg7[%dma_wait3A_473] : memref<7168xf32, #tpu.memory_space<vmem>> -> memref<128xf32, #tpu.memory_space<vmem>>
    %dma_wait3A_475 = arith.constant 2816 : i32
    %dma_wait3A_476 = tpu.memref_slice %arg6[%dma_wait3A_475] : memref<7168xi32, #tpu.memory_space<vmem>> -> memref<128xi32, #tpu.memory_space<vmem>>
    %dma_wait3A_477 = arith.constant 0 : i32
    %dma_wait3A_478 = tpu.memref_slice %arg2[%dma_wait3A_477] : memref<16777216xf32, #tpu.memory_space<hbm>> -> memref<16777216xf32, #tpu.memory_space<hbm>>
    tpu.wait_indirect_dma semaphore(%arg9 : memref<!tpu.dma_semaphore, #tpu.memory_space<semaphore_mem>>) src(%dma_wait3A_478 : memref<16777216xf32, #tpu.memory_space<hbm>>) dst(%dma_wait3A_474 : memref<128xf32, #tpu.memory_space<vmem>>)
    %dma_wait3A_479 = arith.constant 2944 : i32
    %dma_wait3A_480 = tpu.memref_slice %arg7[%dma_wait3A_479] : memref<7168xf32, #tpu.memory_space<vmem>> -> memref<128xf32, #tpu.memory_space<vmem>>
    %dma_wait3A_481 = arith.constant 2944 : i32
    %dma_wait3A_482 = tpu.memref_slice %arg6[%dma_wait3A_481] : memref<7168xi32, #tpu.memory_space<vmem>> -> memref<128xi32, #tpu.memory_space<vmem>>
    %dma_wait3A_483 = arith.constant 0 : i32
    %dma_wait3A_484 = tpu.memref_slice %arg2[%dma_wait3A_483] : memref<16777216xf32, #tpu.memory_space<hbm>> -> memref<16777216xf32, #tpu.memory_space<hbm>>
    tpu.wait_indirect_dma semaphore(%arg9 : memref<!tpu.dma_semaphore, #tpu.memory_space<semaphore_mem>>) src(%dma_wait3A_484 : memref<16777216xf32, #tpu.memory_space<hbm>>) dst(%dma_wait3A_480 : memref<128xf32, #tpu.memory_space<vmem>>)
    %dma_wait3A_485 = arith.constant 3072 : i32
    %dma_wait3A_486 = tpu.memref_slice %arg7[%dma_wait3A_485] : memref<7168xf32, #tpu.memory_space<vmem>> -> memref<128xf32, #tpu.memory_space<vmem>>
    %dma_wait3A_487 = arith.constant 3072 : i32
    %dma_wait3A_488 = tpu.memref_slice %arg6[%dma_wait3A_487] : memref<7168xi32, #tpu.memory_space<vmem>> -> memref<128xi32, #tpu.memory_space<vmem>>
    %dma_wait3A_489 = arith.constant 0 : i32
    %dma_wait3A_490 = tpu.memref_slice %arg2[%dma_wait3A_489] : memref<16777216xf32, #tpu.memory_space<hbm>> -> memref<16777216xf32, #tpu.memory_space<hbm>>
    tpu.wait_indirect_dma semaphore(%arg9 : memref<!tpu.dma_semaphore, #tpu.memory_space<semaphore_mem>>) src(%dma_wait3A_490 : memref<16777216xf32, #tpu.memory_space<hbm>>) dst(%dma_wait3A_486 : memref<128xf32, #tpu.memory_space<vmem>>)
    %dma_wait3A_491 = arith.constant 3200 : i32
    %dma_wait3A_492 = tpu.memref_slice %arg7[%dma_wait3A_491] : memref<7168xf32, #tpu.memory_space<vmem>> -> memref<128xf32, #tpu.memory_space<vmem>>
    %dma_wait3A_493 = arith.constant 3200 : i32
    %dma_wait3A_494 = tpu.memref_slice %arg6[%dma_wait3A_493] : memref<7168xi32, #tpu.memory_space<vmem>> -> memref<128xi32, #tpu.memory_space<vmem>>
    %dma_wait3A_495 = arith.constant 0 : i32
    %dma_wait3A_496 = tpu.memref_slice %arg2[%dma_wait3A_495] : memref<16777216xf32, #tpu.memory_space<hbm>> -> memref<16777216xf32, #tpu.memory_space<hbm>>
    tpu.wait_indirect_dma semaphore(%arg9 : memref<!tpu.dma_semaphore, #tpu.memory_space<semaphore_mem>>) src(%dma_wait3A_496 : memref<16777216xf32, #tpu.memory_space<hbm>>) dst(%dma_wait3A_492 : memref<128xf32, #tpu.memory_space<vmem>>)
    %dma_wait3A_497 = arith.constant 3328 : i32
    %dma_wait3A_498 = tpu.memref_slice %arg7[%dma_wait3A_497] : memref<7168xf32, #tpu.memory_space<vmem>> -> memref<128xf32, #tpu.memory_space<vmem>>
    %dma_wait3A_499 = arith.constant 3328 : i32
    %dma_wait3A_500 = tpu.memref_slice %arg6[%dma_wait3A_499] : memref<7168xi32, #tpu.memory_space<vmem>> -> memref<128xi32, #tpu.memory_space<vmem>>
    %dma_wait3A_501 = arith.constant 0 : i32
    %dma_wait3A_502 = tpu.memref_slice %arg2[%dma_wait3A_501] : memref<16777216xf32, #tpu.memory_space<hbm>> -> memref<16777216xf32, #tpu.memory_space<hbm>>
    tpu.wait_indirect_dma semaphore(%arg9 : memref<!tpu.dma_semaphore, #tpu.memory_space<semaphore_mem>>) src(%dma_wait3A_502 : memref<16777216xf32, #tpu.memory_space<hbm>>) dst(%dma_wait3A_498 : memref<128xf32, #tpu.memory_space<vmem>>)
    %dma_wait3A_503 = arith.constant 3456 : i32
    %dma_wait3A_504 = tpu.memref_slice %arg7[%dma_wait3A_503] : memref<7168xf32, #tpu.memory_space<vmem>> -> memref<128xf32, #tpu.memory_space<vmem>>
    %dma_wait3A_505 = arith.constant 3456 : i32
    %dma_wait3A_506 = tpu.memref_slice %arg6[%dma_wait3A_505] : memref<7168xi32, #tpu.memory_space<vmem>> -> memref<128xi32, #tpu.memory_space<vmem>>
    %dma_wait3A_507 = arith.constant 0 : i32
    %dma_wait3A_508 = tpu.memref_slice %arg2[%dma_wait3A_507] : memref<16777216xf32, #tpu.memory_space<hbm>> -> memref<16777216xf32, #tpu.memory_space<hbm>>
    tpu.wait_indirect_dma semaphore(%arg9 : memref<!tpu.dma_semaphore, #tpu.memory_space<semaphore_mem>>) src(%dma_wait3A_508 : memref<16777216xf32, #tpu.memory_space<hbm>>) dst(%dma_wait3A_504 : memref<128xf32, #tpu.memory_space<vmem>>)
    %dma_wait3A_509 = arith.constant 3584 : i32
    %dma_wait3A_510 = tpu.memref_slice %arg7[%dma_wait3A_509] : memref<7168xf32, #tpu.memory_space<vmem>> -> memref<128xf32, #tpu.memory_space<vmem>>
    %dma_wait3A_511 = arith.constant 3584 : i32
    %dma_wait3A_512 = tpu.memref_slice %arg6[%dma_wait3A_511] : memref<7168xi32, #tpu.memory_space<vmem>> -> memref<128xi32, #tpu.memory_space<vmem>>
    %dma_wait3A_513 = arith.constant 0 : i32
    %dma_wait3A_514 = tpu.memref_slice %arg2[%dma_wait3A_513] : memref<16777216xf32, #tpu.memory_space<hbm>> -> memref<16777216xf32, #tpu.memory_space<hbm>>
    tpu.wait_indirect_dma semaphore(%arg9 : memref<!tpu.dma_semaphore, #tpu.memory_space<semaphore_mem>>) src(%dma_wait3A_514 : memref<16777216xf32, #tpu.memory_space<hbm>>) dst(%dma_wait3A_510 : memref<128xf32, #tpu.memory_space<vmem>>)
    %dma_wait3A_515 = arith.constant 3712 : i32
    %dma_wait3A_516 = tpu.memref_slice %arg7[%dma_wait3A_515] : memref<7168xf32, #tpu.memory_space<vmem>> -> memref<128xf32, #tpu.memory_space<vmem>>
    %dma_wait3A_517 = arith.constant 3712 : i32
    %dma_wait3A_518 = tpu.memref_slice %arg6[%dma_wait3A_517] : memref<7168xi32, #tpu.memory_space<vmem>> -> memref<128xi32, #tpu.memory_space<vmem>>
    %dma_wait3A_519 = arith.constant 0 : i32
    %dma_wait3A_520 = tpu.memref_slice %arg2[%dma_wait3A_519] : memref<16777216xf32, #tpu.memory_space<hbm>> -> memref<16777216xf32, #tpu.memory_space<hbm>>
    tpu.wait_indirect_dma semaphore(%arg9 : memref<!tpu.dma_semaphore, #tpu.memory_space<semaphore_mem>>) src(%dma_wait3A_520 : memref<16777216xf32, #tpu.memory_space<hbm>>) dst(%dma_wait3A_516 : memref<128xf32, #tpu.memory_space<vmem>>)
    %dma_wait3A_521 = arith.constant 3840 : i32
    %dma_wait3A_522 = tpu.memref_slice %arg7[%dma_wait3A_521] : memref<7168xf32, #tpu.memory_space<vmem>> -> memref<128xf32, #tpu.memory_space<vmem>>
    %dma_wait3A_523 = arith.constant 3840 : i32
    %dma_wait3A_524 = tpu.memref_slice %arg6[%dma_wait3A_523] : memref<7168xi32, #tpu.memory_space<vmem>> -> memref<128xi32, #tpu.memory_space<vmem>>
    %dma_wait3A_525 = arith.constant 0 : i32
    %dma_wait3A_526 = tpu.memref_slice %arg2[%dma_wait3A_525] : memref<16777216xf32, #tpu.memory_space<hbm>> -> memref<16777216xf32, #tpu.memory_space<hbm>>
    tpu.wait_indirect_dma semaphore(%arg9 : memref<!tpu.dma_semaphore, #tpu.memory_space<semaphore_mem>>) src(%dma_wait3A_526 : memref<16777216xf32, #tpu.memory_space<hbm>>) dst(%dma_wait3A_522 : memref<128xf32, #tpu.memory_space<vmem>>)
    %dma_wait3A_527 = arith.constant 3968 : i32
    %dma_wait3A_528 = tpu.memref_slice %arg7[%dma_wait3A_527] : memref<7168xf32, #tpu.memory_space<vmem>> -> memref<128xf32, #tpu.memory_space<vmem>>
    %dma_wait3A_529 = arith.constant 3968 : i32
    %dma_wait3A_530 = tpu.memref_slice %arg6[%dma_wait3A_529] : memref<7168xi32, #tpu.memory_space<vmem>> -> memref<128xi32, #tpu.memory_space<vmem>>
    %dma_wait3A_531 = arith.constant 0 : i32
    %dma_wait3A_532 = tpu.memref_slice %arg2[%dma_wait3A_531] : memref<16777216xf32, #tpu.memory_space<hbm>> -> memref<16777216xf32, #tpu.memory_space<hbm>>
    tpu.wait_indirect_dma semaphore(%arg9 : memref<!tpu.dma_semaphore, #tpu.memory_space<semaphore_mem>>) src(%dma_wait3A_532 : memref<16777216xf32, #tpu.memory_space<hbm>>) dst(%dma_wait3A_528 : memref<128xf32, #tpu.memory_space<vmem>>)
    %dma_wait3A_533 = arith.constant 4096 : i32
    %dma_wait3A_534 = tpu.memref_slice %arg7[%dma_wait3A_533] : memref<7168xf32, #tpu.memory_space<vmem>> -> memref<128xf32, #tpu.memory_space<vmem>>
    %dma_wait3A_535 = arith.constant 4096 : i32
    %dma_wait3A_536 = tpu.memref_slice %arg6[%dma_wait3A_535] : memref<7168xi32, #tpu.memory_space<vmem>> -> memref<128xi32, #tpu.memory_space<vmem>>
    %dma_wait3A_537 = arith.constant 0 : i32
    %dma_wait3A_538 = tpu.memref_slice %arg2[%dma_wait3A_537] : memref<16777216xf32, #tpu.memory_space<hbm>> -> memref<16777216xf32, #tpu.memory_space<hbm>>
    tpu.wait_indirect_dma semaphore(%arg9 : memref<!tpu.dma_semaphore, #tpu.memory_space<semaphore_mem>>) src(%dma_wait3A_538 : memref<16777216xf32, #tpu.memory_space<hbm>>) dst(%dma_wait3A_534 : memref<128xf32, #tpu.memory_space<vmem>>)
    %dma_wait3A_539 = arith.constant 4224 : i32
    %dma_wait3A_540 = tpu.memref_slice %arg7[%dma_wait3A_539] : memref<7168xf32, #tpu.memory_space<vmem>> -> memref<128xf32, #tpu.memory_space<vmem>>
    %dma_wait3A_541 = arith.constant 4224 : i32
    %dma_wait3A_542 = tpu.memref_slice %arg6[%dma_wait3A_541] : memref<7168xi32, #tpu.memory_space<vmem>> -> memref<128xi32, #tpu.memory_space<vmem>>
    %dma_wait3A_543 = arith.constant 0 : i32
    %dma_wait3A_544 = tpu.memref_slice %arg2[%dma_wait3A_543] : memref<16777216xf32, #tpu.memory_space<hbm>> -> memref<16777216xf32, #tpu.memory_space<hbm>>
    tpu.wait_indirect_dma semaphore(%arg9 : memref<!tpu.dma_semaphore, #tpu.memory_space<semaphore_mem>>) src(%dma_wait3A_544 : memref<16777216xf32, #tpu.memory_space<hbm>>) dst(%dma_wait3A_540 : memref<128xf32, #tpu.memory_space<vmem>>)
    %dma_wait3A_545 = arith.constant 4352 : i32
    %dma_wait3A_546 = tpu.memref_slice %arg7[%dma_wait3A_545] : memref<7168xf32, #tpu.memory_space<vmem>> -> memref<128xf32, #tpu.memory_space<vmem>>
    %dma_wait3A_547 = arith.constant 4352 : i32
    %dma_wait3A_548 = tpu.memref_slice %arg6[%dma_wait3A_547] : memref<7168xi32, #tpu.memory_space<vmem>> -> memref<128xi32, #tpu.memory_space<vmem>>
    %dma_wait3A_549 = arith.constant 0 : i32
    %dma_wait3A_550 = tpu.memref_slice %arg2[%dma_wait3A_549] : memref<16777216xf32, #tpu.memory_space<hbm>> -> memref<16777216xf32, #tpu.memory_space<hbm>>
    tpu.wait_indirect_dma semaphore(%arg9 : memref<!tpu.dma_semaphore, #tpu.memory_space<semaphore_mem>>) src(%dma_wait3A_550 : memref<16777216xf32, #tpu.memory_space<hbm>>) dst(%dma_wait3A_546 : memref<128xf32, #tpu.memory_space<vmem>>)
    %dma_wait3A_551 = arith.constant 4480 : i32
    %dma_wait3A_552 = tpu.memref_slice %arg7[%dma_wait3A_551] : memref<7168xf32, #tpu.memory_space<vmem>> -> memref<128xf32, #tpu.memory_space<vmem>>
    %dma_wait3A_553 = arith.constant 4480 : i32
    %dma_wait3A_554 = tpu.memref_slice %arg6[%dma_wait3A_553] : memref<7168xi32, #tpu.memory_space<vmem>> -> memref<128xi32, #tpu.memory_space<vmem>>
    %dma_wait3A_555 = arith.constant 0 : i32
    %dma_wait3A_556 = tpu.memref_slice %arg2[%dma_wait3A_555] : memref<16777216xf32, #tpu.memory_space<hbm>> -> memref<16777216xf32, #tpu.memory_space<hbm>>
    tpu.wait_indirect_dma semaphore(%arg9 : memref<!tpu.dma_semaphore, #tpu.memory_space<semaphore_mem>>) src(%dma_wait3A_556 : memref<16777216xf32, #tpu.memory_space<hbm>>) dst(%dma_wait3A_552 : memref<128xf32, #tpu.memory_space<vmem>>)
    %dma_wait3A_557 = arith.constant 4608 : i32
    %dma_wait3A_558 = tpu.memref_slice %arg7[%dma_wait3A_557] : memref<7168xf32, #tpu.memory_space<vmem>> -> memref<128xf32, #tpu.memory_space<vmem>>
    %dma_wait3A_559 = arith.constant 4608 : i32
    %dma_wait3A_560 = tpu.memref_slice %arg6[%dma_wait3A_559] : memref<7168xi32, #tpu.memory_space<vmem>> -> memref<128xi32, #tpu.memory_space<vmem>>
    %dma_wait3A_561 = arith.constant 0 : i32
    %dma_wait3A_562 = tpu.memref_slice %arg2[%dma_wait3A_561] : memref<16777216xf32, #tpu.memory_space<hbm>> -> memref<16777216xf32, #tpu.memory_space<hbm>>
    tpu.wait_indirect_dma semaphore(%arg9 : memref<!tpu.dma_semaphore, #tpu.memory_space<semaphore_mem>>) src(%dma_wait3A_562 : memref<16777216xf32, #tpu.memory_space<hbm>>) dst(%dma_wait3A_558 : memref<128xf32, #tpu.memory_space<vmem>>)
    %dma_wait3A_563 = arith.constant 4736 : i32
    %dma_wait3A_564 = tpu.memref_slice %arg7[%dma_wait3A_563] : memref<7168xf32, #tpu.memory_space<vmem>> -> memref<128xf32, #tpu.memory_space<vmem>>
    %dma_wait3A_565 = arith.constant 4736 : i32
    %dma_wait3A_566 = tpu.memref_slice %arg6[%dma_wait3A_565] : memref<7168xi32, #tpu.memory_space<vmem>> -> memref<128xi32, #tpu.memory_space<vmem>>
    %dma_wait3A_567 = arith.constant 0 : i32
    %dma_wait3A_568 = tpu.memref_slice %arg2[%dma_wait3A_567] : memref<16777216xf32, #tpu.memory_space<hbm>> -> memref<16777216xf32, #tpu.memory_space<hbm>>
    tpu.wait_indirect_dma semaphore(%arg9 : memref<!tpu.dma_semaphore, #tpu.memory_space<semaphore_mem>>) src(%dma_wait3A_568 : memref<16777216xf32, #tpu.memory_space<hbm>>) dst(%dma_wait3A_564 : memref<128xf32, #tpu.memory_space<vmem>>)
    %dma_wait3A_569 = arith.constant 4864 : i32
    %dma_wait3A_570 = tpu.memref_slice %arg7[%dma_wait3A_569] : memref<7168xf32, #tpu.memory_space<vmem>> -> memref<128xf32, #tpu.memory_space<vmem>>
    %dma_wait3A_571 = arith.constant 4864 : i32
    %dma_wait3A_572 = tpu.memref_slice %arg6[%dma_wait3A_571] : memref<7168xi32, #tpu.memory_space<vmem>> -> memref<128xi32, #tpu.memory_space<vmem>>
    %dma_wait3A_573 = arith.constant 0 : i32
    %dma_wait3A_574 = tpu.memref_slice %arg2[%dma_wait3A_573] : memref<16777216xf32, #tpu.memory_space<hbm>> -> memref<16777216xf32, #tpu.memory_space<hbm>>
    tpu.wait_indirect_dma semaphore(%arg9 : memref<!tpu.dma_semaphore, #tpu.memory_space<semaphore_mem>>) src(%dma_wait3A_574 : memref<16777216xf32, #tpu.memory_space<hbm>>) dst(%dma_wait3A_570 : memref<128xf32, #tpu.memory_space<vmem>>)
    %dma_wait3A_575 = arith.constant 4992 : i32
    %dma_wait3A_576 = tpu.memref_slice %arg7[%dma_wait3A_575] : memref<7168xf32, #tpu.memory_space<vmem>> -> memref<128xf32, #tpu.memory_space<vmem>>
    %dma_wait3A_577 = arith.constant 4992 : i32
    %dma_wait3A_578 = tpu.memref_slice %arg6[%dma_wait3A_577] : memref<7168xi32, #tpu.memory_space<vmem>> -> memref<128xi32, #tpu.memory_space<vmem>>
    %dma_wait3A_579 = arith.constant 0 : i32
    %dma_wait3A_580 = tpu.memref_slice %arg2[%dma_wait3A_579] : memref<16777216xf32, #tpu.memory_space<hbm>> -> memref<16777216xf32, #tpu.memory_space<hbm>>
    tpu.wait_indirect_dma semaphore(%arg9 : memref<!tpu.dma_semaphore, #tpu.memory_space<semaphore_mem>>) src(%dma_wait3A_580 : memref<16777216xf32, #tpu.memory_space<hbm>>) dst(%dma_wait3A_576 : memref<128xf32, #tpu.memory_space<vmem>>)
    %dma_wait3A_581 = arith.constant 5120 : i32
    %dma_wait3A_582 = tpu.memref_slice %arg7[%dma_wait3A_581] : memref<7168xf32, #tpu.memory_space<vmem>> -> memref<128xf32, #tpu.memory_space<vmem>>
    %dma_wait3A_583 = arith.constant 5120 : i32
    %dma_wait3A_584 = tpu.memref_slice %arg6[%dma_wait3A_583] : memref<7168xi32, #tpu.memory_space<vmem>> -> memref<128xi32, #tpu.memory_space<vmem>>
    %dma_wait3A_585 = arith.constant 0 : i32
    %dma_wait3A_586 = tpu.memref_slice %arg2[%dma_wait3A_585] : memref<16777216xf32, #tpu.memory_space<hbm>> -> memref<16777216xf32, #tpu.memory_space<hbm>>
    tpu.wait_indirect_dma semaphore(%arg9 : memref<!tpu.dma_semaphore, #tpu.memory_space<semaphore_mem>>) src(%dma_wait3A_586 : memref<16777216xf32, #tpu.memory_space<hbm>>) dst(%dma_wait3A_582 : memref<128xf32, #tpu.memory_space<vmem>>)
    %dma_wait3A_587 = arith.constant 5248 : i32
    %dma_wait3A_588 = tpu.memref_slice %arg7[%dma_wait3A_587] : memref<7168xf32, #tpu.memory_space<vmem>> -> memref<128xf32, #tpu.memory_space<vmem>>
    %dma_wait3A_589 = arith.constant 5248 : i32
    %dma_wait3A_590 = tpu.memref_slice %arg6[%dma_wait3A_589] : memref<7168xi32, #tpu.memory_space<vmem>> -> memref<128xi32, #tpu.memory_space<vmem>>
    %dma_wait3A_591 = arith.constant 0 : i32
    %dma_wait3A_592 = tpu.memref_slice %arg2[%dma_wait3A_591] : memref<16777216xf32, #tpu.memory_space<hbm>> -> memref<16777216xf32, #tpu.memory_space<hbm>>
    tpu.wait_indirect_dma semaphore(%arg9 : memref<!tpu.dma_semaphore, #tpu.memory_space<semaphore_mem>>) src(%dma_wait3A_592 : memref<16777216xf32, #tpu.memory_space<hbm>>) dst(%dma_wait3A_588 : memref<128xf32, #tpu.memory_space<vmem>>)
    %dma_wait3A_593 = arith.constant 5376 : i32
    %dma_wait3A_594 = tpu.memref_slice %arg7[%dma_wait3A_593] : memref<7168xf32, #tpu.memory_space<vmem>> -> memref<128xf32, #tpu.memory_space<vmem>>
    %dma_wait3A_595 = arith.constant 5376 : i32
    %dma_wait3A_596 = tpu.memref_slice %arg6[%dma_wait3A_595] : memref<7168xi32, #tpu.memory_space<vmem>> -> memref<128xi32, #tpu.memory_space<vmem>>
    %dma_wait3A_597 = arith.constant 0 : i32
    %dma_wait3A_598 = tpu.memref_slice %arg2[%dma_wait3A_597] : memref<16777216xf32, #tpu.memory_space<hbm>> -> memref<16777216xf32, #tpu.memory_space<hbm>>
    tpu.wait_indirect_dma semaphore(%arg9 : memref<!tpu.dma_semaphore, #tpu.memory_space<semaphore_mem>>) src(%dma_wait3A_598 : memref<16777216xf32, #tpu.memory_space<hbm>>) dst(%dma_wait3A_594 : memref<128xf32, #tpu.memory_space<vmem>>)
    %dma_wait3A_599 = arith.constant 5504 : i32
    %dma_wait3A_600 = tpu.memref_slice %arg7[%dma_wait3A_599] : memref<7168xf32, #tpu.memory_space<vmem>> -> memref<128xf32, #tpu.memory_space<vmem>>
    %dma_wait3A_601 = arith.constant 5504 : i32
    %dma_wait3A_602 = tpu.memref_slice %arg6[%dma_wait3A_601] : memref<7168xi32, #tpu.memory_space<vmem>> -> memref<128xi32, #tpu.memory_space<vmem>>
    %dma_wait3A_603 = arith.constant 0 : i32
    %dma_wait3A_604 = tpu.memref_slice %arg2[%dma_wait3A_603] : memref<16777216xf32, #tpu.memory_space<hbm>> -> memref<16777216xf32, #tpu.memory_space<hbm>>
    tpu.wait_indirect_dma semaphore(%arg9 : memref<!tpu.dma_semaphore, #tpu.memory_space<semaphore_mem>>) src(%dma_wait3A_604 : memref<16777216xf32, #tpu.memory_space<hbm>>) dst(%dma_wait3A_600 : memref<128xf32, #tpu.memory_space<vmem>>)
    %dma_wait3A_605 = arith.constant 5632 : i32
    %dma_wait3A_606 = tpu.memref_slice %arg7[%dma_wait3A_605] : memref<7168xf32, #tpu.memory_space<vmem>> -> memref<128xf32, #tpu.memory_space<vmem>>
    %dma_wait3A_607 = arith.constant 5632 : i32
    %dma_wait3A_608 = tpu.memref_slice %arg6[%dma_wait3A_607] : memref<7168xi32, #tpu.memory_space<vmem>> -> memref<128xi32, #tpu.memory_space<vmem>>
    %dma_wait3A_609 = arith.constant 0 : i32
    %dma_wait3A_610 = tpu.memref_slice %arg2[%dma_wait3A_609] : memref<16777216xf32, #tpu.memory_space<hbm>> -> memref<16777216xf32, #tpu.memory_space<hbm>>
    tpu.wait_indirect_dma semaphore(%arg9 : memref<!tpu.dma_semaphore, #tpu.memory_space<semaphore_mem>>) src(%dma_wait3A_610 : memref<16777216xf32, #tpu.memory_space<hbm>>) dst(%dma_wait3A_606 : memref<128xf32, #tpu.memory_space<vmem>>)
    %dma_wait3A_611 = arith.constant 5760 : i32
    %dma_wait3A_612 = tpu.memref_slice %arg7[%dma_wait3A_611] : memref<7168xf32, #tpu.memory_space<vmem>> -> memref<128xf32, #tpu.memory_space<vmem>>
    %dma_wait3A_613 = arith.constant 5760 : i32
    %dma_wait3A_614 = tpu.memref_slice %arg6[%dma_wait3A_613] : memref<7168xi32, #tpu.memory_space<vmem>> -> memref<128xi32, #tpu.memory_space<vmem>>
    %dma_wait3A_615 = arith.constant 0 : i32
    %dma_wait3A_616 = tpu.memref_slice %arg2[%dma_wait3A_615] : memref<16777216xf32, #tpu.memory_space<hbm>> -> memref<16777216xf32, #tpu.memory_space<hbm>>
    tpu.wait_indirect_dma semaphore(%arg9 : memref<!tpu.dma_semaphore, #tpu.memory_space<semaphore_mem>>) src(%dma_wait3A_616 : memref<16777216xf32, #tpu.memory_space<hbm>>) dst(%dma_wait3A_612 : memref<128xf32, #tpu.memory_space<vmem>>)
    %dma_wait3A_617 = arith.constant 5888 : i32
    %dma_wait3A_618 = tpu.memref_slice %arg7[%dma_wait3A_617] : memref<7168xf32, #tpu.memory_space<vmem>> -> memref<128xf32, #tpu.memory_space<vmem>>
    %dma_wait3A_619 = arith.constant 5888 : i32
    %dma_wait3A_620 = tpu.memref_slice %arg6[%dma_wait3A_619] : memref<7168xi32, #tpu.memory_space<vmem>> -> memref<128xi32, #tpu.memory_space<vmem>>
    %dma_wait3A_621 = arith.constant 0 : i32
    %dma_wait3A_622 = tpu.memref_slice %arg2[%dma_wait3A_621] : memref<16777216xf32, #tpu.memory_space<hbm>> -> memref<16777216xf32, #tpu.memory_space<hbm>>
    tpu.wait_indirect_dma semaphore(%arg9 : memref<!tpu.dma_semaphore, #tpu.memory_space<semaphore_mem>>) src(%dma_wait3A_622 : memref<16777216xf32, #tpu.memory_space<hbm>>) dst(%dma_wait3A_618 : memref<128xf32, #tpu.memory_space<vmem>>)
    %dma_wait3A_623 = arith.constant 6016 : i32
    %dma_wait3A_624 = tpu.memref_slice %arg7[%dma_wait3A_623] : memref<7168xf32, #tpu.memory_space<vmem>> -> memref<128xf32, #tpu.memory_space<vmem>>
    %dma_wait3A_625 = arith.constant 6016 : i32
    %dma_wait3A_626 = tpu.memref_slice %arg6[%dma_wait3A_625] : memref<7168xi32, #tpu.memory_space<vmem>> -> memref<128xi32, #tpu.memory_space<vmem>>
    %dma_wait3A_627 = arith.constant 0 : i32
    %dma_wait3A_628 = tpu.memref_slice %arg2[%dma_wait3A_627] : memref<16777216xf32, #tpu.memory_space<hbm>> -> memref<16777216xf32, #tpu.memory_space<hbm>>
    tpu.wait_indirect_dma semaphore(%arg9 : memref<!tpu.dma_semaphore, #tpu.memory_space<semaphore_mem>>) src(%dma_wait3A_628 : memref<16777216xf32, #tpu.memory_space<hbm>>) dst(%dma_wait3A_624 : memref<128xf32, #tpu.memory_space<vmem>>)
    %dma_wait3A_629 = arith.constant 6144 : i32
    %dma_wait3A_630 = tpu.memref_slice %arg7[%dma_wait3A_629] : memref<7168xf32, #tpu.memory_space<vmem>> -> memref<128xf32, #tpu.memory_space<vmem>>
    %dma_wait3A_631 = arith.constant 6144 : i32
    %dma_wait3A_632 = tpu.memref_slice %arg6[%dma_wait3A_631] : memref<7168xi32, #tpu.memory_space<vmem>> -> memref<128xi32, #tpu.memory_space<vmem>>
    %dma_wait3A_633 = arith.constant 0 : i32
    %dma_wait3A_634 = tpu.memref_slice %arg2[%dma_wait3A_633] : memref<16777216xf32, #tpu.memory_space<hbm>> -> memref<16777216xf32, #tpu.memory_space<hbm>>
    tpu.wait_indirect_dma semaphore(%arg9 : memref<!tpu.dma_semaphore, #tpu.memory_space<semaphore_mem>>) src(%dma_wait3A_634 : memref<16777216xf32, #tpu.memory_space<hbm>>) dst(%dma_wait3A_630 : memref<128xf32, #tpu.memory_space<vmem>>)
    %dma_wait3A_635 = arith.constant 6272 : i32
    %dma_wait3A_636 = tpu.memref_slice %arg7[%dma_wait3A_635] : memref<7168xf32, #tpu.memory_space<vmem>> -> memref<128xf32, #tpu.memory_space<vmem>>
    %dma_wait3A_637 = arith.constant 6272 : i32
    %dma_wait3A_638 = tpu.memref_slice %arg6[%dma_wait3A_637] : memref<7168xi32, #tpu.memory_space<vmem>> -> memref<128xi32, #tpu.memory_space<vmem>>
    %dma_wait3A_639 = arith.constant 0 : i32
    %dma_wait3A_640 = tpu.memref_slice %arg2[%dma_wait3A_639] : memref<16777216xf32, #tpu.memory_space<hbm>> -> memref<16777216xf32, #tpu.memory_space<hbm>>
    tpu.wait_indirect_dma semaphore(%arg9 : memref<!tpu.dma_semaphore, #tpu.memory_space<semaphore_mem>>) src(%dma_wait3A_640 : memref<16777216xf32, #tpu.memory_space<hbm>>) dst(%dma_wait3A_636 : memref<128xf32, #tpu.memory_space<vmem>>)
    %dma_wait3A_641 = arith.constant 6400 : i32
    %dma_wait3A_642 = tpu.memref_slice %arg7[%dma_wait3A_641] : memref<7168xf32, #tpu.memory_space<vmem>> -> memref<128xf32, #tpu.memory_space<vmem>>
    %dma_wait3A_643 = arith.constant 6400 : i32
    %dma_wait3A_644 = tpu.memref_slice %arg6[%dma_wait3A_643] : memref<7168xi32, #tpu.memory_space<vmem>> -> memref<128xi32, #tpu.memory_space<vmem>>
    %dma_wait3A_645 = arith.constant 0 : i32
    %dma_wait3A_646 = tpu.memref_slice %arg2[%dma_wait3A_645] : memref<16777216xf32, #tpu.memory_space<hbm>> -> memref<16777216xf32, #tpu.memory_space<hbm>>
    tpu.wait_indirect_dma semaphore(%arg9 : memref<!tpu.dma_semaphore, #tpu.memory_space<semaphore_mem>>) src(%dma_wait3A_646 : memref<16777216xf32, #tpu.memory_space<hbm>>) dst(%dma_wait3A_642 : memref<128xf32, #tpu.memory_space<vmem>>)
    %dma_wait3A_647 = arith.constant 6528 : i32
    %dma_wait3A_648 = tpu.memref_slice %arg7[%dma_wait3A_647] : memref<7168xf32, #tpu.memory_space<vmem>> -> memref<128xf32, #tpu.memory_space<vmem>>
    %dma_wait3A_649 = arith.constant 6528 : i32
    %dma_wait3A_650 = tpu.memref_slice %arg6[%dma_wait3A_649] : memref<7168xi32, #tpu.memory_space<vmem>> -> memref<128xi32, #tpu.memory_space<vmem>>
    %dma_wait3A_651 = arith.constant 0 : i32
    %dma_wait3A_652 = tpu.memref_slice %arg2[%dma_wait3A_651] : memref<16777216xf32, #tpu.memory_space<hbm>> -> memref<16777216xf32, #tpu.memory_space<hbm>>
    tpu.wait_indirect_dma semaphore(%arg9 : memref<!tpu.dma_semaphore, #tpu.memory_space<semaphore_mem>>) src(%dma_wait3A_652 : memref<16777216xf32, #tpu.memory_space<hbm>>) dst(%dma_wait3A_648 : memref<128xf32, #tpu.memory_space<vmem>>)
    %dma_wait3A_653 = arith.constant 6656 : i32
    %dma_wait3A_654 = tpu.memref_slice %arg7[%dma_wait3A_653] : memref<7168xf32, #tpu.memory_space<vmem>> -> memref<128xf32, #tpu.memory_space<vmem>>
    %dma_wait3A_655 = arith.constant 6656 : i32
    %dma_wait3A_656 = tpu.memref_slice %arg6[%dma_wait3A_655] : memref<7168xi32, #tpu.memory_space<vmem>> -> memref<128xi32, #tpu.memory_space<vmem>>
    %dma_wait3A_657 = arith.constant 0 : i32
    %dma_wait3A_658 = tpu.memref_slice %arg2[%dma_wait3A_657] : memref<16777216xf32, #tpu.memory_space<hbm>> -> memref<16777216xf32, #tpu.memory_space<hbm>>
    tpu.wait_indirect_dma semaphore(%arg9 : memref<!tpu.dma_semaphore, #tpu.memory_space<semaphore_mem>>) src(%dma_wait3A_658 : memref<16777216xf32, #tpu.memory_space<hbm>>) dst(%dma_wait3A_654 : memref<128xf32, #tpu.memory_space<vmem>>)
    %dma_wait3A_659 = arith.constant 6784 : i32
    %dma_wait3A_660 = tpu.memref_slice %arg7[%dma_wait3A_659] : memref<7168xf32, #tpu.memory_space<vmem>> -> memref<128xf32, #tpu.memory_space<vmem>>
    %dma_wait3A_661 = arith.constant 6784 : i32
    %dma_wait3A_662 = tpu.memref_slice %arg6[%dma_wait3A_661] : memref<7168xi32, #tpu.memory_space<vmem>> -> memref<128xi32, #tpu.memory_space<vmem>>
    %dma_wait3A_663 = arith.constant 0 : i32
    %dma_wait3A_664 = tpu.memref_slice %arg2[%dma_wait3A_663] : memref<16777216xf32, #tpu.memory_space<hbm>> -> memref<16777216xf32, #tpu.memory_space<hbm>>
    tpu.wait_indirect_dma semaphore(%arg9 : memref<!tpu.dma_semaphore, #tpu.memory_space<semaphore_mem>>) src(%dma_wait3A_664 : memref<16777216xf32, #tpu.memory_space<hbm>>) dst(%dma_wait3A_660 : memref<128xf32, #tpu.memory_space<vmem>>)
    %dma_wait3A_665 = arith.constant 6912 : i32
    %dma_wait3A_666 = tpu.memref_slice %arg7[%dma_wait3A_665] : memref<7168xf32, #tpu.memory_space<vmem>> -> memref<128xf32, #tpu.memory_space<vmem>>
    %dma_wait3A_667 = arith.constant 6912 : i32
    %dma_wait3A_668 = tpu.memref_slice %arg6[%dma_wait3A_667] : memref<7168xi32, #tpu.memory_space<vmem>> -> memref<128xi32, #tpu.memory_space<vmem>>
    %dma_wait3A_669 = arith.constant 0 : i32
    %dma_wait3A_670 = tpu.memref_slice %arg2[%dma_wait3A_669] : memref<16777216xf32, #tpu.memory_space<hbm>> -> memref<16777216xf32, #tpu.memory_space<hbm>>
    tpu.wait_indirect_dma semaphore(%arg9 : memref<!tpu.dma_semaphore, #tpu.memory_space<semaphore_mem>>) src(%dma_wait3A_670 : memref<16777216xf32, #tpu.memory_space<hbm>>) dst(%dma_wait3A_666 : memref<128xf32, #tpu.memory_space<vmem>>)
    %dma_wait3A_671 = arith.constant 7040 : i32
    %dma_wait3A_672 = tpu.memref_slice %arg7[%dma_wait3A_671] : memref<7168xf32, #tpu.memory_space<vmem>> -> memref<128xf32, #tpu.memory_space<vmem>>
    %dma_wait3A_673 = arith.constant 7040 : i32
    %dma_wait3A_674 = tpu.memref_slice %arg6[%dma_wait3A_673] : memref<7168xi32, #tpu.memory_space<vmem>> -> memref<128xi32, #tpu.memory_space<vmem>>
    %dma_wait3A_675 = arith.constant 0 : i32
    %dma_wait3A_676 = tpu.memref_slice %arg2[%dma_wait3A_675] : memref<16777216xf32, #tpu.memory_space<hbm>> -> memref<16777216xf32, #tpu.memory_space<hbm>>
    tpu.wait_indirect_dma semaphore(%arg9 : memref<!tpu.dma_semaphore, #tpu.memory_space<semaphore_mem>>) src(%dma_wait3A_676 : memref<16777216xf32, #tpu.memory_space<hbm>>) dst(%dma_wait3A_672 : memref<128xf32, #tpu.memory_space<vmem>>)
    %scan3A_677 = arith.constant 0 : i32
    %scan3A_678 = arith.constant 64 : i32
    %scan3A_679 = arith.addi %scan3A_677, %scan3A_678 : i32
    %scan3A_680 = arith.constant 4 : i32
    scf.for %scan3A_682 = %scan3A_677 to %scan3A_679 step %scan3A_680  : i32 {
      %broadcast_in_dim3A = arith.constant 0.000000e+00 : f32
      %broadcast_in_dim3A_683 = vector.broadcast %broadcast_in_dim3A : f32 to vector<16xf32>
      %mul3A_684 = arith.constant 16 : i32
      %mul3A_685 = arith.muli %scan3A_682, %mul3A_684 : i32
      %add3A_686 = arith.constant 0 : i32
      %add3A_687 = arith.addi %add3A_686, %mul3A_685 : i32
      %get3A = arith.index_cast %add3A_687 : i32 to index
      %get3A_688 = tpu.vector_load %arg7[%get3A] {strides = array<i32>} : memref<7168xf32, #tpu.memory_space<vmem>>, vector<16xf32>,
      %get3A_689 = vector.shape_cast %get3A_688 : vector<16xf32> to vector<16xf32>
      %mul3A_690 = arith.constant 0.00247875229 : f32
      %mul3A_691 = vector.broadcast %mul3A_690 : f32 to vector<16xf32>
      %mul3A_692 = arith.mulf %mul3A_691, %get3A_689 : vector<16xf32>
      %add3A_693 = arith.addf %broadcast_in_dim3A_683, %mul3A_692 : vector<16xf32>
      %mul3A_694 = arith.constant 16 : i32
      %mul3A_695 = arith.muli %scan3A_682, %mul3A_694 : i32
      %add3A_696 = arith.constant 1024 : i32
      %add3A_697 = arith.addi %add3A_696, %mul3A_695 : i32
      %get3A_698 = arith.index_cast %add3A_697 : i32 to index
      %get3A_699 = tpu.vector_load %arg7[%get3A_698] {strides = array<i32>} : memref<7168xf32, #tpu.memory_space<vmem>>, vector<16xf32>,
      %get3A_700 = vector.shape_cast %get3A_699 : vector<16xf32> to vector<16xf32>
      %mul3A_701 = arith.constant 0.0183156393 : f32
      %mul3A_702 = vector.broadcast %mul3A_701 : f32 to vector<16xf32>
      %mul3A_703 = arith.mulf %mul3A_702, %get3A_700 : vector<16xf32>
      %add3A_704 = arith.addf %add3A_693, %mul3A_703 : vector<16xf32>
      %mul3A_705 = arith.constant 16 : i32
      %mul3A_706 = arith.muli %scan3A_682, %mul3A_705 : i32
      %add3A_707 = arith.constant 2048 : i32
      %add3A_708 = arith.addi %add3A_707, %mul3A_706 : i32
      %get3A_709 = arith.index_cast %add3A_708 : i32 to index
      %get3A_710 = tpu.vector_load %arg7[%get3A_709] {strides = array<i32>} : memref<7168xf32, #tpu.memory_space<vmem>>, vector<16xf32>,
      %get3A_711 = vector.shape_cast %get3A_710 : vector<16xf32> to vector<16xf32>
      %mul3A_712 = arith.constant 0.135335281 : f32
      %mul3A_713 = vector.broadcast %mul3A_712 : f32 to vector<16xf32>
      %mul3A_714 = arith.mulf %mul3A_713, %get3A_711 : vector<16xf32>
      %add3A_715 = arith.addf %add3A_704, %mul3A_714 : vector<16xf32>
      %mul3A_716 = arith.constant 16 : i32
      %mul3A_717 = arith.muli %scan3A_682, %mul3A_716 : i32
      %add3A_718 = arith.constant 3072 : i32
      %add3A_719 = arith.addi %add3A_718, %mul3A_717 : i32
      %get3A_720 = arith.index_cast %add3A_719 : i32 to index
      %get3A_721 = tpu.vector_load %arg7[%get3A_720] {strides = array<i32>} : memref<7168xf32, #tpu.memory_space<vmem>>, vector<16xf32>,
      %get3A_722 = vector.shape_cast %get3A_721 : vector<16xf32> to vector<16xf32>
      %mul3A_723 = arith.constant 1.000000e+00 : f32
      %mul3A_724 = vector.broadcast %mul3A_723 : f32 to vector<16xf32>
      %mul3A_725 = arith.mulf %mul3A_724, %get3A_722 : vector<16xf32>
      %add3A_726 = arith.addf %add3A_715, %mul3A_725 : vector<16xf32>
      %mul3A_727 = arith.constant 16 : i32
      %mul3A_728 = arith.muli %scan3A_682, %mul3A_727 : i32
      %add3A_729 = arith.constant 4096 : i32
      %add3A_730 = arith.addi %add3A_729, %mul3A_728 : i32
      %get3A_731 = arith.index_cast %add3A_730 : i32 to index
      %get3A_732 = tpu.vector_load %arg7[%get3A_731] {strides = array<i32>} : memref<7168xf32, #tpu.memory_space<vmem>>, vector<16xf32>,
      %get3A_733 = vector.shape_cast %get3A_732 : vector<16xf32> to vector<16xf32>
      %mul3A_734 = arith.constant 0.135335281 : f32
      %mul3A_735 = vector.broadcast %mul3A_734 : f32 to vector<16xf32>
      %mul3A_736 = arith.mulf %mul3A_735, %get3A_733 : vector<16xf32>
      %add3A_737 = arith.addf %add3A_726, %mul3A_736 : vector<16xf32>
      %mul3A_738 = arith.constant 16 : i32
      %mul3A_739 = arith.muli %scan3A_682, %mul3A_738 : i32
      %add3A_740 = arith.constant 5120 : i32
      %add3A_741 = arith.addi %add3A_740, %mul3A_739 : i32
      %get3A_742 = arith.index_cast %add3A_741 : i32 to index
      %get3A_743 = tpu.vector_load %arg7[%get3A_742] {strides = array<i32>} : memref<7168xf32, #tpu.memory_space<vmem>>, vector<16xf32>,
      %get3A_744 = vector.shape_cast %get3A_743 : vector<16xf32> to vector<16xf32>
      %mul3A_745 = arith.constant 0.0183156393 : f32
      %mul3A_746 = vector.broadcast %mul3A_745 : f32 to vector<16xf32>
      %mul3A_747 = arith.mulf %mul3A_746, %get3A_744 : vector<16xf32>
      %add3A_748 = arith.addf %add3A_737, %mul3A_747 : vector<16xf32>
      %mul3A_749 = arith.constant 16 : i32
      %mul3A_750 = arith.muli %scan3A_682, %mul3A_749 : i32
      %add3A_751 = arith.constant 6144 : i32
      %add3A_752 = arith.addi %add3A_751, %mul3A_750 : i32
      %get3A_753 = arith.index_cast %add3A_752 : i32 to index
      %get3A_754 = tpu.vector_load %arg7[%get3A_753] {strides = array<i32>} : memref<7168xf32, #tpu.memory_space<vmem>>, vector<16xf32>,
      %get3A_755 = vector.shape_cast %get3A_754 : vector<16xf32> to vector<16xf32>
      %mul3A_756 = arith.constant 0.00247875229 : f32
      %mul3A_757 = vector.broadcast %mul3A_756 : f32 to vector<16xf32>
      %mul3A_758 = arith.mulf %mul3A_757, %get3A_755 : vector<16xf32>
      %add3A_759 = arith.addf %add3A_748, %mul3A_758 : vector<16xf32>
      %mul3A_760 = arith.constant 16 : i32
      %mul3A_761 = arith.muli %scan3A_682, %mul3A_760 : i32
      %swap3A = arith.index_cast %mul3A_761 : i32 to index
      %swap3A_762 = tpu.vector_load %arg8[%swap3A] {strides = array<i32>} : memref<1024xf32, #tpu.memory_space<vmem>>, vector<16xf32>,
      %swap3A_763 = vector.shape_cast %swap3A_762 : vector<16xf32> to vector<16xf32>
      %swap3A_764 = vector.shape_cast %add3A_759 : vector<16xf32> to vector<16xf32>
      tpu.vector_store %arg8[%swap3A], %swap3A_764 {strides = array<i32>} : memref<1024xf32, #tpu.memory_space<vmem>>, vector<16xf32>,
      %scan3A_765 = arith.constant 1 : i32
      %scan3A_766 = arith.addi %scan3A_682, %scan3A_765 : i32
      %broadcast_in_dim3A_767 = arith.constant 0.000000e+00 : f32
      %broadcast_in_dim3A_768 = vector.broadcast %broadcast_in_dim3A_767 : f32 to vector<16xf32>
      %mul3A_769 = arith.constant 16 : i32
      %mul3A_770 = arith.muli %scan3A_766, %mul3A_769 : i32
      %add3A_771 = arith.constant 0 : i32
      %add3A_772 = arith.addi %add3A_771, %mul3A_770 : i32
      %get3A_773 = arith.index_cast %add3A_772 : i32 to index
      %get3A_774 = tpu.vector_load %arg7[%get3A_773] {strides = array<i32>} : memref<7168xf32, #tpu.memory_space<vmem>>, vector<16xf32>,
      %get3A_775 = vector.shape_cast %get3A_774 : vector<16xf32> to vector<16xf32>
      %mul3A_776 = arith.constant 0.00247875229 : f32
      %mul3A_777 = vector.broadcast %mul3A_776 : f32 to vector<16xf32>
      %mul3A_778 = arith.mulf %mul3A_777, %get3A_775 : vector<16xf32>
      %add3A_779 = arith.addf %broadcast_in_dim3A_768, %mul3A_778 : vector<16xf32>
      %mul3A_780 = arith.constant 16 : i32
      %mul3A_781 = arith.muli %scan3A_766, %mul3A_780 : i32
      %add3A_782 = arith.constant 1024 : i32
      %add3A_783 = arith.addi %add3A_782, %mul3A_781 : i32
      %get3A_784 = arith.index_cast %add3A_783 : i32 to index
      %get3A_785 = tpu.vector_load %arg7[%get3A_784] {strides = array<i32>} : memref<7168xf32, #tpu.memory_space<vmem>>, vector<16xf32>,
      %get3A_786 = vector.shape_cast %get3A_785 : vector<16xf32> to vector<16xf32>
      %mul3A_787 = arith.constant 0.0183156393 : f32
      %mul3A_788 = vector.broadcast %mul3A_787 : f32 to vector<16xf32>
      %mul3A_789 = arith.mulf %mul3A_788, %get3A_786 : vector<16xf32>
      %add3A_790 = arith.addf %add3A_779, %mul3A_789 : vector<16xf32>
      %mul3A_791 = arith.constant 16 : i32
      %mul3A_792 = arith.muli %scan3A_766, %mul3A_791 : i32
      %add3A_793 = arith.constant 2048 : i32
      %add3A_794 = arith.addi %add3A_793, %mul3A_792 : i32
      %get3A_795 = arith.index_cast %add3A_794 : i32 to index
      %get3A_796 = tpu.vector_load %arg7[%get3A_795] {strides = array<i32>} : memref<7168xf32, #tpu.memory_space<vmem>>, vector<16xf32>,
      %get3A_797 = vector.shape_cast %get3A_796 : vector<16xf32> to vector<16xf32>
      %mul3A_798 = arith.constant 0.135335281 : f32
      %mul3A_799 = vector.broadcast %mul3A_798 : f32 to vector<16xf32>
      %mul3A_800 = arith.mulf %mul3A_799, %get3A_797 : vector<16xf32>
      %add3A_801 = arith.addf %add3A_790, %mul3A_800 : vector<16xf32>
      %mul3A_802 = arith.constant 16 : i32
      %mul3A_803 = arith.muli %scan3A_766, %mul3A_802 : i32
      %add3A_804 = arith.constant 3072 : i32
      %add3A_805 = arith.addi %add3A_804, %mul3A_803 : i32
      %get3A_806 = arith.index_cast %add3A_805 : i32 to index
      %get3A_807 = tpu.vector_load %arg7[%get3A_806] {strides = array<i32>} : memref<7168xf32, #tpu.memory_space<vmem>>, vector<16xf32>,
      %get3A_808 = vector.shape_cast %get3A_807 : vector<16xf32> to vector<16xf32>
      %mul3A_809 = arith.constant 1.000000e+00 : f32
      %mul3A_810 = vector.broadcast %mul3A_809 : f32 to vector<16xf32>
      %mul3A_811 = arith.mulf %mul3A_810, %get3A_808 : vector<16xf32>
      %add3A_812 = arith.addf %add3A_801, %mul3A_811 : vector<16xf32>
      %mul3A_813 = arith.constant 16 : i32
      %mul3A_814 = arith.muli %scan3A_766, %mul3A_813 : i32
      %add3A_815 = arith.constant 4096 : i32
      %add3A_816 = arith.addi %add3A_815, %mul3A_814 : i32
      %get3A_817 = arith.index_cast %add3A_816 : i32 to index
      %get3A_818 = tpu.vector_load %arg7[%get3A_817] {strides = array<i32>} : memref<7168xf32, #tpu.memory_space<vmem>>, vector<16xf32>,
      %get3A_819 = vector.shape_cast %get3A_818 : vector<16xf32> to vector<16xf32>
      %mul3A_820 = arith.constant 0.135335281 : f32
      %mul3A_821 = vector.broadcast %mul3A_820 : f32 to vector<16xf32>
      %mul3A_822 = arith.mulf %mul3A_821, %get3A_819 : vector<16xf32>
      %add3A_823 = arith.addf %add3A_812, %mul3A_822 : vector<16xf32>
      %mul3A_824 = arith.constant 16 : i32
      %mul3A_825 = arith.muli %scan3A_766, %mul3A_824 : i32
      %add3A_826 = arith.constant 5120 : i32
      %add3A_827 = arith.addi %add3A_826, %mul3A_825 : i32
      %get3A_828 = arith.index_cast %add3A_827 : i32 to index
      %get3A_829 = tpu.vector_load %arg7[%get3A_828] {strides = array<i32>} : memref<7168xf32, #tpu.memory_space<vmem>>, vector<16xf32>,
      %get3A_830 = vector.shape_cast %get3A_829 : vector<16xf32> to vector<16xf32>
      %mul3A_831 = arith.constant 0.0183156393 : f32
      %mul3A_832 = vector.broadcast %mul3A_831 : f32 to vector<16xf32>
      %mul3A_833 = arith.mulf %mul3A_832, %get3A_830 : vector<16xf32>
      %add3A_834 = arith.addf %add3A_823, %mul3A_833 : vector<16xf32>
      %mul3A_835 = arith.constant 16 : i32
      %mul3A_836 = arith.muli %scan3A_766, %mul3A_835 : i32
      %add3A_837 = arith.constant 6144 : i32
      %add3A_838 = arith.addi %add3A_837, %mul3A_836 : i32
      %get3A_839 = arith.index_cast %add3A_838 : i32 to index
      %get3A_840 = tpu.vector_load %arg7[%get3A_839] {strides = array<i32>} : memref<7168xf32, #tpu.memory_space<vmem>>, vector<16xf32>,
      %get3A_841 = vector.shape_cast %get3A_840 : vector<16xf32> to vector<16xf32>
      %mul3A_842 = arith.constant 0.00247875229 : f32
      %mul3A_843 = vector.broadcast %mul3A_842 : f32 to vector<16xf32>
      %mul3A_844 = arith.mulf %mul3A_843, %get3A_841 : vector<16xf32>
      %add3A_845 = arith.addf %add3A_834, %mul3A_844 : vector<16xf32>
      %mul3A_846 = arith.constant 16 : i32
      %mul3A_847 = arith.muli %scan3A_766, %mul3A_846 : i32
      %swap3A_848 = arith.index_cast %mul3A_847 : i32 to index
      %swap3A_849 = tpu.vector_load %arg8[%swap3A_848] {strides = array<i32>} : memref<1024xf32, #tpu.memory_space<vmem>>, vector<16xf32>,
      %swap3A_850 = vector.shape_cast %swap3A_849 : vector<16xf32> to vector<16xf32>
      %swap3A_851 = vector.shape_cast %add3A_845 : vector<16xf32> to vector<16xf32>
      tpu.vector_store %arg8[%swap3A_848], %swap3A_851 {strides = array<i32>} : memref<1024xf32, #tpu.memory_space<vmem>>, vector<16xf32>,
      %scan3A_852 = arith.constant 2 : i32
      %scan3A_853 = arith.addi %scan3A_682, %scan3A_852 : i32
      %broadcast_in_dim3A_854 = arith.constant 0.000000e+00 : f32
      %broadcast_in_dim3A_855 = vector.broadcast %broadcast_in_dim3A_854 : f32 to vector<16xf32>
      %mul3A_856 = arith.constant 16 : i32
      %mul3A_857 = arith.muli %scan3A_853, %mul3A_856 : i32
      %add3A_858 = arith.constant 0 : i32
      %add3A_859 = arith.addi %add3A_858, %mul3A_857 : i32
      %get3A_860 = arith.index_cast %add3A_859 : i32 to index
      %get3A_861 = tpu.vector_load %arg7[%get3A_860] {strides = array<i32>} : memref<7168xf32, #tpu.memory_space<vmem>>, vector<16xf32>,
      %get3A_862 = vector.shape_cast %get3A_861 : vector<16xf32> to vector<16xf32>
      %mul3A_863 = arith.constant 0.00247875229 : f32
      %mul3A_864 = vector.broadcast %mul3A_863 : f32 to vector<16xf32>
      %mul3A_865 = arith.mulf %mul3A_864, %get3A_862 : vector<16xf32>
      %add3A_866 = arith.addf %broadcast_in_dim3A_855, %mul3A_865 : vector<16xf32>
      %mul3A_867 = arith.constant 16 : i32
      %mul3A_868 = arith.muli %scan3A_853, %mul3A_867 : i32
      %add3A_869 = arith.constant 1024 : i32
      %add3A_870 = arith.addi %add3A_869, %mul3A_868 : i32
      %get3A_871 = arith.index_cast %add3A_870 : i32 to index
      %get3A_872 = tpu.vector_load %arg7[%get3A_871] {strides = array<i32>} : memref<7168xf32, #tpu.memory_space<vmem>>, vector<16xf32>,
      %get3A_873 = vector.shape_cast %get3A_872 : vector<16xf32> to vector<16xf32>
      %mul3A_874 = arith.constant 0.0183156393 : f32
      %mul3A_875 = vector.broadcast %mul3A_874 : f32 to vector<16xf32>
      %mul3A_876 = arith.mulf %mul3A_875, %get3A_873 : vector<16xf32>
      %add3A_877 = arith.addf %add3A_866, %mul3A_876 : vector<16xf32>
      %mul3A_878 = arith.constant 16 : i32
      %mul3A_879 = arith.muli %scan3A_853, %mul3A_878 : i32
      %add3A_880 = arith.constant 2048 : i32
      %add3A_881 = arith.addi %add3A_880, %mul3A_879 : i32
      %get3A_882 = arith.index_cast %add3A_881 : i32 to index
      %get3A_883 = tpu.vector_load %arg7[%get3A_882] {strides = array<i32>} : memref<7168xf32, #tpu.memory_space<vmem>>, vector<16xf32>,
      %get3A_884 = vector.shape_cast %get3A_883 : vector<16xf32> to vector<16xf32>
      %mul3A_885 = arith.constant 0.135335281 : f32
      %mul3A_886 = vector.broadcast %mul3A_885 : f32 to vector<16xf32>
      %mul3A_887 = arith.mulf %mul3A_886, %get3A_884 : vector<16xf32>
      %add3A_888 = arith.addf %add3A_877, %mul3A_887 : vector<16xf32>
      %mul3A_889 = arith.constant 16 : i32
      %mul3A_890 = arith.muli %scan3A_853, %mul3A_889 : i32
      %add3A_891 = arith.constant 3072 : i32
      %add3A_892 = arith.addi %add3A_891, %mul3A_890 : i32
      %get3A_893 = arith.index_cast %add3A_892 : i32 to index
      %get3A_894 = tpu.vector_load %arg7[%get3A_893] {strides = array<i32>} : memref<7168xf32, #tpu.memory_space<vmem>>, vector<16xf32>,
      %get3A_895 = vector.shape_cast %get3A_894 : vector<16xf32> to vector<16xf32>
      %mul3A_896 = arith.constant 1.000000e+00 : f32
      %mul3A_897 = vector.broadcast %mul3A_896 : f32 to vector<16xf32>
      %mul3A_898 = arith.mulf %mul3A_897, %get3A_895 : vector<16xf32>
      %add3A_899 = arith.addf %add3A_888, %mul3A_898 : vector<16xf32>
      %mul3A_900 = arith.constant 16 : i32
      %mul3A_901 = arith.muli %scan3A_853, %mul3A_900 : i32
      %add3A_902 = arith.constant 4096 : i32
      %add3A_903 = arith.addi %add3A_902, %mul3A_901 : i32
      %get3A_904 = arith.index_cast %add3A_903 : i32 to index
      %get3A_905 = tpu.vector_load %arg7[%get3A_904] {strides = array<i32>} : memref<7168xf32, #tpu.memory_space<vmem>>, vector<16xf32>,
      %get3A_906 = vector.shape_cast %get3A_905 : vector<16xf32> to vector<16xf32>
      %mul3A_907 = arith.constant 0.135335281 : f32
      %mul3A_908 = vector.broadcast %mul3A_907 : f32 to vector<16xf32>
      %mul3A_909 = arith.mulf %mul3A_908, %get3A_906 : vector<16xf32>
      %add3A_910 = arith.addf %add3A_899, %mul3A_909 : vector<16xf32>
      %mul3A_911 = arith.constant 16 : i32
      %mul3A_912 = arith.muli %scan3A_853, %mul3A_911 : i32
      %add3A_913 = arith.constant 5120 : i32
      %add3A_914 = arith.addi %add3A_913, %mul3A_912 : i32
      %get3A_915 = arith.index_cast %add3A_914 : i32 to index
      %get3A_916 = tpu.vector_load %arg7[%get3A_915] {strides = array<i32>} : memref<7168xf32, #tpu.memory_space<vmem>>, vector<16xf32>,
      %get3A_917 = vector.shape_cast %get3A_916 : vector<16xf32> to vector<16xf32>
      %mul3A_918 = arith.constant 0.0183156393 : f32
      %mul3A_919 = vector.broadcast %mul3A_918 : f32 to vector<16xf32>
      %mul3A_920 = arith.mulf %mul3A_919, %get3A_917 : vector<16xf32>
      %add3A_921 = arith.addf %add3A_910, %mul3A_920 : vector<16xf32>
      %mul3A_922 = arith.constant 16 : i32
      %mul3A_923 = arith.muli %scan3A_853, %mul3A_922 : i32
      %add3A_924 = arith.constant 6144 : i32
      %add3A_925 = arith.addi %add3A_924, %mul3A_923 : i32
      %get3A_926 = arith.index_cast %add3A_925 : i32 to index
      %get3A_927 = tpu.vector_load %arg7[%get3A_926] {strides = array<i32>} : memref<7168xf32, #tpu.memory_space<vmem>>, vector<16xf32>,
      %get3A_928 = vector.shape_cast %get3A_927 : vector<16xf32> to vector<16xf32>
      %mul3A_929 = arith.constant 0.00247875229 : f32
      %mul3A_930 = vector.broadcast %mul3A_929 : f32 to vector<16xf32>
      %mul3A_931 = arith.mulf %mul3A_930, %get3A_928 : vector<16xf32>
      %add3A_932 = arith.addf %add3A_921, %mul3A_931 : vector<16xf32>
      %mul3A_933 = arith.constant 16 : i32
      %mul3A_934 = arith.muli %scan3A_853, %mul3A_933 : i32
      %swap3A_935 = arith.index_cast %mul3A_934 : i32 to index
      %swap3A_936 = tpu.vector_load %arg8[%swap3A_935] {strides = array<i32>} : memref<1024xf32, #tpu.memory_space<vmem>>, vector<16xf32>,
      %swap3A_937 = vector.shape_cast %swap3A_936 : vector<16xf32> to vector<16xf32>
      %swap3A_938 = vector.shape_cast %add3A_932 : vector<16xf32> to vector<16xf32>
      tpu.vector_store %arg8[%swap3A_935], %swap3A_938 {strides = array<i32>} : memref<1024xf32, #tpu.memory_space<vmem>>, vector<16xf32>,
      %scan3A_939 = arith.constant 3 : i32
      %scan3A_940 = arith.addi %scan3A_682, %scan3A_939 : i32
      %broadcast_in_dim3A_941 = arith.constant 0.000000e+00 : f32
      %broadcast_in_dim3A_942 = vector.broadcast %broadcast_in_dim3A_941 : f32 to vector<16xf32>
      %mul3A_943 = arith.constant 16 : i32
      %mul3A_944 = arith.muli %scan3A_940, %mul3A_943 : i32
      %add3A_945 = arith.constant 0 : i32
      %add3A_946 = arith.addi %add3A_945, %mul3A_944 : i32
      %get3A_947 = arith.index_cast %add3A_946 : i32 to index
      %get3A_948 = tpu.vector_load %arg7[%get3A_947] {strides = array<i32>} : memref<7168xf32, #tpu.memory_space<vmem>>, vector<16xf32>,
      %get3A_949 = vector.shape_cast %get3A_948 : vector<16xf32> to vector<16xf32>
      %mul3A_950 = arith.constant 0.00247875229 : f32
      %mul3A_951 = vector.broadcast %mul3A_950 : f32 to vector<16xf32>
      %mul3A_952 = arith.mulf %mul3A_951, %get3A_949 : vector<16xf32>
      %add3A_953 = arith.addf %broadcast_in_dim3A_942, %mul3A_952 : vector<16xf32>
      %mul3A_954 = arith.constant 16 : i32
      %mul3A_955 = arith.muli %scan3A_940, %mul3A_954 : i32
      %add3A_956 = arith.constant 1024 : i32
      %add3A_957 = arith.addi %add3A_956, %mul3A_955 : i32
      %get3A_958 = arith.index_cast %add3A_957 : i32 to index
      %get3A_959 = tpu.vector_load %arg7[%get3A_958] {strides = array<i32>} : memref<7168xf32, #tpu.memory_space<vmem>>, vector<16xf32>,
      %get3A_960 = vector.shape_cast %get3A_959 : vector<16xf32> to vector<16xf32>
      %mul3A_961 = arith.constant 0.0183156393 : f32
      %mul3A_962 = vector.broadcast %mul3A_961 : f32 to vector<16xf32>
      %mul3A_963 = arith.mulf %mul3A_962, %get3A_960 : vector<16xf32>
      %add3A_964 = arith.addf %add3A_953, %mul3A_963 : vector<16xf32>
      %mul3A_965 = arith.constant 16 : i32
      %mul3A_966 = arith.muli %scan3A_940, %mul3A_965 : i32
      %add3A_967 = arith.constant 2048 : i32
      %add3A_968 = arith.addi %add3A_967, %mul3A_966 : i32
      %get3A_969 = arith.index_cast %add3A_968 : i32 to index
      %get3A_970 = tpu.vector_load %arg7[%get3A_969] {strides = array<i32>} : memref<7168xf32, #tpu.memory_space<vmem>>, vector<16xf32>,
      %get3A_971 = vector.shape_cast %get3A_970 : vector<16xf32> to vector<16xf32>
      %mul3A_972 = arith.constant 0.135335281 : f32
      %mul3A_973 = vector.broadcast %mul3A_972 : f32 to vector<16xf32>
      %mul3A_974 = arith.mulf %mul3A_973, %get3A_971 : vector<16xf32>
      %add3A_975 = arith.addf %add3A_964, %mul3A_974 : vector<16xf32>
      %mul3A_976 = arith.constant 16 : i32
      %mul3A_977 = arith.muli %scan3A_940, %mul3A_976 : i32
      %add3A_978 = arith.constant 3072 : i32
      %add3A_979 = arith.addi %add3A_978, %mul3A_977 : i32
      %get3A_980 = arith.index_cast %add3A_979 : i32 to index
      %get3A_981 = tpu.vector_load %arg7[%get3A_980] {strides = array<i32>} : memref<7168xf32, #tpu.memory_space<vmem>>, vector<16xf32>,
      %get3A_982 = vector.shape_cast %get3A_981 : vector<16xf32> to vector<16xf32>
      %mul3A_983 = arith.constant 1.000000e+00 : f32
      %mul3A_984 = vector.broadcast %mul3A_983 : f32 to vector<16xf32>
      %mul3A_985 = arith.mulf %mul3A_984, %get3A_982 : vector<16xf32>
      %add3A_986 = arith.addf %add3A_975, %mul3A_985 : vector<16xf32>
      %mul3A_987 = arith.constant 16 : i32
      %mul3A_988 = arith.muli %scan3A_940, %mul3A_987 : i32
      %add3A_989 = arith.constant 4096 : i32
      %add3A_990 = arith.addi %add3A_989, %mul3A_988 : i32
      %get3A_991 = arith.index_cast %add3A_990 : i32 to index
      %get3A_992 = tpu.vector_load %arg7[%get3A_991] {strides = array<i32>} : memref<7168xf32, #tpu.memory_space<vmem>>, vector<16xf32>,
      %get3A_993 = vector.shape_cast %get3A_992 : vector<16xf32> to vector<16xf32>
      %mul3A_994 = arith.constant 0.135335281 : f32
      %mul3A_995 = vector.broadcast %mul3A_994 : f32 to vector<16xf32>
      %mul3A_996 = arith.mulf %mul3A_995, %get3A_993 : vector<16xf32>
      %add3A_997 = arith.addf %add3A_986, %mul3A_996 : vector<16xf32>
      %mul3A_998 = arith.constant 16 : i32
      %mul3A_999 = arith.muli %scan3A_940, %mul3A_998 : i32
      %add3A_1000 = arith.constant 5120 : i32
      %add3A_1001 = arith.addi %add3A_1000, %mul3A_999 : i32
      %get3A_1002 = arith.index_cast %add3A_1001 : i32 to index
      %get3A_1003 = tpu.vector_load %arg7[%get3A_1002] {strides = array<i32>} : memref<7168xf32, #tpu.memory_space<vmem>>, vector<16xf32>,
      %get3A_1004 = vector.shape_cast %get3A_1003 : vector<16xf32> to vector<16xf32>
      %mul3A_1005 = arith.constant 0.0183156393 : f32
      %mul3A_1006 = vector.broadcast %mul3A_1005 : f32 to vector<16xf32>
      %mul3A_1007 = arith.mulf %mul3A_1006, %get3A_1004 : vector<16xf32>
      %add3A_1008 = arith.addf %add3A_997, %mul3A_1007 : vector<16xf32>
      %mul3A_1009 = arith.constant 16 : i32
      %mul3A_1010 = arith.muli %scan3A_940, %mul3A_1009 : i32
      %add3A_1011 = arith.constant 6144 : i32
      %add3A_1012 = arith.addi %add3A_1011, %mul3A_1010 : i32
      %get3A_1013 = arith.index_cast %add3A_1012 : i32 to index
      %get3A_1014 = tpu.vector_load %arg7[%get3A_1013] {strides = array<i32>} : memref<7168xf32, #tpu.memory_space<vmem>>, vector<16xf32>,
      %get3A_1015 = vector.shape_cast %get3A_1014 : vector<16xf32> to vector<16xf32>
      %mul3A_1016 = arith.constant 0.00247875229 : f32
      %mul3A_1017 = vector.broadcast %mul3A_1016 : f32 to vector<16xf32>
      %mul3A_1018 = arith.mulf %mul3A_1017, %get3A_1015 : vector<16xf32>
      %add3A_1019 = arith.addf %add3A_1008, %mul3A_1018 : vector<16xf32>
      %mul3A_1020 = arith.constant 16 : i32
      %mul3A_1021 = arith.muli %scan3A_940, %mul3A_1020 : i32
      %swap3A_1022 = arith.index_cast %mul3A_1021 : i32 to index
      %swap3A_1023 = tpu.vector_load %arg8[%swap3A_1022] {strides = array<i32>} : memref<1024xf32, #tpu.memory_space<vmem>>, vector<16xf32>,
      %swap3A_1024 = vector.shape_cast %swap3A_1023 : vector<16xf32> to vector<16xf32>
      %swap3A_1025 = vector.shape_cast %add3A_1019 : vector<16xf32> to vector<16xf32>
      tpu.vector_store %arg8[%swap3A_1022], %swap3A_1025 {strides = array<i32>} : memref<1024xf32, #tpu.memory_space<vmem>>, vector<16xf32>,
    }
    %scan3A_681 = arith.constant 64 : i32
    "tpu.region"() ({
      %run_scoped3A = tpu.sem_alloc : memref<!tpu.dma_semaphore, #tpu.memory_space<semaphore_mem>>
      %dma_start3A_682 = tpu.memref_slice %arg4[%mul3A_2] : memref<32768xf32, #tpu.memory_space<hbm>> -> memref<1024xf32, #tpu.memory_space<hbm>>
      %dma_start3A_683 = tpu.memref_slice %arg4[%mul3A_2] : memref<32768xf32, #tpu.memory_space<hbm>> -> memref<1024xf32, #tpu.memory_space<hbm>>
      tpu.enqueue_dma source(%arg8 : memref<1024xf32, #tpu.memory_space<vmem>>) target(%dma_start3A_683 : memref<1024xf32, #tpu.memory_space<hbm>>) target_semaphore(%run_scoped3A : memref<!tpu.dma_semaphore, #tpu.memory_space<semaphore_mem>>)
      %dma_wait3A_684 = tpu.memref_slice %arg4[%mul3A_2] : memref<32768xf32, #tpu.memory_space<hbm>> -> memref<1024xf32, #tpu.memory_space<hbm>>
      %dma_wait3A_685 = tpu.memref_slice %arg4[%mul3A_2] : memref<32768xf32, #tpu.memory_space<hbm>> -> memref<1024xf32, #tpu.memory_space<hbm>>
      tpu.wait_dma2 semaphore(%run_scoped3A : memref<!tpu.dma_semaphore, #tpu.memory_space<semaphore_mem>>) src(%arg8 : memref<1024xf32, #tpu.memory_space<vmem>>) dst(%dma_wait3A_685 : memref<1024xf32, #tpu.memory_space<hbm>>)
      tpu.yield
    }) : () -> ()
    return
  }
}

module attributes {stable_mosaic.version = 14 : i64} {
  func.func @_prep_body(%arg0: memref<6x16x128xf32, #tpu.memory_space<vmem>>, %arg1: memref<16x128xi32, #tpu.memory_space<vmem>>, %arg2: memref<6x16xf32, #tpu.memory_space<smem>>, %arg3: memref<16x16x128xf32, #tpu.memory_space<vmem>>, %arg4: memref<1x1xf32, #tpu.memory_space<smem>>, %arg5: memref<1x1xf32, #tpu.memory_space<smem>>) attributes {dimension_semantics = [], scalar_prefetch = 0 : i64, scratch_operands = 0 : i64, tpu.core_type = #tpu.core_type<tc>} {
    %get3A = arith.constant 0 : index
    %get3A_0 = arith.constant 0 : index
    %get3A_1 = vector.load %arg1[%get3A, %get3A_0] : memref<16x128xi32, #tpu.memory_space<vmem>>, vector<16x128xi32>
    %eq3A = arith.constant 3 : i32
    %eq3A_2 = vector.broadcast %eq3A : i32 to vector<16x128xi32>
    %eq3A_3 = arith.cmpi eq, %get3A_1, %eq3A_2 : vector<16x128xi32>
    %convert_element_type3A = arith.extui %eq3A_3 : vector<16x128xi1> to vector<16x128xi32>
    %convert_element_type3A_4 = arith.sitofp %convert_element_type3A : vector<16x128xi32> to vector<16x128xf32>
    %iota3A = tpu.iota {dimensions = array<i32: 0>} : vector<128x128xi32>
    %iota3A_5 = tpu.iota {dimensions = array<i32: 1>} : vector<128x128xi32>
    %le3A = arith.cmpi sle, %iota3A, %iota3A_5 : vector<128x128xi32>
    %convert_element_type3A_6 = arith.extui %le3A : vector<128x128xi1> to vector<128x128xi32>
    %convert_element_type3A_7 = arith.sitofp %convert_element_type3A_6 : vector<128x128xi32> to vector<128x128xf32>
    %dot_general3A = arith.constant dense<0.000000e+00> : vector<16x128xf32>
    %dot_general3A_8 = tpu.matmul %convert_element_type3A_4, %convert_element_type3A_7, %dot_general3A {dimension_numbers = #tpu.dot_dimension_numbers<[1], [0], [0], [1], [0, 0, 1, 1], [], []>, transpose_lhs_hint = false} : vector<16x128xf32>, vector<128x128xf32>, vector<16x128xf32> -> vector<16x128xf32>
    %le3A_9 = arith.constant 1.000000e+00 : f32
    %le3A_10 = vector.broadcast %le3A_9 : f32 to vector<16x128xf32>
    %le3A_11 = arith.cmpf ole, %dot_general3A_8, %le3A_10 : vector<16x128xf32>
    %convert_element_type3A_12 = arith.extui %le3A_11 : vector<16x128xi1> to vector<16x128xi32>
    %convert_element_type3A_13 = arith.sitofp %convert_element_type3A_12 : vector<16x128xi32> to vector<16x128xf32>
    %get3A_14 = arith.constant 0 : index
    %get3A_15 = arith.constant 0 : index
    %get3A_16 = arith.constant 0 : index
    %get3A_17 = vector.load %arg0[%get3A_14, %get3A_15, %get3A_16] : memref<6x16x128xf32, #tpu.memory_space<vmem>>, vector<1x16x128xf32>
    %get3A_18 = vector.shape_cast %get3A_17 : vector<1x16x128xf32> to vector<16x128xf32>
    %get3A_19 = arith.constant 1 : index
    %get3A_20 = arith.constant 0 : index
    %get3A_21 = arith.constant 0 : index
    %get3A_22 = vector.load %arg0[%get3A_19, %get3A_20, %get3A_21] : memref<6x16x128xf32, #tpu.memory_space<vmem>>, vector<1x16x128xf32>
    %get3A_23 = vector.shape_cast %get3A_22 : vector<1x16x128xf32> to vector<16x128xf32>
    %max3A = arith.maximumf %get3A_18, %get3A_23 : vector<16x128xf32>
    %get3A_24 = arith.constant 2 : index
    %get3A_25 = arith.constant 0 : index
    %get3A_26 = arith.constant 0 : index
    %get3A_27 = vector.load %arg0[%get3A_24, %get3A_25, %get3A_26] : memref<6x16x128xf32, #tpu.memory_space<vmem>>, vector<1x16x128xf32>
    %get3A_28 = vector.shape_cast %get3A_27 : vector<1x16x128xf32> to vector<16x128xf32>
    %max3A_29 = arith.maximumf %max3A, %get3A_28 : vector<16x128xf32>
    %get3A_30 = arith.constant 3 : index
    %get3A_31 = arith.constant 0 : index
    %get3A_32 = arith.constant 0 : index
    %get3A_33 = vector.load %arg0[%get3A_30, %get3A_31, %get3A_32] : memref<6x16x128xf32, #tpu.memory_space<vmem>>, vector<1x16x128xf32>
    %get3A_34 = vector.shape_cast %get3A_33 : vector<1x16x128xf32> to vector<16x128xf32>
    %max3A_35 = arith.maximumf %max3A_29, %get3A_34 : vector<16x128xf32>
    %get3A_36 = arith.constant 4 : index
    %get3A_37 = arith.constant 0 : index
    %get3A_38 = arith.constant 0 : index
    %get3A_39 = vector.load %arg0[%get3A_36, %get3A_37, %get3A_38] : memref<6x16x128xf32, #tpu.memory_space<vmem>>, vector<1x16x128xf32>
    %get3A_40 = vector.shape_cast %get3A_39 : vector<1x16x128xf32> to vector<16x128xf32>
    %max3A_41 = arith.maximumf %max3A_35, %get3A_40 : vector<16x128xf32>
    %get3A_42 = arith.constant 5 : index
    %get3A_43 = arith.constant 0 : index
    %get3A_44 = arith.constant 0 : index
    %get3A_45 = vector.load %arg0[%get3A_42, %get3A_43, %get3A_44] : memref<6x16x128xf32, #tpu.memory_space<vmem>>, vector<1x16x128xf32>
    %get3A_46 = vector.shape_cast %get3A_45 : vector<1x16x128xf32> to vector<16x128xf32>
    %max3A_47 = arith.maximumf %max3A_41, %get3A_46 : vector<16x128xf32>
    %broadcast_in_dim3A = arith.constant 0.000000e+00 : f32
    %broadcast_in_dim3A_48 = vector.broadcast %broadcast_in_dim3A : f32 to vector<16x128xf32>
    %broadcast_in_dim3A_49 = arith.constant 0.000000e+00 : f32
    %broadcast_in_dim3A_50 = vector.broadcast %broadcast_in_dim3A_49 : f32 to vector<16x128xf32>
    %get3A_51 = arith.constant 0 : index
    %get3A_52 = arith.constant 0 : index
    %get3A_53 = arith.constant 0 : index
    %get3A_54 = vector.load %arg0[%get3A_51, %get3A_52, %get3A_53] : memref<6x16x128xf32, #tpu.memory_space<vmem>>, vector<1x16x128xf32>
    %get3A_55 = vector.shape_cast %get3A_54 : vector<1x16x128xf32> to vector<16x128xf32>
    %sub3A = arith.subf %get3A_55, %max3A_47 : vector<16x128xf32>
    %exp3A = math.exp %sub3A : vector<16x128xf32>
    %add3A = arith.addf %broadcast_in_dim3A_48, %exp3A : vector<16x128xf32>
    %eq3A_56 = arith.constant 0 : i32
    %eq3A_57 = vector.broadcast %eq3A_56 : i32 to vector<16x128xi32>
    %eq3A_58 = arith.cmpi eq, %get3A_1, %eq3A_57 : vector<16x128xi32>
    %jit3A = arith.constant 0.000000e+00 : f32
    %broadcast_in_dim3A_59 = vector.broadcast %jit3A : f32 to vector<16x128xf32>
    %select_n3A = arith.select %eq3A_58, %get3A_55, %broadcast_in_dim3A_59 : vector<16x128xi1>, vector<16x128xf32>
    %add3A_60 = arith.addf %broadcast_in_dim3A_50, %select_n3A : vector<16x128xf32>
    %get3A_61 = arith.constant 1 : index
    %get3A_62 = arith.constant 0 : index
    %get3A_63 = arith.constant 0 : index
    %get3A_64 = vector.load %arg0[%get3A_61, %get3A_62, %get3A_63] : memref<6x16x128xf32, #tpu.memory_space<vmem>>, vector<1x16x128xf32>
    %get3A_65 = vector.shape_cast %get3A_64 : vector<1x16x128xf32> to vector<16x128xf32>
    %sub3A_66 = arith.subf %get3A_65, %max3A_47 : vector<16x128xf32>
    %exp3A_67 = math.exp %sub3A_66 : vector<16x128xf32>
    %add3A_68 = arith.addf %add3A, %exp3A_67 : vector<16x128xf32>
    %eq3A_69 = arith.constant 1 : i32
    %eq3A_70 = vector.broadcast %eq3A_69 : i32 to vector<16x128xi32>
    %eq3A_71 = arith.cmpi eq, %get3A_1, %eq3A_70 : vector<16x128xi32>
    %jit3A_72 = arith.constant 0.000000e+00 : f32
    %broadcast_in_dim3A_73 = vector.broadcast %jit3A_72 : f32 to vector<16x128xf32>
    %select_n3A_74 = arith.select %eq3A_71, %get3A_65, %broadcast_in_dim3A_73 : vector<16x128xi1>, vector<16x128xf32>
    %add3A_75 = arith.addf %add3A_60, %select_n3A_74 : vector<16x128xf32>
    %get3A_76 = arith.constant 2 : index
    %get3A_77 = arith.constant 0 : index
    %get3A_78 = arith.constant 0 : index
    %get3A_79 = vector.load %arg0[%get3A_76, %get3A_77, %get3A_78] : memref<6x16x128xf32, #tpu.memory_space<vmem>>, vector<1x16x128xf32>
    %get3A_80 = vector.shape_cast %get3A_79 : vector<1x16x128xf32> to vector<16x128xf32>
    %sub3A_81 = arith.subf %get3A_80, %max3A_47 : vector<16x128xf32>
    %exp3A_82 = math.exp %sub3A_81 : vector<16x128xf32>
    %add3A_83 = arith.addf %add3A_68, %exp3A_82 : vector<16x128xf32>
    %eq3A_84 = arith.constant 2 : i32
    %eq3A_85 = vector.broadcast %eq3A_84 : i32 to vector<16x128xi32>
    %eq3A_86 = arith.cmpi eq, %get3A_1, %eq3A_85 : vector<16x128xi32>
    %jit3A_87 = arith.constant 0.000000e+00 : f32
    %broadcast_in_dim3A_88 = vector.broadcast %jit3A_87 : f32 to vector<16x128xf32>
    %select_n3A_89 = arith.select %eq3A_86, %get3A_80, %broadcast_in_dim3A_88 : vector<16x128xi1>, vector<16x128xf32>
    %add3A_90 = arith.addf %add3A_75, %select_n3A_89 : vector<16x128xf32>
    %get3A_91 = arith.constant 3 : index
    %get3A_92 = arith.constant 0 : index
    %get3A_93 = arith.constant 0 : index
    %get3A_94 = vector.load %arg0[%get3A_91, %get3A_92, %get3A_93] : memref<6x16x128xf32, #tpu.memory_space<vmem>>, vector<1x16x128xf32>
    %get3A_95 = vector.shape_cast %get3A_94 : vector<1x16x128xf32> to vector<16x128xf32>
    %sub3A_96 = arith.subf %get3A_95, %max3A_47 : vector<16x128xf32>
    %exp3A_97 = math.exp %sub3A_96 : vector<16x128xf32>
    %add3A_98 = arith.addf %add3A_83, %exp3A_97 : vector<16x128xf32>
    %eq3A_99 = arith.constant 3 : i32
    %eq3A_100 = vector.broadcast %eq3A_99 : i32 to vector<16x128xi32>
    %eq3A_101 = arith.cmpi eq, %get3A_1, %eq3A_100 : vector<16x128xi32>
    %jit3A_102 = arith.constant 0.000000e+00 : f32
    %broadcast_in_dim3A_103 = vector.broadcast %jit3A_102 : f32 to vector<16x128xf32>
    %select_n3A_104 = arith.select %eq3A_101, %get3A_95, %broadcast_in_dim3A_103 : vector<16x128xi1>, vector<16x128xf32>
    %add3A_105 = arith.addf %add3A_90, %select_n3A_104 : vector<16x128xf32>
    %get3A_106 = arith.constant 4 : index
    %get3A_107 = arith.constant 0 : index
    %get3A_108 = arith.constant 0 : index
    %get3A_109 = vector.load %arg0[%get3A_106, %get3A_107, %get3A_108] : memref<6x16x128xf32, #tpu.memory_space<vmem>>, vector<1x16x128xf32>
    %get3A_110 = vector.shape_cast %get3A_109 : vector<1x16x128xf32> to vector<16x128xf32>
    %sub3A_111 = arith.subf %get3A_110, %max3A_47 : vector<16x128xf32>
    %exp3A_112 = math.exp %sub3A_111 : vector<16x128xf32>
    %add3A_113 = arith.addf %add3A_98, %exp3A_112 : vector<16x128xf32>
    %eq3A_114 = arith.constant 4 : i32
    %eq3A_115 = vector.broadcast %eq3A_114 : i32 to vector<16x128xi32>
    %eq3A_116 = arith.cmpi eq, %get3A_1, %eq3A_115 : vector<16x128xi32>
    %jit3A_117 = arith.constant 0.000000e+00 : f32
    %broadcast_in_dim3A_118 = vector.broadcast %jit3A_117 : f32 to vector<16x128xf32>
    %select_n3A_119 = arith.select %eq3A_116, %get3A_110, %broadcast_in_dim3A_118 : vector<16x128xi1>, vector<16x128xf32>
    %add3A_120 = arith.addf %add3A_105, %select_n3A_119 : vector<16x128xf32>
    %get3A_121 = arith.constant 5 : index
    %get3A_122 = arith.constant 0 : index
    %get3A_123 = arith.constant 0 : index
    %get3A_124 = vector.load %arg0[%get3A_121, %get3A_122, %get3A_123] : memref<6x16x128xf32, #tpu.memory_space<vmem>>, vector<1x16x128xf32>
    %get3A_125 = vector.shape_cast %get3A_124 : vector<1x16x128xf32> to vector<16x128xf32>
    %sub3A_126 = arith.subf %get3A_125, %max3A_47 : vector<16x128xf32>
    %exp3A_127 = math.exp %sub3A_126 : vector<16x128xf32>
    %add3A_128 = arith.addf %add3A_113, %exp3A_127 : vector<16x128xf32>
    %eq3A_129 = arith.constant 5 : i32
    %eq3A_130 = vector.broadcast %eq3A_129 : i32 to vector<16x128xi32>
    %eq3A_131 = arith.cmpi eq, %get3A_1, %eq3A_130 : vector<16x128xi32>
    %jit3A_132 = arith.constant 0.000000e+00 : f32
    %broadcast_in_dim3A_133 = vector.broadcast %jit3A_132 : f32 to vector<16x128xf32>
    %select_n3A_134 = arith.select %eq3A_131, %get3A_125, %broadcast_in_dim3A_133 : vector<16x128xi1>, vector<16x128xf32>
    %add3A_135 = arith.addf %add3A_120, %select_n3A_134 : vector<16x128xf32>
    %log3A = math.log %add3A_128 : vector<16x128xf32>
    %add3A_136 = arith.addf %max3A_47, %log3A : vector<16x128xf32>
    %sub3A_137 = arith.subf %add3A_136, %add3A_135 : vector<16x128xf32>
    %ne3A = arith.cmpf one, %sub3A_137, %sub3A_137 : vector<16x128xf32>
    %jit3A_138 = arith.constant 0.000000e+00 : f32
    %broadcast_in_dim3A_139 = vector.broadcast %jit3A_138 : f32 to vector<16x128xf32>
    %select_n3A_140 = arith.select %ne3A, %broadcast_in_dim3A_139, %sub3A_137 : vector<16x128xi1>, vector<16x128xf32>
    %mul3A = arith.mulf %select_n3A_140, %convert_element_type3A_13 : vector<16x128xf32>
    %reduce_sum3A = vector.shape_cast %mul3A : vector<16x128xf32> to vector<1x16x128xf32>
    %reduce_sum3A_141 = arith.constant dense<0.000000e+00> : vector<1xf32>
    %reduce_sum3A_142 = vector.multi_reduction <add>, %reduce_sum3A, %reduce_sum3A_141 [1, 2] : vector<1x16x128xf32> to vector<1xf32>
    %reduce_sum3A_143 = vector.shape_cast %reduce_sum3A_142 : vector<1xf32> to vector<1x1x1xf32>
    %reduce_sum3A_144 = vector.extract %reduce_sum3A_143[0, 0, 0] : f32 from vector<1x1x1xf32>
    %swap3A = arith.constant 0 : index
    %swap3A_145 = arith.constant 0 : index
    %swap3A_146 = memref.load %arg4[%swap3A, %swap3A_145] : memref<1x1xf32, #tpu.memory_space<smem>>
    memref.store %reduce_sum3A_144, %arg4[%swap3A, %swap3A_145] : memref<1x1xf32, #tpu.memory_space<smem>>
    %reduce_sum3A_147 = vector.shape_cast %convert_element_type3A_13 : vector<16x128xf32> to vector<1x16x128xf32>
    %reduce_sum3A_148 = arith.constant dense<0.000000e+00> : vector<1xf32>
    %reduce_sum3A_149 = vector.multi_reduction <add>, %reduce_sum3A_147, %reduce_sum3A_148 [1, 2] : vector<1x16x128xf32> to vector<1xf32>
    %reduce_sum3A_150 = vector.shape_cast %reduce_sum3A_149 : vector<1xf32> to vector<1x1x1xf32>
    %reduce_sum3A_151 = vector.extract %reduce_sum3A_150[0, 0, 0] : f32 from vector<1x1x1xf32>
    %swap3A_152 = arith.constant 0 : index
    %swap3A_153 = arith.constant 0 : index
    %swap3A_154 = memref.load %arg5[%swap3A_152, %swap3A_153] : memref<1x1xf32, #tpu.memory_space<smem>>
    memref.store %reduce_sum3A_151, %arg5[%swap3A_152, %swap3A_153] : memref<1x1xf32, #tpu.memory_space<smem>>
    %broadcast_in_dim3A_155 = arith.constant 0.000000e+00 : f32
    %broadcast_in_dim3A_156 = vector.broadcast %broadcast_in_dim3A_155 : f32 to vector<16x128xf32>
    %eq3A_157 = arith.constant 0 : i32
    %eq3A_158 = vector.broadcast %eq3A_157 : i32 to vector<16x128xi32>
    %eq3A_159 = arith.cmpi eq, %get3A_1, %eq3A_158 : vector<16x128xi32>
    %get3A_160 = arith.constant 0 : index
    %get3A_161 = arith.constant 0 : index
    %get3A_162 = memref.load %arg2[%get3A_160, %get3A_161] : memref<6x16xf32, #tpu.memory_space<smem>>
    %jit3A_163 = arith.constant 0.000000e+00 : f32
    %broadcast_in_dim3A_164 = vector.broadcast %get3A_162 : f32 to vector<16x128xf32>
    %broadcast_in_dim3A_165 = vector.broadcast %jit3A_163 : f32 to vector<16x128xf32>
    %select_n3A_166 = arith.select %eq3A_159, %broadcast_in_dim3A_164, %broadcast_in_dim3A_165 : vector<16x128xi1>, vector<16x128xf32>
    %add3A_167 = arith.addf %broadcast_in_dim3A_156, %select_n3A_166 : vector<16x128xf32>
    %eq3A_168 = arith.constant 1 : i32
    %eq3A_169 = vector.broadcast %eq3A_168 : i32 to vector<16x128xi32>
    %eq3A_170 = arith.cmpi eq, %get3A_1, %eq3A_169 : vector<16x128xi32>
    %get3A_171 = arith.constant 1 : index
    %get3A_172 = arith.constant 0 : index
    %get3A_173 = memref.load %arg2[%get3A_171, %get3A_172] : memref<6x16xf32, #tpu.memory_space<smem>>
    %jit3A_174 = arith.constant 0.000000e+00 : f32
    %broadcast_in_dim3A_175 = vector.broadcast %get3A_173 : f32 to vector<16x128xf32>
    %broadcast_in_dim3A_176 = vector.broadcast %jit3A_174 : f32 to vector<16x128xf32>
    %select_n3A_177 = arith.select %eq3A_170, %broadcast_in_dim3A_175, %broadcast_in_dim3A_176 : vector<16x128xi1>, vector<16x128xf32>
    %add3A_178 = arith.addf %add3A_167, %select_n3A_177 : vector<16x128xf32>
    %eq3A_179 = arith.constant 2 : i32
    %eq3A_180 = vector.broadcast %eq3A_179 : i32 to vector<16x128xi32>
    %eq3A_181 = arith.cmpi eq, %get3A_1, %eq3A_180 : vector<16x128xi32>
    %get3A_182 = arith.constant 2 : index
    %get3A_183 = arith.constant 0 : index
    %get3A_184 = memref.load %arg2[%get3A_182, %get3A_183] : memref<6x16xf32, #tpu.memory_space<smem>>
    %jit3A_185 = arith.constant 0.000000e+00 : f32
    %broadcast_in_dim3A_186 = vector.broadcast %get3A_184 : f32 to vector<16x128xf32>
    %broadcast_in_dim3A_187 = vector.broadcast %jit3A_185 : f32 to vector<16x128xf32>
    %select_n3A_188 = arith.select %eq3A_181, %broadcast_in_dim3A_186, %broadcast_in_dim3A_187 : vector<16x128xi1>, vector<16x128xf32>
    %add3A_189 = arith.addf %add3A_178, %select_n3A_188 : vector<16x128xf32>
    %eq3A_190 = arith.constant 3 : i32
    %eq3A_191 = vector.broadcast %eq3A_190 : i32 to vector<16x128xi32>
    %eq3A_192 = arith.cmpi eq, %get3A_1, %eq3A_191 : vector<16x128xi32>
    %get3A_193 = arith.constant 3 : index
    %get3A_194 = arith.constant 0 : index
    %get3A_195 = memref.load %arg2[%get3A_193, %get3A_194] : memref<6x16xf32, #tpu.memory_space<smem>>
    %jit3A_196 = arith.constant 0.000000e+00 : f32
    %broadcast_in_dim3A_197 = vector.broadcast %get3A_195 : f32 to vector<16x128xf32>
    %broadcast_in_dim3A_198 = vector.broadcast %jit3A_196 : f32 to vector<16x128xf32>
    %select_n3A_199 = arith.select %eq3A_192, %broadcast_in_dim3A_197, %broadcast_in_dim3A_198 : vector<16x128xi1>, vector<16x128xf32>
    %add3A_200 = arith.addf %add3A_189, %select_n3A_199 : vector<16x128xf32>
    %eq3A_201 = arith.constant 4 : i32
    %eq3A_202 = vector.broadcast %eq3A_201 : i32 to vector<16x128xi32>
    %eq3A_203 = arith.cmpi eq, %get3A_1, %eq3A_202 : vector<16x128xi32>
    %get3A_204 = arith.constant 4 : index
    %get3A_205 = arith.constant 0 : index
    %get3A_206 = memref.load %arg2[%get3A_204, %get3A_205] : memref<6x16xf32, #tpu.memory_space<smem>>
    %jit3A_207 = arith.constant 0.000000e+00 : f32
    %broadcast_in_dim3A_208 = vector.broadcast %get3A_206 : f32 to vector<16x128xf32>
    %broadcast_in_dim3A_209 = vector.broadcast %jit3A_207 : f32 to vector<16x128xf32>
    %select_n3A_210 = arith.select %eq3A_203, %broadcast_in_dim3A_208, %broadcast_in_dim3A_209 : vector<16x128xi1>, vector<16x128xf32>
    %add3A_211 = arith.addf %add3A_200, %select_n3A_210 : vector<16x128xf32>
    %eq3A_212 = arith.constant 5 : i32
    %eq3A_213 = vector.broadcast %eq3A_212 : i32 to vector<16x128xi32>
    %eq3A_214 = arith.cmpi eq, %get3A_1, %eq3A_213 : vector<16x128xi32>
    %get3A_215 = arith.constant 5 : index
    %get3A_216 = arith.constant 0 : index
    %get3A_217 = memref.load %arg2[%get3A_215, %get3A_216] : memref<6x16xf32, #tpu.memory_space<smem>>
    %jit3A_218 = arith.constant 0.000000e+00 : f32
    %broadcast_in_dim3A_219 = vector.broadcast %get3A_217 : f32 to vector<16x128xf32>
    %broadcast_in_dim3A_220 = vector.broadcast %jit3A_218 : f32 to vector<16x128xf32>
    %select_n3A_221 = arith.select %eq3A_214, %broadcast_in_dim3A_219, %broadcast_in_dim3A_220 : vector<16x128xi1>, vector<16x128xf32>
    %add3A_222 = arith.addf %add3A_211, %select_n3A_221 : vector<16x128xf32>
    %mul3A_223 = arith.mulf %add3A_222, %convert_element_type3A_13 : vector<16x128xf32>
    %swap3A_224 = arith.constant 0 : index
    %swap3A_225 = arith.constant 0 : index
    %swap3A_226 = arith.constant 0 : index
    %swap3A_227 = vector.load %arg3[%swap3A_224, %swap3A_225, %swap3A_226] : memref<16x16x128xf32, #tpu.memory_space<vmem>>, vector<16x1x128xf32>
    %swap3A_228 = vector.shape_cast %swap3A_227 : vector<16x1x128xf32> to vector<16x128xf32>
    %swap3A_229 = vector.shape_cast %mul3A_223 : vector<16x128xf32> to vector<16x1x128xf32>
    tpu.vector_store %arg3[%swap3A_224, %swap3A_225, %swap3A_226], %swap3A_229 {strides = array<i32>} : memref<16x16x128xf32, #tpu.memory_space<vmem>>, vector<16x1x128xf32>,
    %broadcast_in_dim3A_230 = arith.constant 0.000000e+00 : f32
    %broadcast_in_dim3A_231 = vector.broadcast %broadcast_in_dim3A_230 : f32 to vector<16x128xf32>
    %eq3A_232 = arith.constant 0 : i32
    %eq3A_233 = vector.broadcast %eq3A_232 : i32 to vector<16x128xi32>
    %eq3A_234 = arith.cmpi eq, %get3A_1, %eq3A_233 : vector<16x128xi32>
    %get3A_235 = arith.constant 0 : index
    %get3A_236 = arith.constant 1 : index
    %get3A_237 = memref.load %arg2[%get3A_235, %get3A_236] : memref<6x16xf32, #tpu.memory_space<smem>>
    %jit3A_238 = arith.constant 0.000000e+00 : f32
    %broadcast_in_dim3A_239 = vector.broadcast %get3A_237 : f32 to vector<16x128xf32>
    %broadcast_in_dim3A_240 = vector.broadcast %jit3A_238 : f32 to vector<16x128xf32>
    %select_n3A_241 = arith.select %eq3A_234, %broadcast_in_dim3A_239, %broadcast_in_dim3A_240 : vector<16x128xi1>, vector<16x128xf32>
    %add3A_242 = arith.addf %broadcast_in_dim3A_231, %select_n3A_241 : vector<16x128xf32>
    %eq3A_243 = arith.constant 1 : i32
    %eq3A_244 = vector.broadcast %eq3A_243 : i32 to vector<16x128xi32>
    %eq3A_245 = arith.cmpi eq, %get3A_1, %eq3A_244 : vector<16x128xi32>
    %get3A_246 = arith.constant 1 : index
    %get3A_247 = arith.constant 1 : index
    %get3A_248 = memref.load %arg2[%get3A_246, %get3A_247] : memref<6x16xf32, #tpu.memory_space<smem>>
    %jit3A_249 = arith.constant 0.000000e+00 : f32
    %broadcast_in_dim3A_250 = vector.broadcast %get3A_248 : f32 to vector<16x128xf32>
    %broadcast_in_dim3A_251 = vector.broadcast %jit3A_249 : f32 to vector<16x128xf32>
    %select_n3A_252 = arith.select %eq3A_245, %broadcast_in_dim3A_250, %broadcast_in_dim3A_251 : vector<16x128xi1>, vector<16x128xf32>
    %add3A_253 = arith.addf %add3A_242, %select_n3A_252 : vector<16x128xf32>
    %eq3A_254 = arith.constant 2 : i32
    %eq3A_255 = vector.broadcast %eq3A_254 : i32 to vector<16x128xi32>
    %eq3A_256 = arith.cmpi eq, %get3A_1, %eq3A_255 : vector<16x128xi32>
    %get3A_257 = arith.constant 2 : index
    %get3A_258 = arith.constant 1 : index
    %get3A_259 = memref.load %arg2[%get3A_257, %get3A_258] : memref<6x16xf32, #tpu.memory_space<smem>>
    %jit3A_260 = arith.constant 0.000000e+00 : f32
    %broadcast_in_dim3A_261 = vector.broadcast %get3A_259 : f32 to vector<16x128xf32>
    %broadcast_in_dim3A_262 = vector.broadcast %jit3A_260 : f32 to vector<16x128xf32>
    %select_n3A_263 = arith.select %eq3A_256, %broadcast_in_dim3A_261, %broadcast_in_dim3A_262 : vector<16x128xi1>, vector<16x128xf32>
    %add3A_264 = arith.addf %add3A_253, %select_n3A_263 : vector<16x128xf32>
    %eq3A_265 = arith.constant 3 : i32
    %eq3A_266 = vector.broadcast %eq3A_265 : i32 to vector<16x128xi32>
    %eq3A_267 = arith.cmpi eq, %get3A_1, %eq3A_266 : vector<16x128xi32>
    %get3A_268 = arith.constant 3 : index
    %get3A_269 = arith.constant 1 : index
    %get3A_270 = memref.load %arg2[%get3A_268, %get3A_269] : memref<6x16xf32, #tpu.memory_space<smem>>
    %jit3A_271 = arith.constant 0.000000e+00 : f32
    %broadcast_in_dim3A_272 = vector.broadcast %get3A_270 : f32 to vector<16x128xf32>
    %broadcast_in_dim3A_273 = vector.broadcast %jit3A_271 : f32 to vector<16x128xf32>
    %select_n3A_274 = arith.select %eq3A_267, %broadcast_in_dim3A_272, %broadcast_in_dim3A_273 : vector<16x128xi1>, vector<16x128xf32>
    %add3A_275 = arith.addf %add3A_264, %select_n3A_274 : vector<16x128xf32>
    %eq3A_276 = arith.constant 4 : i32
    %eq3A_277 = vector.broadcast %eq3A_276 : i32 to vector<16x128xi32>
    %eq3A_278 = arith.cmpi eq, %get3A_1, %eq3A_277 : vector<16x128xi32>
    %get3A_279 = arith.constant 4 : index
    %get3A_280 = arith.constant 1 : index
    %get3A_281 = memref.load %arg2[%get3A_279, %get3A_280] : memref<6x16xf32, #tpu.memory_space<smem>>
    %jit3A_282 = arith.constant 0.000000e+00 : f32
    %broadcast_in_dim3A_283 = vector.broadcast %get3A_281 : f32 to vector<16x128xf32>
    %broadcast_in_dim3A_284 = vector.broadcast %jit3A_282 : f32 to vector<16x128xf32>
    %select_n3A_285 = arith.select %eq3A_278, %broadcast_in_dim3A_283, %broadcast_in_dim3A_284 : vector<16x128xi1>, vector<16x128xf32>
    %add3A_286 = arith.addf %add3A_275, %select_n3A_285 : vector<16x128xf32>
    %eq3A_287 = arith.constant 5 : i32
    %eq3A_288 = vector.broadcast %eq3A_287 : i32 to vector<16x128xi32>
    %eq3A_289 = arith.cmpi eq, %get3A_1, %eq3A_288 : vector<16x128xi32>
    %get3A_290 = arith.constant 5 : index
    %get3A_291 = arith.constant 1 : index
    %get3A_292 = memref.load %arg2[%get3A_290, %get3A_291] : memref<6x16xf32, #tpu.memory_space<smem>>
    %jit3A_293 = arith.constant 0.000000e+00 : f32
    %broadcast_in_dim3A_294 = vector.broadcast %get3A_292 : f32 to vector<16x128xf32>
    %broadcast_in_dim3A_295 = vector.broadcast %jit3A_293 : f32 to vector<16x128xf32>
    %select_n3A_296 = arith.select %eq3A_289, %broadcast_in_dim3A_294, %broadcast_in_dim3A_295 : vector<16x128xi1>, vector<16x128xf32>
    %add3A_297 = arith.addf %add3A_286, %select_n3A_296 : vector<16x128xf32>
    %mul3A_298 = arith.mulf %add3A_297, %convert_element_type3A_13 : vector<16x128xf32>
    %swap3A_299 = arith.constant 0 : index
    %swap3A_300 = arith.constant 1 : index
    %swap3A_301 = arith.constant 0 : index
    %swap3A_302 = vector.load %arg3[%swap3A_299, %swap3A_300, %swap3A_301] : memref<16x16x128xf32, #tpu.memory_space<vmem>>, vector<16x1x128xf32>
    %swap3A_303 = vector.shape_cast %swap3A_302 : vector<16x1x128xf32> to vector<16x128xf32>
    %swap3A_304 = vector.shape_cast %mul3A_298 : vector<16x128xf32> to vector<16x1x128xf32>
    tpu.vector_store %arg3[%swap3A_299, %swap3A_300, %swap3A_301], %swap3A_304 {strides = array<i32>} : memref<16x16x128xf32, #tpu.memory_space<vmem>>, vector<16x1x128xf32>,
    %broadcast_in_dim3A_305 = arith.constant 0.000000e+00 : f32
    %broadcast_in_dim3A_306 = vector.broadcast %broadcast_in_dim3A_305 : f32 to vector<16x128xf32>
    %eq3A_307 = arith.constant 0 : i32
    %eq3A_308 = vector.broadcast %eq3A_307 : i32 to vector<16x128xi32>
    %eq3A_309 = arith.cmpi eq, %get3A_1, %eq3A_308 : vector<16x128xi32>
    %get3A_310 = arith.constant 0 : index
    %get3A_311 = arith.constant 2 : index
    %get3A_312 = memref.load %arg2[%get3A_310, %get3A_311] : memref<6x16xf32, #tpu.memory_space<smem>>
    %jit3A_313 = arith.constant 0.000000e+00 : f32
    %broadcast_in_dim3A_314 = vector.broadcast %get3A_312 : f32 to vector<16x128xf32>
    %broadcast_in_dim3A_315 = vector.broadcast %jit3A_313 : f32 to vector<16x128xf32>
    %select_n3A_316 = arith.select %eq3A_309, %broadcast_in_dim3A_314, %broadcast_in_dim3A_315 : vector<16x128xi1>, vector<16x128xf32>
    %add3A_317 = arith.addf %broadcast_in_dim3A_306, %select_n3A_316 : vector<16x128xf32>
    %eq3A_318 = arith.constant 1 : i32
    %eq3A_319 = vector.broadcast %eq3A_318 : i32 to vector<16x128xi32>
    %eq3A_320 = arith.cmpi eq, %get3A_1, %eq3A_319 : vector<16x128xi32>
    %get3A_321 = arith.constant 1 : index
    %get3A_322 = arith.constant 2 : index
    %get3A_323 = memref.load %arg2[%get3A_321, %get3A_322] : memref<6x16xf32, #tpu.memory_space<smem>>
    %jit3A_324 = arith.constant 0.000000e+00 : f32
    %broadcast_in_dim3A_325 = vector.broadcast %get3A_323 : f32 to vector<16x128xf32>
    %broadcast_in_dim3A_326 = vector.broadcast %jit3A_324 : f32 to vector<16x128xf32>
    %select_n3A_327 = arith.select %eq3A_320, %broadcast_in_dim3A_325, %broadcast_in_dim3A_326 : vector<16x128xi1>, vector<16x128xf32>
    %add3A_328 = arith.addf %add3A_317, %select_n3A_327 : vector<16x128xf32>
    %eq3A_329 = arith.constant 2 : i32
    %eq3A_330 = vector.broadcast %eq3A_329 : i32 to vector<16x128xi32>
    %eq3A_331 = arith.cmpi eq, %get3A_1, %eq3A_330 : vector<16x128xi32>
    %get3A_332 = arith.constant 2 : index
    %get3A_333 = arith.constant 2 : index
    %get3A_334 = memref.load %arg2[%get3A_332, %get3A_333] : memref<6x16xf32, #tpu.memory_space<smem>>
    %jit3A_335 = arith.constant 0.000000e+00 : f32
    %broadcast_in_dim3A_336 = vector.broadcast %get3A_334 : f32 to vector<16x128xf32>
    %broadcast_in_dim3A_337 = vector.broadcast %jit3A_335 : f32 to vector<16x128xf32>
    %select_n3A_338 = arith.select %eq3A_331, %broadcast_in_dim3A_336, %broadcast_in_dim3A_337 : vector<16x128xi1>, vector<16x128xf32>
    %add3A_339 = arith.addf %add3A_328, %select_n3A_338 : vector<16x128xf32>
    %eq3A_340 = arith.constant 3 : i32
    %eq3A_341 = vector.broadcast %eq3A_340 : i32 to vector<16x128xi32>
    %eq3A_342 = arith.cmpi eq, %get3A_1, %eq3A_341 : vector<16x128xi32>
    %get3A_343 = arith.constant 3 : index
    %get3A_344 = arith.constant 2 : index
    %get3A_345 = memref.load %arg2[%get3A_343, %get3A_344] : memref<6x16xf32, #tpu.memory_space<smem>>
    %jit3A_346 = arith.constant 0.000000e+00 : f32
    %broadcast_in_dim3A_347 = vector.broadcast %get3A_345 : f32 to vector<16x128xf32>
    %broadcast_in_dim3A_348 = vector.broadcast %jit3A_346 : f32 to vector<16x128xf32>
    %select_n3A_349 = arith.select %eq3A_342, %broadcast_in_dim3A_347, %broadcast_in_dim3A_348 : vector<16x128xi1>, vector<16x128xf32>
    %add3A_350 = arith.addf %add3A_339, %select_n3A_349 : vector<16x128xf32>
    %eq3A_351 = arith.constant 4 : i32
    %eq3A_352 = vector.broadcast %eq3A_351 : i32 to vector<16x128xi32>
    %eq3A_353 = arith.cmpi eq, %get3A_1, %eq3A_352 : vector<16x128xi32>
    %get3A_354 = arith.constant 4 : index
    %get3A_355 = arith.constant 2 : index
    %get3A_356 = memref.load %arg2[%get3A_354, %get3A_355] : memref<6x16xf32, #tpu.memory_space<smem>>
    %jit3A_357 = arith.constant 0.000000e+00 : f32
    %broadcast_in_dim3A_358 = vector.broadcast %get3A_356 : f32 to vector<16x128xf32>
    %broadcast_in_dim3A_359 = vector.broadcast %jit3A_357 : f32 to vector<16x128xf32>
    %select_n3A_360 = arith.select %eq3A_353, %broadcast_in_dim3A_358, %broadcast_in_dim3A_359 : vector<16x128xi1>, vector<16x128xf32>
    %add3A_361 = arith.addf %add3A_350, %select_n3A_360 : vector<16x128xf32>
    %eq3A_362 = arith.constant 5 : i32
    %eq3A_363 = vector.broadcast %eq3A_362 : i32 to vector<16x128xi32>
    %eq3A_364 = arith.cmpi eq, %get3A_1, %eq3A_363 : vector<16x128xi32>
    %get3A_365 = arith.constant 5 : index
    %get3A_366 = arith.constant 2 : index
    %get3A_367 = memref.load %arg2[%get3A_365, %get3A_366] : memref<6x16xf32, #tpu.memory_space<smem>>
    %jit3A_368 = arith.constant 0.000000e+00 : f32
    %broadcast_in_dim3A_369 = vector.broadcast %get3A_367 : f32 to vector<16x128xf32>
    %broadcast_in_dim3A_370 = vector.broadcast %jit3A_368 : f32 to vector<16x128xf32>
    %select_n3A_371 = arith.select %eq3A_364, %broadcast_in_dim3A_369, %broadcast_in_dim3A_370 : vector<16x128xi1>, vector<16x128xf32>
    %add3A_372 = arith.addf %add3A_361, %select_n3A_371 : vector<16x128xf32>
    %mul3A_373 = arith.mulf %add3A_372, %convert_element_type3A_13 : vector<16x128xf32>
    %swap3A_374 = arith.constant 0 : index
    %swap3A_375 = arith.constant 2 : index
    %swap3A_376 = arith.constant 0 : index
    %swap3A_377 = vector.load %arg3[%swap3A_374, %swap3A_375, %swap3A_376] : memref<16x16x128xf32, #tpu.memory_space<vmem>>, vector<16x1x128xf32>
    %swap3A_378 = vector.shape_cast %swap3A_377 : vector<16x1x128xf32> to vector<16x128xf32>
    %swap3A_379 = vector.shape_cast %mul3A_373 : vector<16x128xf32> to vector<16x1x128xf32>
    tpu.vector_store %arg3[%swap3A_374, %swap3A_375, %swap3A_376], %swap3A_379 {strides = array<i32>} : memref<16x16x128xf32, #tpu.memory_space<vmem>>, vector<16x1x128xf32>,
    %broadcast_in_dim3A_380 = arith.constant 0.000000e+00 : f32
    %broadcast_in_dim3A_381 = vector.broadcast %broadcast_in_dim3A_380 : f32 to vector<16x128xf32>
    %eq3A_382 = arith.constant 0 : i32
    %eq3A_383 = vector.broadcast %eq3A_382 : i32 to vector<16x128xi32>
    %eq3A_384 = arith.cmpi eq, %get3A_1, %eq3A_383 : vector<16x128xi32>
    %get3A_385 = arith.constant 0 : index
    %get3A_386 = arith.constant 3 : index
    %get3A_387 = memref.load %arg2[%get3A_385, %get3A_386] : memref<6x16xf32, #tpu.memory_space<smem>>
    %jit3A_388 = arith.constant 0.000000e+00 : f32
    %broadcast_in_dim3A_389 = vector.broadcast %get3A_387 : f32 to vector<16x128xf32>
    %broadcast_in_dim3A_390 = vector.broadcast %jit3A_388 : f32 to vector<16x128xf32>
    %select_n3A_391 = arith.select %eq3A_384, %broadcast_in_dim3A_389, %broadcast_in_dim3A_390 : vector<16x128xi1>, vector<16x128xf32>
    %add3A_392 = arith.addf %broadcast_in_dim3A_381, %select_n3A_391 : vector<16x128xf32>
    %eq3A_393 = arith.constant 1 : i32
    %eq3A_394 = vector.broadcast %eq3A_393 : i32 to vector<16x128xi32>
    %eq3A_395 = arith.cmpi eq, %get3A_1, %eq3A_394 : vector<16x128xi32>
    %get3A_396 = arith.constant 1 : index
    %get3A_397 = arith.constant 3 : index
    %get3A_398 = memref.load %arg2[%get3A_396, %get3A_397] : memref<6x16xf32, #tpu.memory_space<smem>>
    %jit3A_399 = arith.constant 0.000000e+00 : f32
    %broadcast_in_dim3A_400 = vector.broadcast %get3A_398 : f32 to vector<16x128xf32>
    %broadcast_in_dim3A_401 = vector.broadcast %jit3A_399 : f32 to vector<16x128xf32>
    %select_n3A_402 = arith.select %eq3A_395, %broadcast_in_dim3A_400, %broadcast_in_dim3A_401 : vector<16x128xi1>, vector<16x128xf32>
    %add3A_403 = arith.addf %add3A_392, %select_n3A_402 : vector<16x128xf32>
    %eq3A_404 = arith.constant 2 : i32
    %eq3A_405 = vector.broadcast %eq3A_404 : i32 to vector<16x128xi32>
    %eq3A_406 = arith.cmpi eq, %get3A_1, %eq3A_405 : vector<16x128xi32>
    %get3A_407 = arith.constant 2 : index
    %get3A_408 = arith.constant 3 : index
    %get3A_409 = memref.load %arg2[%get3A_407, %get3A_408] : memref<6x16xf32, #tpu.memory_space<smem>>
    %jit3A_410 = arith.constant 0.000000e+00 : f32
    %broadcast_in_dim3A_411 = vector.broadcast %get3A_409 : f32 to vector<16x128xf32>
    %broadcast_in_dim3A_412 = vector.broadcast %jit3A_410 : f32 to vector<16x128xf32>
    %select_n3A_413 = arith.select %eq3A_406, %broadcast_in_dim3A_411, %broadcast_in_dim3A_412 : vector<16x128xi1>, vector<16x128xf32>
    %add3A_414 = arith.addf %add3A_403, %select_n3A_413 : vector<16x128xf32>
    %eq3A_415 = arith.constant 3 : i32
    %eq3A_416 = vector.broadcast %eq3A_415 : i32 to vector<16x128xi32>
    %eq3A_417 = arith.cmpi eq, %get3A_1, %eq3A_416 : vector<16x128xi32>
    %get3A_418 = arith.constant 3 : index
    %get3A_419 = arith.constant 3 : index
    %get3A_420 = memref.load %arg2[%get3A_418, %get3A_419] : memref<6x16xf32, #tpu.memory_space<smem>>
    %jit3A_421 = arith.constant 0.000000e+00 : f32
    %broadcast_in_dim3A_422 = vector.broadcast %get3A_420 : f32 to vector<16x128xf32>
    %broadcast_in_dim3A_423 = vector.broadcast %jit3A_421 : f32 to vector<16x128xf32>
    %select_n3A_424 = arith.select %eq3A_417, %broadcast_in_dim3A_422, %broadcast_in_dim3A_423 : vector<16x128xi1>, vector<16x128xf32>
    %add3A_425 = arith.addf %add3A_414, %select_n3A_424 : vector<16x128xf32>
    %eq3A_426 = arith.constant 4 : i32
    %eq3A_427 = vector.broadcast %eq3A_426 : i32 to vector<16x128xi32>
    %eq3A_428 = arith.cmpi eq, %get3A_1, %eq3A_427 : vector<16x128xi32>
    %get3A_429 = arith.constant 4 : index
    %get3A_430 = arith.constant 3 : index
    %get3A_431 = memref.load %arg2[%get3A_429, %get3A_430] : memref<6x16xf32, #tpu.memory_space<smem>>
    %jit3A_432 = arith.constant 0.000000e+00 : f32
    %broadcast_in_dim3A_433 = vector.broadcast %get3A_431 : f32 to vector<16x128xf32>
    %broadcast_in_dim3A_434 = vector.broadcast %jit3A_432 : f32 to vector<16x128xf32>
    %select_n3A_435 = arith.select %eq3A_428, %broadcast_in_dim3A_433, %broadcast_in_dim3A_434 : vector<16x128xi1>, vector<16x128xf32>
    %add3A_436 = arith.addf %add3A_425, %select_n3A_435 : vector<16x128xf32>
    %eq3A_437 = arith.constant 5 : i32
    %eq3A_438 = vector.broadcast %eq3A_437 : i32 to vector<16x128xi32>
    %eq3A_439 = arith.cmpi eq, %get3A_1, %eq3A_438 : vector<16x128xi32>
    %get3A_440 = arith.constant 5 : index
    %get3A_441 = arith.constant 3 : index
    %get3A_442 = memref.load %arg2[%get3A_440, %get3A_441] : memref<6x16xf32, #tpu.memory_space<smem>>
    %jit3A_443 = arith.constant 0.000000e+00 : f32
    %broadcast_in_dim3A_444 = vector.broadcast %get3A_442 : f32 to vector<16x128xf32>
    %broadcast_in_dim3A_445 = vector.broadcast %jit3A_443 : f32 to vector<16x128xf32>
    %select_n3A_446 = arith.select %eq3A_439, %broadcast_in_dim3A_444, %broadcast_in_dim3A_445 : vector<16x128xi1>, vector<16x128xf32>
    %add3A_447 = arith.addf %add3A_436, %select_n3A_446 : vector<16x128xf32>
    %mul3A_448 = arith.mulf %add3A_447, %convert_element_type3A_13 : vector<16x128xf32>
    %swap3A_449 = arith.constant 0 : index
    %swap3A_450 = arith.constant 3 : index
    %swap3A_451 = arith.constant 0 : index
    %swap3A_452 = vector.load %arg3[%swap3A_449, %swap3A_450, %swap3A_451] : memref<16x16x128xf32, #tpu.memory_space<vmem>>, vector<16x1x128xf32>
    %swap3A_453 = vector.shape_cast %swap3A_452 : vector<16x1x128xf32> to vector<16x128xf32>
    %swap3A_454 = vector.shape_cast %mul3A_448 : vector<16x128xf32> to vector<16x1x128xf32>
    tpu.vector_store %arg3[%swap3A_449, %swap3A_450, %swap3A_451], %swap3A_454 {strides = array<i32>} : memref<16x16x128xf32, #tpu.memory_space<vmem>>, vector<16x1x128xf32>,
    %broadcast_in_dim3A_455 = arith.constant 0.000000e+00 : f32
    %broadcast_in_dim3A_456 = vector.broadcast %broadcast_in_dim3A_455 : f32 to vector<16x128xf32>
    %eq3A_457 = arith.constant 0 : i32
    %eq3A_458 = vector.broadcast %eq3A_457 : i32 to vector<16x128xi32>
    %eq3A_459 = arith.cmpi eq, %get3A_1, %eq3A_458 : vector<16x128xi32>
    %get3A_460 = arith.constant 0 : index
    %get3A_461 = arith.constant 4 : index
    %get3A_462 = memref.load %arg2[%get3A_460, %get3A_461] : memref<6x16xf32, #tpu.memory_space<smem>>
    %jit3A_463 = arith.constant 0.000000e+00 : f32
    %broadcast_in_dim3A_464 = vector.broadcast %get3A_462 : f32 to vector<16x128xf32>
    %broadcast_in_dim3A_465 = vector.broadcast %jit3A_463 : f32 to vector<16x128xf32>
    %select_n3A_466 = arith.select %eq3A_459, %broadcast_in_dim3A_464, %broadcast_in_dim3A_465 : vector<16x128xi1>, vector<16x128xf32>
    %add3A_467 = arith.addf %broadcast_in_dim3A_456, %select_n3A_466 : vector<16x128xf32>
    %eq3A_468 = arith.constant 1 : i32
    %eq3A_469 = vector.broadcast %eq3A_468 : i32 to vector<16x128xi32>
    %eq3A_470 = arith.cmpi eq, %get3A_1, %eq3A_469 : vector<16x128xi32>
    %get3A_471 = arith.constant 1 : index
    %get3A_472 = arith.constant 4 : index
    %get3A_473 = memref.load %arg2[%get3A_471, %get3A_472] : memref<6x16xf32, #tpu.memory_space<smem>>
    %jit3A_474 = arith.constant 0.000000e+00 : f32
    %broadcast_in_dim3A_475 = vector.broadcast %get3A_473 : f32 to vector<16x128xf32>
    %broadcast_in_dim3A_476 = vector.broadcast %jit3A_474 : f32 to vector<16x128xf32>
    %select_n3A_477 = arith.select %eq3A_470, %broadcast_in_dim3A_475, %broadcast_in_dim3A_476 : vector<16x128xi1>, vector<16x128xf32>
    %add3A_478 = arith.addf %add3A_467, %select_n3A_477 : vector<16x128xf32>
    %eq3A_479 = arith.constant 2 : i32
    %eq3A_480 = vector.broadcast %eq3A_479 : i32 to vector<16x128xi32>
    %eq3A_481 = arith.cmpi eq, %get3A_1, %eq3A_480 : vector<16x128xi32>
    %get3A_482 = arith.constant 2 : index
    %get3A_483 = arith.constant 4 : index
    %get3A_484 = memref.load %arg2[%get3A_482, %get3A_483] : memref<6x16xf32, #tpu.memory_space<smem>>
    %jit3A_485 = arith.constant 0.000000e+00 : f32
    %broadcast_in_dim3A_486 = vector.broadcast %get3A_484 : f32 to vector<16x128xf32>
    %broadcast_in_dim3A_487 = vector.broadcast %jit3A_485 : f32 to vector<16x128xf32>
    %select_n3A_488 = arith.select %eq3A_481, %broadcast_in_dim3A_486, %broadcast_in_dim3A_487 : vector<16x128xi1>, vector<16x128xf32>
    %add3A_489 = arith.addf %add3A_478, %select_n3A_488 : vector<16x128xf32>
    %eq3A_490 = arith.constant 3 : i32
    %eq3A_491 = vector.broadcast %eq3A_490 : i32 to vector<16x128xi32>
    %eq3A_492 = arith.cmpi eq, %get3A_1, %eq3A_491 : vector<16x128xi32>
    %get3A_493 = arith.constant 3 : index
    %get3A_494 = arith.constant 4 : index
    %get3A_495 = memref.load %arg2[%get3A_493, %get3A_494] : memref<6x16xf32, #tpu.memory_space<smem>>
    %jit3A_496 = arith.constant 0.000000e+00 : f32
    %broadcast_in_dim3A_497 = vector.broadcast %get3A_495 : f32 to vector<16x128xf32>
    %broadcast_in_dim3A_498 = vector.broadcast %jit3A_496 : f32 to vector<16x128xf32>
    %select_n3A_499 = arith.select %eq3A_492, %broadcast_in_dim3A_497, %broadcast_in_dim3A_498 : vector<16x128xi1>, vector<16x128xf32>
    %add3A_500 = arith.addf %add3A_489, %select_n3A_499 : vector<16x128xf32>
    %eq3A_501 = arith.constant 4 : i32
    %eq3A_502 = vector.broadcast %eq3A_501 : i32 to vector<16x128xi32>
    %eq3A_503 = arith.cmpi eq, %get3A_1, %eq3A_502 : vector<16x128xi32>
    %get3A_504 = arith.constant 4 : index
    %get3A_505 = arith.constant 4 : index
    %get3A_506 = memref.load %arg2[%get3A_504, %get3A_505] : memref<6x16xf32, #tpu.memory_space<smem>>
    %jit3A_507 = arith.constant 0.000000e+00 : f32
    %broadcast_in_dim3A_508 = vector.broadcast %get3A_506 : f32 to vector<16x128xf32>
    %broadcast_in_dim3A_509 = vector.broadcast %jit3A_507 : f32 to vector<16x128xf32>
    %select_n3A_510 = arith.select %eq3A_503, %broadcast_in_dim3A_508, %broadcast_in_dim3A_509 : vector<16x128xi1>, vector<16x128xf32>
    %add3A_511 = arith.addf %add3A_500, %select_n3A_510 : vector<16x128xf32>
    %eq3A_512 = arith.constant 5 : i32
    %eq3A_513 = vector.broadcast %eq3A_512 : i32 to vector<16x128xi32>
    %eq3A_514 = arith.cmpi eq, %get3A_1, %eq3A_513 : vector<16x128xi32>
    %get3A_515 = arith.constant 5 : index
    %get3A_516 = arith.constant 4 : index
    %get3A_517 = memref.load %arg2[%get3A_515, %get3A_516] : memref<6x16xf32, #tpu.memory_space<smem>>
    %jit3A_518 = arith.constant 0.000000e+00 : f32
    %broadcast_in_dim3A_519 = vector.broadcast %get3A_517 : f32 to vector<16x128xf32>
    %broadcast_in_dim3A_520 = vector.broadcast %jit3A_518 : f32 to vector<16x128xf32>
    %select_n3A_521 = arith.select %eq3A_514, %broadcast_in_dim3A_519, %broadcast_in_dim3A_520 : vector<16x128xi1>, vector<16x128xf32>
    %add3A_522 = arith.addf %add3A_511, %select_n3A_521 : vector<16x128xf32>
    %mul3A_523 = arith.mulf %add3A_522, %convert_element_type3A_13 : vector<16x128xf32>
    %swap3A_524 = arith.constant 0 : index
    %swap3A_525 = arith.constant 4 : index
    %swap3A_526 = arith.constant 0 : index
    %swap3A_527 = vector.load %arg3[%swap3A_524, %swap3A_525, %swap3A_526] : memref<16x16x128xf32, #tpu.memory_space<vmem>>, vector<16x1x128xf32>
    %swap3A_528 = vector.shape_cast %swap3A_527 : vector<16x1x128xf32> to vector<16x128xf32>
    %swap3A_529 = vector.shape_cast %mul3A_523 : vector<16x128xf32> to vector<16x1x128xf32>
    tpu.vector_store %arg3[%swap3A_524, %swap3A_525, %swap3A_526], %swap3A_529 {strides = array<i32>} : memref<16x16x128xf32, #tpu.memory_space<vmem>>, vector<16x1x128xf32>,
    %broadcast_in_dim3A_530 = arith.constant 0.000000e+00 : f32
    %broadcast_in_dim3A_531 = vector.broadcast %broadcast_in_dim3A_530 : f32 to vector<16x128xf32>
    %eq3A_532 = arith.constant 0 : i32
    %eq3A_533 = vector.broadcast %eq3A_532 : i32 to vector<16x128xi32>
    %eq3A_534 = arith.cmpi eq, %get3A_1, %eq3A_533 : vector<16x128xi32>
    %get3A_535 = arith.constant 0 : index
    %get3A_536 = arith.constant 5 : index
    %get3A_537 = memref.load %arg2[%get3A_535, %get3A_536] : memref<6x16xf32, #tpu.memory_space<smem>>
    %jit3A_538 = arith.constant 0.000000e+00 : f32
    %broadcast_in_dim3A_539 = vector.broadcast %get3A_537 : f32 to vector<16x128xf32>
    %broadcast_in_dim3A_540 = vector.broadcast %jit3A_538 : f32 to vector<16x128xf32>
    %select_n3A_541 = arith.select %eq3A_534, %broadcast_in_dim3A_539, %broadcast_in_dim3A_540 : vector<16x128xi1>, vector<16x128xf32>
    %add3A_542 = arith.addf %broadcast_in_dim3A_531, %select_n3A_541 : vector<16x128xf32>
    %eq3A_543 = arith.constant 1 : i32
    %eq3A_544 = vector.broadcast %eq3A_543 : i32 to vector<16x128xi32>
    %eq3A_545 = arith.cmpi eq, %get3A_1, %eq3A_544 : vector<16x128xi32>
    %get3A_546 = arith.constant 1 : index
    %get3A_547 = arith.constant 5 : index
    %get3A_548 = memref.load %arg2[%get3A_546, %get3A_547] : memref<6x16xf32, #tpu.memory_space<smem>>
    %jit3A_549 = arith.constant 0.000000e+00 : f32
    %broadcast_in_dim3A_550 = vector.broadcast %get3A_548 : f32 to vector<16x128xf32>
    %broadcast_in_dim3A_551 = vector.broadcast %jit3A_549 : f32 to vector<16x128xf32>
    %select_n3A_552 = arith.select %eq3A_545, %broadcast_in_dim3A_550, %broadcast_in_dim3A_551 : vector<16x128xi1>, vector<16x128xf32>
    %add3A_553 = arith.addf %add3A_542, %select_n3A_552 : vector<16x128xf32>
    %eq3A_554 = arith.constant 2 : i32
    %eq3A_555 = vector.broadcast %eq3A_554 : i32 to vector<16x128xi32>
    %eq3A_556 = arith.cmpi eq, %get3A_1, %eq3A_555 : vector<16x128xi32>
    %get3A_557 = arith.constant 2 : index
    %get3A_558 = arith.constant 5 : index
    %get3A_559 = memref.load %arg2[%get3A_557, %get3A_558] : memref<6x16xf32, #tpu.memory_space<smem>>
    %jit3A_560 = arith.constant 0.000000e+00 : f32
    %broadcast_in_dim3A_561 = vector.broadcast %get3A_559 : f32 to vector<16x128xf32>
    %broadcast_in_dim3A_562 = vector.broadcast %jit3A_560 : f32 to vector<16x128xf32>
    %select_n3A_563 = arith.select %eq3A_556, %broadcast_in_dim3A_561, %broadcast_in_dim3A_562 : vector<16x128xi1>, vector<16x128xf32>
    %add3A_564 = arith.addf %add3A_553, %select_n3A_563 : vector<16x128xf32>
    %eq3A_565 = arith.constant 3 : i32
    %eq3A_566 = vector.broadcast %eq3A_565 : i32 to vector<16x128xi32>
    %eq3A_567 = arith.cmpi eq, %get3A_1, %eq3A_566 : vector<16x128xi32>
    %get3A_568 = arith.constant 3 : index
    %get3A_569 = arith.constant 5 : index
    %get3A_570 = memref.load %arg2[%get3A_568, %get3A_569] : memref<6x16xf32, #tpu.memory_space<smem>>
    %jit3A_571 = arith.constant 0.000000e+00 : f32
    %broadcast_in_dim3A_572 = vector.broadcast %get3A_570 : f32 to vector<16x128xf32>
    %broadcast_in_dim3A_573 = vector.broadcast %jit3A_571 : f32 to vector<16x128xf32>
    %select_n3A_574 = arith.select %eq3A_567, %broadcast_in_dim3A_572, %broadcast_in_dim3A_573 : vector<16x128xi1>, vector<16x128xf32>
    %add3A_575 = arith.addf %add3A_564, %select_n3A_574 : vector<16x128xf32>
    %eq3A_576 = arith.constant 4 : i32
    %eq3A_577 = vector.broadcast %eq3A_576 : i32 to vector<16x128xi32>
    %eq3A_578 = arith.cmpi eq, %get3A_1, %eq3A_577 : vector<16x128xi32>
    %get3A_579 = arith.constant 4 : index
    %get3A_580 = arith.constant 5 : index
    %get3A_581 = memref.load %arg2[%get3A_579, %get3A_580] : memref<6x16xf32, #tpu.memory_space<smem>>
    %jit3A_582 = arith.constant 0.000000e+00 : f32
    %broadcast_in_dim3A_583 = vector.broadcast %get3A_581 : f32 to vector<16x128xf32>
    %broadcast_in_dim3A_584 = vector.broadcast %jit3A_582 : f32 to vector<16x128xf32>
    %select_n3A_585 = arith.select %eq3A_578, %broadcast_in_dim3A_583, %broadcast_in_dim3A_584 : vector<16x128xi1>, vector<16x128xf32>
    %add3A_586 = arith.addf %add3A_575, %select_n3A_585 : vector<16x128xf32>
    %eq3A_587 = arith.constant 5 : i32
    %eq3A_588 = vector.broadcast %eq3A_587 : i32 to vector<16x128xi32>
    %eq3A_589 = arith.cmpi eq, %get3A_1, %eq3A_588 : vector<16x128xi32>
    %get3A_590 = arith.constant 5 : index
    %get3A_591 = arith.constant 5 : index
    %get3A_592 = memref.load %arg2[%get3A_590, %get3A_591] : memref<6x16xf32, #tpu.memory_space<smem>>
    %jit3A_593 = arith.constant 0.000000e+00 : f32
    %broadcast_in_dim3A_594 = vector.broadcast %get3A_592 : f32 to vector<16x128xf32>
    %broadcast_in_dim3A_595 = vector.broadcast %jit3A_593 : f32 to vector<16x128xf32>
    %select_n3A_596 = arith.select %eq3A_589, %broadcast_in_dim3A_594, %broadcast_in_dim3A_595 : vector<16x128xi1>, vector<16x128xf32>
    %add3A_597 = arith.addf %add3A_586, %select_n3A_596 : vector<16x128xf32>
    %mul3A_598 = arith.mulf %add3A_597, %convert_element_type3A_13 : vector<16x128xf32>
    %swap3A_599 = arith.constant 0 : index
    %swap3A_600 = arith.constant 5 : index
    %swap3A_601 = arith.constant 0 : index
    %swap3A_602 = vector.load %arg3[%swap3A_599, %swap3A_600, %swap3A_601] : memref<16x16x128xf32, #tpu.memory_space<vmem>>, vector<16x1x128xf32>
    %swap3A_603 = vector.shape_cast %swap3A_602 : vector<16x1x128xf32> to vector<16x128xf32>
    %swap3A_604 = vector.shape_cast %mul3A_598 : vector<16x128xf32> to vector<16x1x128xf32>
    tpu.vector_store %arg3[%swap3A_599, %swap3A_600, %swap3A_601], %swap3A_604 {strides = array<i32>} : memref<16x16x128xf32, #tpu.memory_space<vmem>>, vector<16x1x128xf32>,
    %broadcast_in_dim3A_605 = arith.constant 0.000000e+00 : f32
    %broadcast_in_dim3A_606 = vector.broadcast %broadcast_in_dim3A_605 : f32 to vector<16x128xf32>
    %eq3A_607 = arith.constant 0 : i32
    %eq3A_608 = vector.broadcast %eq3A_607 : i32 to vector<16x128xi32>
    %eq3A_609 = arith.cmpi eq, %get3A_1, %eq3A_608 : vector<16x128xi32>
    %get3A_610 = arith.constant 0 : index
    %get3A_611 = arith.constant 6 : index
    %get3A_612 = memref.load %arg2[%get3A_610, %get3A_611] : memref<6x16xf32, #tpu.memory_space<smem>>
    %jit3A_613 = arith.constant 0.000000e+00 : f32
    %broadcast_in_dim3A_614 = vector.broadcast %get3A_612 : f32 to vector<16x128xf32>
    %broadcast_in_dim3A_615 = vector.broadcast %jit3A_613 : f32 to vector<16x128xf32>
    %select_n3A_616 = arith.select %eq3A_609, %broadcast_in_dim3A_614, %broadcast_in_dim3A_615 : vector<16x128xi1>, vector<16x128xf32>
    %add3A_617 = arith.addf %broadcast_in_dim3A_606, %select_n3A_616 : vector<16x128xf32>
    %eq3A_618 = arith.constant 1 : i32
    %eq3A_619 = vector.broadcast %eq3A_618 : i32 to vector<16x128xi32>
    %eq3A_620 = arith.cmpi eq, %get3A_1, %eq3A_619 : vector<16x128xi32>
    %get3A_621 = arith.constant 1 : index
    %get3A_622 = arith.constant 6 : index
    %get3A_623 = memref.load %arg2[%get3A_621, %get3A_622] : memref<6x16xf32, #tpu.memory_space<smem>>
    %jit3A_624 = arith.constant 0.000000e+00 : f32
    %broadcast_in_dim3A_625 = vector.broadcast %get3A_623 : f32 to vector<16x128xf32>
    %broadcast_in_dim3A_626 = vector.broadcast %jit3A_624 : f32 to vector<16x128xf32>
    %select_n3A_627 = arith.select %eq3A_620, %broadcast_in_dim3A_625, %broadcast_in_dim3A_626 : vector<16x128xi1>, vector<16x128xf32>
    %add3A_628 = arith.addf %add3A_617, %select_n3A_627 : vector<16x128xf32>
    %eq3A_629 = arith.constant 2 : i32
    %eq3A_630 = vector.broadcast %eq3A_629 : i32 to vector<16x128xi32>
    %eq3A_631 = arith.cmpi eq, %get3A_1, %eq3A_630 : vector<16x128xi32>
    %get3A_632 = arith.constant 2 : index
    %get3A_633 = arith.constant 6 : index
    %get3A_634 = memref.load %arg2[%get3A_632, %get3A_633] : memref<6x16xf32, #tpu.memory_space<smem>>
    %jit3A_635 = arith.constant 0.000000e+00 : f32
    %broadcast_in_dim3A_636 = vector.broadcast %get3A_634 : f32 to vector<16x128xf32>
    %broadcast_in_dim3A_637 = vector.broadcast %jit3A_635 : f32 to vector<16x128xf32>
    %select_n3A_638 = arith.select %eq3A_631, %broadcast_in_dim3A_636, %broadcast_in_dim3A_637 : vector<16x128xi1>, vector<16x128xf32>
    %add3A_639 = arith.addf %add3A_628, %select_n3A_638 : vector<16x128xf32>
    %eq3A_640 = arith.constant 3 : i32
    %eq3A_641 = vector.broadcast %eq3A_640 : i32 to vector<16x128xi32>
    %eq3A_642 = arith.cmpi eq, %get3A_1, %eq3A_641 : vector<16x128xi32>
    %get3A_643 = arith.constant 3 : index
    %get3A_644 = arith.constant 6 : index
    %get3A_645 = memref.load %arg2[%get3A_643, %get3A_644] : memref<6x16xf32, #tpu.memory_space<smem>>
    %jit3A_646 = arith.constant 0.000000e+00 : f32
    %broadcast_in_dim3A_647 = vector.broadcast %get3A_645 : f32 to vector<16x128xf32>
    %broadcast_in_dim3A_648 = vector.broadcast %jit3A_646 : f32 to vector<16x128xf32>
    %select_n3A_649 = arith.select %eq3A_642, %broadcast_in_dim3A_647, %broadcast_in_dim3A_648 : vector<16x128xi1>, vector<16x128xf32>
    %add3A_650 = arith.addf %add3A_639, %select_n3A_649 : vector<16x128xf32>
    %eq3A_651 = arith.constant 4 : i32
    %eq3A_652 = vector.broadcast %eq3A_651 : i32 to vector<16x128xi32>
    %eq3A_653 = arith.cmpi eq, %get3A_1, %eq3A_652 : vector<16x128xi32>
    %get3A_654 = arith.constant 4 : index
    %get3A_655 = arith.constant 6 : index
    %get3A_656 = memref.load %arg2[%get3A_654, %get3A_655] : memref<6x16xf32, #tpu.memory_space<smem>>
    %jit3A_657 = arith.constant 0.000000e+00 : f32
    %broadcast_in_dim3A_658 = vector.broadcast %get3A_656 : f32 to vector<16x128xf32>
    %broadcast_in_dim3A_659 = vector.broadcast %jit3A_657 : f32 to vector<16x128xf32>
    %select_n3A_660 = arith.select %eq3A_653, %broadcast_in_dim3A_658, %broadcast_in_dim3A_659 : vector<16x128xi1>, vector<16x128xf32>
    %add3A_661 = arith.addf %add3A_650, %select_n3A_660 : vector<16x128xf32>
    %eq3A_662 = arith.constant 5 : i32
    %eq3A_663 = vector.broadcast %eq3A_662 : i32 to vector<16x128xi32>
    %eq3A_664 = arith.cmpi eq, %get3A_1, %eq3A_663 : vector<16x128xi32>
    %get3A_665 = arith.constant 5 : index
    %get3A_666 = arith.constant 6 : index
    %get3A_667 = memref.load %arg2[%get3A_665, %get3A_666] : memref<6x16xf32, #tpu.memory_space<smem>>
    %jit3A_668 = arith.constant 0.000000e+00 : f32
    %broadcast_in_dim3A_669 = vector.broadcast %get3A_667 : f32 to vector<16x128xf32>
    %broadcast_in_dim3A_670 = vector.broadcast %jit3A_668 : f32 to vector<16x128xf32>
    %select_n3A_671 = arith.select %eq3A_664, %broadcast_in_dim3A_669, %broadcast_in_dim3A_670 : vector<16x128xi1>, vector<16x128xf32>
    %add3A_672 = arith.addf %add3A_661, %select_n3A_671 : vector<16x128xf32>
    %mul3A_673 = arith.mulf %add3A_672, %convert_element_type3A_13 : vector<16x128xf32>
    %swap3A_674 = arith.constant 0 : index
    %swap3A_675 = arith.constant 6 : index
    %swap3A_676 = arith.constant 0 : index
    %swap3A_677 = vector.load %arg3[%swap3A_674, %swap3A_675, %swap3A_676] : memref<16x16x128xf32, #tpu.memory_space<vmem>>, vector<16x1x128xf32>
    %swap3A_678 = vector.shape_cast %swap3A_677 : vector<16x1x128xf32> to vector<16x128xf32>
    %swap3A_679 = vector.shape_cast %mul3A_673 : vector<16x128xf32> to vector<16x1x128xf32>
    tpu.vector_store %arg3[%swap3A_674, %swap3A_675, %swap3A_676], %swap3A_679 {strides = array<i32>} : memref<16x16x128xf32, #tpu.memory_space<vmem>>, vector<16x1x128xf32>,
    %broadcast_in_dim3A_680 = arith.constant 0.000000e+00 : f32
    %broadcast_in_dim3A_681 = vector.broadcast %broadcast_in_dim3A_680 : f32 to vector<16x128xf32>
    %eq3A_682 = arith.constant 0 : i32
    %eq3A_683 = vector.broadcast %eq3A_682 : i32 to vector<16x128xi32>
    %eq3A_684 = arith.cmpi eq, %get3A_1, %eq3A_683 : vector<16x128xi32>
    %get3A_685 = arith.constant 0 : index
    %get3A_686 = arith.constant 7 : index
    %get3A_687 = memref.load %arg2[%get3A_685, %get3A_686] : memref<6x16xf32, #tpu.memory_space<smem>>
    %jit3A_688 = arith.constant 0.000000e+00 : f32
    %broadcast_in_dim3A_689 = vector.broadcast %get3A_687 : f32 to vector<16x128xf32>
    %broadcast_in_dim3A_690 = vector.broadcast %jit3A_688 : f32 to vector<16x128xf32>
    %select_n3A_691 = arith.select %eq3A_684, %broadcast_in_dim3A_689, %broadcast_in_dim3A_690 : vector<16x128xi1>, vector<16x128xf32>
    %add3A_692 = arith.addf %broadcast_in_dim3A_681, %select_n3A_691 : vector<16x128xf32>
    %eq3A_693 = arith.constant 1 : i32
    %eq3A_694 = vector.broadcast %eq3A_693 : i32 to vector<16x128xi32>
    %eq3A_695 = arith.cmpi eq, %get3A_1, %eq3A_694 : vector<16x128xi32>
    %get3A_696 = arith.constant 1 : index
    %get3A_697 = arith.constant 7 : index
    %get3A_698 = memref.load %arg2[%get3A_696, %get3A_697] : memref<6x16xf32, #tpu.memory_space<smem>>
    %jit3A_699 = arith.constant 0.000000e+00 : f32
    %broadcast_in_dim3A_700 = vector.broadcast %get3A_698 : f32 to vector<16x128xf32>
    %broadcast_in_dim3A_701 = vector.broadcast %jit3A_699 : f32 to vector<16x128xf32>
    %select_n3A_702 = arith.select %eq3A_695, %broadcast_in_dim3A_700, %broadcast_in_dim3A_701 : vector<16x128xi1>, vector<16x128xf32>
    %add3A_703 = arith.addf %add3A_692, %select_n3A_702 : vector<16x128xf32>
    %eq3A_704 = arith.constant 2 : i32
    %eq3A_705 = vector.broadcast %eq3A_704 : i32 to vector<16x128xi32>
    %eq3A_706 = arith.cmpi eq, %get3A_1, %eq3A_705 : vector<16x128xi32>
    %get3A_707 = arith.constant 2 : index
    %get3A_708 = arith.constant 7 : index
    %get3A_709 = memref.load %arg2[%get3A_707, %get3A_708] : memref<6x16xf32, #tpu.memory_space<smem>>
    %jit3A_710 = arith.constant 0.000000e+00 : f32
    %broadcast_in_dim3A_711 = vector.broadcast %get3A_709 : f32 to vector<16x128xf32>
    %broadcast_in_dim3A_712 = vector.broadcast %jit3A_710 : f32 to vector<16x128xf32>
    %select_n3A_713 = arith.select %eq3A_706, %broadcast_in_dim3A_711, %broadcast_in_dim3A_712 : vector<16x128xi1>, vector<16x128xf32>
    %add3A_714 = arith.addf %add3A_703, %select_n3A_713 : vector<16x128xf32>
    %eq3A_715 = arith.constant 3 : i32
    %eq3A_716 = vector.broadcast %eq3A_715 : i32 to vector<16x128xi32>
    %eq3A_717 = arith.cmpi eq, %get3A_1, %eq3A_716 : vector<16x128xi32>
    %get3A_718 = arith.constant 3 : index
    %get3A_719 = arith.constant 7 : index
    %get3A_720 = memref.load %arg2[%get3A_718, %get3A_719] : memref<6x16xf32, #tpu.memory_space<smem>>
    %jit3A_721 = arith.constant 0.000000e+00 : f32
    %broadcast_in_dim3A_722 = vector.broadcast %get3A_720 : f32 to vector<16x128xf32>
    %broadcast_in_dim3A_723 = vector.broadcast %jit3A_721 : f32 to vector<16x128xf32>
    %select_n3A_724 = arith.select %eq3A_717, %broadcast_in_dim3A_722, %broadcast_in_dim3A_723 : vector<16x128xi1>, vector<16x128xf32>
    %add3A_725 = arith.addf %add3A_714, %select_n3A_724 : vector<16x128xf32>
    %eq3A_726 = arith.constant 4 : i32
    %eq3A_727 = vector.broadcast %eq3A_726 : i32 to vector<16x128xi32>
    %eq3A_728 = arith.cmpi eq, %get3A_1, %eq3A_727 : vector<16x128xi32>
    %get3A_729 = arith.constant 4 : index
    %get3A_730 = arith.constant 7 : index
    %get3A_731 = memref.load %arg2[%get3A_729, %get3A_730] : memref<6x16xf32, #tpu.memory_space<smem>>
    %jit3A_732 = arith.constant 0.000000e+00 : f32
    %broadcast_in_dim3A_733 = vector.broadcast %get3A_731 : f32 to vector<16x128xf32>
    %broadcast_in_dim3A_734 = vector.broadcast %jit3A_732 : f32 to vector<16x128xf32>
    %select_n3A_735 = arith.select %eq3A_728, %broadcast_in_dim3A_733, %broadcast_in_dim3A_734 : vector<16x128xi1>, vector<16x128xf32>
    %add3A_736 = arith.addf %add3A_725, %select_n3A_735 : vector<16x128xf32>
    %eq3A_737 = arith.constant 5 : i32
    %eq3A_738 = vector.broadcast %eq3A_737 : i32 to vector<16x128xi32>
    %eq3A_739 = arith.cmpi eq, %get3A_1, %eq3A_738 : vector<16x128xi32>
    %get3A_740 = arith.constant 5 : index
    %get3A_741 = arith.constant 7 : index
    %get3A_742 = memref.load %arg2[%get3A_740, %get3A_741] : memref<6x16xf32, #tpu.memory_space<smem>>
    %jit3A_743 = arith.constant 0.000000e+00 : f32
    %broadcast_in_dim3A_744 = vector.broadcast %get3A_742 : f32 to vector<16x128xf32>
    %broadcast_in_dim3A_745 = vector.broadcast %jit3A_743 : f32 to vector<16x128xf32>
    %select_n3A_746 = arith.select %eq3A_739, %broadcast_in_dim3A_744, %broadcast_in_dim3A_745 : vector<16x128xi1>, vector<16x128xf32>
    %add3A_747 = arith.addf %add3A_736, %select_n3A_746 : vector<16x128xf32>
    %mul3A_748 = arith.mulf %add3A_747, %convert_element_type3A_13 : vector<16x128xf32>
    %swap3A_749 = arith.constant 0 : index
    %swap3A_750 = arith.constant 7 : index
    %swap3A_751 = arith.constant 0 : index
    %swap3A_752 = vector.load %arg3[%swap3A_749, %swap3A_750, %swap3A_751] : memref<16x16x128xf32, #tpu.memory_space<vmem>>, vector<16x1x128xf32>
    %swap3A_753 = vector.shape_cast %swap3A_752 : vector<16x1x128xf32> to vector<16x128xf32>
    %swap3A_754 = vector.shape_cast %mul3A_748 : vector<16x128xf32> to vector<16x1x128xf32>
    tpu.vector_store %arg3[%swap3A_749, %swap3A_750, %swap3A_751], %swap3A_754 {strides = array<i32>} : memref<16x16x128xf32, #tpu.memory_space<vmem>>, vector<16x1x128xf32>,
    %broadcast_in_dim3A_755 = arith.constant 0.000000e+00 : f32
    %broadcast_in_dim3A_756 = vector.broadcast %broadcast_in_dim3A_755 : f32 to vector<16x128xf32>
    %eq3A_757 = arith.constant 0 : i32
    %eq3A_758 = vector.broadcast %eq3A_757 : i32 to vector<16x128xi32>
    %eq3A_759 = arith.cmpi eq, %get3A_1, %eq3A_758 : vector<16x128xi32>
    %get3A_760 = arith.constant 0 : index
    %get3A_761 = arith.constant 8 : index
    %get3A_762 = memref.load %arg2[%get3A_760, %get3A_761] : memref<6x16xf32, #tpu.memory_space<smem>>
    %jit3A_763 = arith.constant 0.000000e+00 : f32
    %broadcast_in_dim3A_764 = vector.broadcast %get3A_762 : f32 to vector<16x128xf32>
    %broadcast_in_dim3A_765 = vector.broadcast %jit3A_763 : f32 to vector<16x128xf32>
    %select_n3A_766 = arith.select %eq3A_759, %broadcast_in_dim3A_764, %broadcast_in_dim3A_765 : vector<16x128xi1>, vector<16x128xf32>
    %add3A_767 = arith.addf %broadcast_in_dim3A_756, %select_n3A_766 : vector<16x128xf32>
    %eq3A_768 = arith.constant 1 : i32
    %eq3A_769 = vector.broadcast %eq3A_768 : i32 to vector<16x128xi32>
    %eq3A_770 = arith.cmpi eq, %get3A_1, %eq3A_769 : vector<16x128xi32>
    %get3A_771 = arith.constant 1 : index
    %get3A_772 = arith.constant 8 : index
    %get3A_773 = memref.load %arg2[%get3A_771, %get3A_772] : memref<6x16xf32, #tpu.memory_space<smem>>
    %jit3A_774 = arith.constant 0.000000e+00 : f32
    %broadcast_in_dim3A_775 = vector.broadcast %get3A_773 : f32 to vector<16x128xf32>
    %broadcast_in_dim3A_776 = vector.broadcast %jit3A_774 : f32 to vector<16x128xf32>
    %select_n3A_777 = arith.select %eq3A_770, %broadcast_in_dim3A_775, %broadcast_in_dim3A_776 : vector<16x128xi1>, vector<16x128xf32>
    %add3A_778 = arith.addf %add3A_767, %select_n3A_777 : vector<16x128xf32>
    %eq3A_779 = arith.constant 2 : i32
    %eq3A_780 = vector.broadcast %eq3A_779 : i32 to vector<16x128xi32>
    %eq3A_781 = arith.cmpi eq, %get3A_1, %eq3A_780 : vector<16x128xi32>
    %get3A_782 = arith.constant 2 : index
    %get3A_783 = arith.constant 8 : index
    %get3A_784 = memref.load %arg2[%get3A_782, %get3A_783] : memref<6x16xf32, #tpu.memory_space<smem>>
    %jit3A_785 = arith.constant 0.000000e+00 : f32
    %broadcast_in_dim3A_786 = vector.broadcast %get3A_784 : f32 to vector<16x128xf32>
    %broadcast_in_dim3A_787 = vector.broadcast %jit3A_785 : f32 to vector<16x128xf32>
    %select_n3A_788 = arith.select %eq3A_781, %broadcast_in_dim3A_786, %broadcast_in_dim3A_787 : vector<16x128xi1>, vector<16x128xf32>
    %add3A_789 = arith.addf %add3A_778, %select_n3A_788 : vector<16x128xf32>
    %eq3A_790 = arith.constant 3 : i32
    %eq3A_791 = vector.broadcast %eq3A_790 : i32 to vector<16x128xi32>
    %eq3A_792 = arith.cmpi eq, %get3A_1, %eq3A_791 : vector<16x128xi32>
    %get3A_793 = arith.constant 3 : index
    %get3A_794 = arith.constant 8 : index
    %get3A_795 = memref.load %arg2[%get3A_793, %get3A_794] : memref<6x16xf32, #tpu.memory_space<smem>>
    %jit3A_796 = arith.constant 0.000000e+00 : f32
    %broadcast_in_dim3A_797 = vector.broadcast %get3A_795 : f32 to vector<16x128xf32>
    %broadcast_in_dim3A_798 = vector.broadcast %jit3A_796 : f32 to vector<16x128xf32>
    %select_n3A_799 = arith.select %eq3A_792, %broadcast_in_dim3A_797, %broadcast_in_dim3A_798 : vector<16x128xi1>, vector<16x128xf32>
    %add3A_800 = arith.addf %add3A_789, %select_n3A_799 : vector<16x128xf32>
    %eq3A_801 = arith.constant 4 : i32
    %eq3A_802 = vector.broadcast %eq3A_801 : i32 to vector<16x128xi32>
    %eq3A_803 = arith.cmpi eq, %get3A_1, %eq3A_802 : vector<16x128xi32>
    %get3A_804 = arith.constant 4 : index
    %get3A_805 = arith.constant 8 : index
    %get3A_806 = memref.load %arg2[%get3A_804, %get3A_805] : memref<6x16xf32, #tpu.memory_space<smem>>
    %jit3A_807 = arith.constant 0.000000e+00 : f32
    %broadcast_in_dim3A_808 = vector.broadcast %get3A_806 : f32 to vector<16x128xf32>
    %broadcast_in_dim3A_809 = vector.broadcast %jit3A_807 : f32 to vector<16x128xf32>
    %select_n3A_810 = arith.select %eq3A_803, %broadcast_in_dim3A_808, %broadcast_in_dim3A_809 : vector<16x128xi1>, vector<16x128xf32>
    %add3A_811 = arith.addf %add3A_800, %select_n3A_810 : vector<16x128xf32>
    %eq3A_812 = arith.constant 5 : i32
    %eq3A_813 = vector.broadcast %eq3A_812 : i32 to vector<16x128xi32>
    %eq3A_814 = arith.cmpi eq, %get3A_1, %eq3A_813 : vector<16x128xi32>
    %get3A_815 = arith.constant 5 : index
    %get3A_816 = arith.constant 8 : index
    %get3A_817 = memref.load %arg2[%get3A_815, %get3A_816] : memref<6x16xf32, #tpu.memory_space<smem>>
    %jit3A_818 = arith.constant 0.000000e+00 : f32
    %broadcast_in_dim3A_819 = vector.broadcast %get3A_817 : f32 to vector<16x128xf32>
    %broadcast_in_dim3A_820 = vector.broadcast %jit3A_818 : f32 to vector<16x128xf32>
    %select_n3A_821 = arith.select %eq3A_814, %broadcast_in_dim3A_819, %broadcast_in_dim3A_820 : vector<16x128xi1>, vector<16x128xf32>
    %add3A_822 = arith.addf %add3A_811, %select_n3A_821 : vector<16x128xf32>
    %mul3A_823 = arith.mulf %add3A_822, %convert_element_type3A_13 : vector<16x128xf32>
    %swap3A_824 = arith.constant 0 : index
    %swap3A_825 = arith.constant 8 : index
    %swap3A_826 = arith.constant 0 : index
    %swap3A_827 = vector.load %arg3[%swap3A_824, %swap3A_825, %swap3A_826] : memref<16x16x128xf32, #tpu.memory_space<vmem>>, vector<16x1x128xf32>
    %swap3A_828 = vector.shape_cast %swap3A_827 : vector<16x1x128xf32> to vector<16x128xf32>
    %swap3A_829 = vector.shape_cast %mul3A_823 : vector<16x128xf32> to vector<16x1x128xf32>
    tpu.vector_store %arg3[%swap3A_824, %swap3A_825, %swap3A_826], %swap3A_829 {strides = array<i32>} : memref<16x16x128xf32, #tpu.memory_space<vmem>>, vector<16x1x128xf32>,
    %broadcast_in_dim3A_830 = arith.constant 0.000000e+00 : f32
    %broadcast_in_dim3A_831 = vector.broadcast %broadcast_in_dim3A_830 : f32 to vector<16x128xf32>
    %eq3A_832 = arith.constant 0 : i32
    %eq3A_833 = vector.broadcast %eq3A_832 : i32 to vector<16x128xi32>
    %eq3A_834 = arith.cmpi eq, %get3A_1, %eq3A_833 : vector<16x128xi32>
    %get3A_835 = arith.constant 0 : index
    %get3A_836 = arith.constant 9 : index
    %get3A_837 = memref.load %arg2[%get3A_835, %get3A_836] : memref<6x16xf32, #tpu.memory_space<smem>>
    %jit3A_838 = arith.constant 0.000000e+00 : f32
    %broadcast_in_dim3A_839 = vector.broadcast %get3A_837 : f32 to vector<16x128xf32>
    %broadcast_in_dim3A_840 = vector.broadcast %jit3A_838 : f32 to vector<16x128xf32>
    %select_n3A_841 = arith.select %eq3A_834, %broadcast_in_dim3A_839, %broadcast_in_dim3A_840 : vector<16x128xi1>, vector<16x128xf32>
    %add3A_842 = arith.addf %broadcast_in_dim3A_831, %select_n3A_841 : vector<16x128xf32>
    %eq3A_843 = arith.constant 1 : i32
    %eq3A_844 = vector.broadcast %eq3A_843 : i32 to vector<16x128xi32>
    %eq3A_845 = arith.cmpi eq, %get3A_1, %eq3A_844 : vector<16x128xi32>
    %get3A_846 = arith.constant 1 : index
    %get3A_847 = arith.constant 9 : index
    %get3A_848 = memref.load %arg2[%get3A_846, %get3A_847] : memref<6x16xf32, #tpu.memory_space<smem>>
    %jit3A_849 = arith.constant 0.000000e+00 : f32
    %broadcast_in_dim3A_850 = vector.broadcast %get3A_848 : f32 to vector<16x128xf32>
    %broadcast_in_dim3A_851 = vector.broadcast %jit3A_849 : f32 to vector<16x128xf32>
    %select_n3A_852 = arith.select %eq3A_845, %broadcast_in_dim3A_850, %broadcast_in_dim3A_851 : vector<16x128xi1>, vector<16x128xf32>
    %add3A_853 = arith.addf %add3A_842, %select_n3A_852 : vector<16x128xf32>
    %eq3A_854 = arith.constant 2 : i32
    %eq3A_855 = vector.broadcast %eq3A_854 : i32 to vector<16x128xi32>
    %eq3A_856 = arith.cmpi eq, %get3A_1, %eq3A_855 : vector<16x128xi32>
    %get3A_857 = arith.constant 2 : index
    %get3A_858 = arith.constant 9 : index
    %get3A_859 = memref.load %arg2[%get3A_857, %get3A_858] : memref<6x16xf32, #tpu.memory_space<smem>>
    %jit3A_860 = arith.constant 0.000000e+00 : f32
    %broadcast_in_dim3A_861 = vector.broadcast %get3A_859 : f32 to vector<16x128xf32>
    %broadcast_in_dim3A_862 = vector.broadcast %jit3A_860 : f32 to vector<16x128xf32>
    %select_n3A_863 = arith.select %eq3A_856, %broadcast_in_dim3A_861, %broadcast_in_dim3A_862 : vector<16x128xi1>, vector<16x128xf32>
    %add3A_864 = arith.addf %add3A_853, %select_n3A_863 : vector<16x128xf32>
    %eq3A_865 = arith.constant 3 : i32
    %eq3A_866 = vector.broadcast %eq3A_865 : i32 to vector<16x128xi32>
    %eq3A_867 = arith.cmpi eq, %get3A_1, %eq3A_866 : vector<16x128xi32>
    %get3A_868 = arith.constant 3 : index
    %get3A_869 = arith.constant 9 : index
    %get3A_870 = memref.load %arg2[%get3A_868, %get3A_869] : memref<6x16xf32, #tpu.memory_space<smem>>
    %jit3A_871 = arith.constant 0.000000e+00 : f32
    %broadcast_in_dim3A_872 = vector.broadcast %get3A_870 : f32 to vector<16x128xf32>
    %broadcast_in_dim3A_873 = vector.broadcast %jit3A_871 : f32 to vector<16x128xf32>
    %select_n3A_874 = arith.select %eq3A_867, %broadcast_in_dim3A_872, %broadcast_in_dim3A_873 : vector<16x128xi1>, vector<16x128xf32>
    %add3A_875 = arith.addf %add3A_864, %select_n3A_874 : vector<16x128xf32>
    %eq3A_876 = arith.constant 4 : i32
    %eq3A_877 = vector.broadcast %eq3A_876 : i32 to vector<16x128xi32>
    %eq3A_878 = arith.cmpi eq, %get3A_1, %eq3A_877 : vector<16x128xi32>
    %get3A_879 = arith.constant 4 : index
    %get3A_880 = arith.constant 9 : index
    %get3A_881 = memref.load %arg2[%get3A_879, %get3A_880] : memref<6x16xf32, #tpu.memory_space<smem>>
    %jit3A_882 = arith.constant 0.000000e+00 : f32
    %broadcast_in_dim3A_883 = vector.broadcast %get3A_881 : f32 to vector<16x128xf32>
    %broadcast_in_dim3A_884 = vector.broadcast %jit3A_882 : f32 to vector<16x128xf32>
    %select_n3A_885 = arith.select %eq3A_878, %broadcast_in_dim3A_883, %broadcast_in_dim3A_884 : vector<16x128xi1>, vector<16x128xf32>
    %add3A_886 = arith.addf %add3A_875, %select_n3A_885 : vector<16x128xf32>
    %eq3A_887 = arith.constant 5 : i32
    %eq3A_888 = vector.broadcast %eq3A_887 : i32 to vector<16x128xi32>
    %eq3A_889 = arith.cmpi eq, %get3A_1, %eq3A_888 : vector<16x128xi32>
    %get3A_890 = arith.constant 5 : index
    %get3A_891 = arith.constant 9 : index
    %get3A_892 = memref.load %arg2[%get3A_890, %get3A_891] : memref<6x16xf32, #tpu.memory_space<smem>>
    %jit3A_893 = arith.constant 0.000000e+00 : f32
    %broadcast_in_dim3A_894 = vector.broadcast %get3A_892 : f32 to vector<16x128xf32>
    %broadcast_in_dim3A_895 = vector.broadcast %jit3A_893 : f32 to vector<16x128xf32>
    %select_n3A_896 = arith.select %eq3A_889, %broadcast_in_dim3A_894, %broadcast_in_dim3A_895 : vector<16x128xi1>, vector<16x128xf32>
    %add3A_897 = arith.addf %add3A_886, %select_n3A_896 : vector<16x128xf32>
    %mul3A_898 = arith.mulf %add3A_897, %convert_element_type3A_13 : vector<16x128xf32>
    %swap3A_899 = arith.constant 0 : index
    %swap3A_900 = arith.constant 9 : index
    %swap3A_901 = arith.constant 0 : index
    %swap3A_902 = vector.load %arg3[%swap3A_899, %swap3A_900, %swap3A_901] : memref<16x16x128xf32, #tpu.memory_space<vmem>>, vector<16x1x128xf32>
    %swap3A_903 = vector.shape_cast %swap3A_902 : vector<16x1x128xf32> to vector<16x128xf32>
    %swap3A_904 = vector.shape_cast %mul3A_898 : vector<16x128xf32> to vector<16x1x128xf32>
    tpu.vector_store %arg3[%swap3A_899, %swap3A_900, %swap3A_901], %swap3A_904 {strides = array<i32>} : memref<16x16x128xf32, #tpu.memory_space<vmem>>, vector<16x1x128xf32>,
    %broadcast_in_dim3A_905 = arith.constant 0.000000e+00 : f32
    %broadcast_in_dim3A_906 = vector.broadcast %broadcast_in_dim3A_905 : f32 to vector<16x128xf32>
    %eq3A_907 = arith.constant 0 : i32
    %eq3A_908 = vector.broadcast %eq3A_907 : i32 to vector<16x128xi32>
    %eq3A_909 = arith.cmpi eq, %get3A_1, %eq3A_908 : vector<16x128xi32>
    %get3A_910 = arith.constant 0 : index
    %get3A_911 = arith.constant 10 : index
    %get3A_912 = memref.load %arg2[%get3A_910, %get3A_911] : memref<6x16xf32, #tpu.memory_space<smem>>
    %jit3A_913 = arith.constant 0.000000e+00 : f32
    %broadcast_in_dim3A_914 = vector.broadcast %get3A_912 : f32 to vector<16x128xf32>
    %broadcast_in_dim3A_915 = vector.broadcast %jit3A_913 : f32 to vector<16x128xf32>
    %select_n3A_916 = arith.select %eq3A_909, %broadcast_in_dim3A_914, %broadcast_in_dim3A_915 : vector<16x128xi1>, vector<16x128xf32>
    %add3A_917 = arith.addf %broadcast_in_dim3A_906, %select_n3A_916 : vector<16x128xf32>
    %eq3A_918 = arith.constant 1 : i32
    %eq3A_919 = vector.broadcast %eq3A_918 : i32 to vector<16x128xi32>
    %eq3A_920 = arith.cmpi eq, %get3A_1, %eq3A_919 : vector<16x128xi32>
    %get3A_921 = arith.constant 1 : index
    %get3A_922 = arith.constant 10 : index
    %get3A_923 = memref.load %arg2[%get3A_921, %get3A_922] : memref<6x16xf32, #tpu.memory_space<smem>>
    %jit3A_924 = arith.constant 0.000000e+00 : f32
    %broadcast_in_dim3A_925 = vector.broadcast %get3A_923 : f32 to vector<16x128xf32>
    %broadcast_in_dim3A_926 = vector.broadcast %jit3A_924 : f32 to vector<16x128xf32>
    %select_n3A_927 = arith.select %eq3A_920, %broadcast_in_dim3A_925, %broadcast_in_dim3A_926 : vector<16x128xi1>, vector<16x128xf32>
    %add3A_928 = arith.addf %add3A_917, %select_n3A_927 : vector<16x128xf32>
    %eq3A_929 = arith.constant 2 : i32
    %eq3A_930 = vector.broadcast %eq3A_929 : i32 to vector<16x128xi32>
    %eq3A_931 = arith.cmpi eq, %get3A_1, %eq3A_930 : vector<16x128xi32>
    %get3A_932 = arith.constant 2 : index
    %get3A_933 = arith.constant 10 : index
    %get3A_934 = memref.load %arg2[%get3A_932, %get3A_933] : memref<6x16xf32, #tpu.memory_space<smem>>
    %jit3A_935 = arith.constant 0.000000e+00 : f32
    %broadcast_in_dim3A_936 = vector.broadcast %get3A_934 : f32 to vector<16x128xf32>
    %broadcast_in_dim3A_937 = vector.broadcast %jit3A_935 : f32 to vector<16x128xf32>
    %select_n3A_938 = arith.select %eq3A_931, %broadcast_in_dim3A_936, %broadcast_in_dim3A_937 : vector<16x128xi1>, vector<16x128xf32>
    %add3A_939 = arith.addf %add3A_928, %select_n3A_938 : vector<16x128xf32>
    %eq3A_940 = arith.constant 3 : i32
    %eq3A_941 = vector.broadcast %eq3A_940 : i32 to vector<16x128xi32>
    %eq3A_942 = arith.cmpi eq, %get3A_1, %eq3A_941 : vector<16x128xi32>
    %get3A_943 = arith.constant 3 : index
    %get3A_944 = arith.constant 10 : index
    %get3A_945 = memref.load %arg2[%get3A_943, %get3A_944] : memref<6x16xf32, #tpu.memory_space<smem>>
    %jit3A_946 = arith.constant 0.000000e+00 : f32
    %broadcast_in_dim3A_947 = vector.broadcast %get3A_945 : f32 to vector<16x128xf32>
    %broadcast_in_dim3A_948 = vector.broadcast %jit3A_946 : f32 to vector<16x128xf32>
    %select_n3A_949 = arith.select %eq3A_942, %broadcast_in_dim3A_947, %broadcast_in_dim3A_948 : vector<16x128xi1>, vector<16x128xf32>
    %add3A_950 = arith.addf %add3A_939, %select_n3A_949 : vector<16x128xf32>
    %eq3A_951 = arith.constant 4 : i32
    %eq3A_952 = vector.broadcast %eq3A_951 : i32 to vector<16x128xi32>
    %eq3A_953 = arith.cmpi eq, %get3A_1, %eq3A_952 : vector<16x128xi32>
    %get3A_954 = arith.constant 4 : index
    %get3A_955 = arith.constant 10 : index
    %get3A_956 = memref.load %arg2[%get3A_954, %get3A_955] : memref<6x16xf32, #tpu.memory_space<smem>>
    %jit3A_957 = arith.constant 0.000000e+00 : f32
    %broadcast_in_dim3A_958 = vector.broadcast %get3A_956 : f32 to vector<16x128xf32>
    %broadcast_in_dim3A_959 = vector.broadcast %jit3A_957 : f32 to vector<16x128xf32>
    %select_n3A_960 = arith.select %eq3A_953, %broadcast_in_dim3A_958, %broadcast_in_dim3A_959 : vector<16x128xi1>, vector<16x128xf32>
    %add3A_961 = arith.addf %add3A_950, %select_n3A_960 : vector<16x128xf32>
    %eq3A_962 = arith.constant 5 : i32
    %eq3A_963 = vector.broadcast %eq3A_962 : i32 to vector<16x128xi32>
    %eq3A_964 = arith.cmpi eq, %get3A_1, %eq3A_963 : vector<16x128xi32>
    %get3A_965 = arith.constant 5 : index
    %get3A_966 = arith.constant 10 : index
    %get3A_967 = memref.load %arg2[%get3A_965, %get3A_966] : memref<6x16xf32, #tpu.memory_space<smem>>
    %jit3A_968 = arith.constant 0.000000e+00 : f32
    %broadcast_in_dim3A_969 = vector.broadcast %get3A_967 : f32 to vector<16x128xf32>
    %broadcast_in_dim3A_970 = vector.broadcast %jit3A_968 : f32 to vector<16x128xf32>
    %select_n3A_971 = arith.select %eq3A_964, %broadcast_in_dim3A_969, %broadcast_in_dim3A_970 : vector<16x128xi1>, vector<16x128xf32>
    %add3A_972 = arith.addf %add3A_961, %select_n3A_971 : vector<16x128xf32>
    %mul3A_973 = arith.mulf %add3A_972, %convert_element_type3A_13 : vector<16x128xf32>
    %swap3A_974 = arith.constant 0 : index
    %swap3A_975 = arith.constant 10 : index
    %swap3A_976 = arith.constant 0 : index
    %swap3A_977 = vector.load %arg3[%swap3A_974, %swap3A_975, %swap3A_976] : memref<16x16x128xf32, #tpu.memory_space<vmem>>, vector<16x1x128xf32>
    %swap3A_978 = vector.shape_cast %swap3A_977 : vector<16x1x128xf32> to vector<16x128xf32>
    %swap3A_979 = vector.shape_cast %mul3A_973 : vector<16x128xf32> to vector<16x1x128xf32>
    tpu.vector_store %arg3[%swap3A_974, %swap3A_975, %swap3A_976], %swap3A_979 {strides = array<i32>} : memref<16x16x128xf32, #tpu.memory_space<vmem>>, vector<16x1x128xf32>,
    %broadcast_in_dim3A_980 = arith.constant 0.000000e+00 : f32
    %broadcast_in_dim3A_981 = vector.broadcast %broadcast_in_dim3A_980 : f32 to vector<16x128xf32>
    %eq3A_982 = arith.constant 0 : i32
    %eq3A_983 = vector.broadcast %eq3A_982 : i32 to vector<16x128xi32>
    %eq3A_984 = arith.cmpi eq, %get3A_1, %eq3A_983 : vector<16x128xi32>
    %get3A_985 = arith.constant 0 : index
    %get3A_986 = arith.constant 11 : index
    %get3A_987 = memref.load %arg2[%get3A_985, %get3A_986] : memref<6x16xf32, #tpu.memory_space<smem>>
    %jit3A_988 = arith.constant 0.000000e+00 : f32
    %broadcast_in_dim3A_989 = vector.broadcast %get3A_987 : f32 to vector<16x128xf32>
    %broadcast_in_dim3A_990 = vector.broadcast %jit3A_988 : f32 to vector<16x128xf32>
    %select_n3A_991 = arith.select %eq3A_984, %broadcast_in_dim3A_989, %broadcast_in_dim3A_990 : vector<16x128xi1>, vector<16x128xf32>
    %add3A_992 = arith.addf %broadcast_in_dim3A_981, %select_n3A_991 : vector<16x128xf32>
    %eq3A_993 = arith.constant 1 : i32
    %eq3A_994 = vector.broadcast %eq3A_993 : i32 to vector<16x128xi32>
    %eq3A_995 = arith.cmpi eq, %get3A_1, %eq3A_994 : vector<16x128xi32>
    %get3A_996 = arith.constant 1 : index
    %get3A_997 = arith.constant 11 : index
    %get3A_998 = memref.load %arg2[%get3A_996, %get3A_997] : memref<6x16xf32, #tpu.memory_space<smem>>
    %jit3A_999 = arith.constant 0.000000e+00 : f32
    %broadcast_in_dim3A_1000 = vector.broadcast %get3A_998 : f32 to vector<16x128xf32>
    %broadcast_in_dim3A_1001 = vector.broadcast %jit3A_999 : f32 to vector<16x128xf32>
    %select_n3A_1002 = arith.select %eq3A_995, %broadcast_in_dim3A_1000, %broadcast_in_dim3A_1001 : vector<16x128xi1>, vector<16x128xf32>
    %add3A_1003 = arith.addf %add3A_992, %select_n3A_1002 : vector<16x128xf32>
    %eq3A_1004 = arith.constant 2 : i32
    %eq3A_1005 = vector.broadcast %eq3A_1004 : i32 to vector<16x128xi32>
    %eq3A_1006 = arith.cmpi eq, %get3A_1, %eq3A_1005 : vector<16x128xi32>
    %get3A_1007 = arith.constant 2 : index
    %get3A_1008 = arith.constant 11 : index
    %get3A_1009 = memref.load %arg2[%get3A_1007, %get3A_1008] : memref<6x16xf32, #tpu.memory_space<smem>>
    %jit3A_1010 = arith.constant 0.000000e+00 : f32
    %broadcast_in_dim3A_1011 = vector.broadcast %get3A_1009 : f32 to vector<16x128xf32>
    %broadcast_in_dim3A_1012 = vector.broadcast %jit3A_1010 : f32 to vector<16x128xf32>
    %select_n3A_1013 = arith.select %eq3A_1006, %broadcast_in_dim3A_1011, %broadcast_in_dim3A_1012 : vector<16x128xi1>, vector<16x128xf32>
    %add3A_1014 = arith.addf %add3A_1003, %select_n3A_1013 : vector<16x128xf32>
    %eq3A_1015 = arith.constant 3 : i32
    %eq3A_1016 = vector.broadcast %eq3A_1015 : i32 to vector<16x128xi32>
    %eq3A_1017 = arith.cmpi eq, %get3A_1, %eq3A_1016 : vector<16x128xi32>
    %get3A_1018 = arith.constant 3 : index
    %get3A_1019 = arith.constant 11 : index
    %get3A_1020 = memref.load %arg2[%get3A_1018, %get3A_1019] : memref<6x16xf32, #tpu.memory_space<smem>>
    %jit3A_1021 = arith.constant 0.000000e+00 : f32
    %broadcast_in_dim3A_1022 = vector.broadcast %get3A_1020 : f32 to vector<16x128xf32>
    %broadcast_in_dim3A_1023 = vector.broadcast %jit3A_1021 : f32 to vector<16x128xf32>
    %select_n3A_1024 = arith.select %eq3A_1017, %broadcast_in_dim3A_1022, %broadcast_in_dim3A_1023 : vector<16x128xi1>, vector<16x128xf32>
    %add3A_1025 = arith.addf %add3A_1014, %select_n3A_1024 : vector<16x128xf32>
    %eq3A_1026 = arith.constant 4 : i32
    %eq3A_1027 = vector.broadcast %eq3A_1026 : i32 to vector<16x128xi32>
    %eq3A_1028 = arith.cmpi eq, %get3A_1, %eq3A_1027 : vector<16x128xi32>
    %get3A_1029 = arith.constant 4 : index
    %get3A_1030 = arith.constant 11 : index
    %get3A_1031 = memref.load %arg2[%get3A_1029, %get3A_1030] : memref<6x16xf32, #tpu.memory_space<smem>>
    %jit3A_1032 = arith.constant 0.000000e+00 : f32
    %broadcast_in_dim3A_1033 = vector.broadcast %get3A_1031 : f32 to vector<16x128xf32>
    %broadcast_in_dim3A_1034 = vector.broadcast %jit3A_1032 : f32 to vector<16x128xf32>
    %select_n3A_1035 = arith.select %eq3A_1028, %broadcast_in_dim3A_1033, %broadcast_in_dim3A_1034 : vector<16x128xi1>, vector<16x128xf32>
    %add3A_1036 = arith.addf %add3A_1025, %select_n3A_1035 : vector<16x128xf32>
    %eq3A_1037 = arith.constant 5 : i32
    %eq3A_1038 = vector.broadcast %eq3A_1037 : i32 to vector<16x128xi32>
    %eq3A_1039 = arith.cmpi eq, %get3A_1, %eq3A_1038 : vector<16x128xi32>
    %get3A_1040 = arith.constant 5 : index
    %get3A_1041 = arith.constant 11 : index
    %get3A_1042 = memref.load %arg2[%get3A_1040, %get3A_1041] : memref<6x16xf32, #tpu.memory_space<smem>>
    %jit3A_1043 = arith.constant 0.000000e+00 : f32
    %broadcast_in_dim3A_1044 = vector.broadcast %get3A_1042 : f32 to vector<16x128xf32>
    %broadcast_in_dim3A_1045 = vector.broadcast %jit3A_1043 : f32 to vector<16x128xf32>
    %select_n3A_1046 = arith.select %eq3A_1039, %broadcast_in_dim3A_1044, %broadcast_in_dim3A_1045 : vector<16x128xi1>, vector<16x128xf32>
    %add3A_1047 = arith.addf %add3A_1036, %select_n3A_1046 : vector<16x128xf32>
    %mul3A_1048 = arith.mulf %add3A_1047, %convert_element_type3A_13 : vector<16x128xf32>
    %swap3A_1049 = arith.constant 0 : index
    %swap3A_1050 = arith.constant 11 : index
    %swap3A_1051 = arith.constant 0 : index
    %swap3A_1052 = vector.load %arg3[%swap3A_1049, %swap3A_1050, %swap3A_1051] : memref<16x16x128xf32, #tpu.memory_space<vmem>>, vector<16x1x128xf32>
    %swap3A_1053 = vector.shape_cast %swap3A_1052 : vector<16x1x128xf32> to vector<16x128xf32>
    %swap3A_1054 = vector.shape_cast %mul3A_1048 : vector<16x128xf32> to vector<16x1x128xf32>
    tpu.vector_store %arg3[%swap3A_1049, %swap3A_1050, %swap3A_1051], %swap3A_1054 {strides = array<i32>} : memref<16x16x128xf32, #tpu.memory_space<vmem>>, vector<16x1x128xf32>,
    %broadcast_in_dim3A_1055 = arith.constant 0.000000e+00 : f32
    %broadcast_in_dim3A_1056 = vector.broadcast %broadcast_in_dim3A_1055 : f32 to vector<16x128xf32>
    %eq3A_1057 = arith.constant 0 : i32
    %eq3A_1058 = vector.broadcast %eq3A_1057 : i32 to vector<16x128xi32>
    %eq3A_1059 = arith.cmpi eq, %get3A_1, %eq3A_1058 : vector<16x128xi32>
    %get3A_1060 = arith.constant 0 : index
    %get3A_1061 = arith.constant 12 : index
    %get3A_1062 = memref.load %arg2[%get3A_1060, %get3A_1061] : memref<6x16xf32, #tpu.memory_space<smem>>
    %jit3A_1063 = arith.constant 0.000000e+00 : f32
    %broadcast_in_dim3A_1064 = vector.broadcast %get3A_1062 : f32 to vector<16x128xf32>
    %broadcast_in_dim3A_1065 = vector.broadcast %jit3A_1063 : f32 to vector<16x128xf32>
    %select_n3A_1066 = arith.select %eq3A_1059, %broadcast_in_dim3A_1064, %broadcast_in_dim3A_1065 : vector<16x128xi1>, vector<16x128xf32>
    %add3A_1067 = arith.addf %broadcast_in_dim3A_1056, %select_n3A_1066 : vector<16x128xf32>
    %eq3A_1068 = arith.constant 1 : i32
    %eq3A_1069 = vector.broadcast %eq3A_1068 : i32 to vector<16x128xi32>
    %eq3A_1070 = arith.cmpi eq, %get3A_1, %eq3A_1069 : vector<16x128xi32>
    %get3A_1071 = arith.constant 1 : index
    %get3A_1072 = arith.constant 12 : index
    %get3A_1073 = memref.load %arg2[%get3A_1071, %get3A_1072] : memref<6x16xf32, #tpu.memory_space<smem>>
    %jit3A_1074 = arith.constant 0.000000e+00 : f32
    %broadcast_in_dim3A_1075 = vector.broadcast %get3A_1073 : f32 to vector<16x128xf32>
    %broadcast_in_dim3A_1076 = vector.broadcast %jit3A_1074 : f32 to vector<16x128xf32>
    %select_n3A_1077 = arith.select %eq3A_1070, %broadcast_in_dim3A_1075, %broadcast_in_dim3A_1076 : vector<16x128xi1>, vector<16x128xf32>
    %add3A_1078 = arith.addf %add3A_1067, %select_n3A_1077 : vector<16x128xf32>
    %eq3A_1079 = arith.constant 2 : i32
    %eq3A_1080 = vector.broadcast %eq3A_1079 : i32 to vector<16x128xi32>
    %eq3A_1081 = arith.cmpi eq, %get3A_1, %eq3A_1080 : vector<16x128xi32>
    %get3A_1082 = arith.constant 2 : index
    %get3A_1083 = arith.constant 12 : index
    %get3A_1084 = memref.load %arg2[%get3A_1082, %get3A_1083] : memref<6x16xf32, #tpu.memory_space<smem>>
    %jit3A_1085 = arith.constant 0.000000e+00 : f32
    %broadcast_in_dim3A_1086 = vector.broadcast %get3A_1084 : f32 to vector<16x128xf32>
    %broadcast_in_dim3A_1087 = vector.broadcast %jit3A_1085 : f32 to vector<16x128xf32>
    %select_n3A_1088 = arith.select %eq3A_1081, %broadcast_in_dim3A_1086, %broadcast_in_dim3A_1087 : vector<16x128xi1>, vector<16x128xf32>
    %add3A_1089 = arith.addf %add3A_1078, %select_n3A_1088 : vector<16x128xf32>
    %eq3A_1090 = arith.constant 3 : i32
    %eq3A_1091 = vector.broadcast %eq3A_1090 : i32 to vector<16x128xi32>
    %eq3A_1092 = arith.cmpi eq, %get3A_1, %eq3A_1091 : vector<16x128xi32>
    %get3A_1093 = arith.constant 3 : index
    %get3A_1094 = arith.constant 12 : index
    %get3A_1095 = memref.load %arg2[%get3A_1093, %get3A_1094] : memref<6x16xf32, #tpu.memory_space<smem>>
    %jit3A_1096 = arith.constant 0.000000e+00 : f32
    %broadcast_in_dim3A_1097 = vector.broadcast %get3A_1095 : f32 to vector<16x128xf32>
    %broadcast_in_dim3A_1098 = vector.broadcast %jit3A_1096 : f32 to vector<16x128xf32>
    %select_n3A_1099 = arith.select %eq3A_1092, %broadcast_in_dim3A_1097, %broadcast_in_dim3A_1098 : vector<16x128xi1>, vector<16x128xf32>
    %add3A_1100 = arith.addf %add3A_1089, %select_n3A_1099 : vector<16x128xf32>
    %eq3A_1101 = arith.constant 4 : i32
    %eq3A_1102 = vector.broadcast %eq3A_1101 : i32 to vector<16x128xi32>
    %eq3A_1103 = arith.cmpi eq, %get3A_1, %eq3A_1102 : vector<16x128xi32>
    %get3A_1104 = arith.constant 4 : index
    %get3A_1105 = arith.constant 12 : index
    %get3A_1106 = memref.load %arg2[%get3A_1104, %get3A_1105] : memref<6x16xf32, #tpu.memory_space<smem>>
    %jit3A_1107 = arith.constant 0.000000e+00 : f32
    %broadcast_in_dim3A_1108 = vector.broadcast %get3A_1106 : f32 to vector<16x128xf32>
    %broadcast_in_dim3A_1109 = vector.broadcast %jit3A_1107 : f32 to vector<16x128xf32>
    %select_n3A_1110 = arith.select %eq3A_1103, %broadcast_in_dim3A_1108, %broadcast_in_dim3A_1109 : vector<16x128xi1>, vector<16x128xf32>
    %add3A_1111 = arith.addf %add3A_1100, %select_n3A_1110 : vector<16x128xf32>
    %eq3A_1112 = arith.constant 5 : i32
    %eq3A_1113 = vector.broadcast %eq3A_1112 : i32 to vector<16x128xi32>
    %eq3A_1114 = arith.cmpi eq, %get3A_1, %eq3A_1113 : vector<16x128xi32>
    %get3A_1115 = arith.constant 5 : index
    %get3A_1116 = arith.constant 12 : index
    %get3A_1117 = memref.load %arg2[%get3A_1115, %get3A_1116] : memref<6x16xf32, #tpu.memory_space<smem>>
    %jit3A_1118 = arith.constant 0.000000e+00 : f32
    %broadcast_in_dim3A_1119 = vector.broadcast %get3A_1117 : f32 to vector<16x128xf32>
    %broadcast_in_dim3A_1120 = vector.broadcast %jit3A_1118 : f32 to vector<16x128xf32>
    %select_n3A_1121 = arith.select %eq3A_1114, %broadcast_in_dim3A_1119, %broadcast_in_dim3A_1120 : vector<16x128xi1>, vector<16x128xf32>
    %add3A_1122 = arith.addf %add3A_1111, %select_n3A_1121 : vector<16x128xf32>
    %mul3A_1123 = arith.mulf %add3A_1122, %convert_element_type3A_13 : vector<16x128xf32>
    %swap3A_1124 = arith.constant 0 : index
    %swap3A_1125 = arith.constant 12 : index
    %swap3A_1126 = arith.constant 0 : index
    %swap3A_1127 = vector.load %arg3[%swap3A_1124, %swap3A_1125, %swap3A_1126] : memref<16x16x128xf32, #tpu.memory_space<vmem>>, vector<16x1x128xf32>
    %swap3A_1128 = vector.shape_cast %swap3A_1127 : vector<16x1x128xf32> to vector<16x128xf32>
    %swap3A_1129 = vector.shape_cast %mul3A_1123 : vector<16x128xf32> to vector<16x1x128xf32>
    tpu.vector_store %arg3[%swap3A_1124, %swap3A_1125, %swap3A_1126], %swap3A_1129 {strides = array<i32>} : memref<16x16x128xf32, #tpu.memory_space<vmem>>, vector<16x1x128xf32>,
    %broadcast_in_dim3A_1130 = arith.constant 0.000000e+00 : f32
    %broadcast_in_dim3A_1131 = vector.broadcast %broadcast_in_dim3A_1130 : f32 to vector<16x128xf32>
    %eq3A_1132 = arith.constant 0 : i32
    %eq3A_1133 = vector.broadcast %eq3A_1132 : i32 to vector<16x128xi32>
    %eq3A_1134 = arith.cmpi eq, %get3A_1, %eq3A_1133 : vector<16x128xi32>
    %get3A_1135 = arith.constant 0 : index
    %get3A_1136 = arith.constant 13 : index
    %get3A_1137 = memref.load %arg2[%get3A_1135, %get3A_1136] : memref<6x16xf32, #tpu.memory_space<smem>>
    %jit3A_1138 = arith.constant 0.000000e+00 : f32
    %broadcast_in_dim3A_1139 = vector.broadcast %get3A_1137 : f32 to vector<16x128xf32>
    %broadcast_in_dim3A_1140 = vector.broadcast %jit3A_1138 : f32 to vector<16x128xf32>
    %select_n3A_1141 = arith.select %eq3A_1134, %broadcast_in_dim3A_1139, %broadcast_in_dim3A_1140 : vector<16x128xi1>, vector<16x128xf32>
    %add3A_1142 = arith.addf %broadcast_in_dim3A_1131, %select_n3A_1141 : vector<16x128xf32>
    %eq3A_1143 = arith.constant 1 : i32
    %eq3A_1144 = vector.broadcast %eq3A_1143 : i32 to vector<16x128xi32>
    %eq3A_1145 = arith.cmpi eq, %get3A_1, %eq3A_1144 : vector<16x128xi32>
    %get3A_1146 = arith.constant 1 : index
    %get3A_1147 = arith.constant 13 : index
    %get3A_1148 = memref.load %arg2[%get3A_1146, %get3A_1147] : memref<6x16xf32, #tpu.memory_space<smem>>
    %jit3A_1149 = arith.constant 0.000000e+00 : f32
    %broadcast_in_dim3A_1150 = vector.broadcast %get3A_1148 : f32 to vector<16x128xf32>
    %broadcast_in_dim3A_1151 = vector.broadcast %jit3A_1149 : f32 to vector<16x128xf32>
    %select_n3A_1152 = arith.select %eq3A_1145, %broadcast_in_dim3A_1150, %broadcast_in_dim3A_1151 : vector<16x128xi1>, vector<16x128xf32>
    %add3A_1153 = arith.addf %add3A_1142, %select_n3A_1152 : vector<16x128xf32>
    %eq3A_1154 = arith.constant 2 : i32
    %eq3A_1155 = vector.broadcast %eq3A_1154 : i32 to vector<16x128xi32>
    %eq3A_1156 = arith.cmpi eq, %get3A_1, %eq3A_1155 : vector<16x128xi32>
    %get3A_1157 = arith.constant 2 : index
    %get3A_1158 = arith.constant 13 : index
    %get3A_1159 = memref.load %arg2[%get3A_1157, %get3A_1158] : memref<6x16xf32, #tpu.memory_space<smem>>
    %jit3A_1160 = arith.constant 0.000000e+00 : f32
    %broadcast_in_dim3A_1161 = vector.broadcast %get3A_1159 : f32 to vector<16x128xf32>
    %broadcast_in_dim3A_1162 = vector.broadcast %jit3A_1160 : f32 to vector<16x128xf32>
    %select_n3A_1163 = arith.select %eq3A_1156, %broadcast_in_dim3A_1161, %broadcast_in_dim3A_1162 : vector<16x128xi1>, vector<16x128xf32>
    %add3A_1164 = arith.addf %add3A_1153, %select_n3A_1163 : vector<16x128xf32>
    %eq3A_1165 = arith.constant 3 : i32
    %eq3A_1166 = vector.broadcast %eq3A_1165 : i32 to vector<16x128xi32>
    %eq3A_1167 = arith.cmpi eq, %get3A_1, %eq3A_1166 : vector<16x128xi32>
    %get3A_1168 = arith.constant 3 : index
    %get3A_1169 = arith.constant 13 : index
    %get3A_1170 = memref.load %arg2[%get3A_1168, %get3A_1169] : memref<6x16xf32, #tpu.memory_space<smem>>
    %jit3A_1171 = arith.constant 0.000000e+00 : f32
    %broadcast_in_dim3A_1172 = vector.broadcast %get3A_1170 : f32 to vector<16x128xf32>
    %broadcast_in_dim3A_1173 = vector.broadcast %jit3A_1171 : f32 to vector<16x128xf32>
    %select_n3A_1174 = arith.select %eq3A_1167, %broadcast_in_dim3A_1172, %broadcast_in_dim3A_1173 : vector<16x128xi1>, vector<16x128xf32>
    %add3A_1175 = arith.addf %add3A_1164, %select_n3A_1174 : vector<16x128xf32>
    %eq3A_1176 = arith.constant 4 : i32
    %eq3A_1177 = vector.broadcast %eq3A_1176 : i32 to vector<16x128xi32>
    %eq3A_1178 = arith.cmpi eq, %get3A_1, %eq3A_1177 : vector<16x128xi32>
    %get3A_1179 = arith.constant 4 : index
    %get3A_1180 = arith.constant 13 : index
    %get3A_1181 = memref.load %arg2[%get3A_1179, %get3A_1180] : memref<6x16xf32, #tpu.memory_space<smem>>
    %jit3A_1182 = arith.constant 0.000000e+00 : f32
    %broadcast_in_dim3A_1183 = vector.broadcast %get3A_1181 : f32 to vector<16x128xf32>
    %broadcast_in_dim3A_1184 = vector.broadcast %jit3A_1182 : f32 to vector<16x128xf32>
    %select_n3A_1185 = arith.select %eq3A_1178, %broadcast_in_dim3A_1183, %broadcast_in_dim3A_1184 : vector<16x128xi1>, vector<16x128xf32>
    %add3A_1186 = arith.addf %add3A_1175, %select_n3A_1185 : vector<16x128xf32>
    %eq3A_1187 = arith.constant 5 : i32
    %eq3A_1188 = vector.broadcast %eq3A_1187 : i32 to vector<16x128xi32>
    %eq3A_1189 = arith.cmpi eq, %get3A_1, %eq3A_1188 : vector<16x128xi32>
    %get3A_1190 = arith.constant 5 : index
    %get3A_1191 = arith.constant 13 : index
    %get3A_1192 = memref.load %arg2[%get3A_1190, %get3A_1191] : memref<6x16xf32, #tpu.memory_space<smem>>
    %jit3A_1193 = arith.constant 0.000000e+00 : f32
    %broadcast_in_dim3A_1194 = vector.broadcast %get3A_1192 : f32 to vector<16x128xf32>
    %broadcast_in_dim3A_1195 = vector.broadcast %jit3A_1193 : f32 to vector<16x128xf32>
    %select_n3A_1196 = arith.select %eq3A_1189, %broadcast_in_dim3A_1194, %broadcast_in_dim3A_1195 : vector<16x128xi1>, vector<16x128xf32>
    %add3A_1197 = arith.addf %add3A_1186, %select_n3A_1196 : vector<16x128xf32>
    %mul3A_1198 = arith.mulf %add3A_1197, %convert_element_type3A_13 : vector<16x128xf32>
    %swap3A_1199 = arith.constant 0 : index
    %swap3A_1200 = arith.constant 13 : index
    %swap3A_1201 = arith.constant 0 : index
    %swap3A_1202 = vector.load %arg3[%swap3A_1199, %swap3A_1200, %swap3A_1201] : memref<16x16x128xf32, #tpu.memory_space<vmem>>, vector<16x1x128xf32>
    %swap3A_1203 = vector.shape_cast %swap3A_1202 : vector<16x1x128xf32> to vector<16x128xf32>
    %swap3A_1204 = vector.shape_cast %mul3A_1198 : vector<16x128xf32> to vector<16x1x128xf32>
    tpu.vector_store %arg3[%swap3A_1199, %swap3A_1200, %swap3A_1201], %swap3A_1204 {strides = array<i32>} : memref<16x16x128xf32, #tpu.memory_space<vmem>>, vector<16x1x128xf32>,
    %broadcast_in_dim3A_1205 = arith.constant 0.000000e+00 : f32
    %broadcast_in_dim3A_1206 = vector.broadcast %broadcast_in_dim3A_1205 : f32 to vector<16x128xf32>
    %eq3A_1207 = arith.constant 0 : i32
    %eq3A_1208 = vector.broadcast %eq3A_1207 : i32 to vector<16x128xi32>
    %eq3A_1209 = arith.cmpi eq, %get3A_1, %eq3A_1208 : vector<16x128xi32>
    %get3A_1210 = arith.constant 0 : index
    %get3A_1211 = arith.constant 14 : index
    %get3A_1212 = memref.load %arg2[%get3A_1210, %get3A_1211] : memref<6x16xf32, #tpu.memory_space<smem>>
    %jit3A_1213 = arith.constant 0.000000e+00 : f32
    %broadcast_in_dim3A_1214 = vector.broadcast %get3A_1212 : f32 to vector<16x128xf32>
    %broadcast_in_dim3A_1215 = vector.broadcast %jit3A_1213 : f32 to vector<16x128xf32>
    %select_n3A_1216 = arith.select %eq3A_1209, %broadcast_in_dim3A_1214, %broadcast_in_dim3A_1215 : vector<16x128xi1>, vector<16x128xf32>
    %add3A_1217 = arith.addf %broadcast_in_dim3A_1206, %select_n3A_1216 : vector<16x128xf32>
    %eq3A_1218 = arith.constant 1 : i32
    %eq3A_1219 = vector.broadcast %eq3A_1218 : i32 to vector<16x128xi32>
    %eq3A_1220 = arith.cmpi eq, %get3A_1, %eq3A_1219 : vector<16x128xi32>
    %get3A_1221 = arith.constant 1 : index
    %get3A_1222 = arith.constant 14 : index
    %get3A_1223 = memref.load %arg2[%get3A_1221, %get3A_1222] : memref<6x16xf32, #tpu.memory_space<smem>>
    %jit3A_1224 = arith.constant 0.000000e+00 : f32
    %broadcast_in_dim3A_1225 = vector.broadcast %get3A_1223 : f32 to vector<16x128xf32>
    %broadcast_in_dim3A_1226 = vector.broadcast %jit3A_1224 : f32 to vector<16x128xf32>
    %select_n3A_1227 = arith.select %eq3A_1220, %broadcast_in_dim3A_1225, %broadcast_in_dim3A_1226 : vector<16x128xi1>, vector<16x128xf32>
    %add3A_1228 = arith.addf %add3A_1217, %select_n3A_1227 : vector<16x128xf32>
    %eq3A_1229 = arith.constant 2 : i32
    %eq3A_1230 = vector.broadcast %eq3A_1229 : i32 to vector<16x128xi32>
    %eq3A_1231 = arith.cmpi eq, %get3A_1, %eq3A_1230 : vector<16x128xi32>
    %get3A_1232 = arith.constant 2 : index
    %get3A_1233 = arith.constant 14 : index
    %get3A_1234 = memref.load %arg2[%get3A_1232, %get3A_1233] : memref<6x16xf32, #tpu.memory_space<smem>>
    %jit3A_1235 = arith.constant 0.000000e+00 : f32
    %broadcast_in_dim3A_1236 = vector.broadcast %get3A_1234 : f32 to vector<16x128xf32>
    %broadcast_in_dim3A_1237 = vector.broadcast %jit3A_1235 : f32 to vector<16x128xf32>
    %select_n3A_1238 = arith.select %eq3A_1231, %broadcast_in_dim3A_1236, %broadcast_in_dim3A_1237 : vector<16x128xi1>, vector<16x128xf32>
    %add3A_1239 = arith.addf %add3A_1228, %select_n3A_1238 : vector<16x128xf32>
    %eq3A_1240 = arith.constant 3 : i32
    %eq3A_1241 = vector.broadcast %eq3A_1240 : i32 to vector<16x128xi32>
    %eq3A_1242 = arith.cmpi eq, %get3A_1, %eq3A_1241 : vector<16x128xi32>
    %get3A_1243 = arith.constant 3 : index
    %get3A_1244 = arith.constant 14 : index
    %get3A_1245 = memref.load %arg2[%get3A_1243, %get3A_1244] : memref<6x16xf32, #tpu.memory_space<smem>>
    %jit3A_1246 = arith.constant 0.000000e+00 : f32
    %broadcast_in_dim3A_1247 = vector.broadcast %get3A_1245 : f32 to vector<16x128xf32>
    %broadcast_in_dim3A_1248 = vector.broadcast %jit3A_1246 : f32 to vector<16x128xf32>
    %select_n3A_1249 = arith.select %eq3A_1242, %broadcast_in_dim3A_1247, %broadcast_in_dim3A_1248 : vector<16x128xi1>, vector<16x128xf32>
    %add3A_1250 = arith.addf %add3A_1239, %select_n3A_1249 : vector<16x128xf32>
    %eq3A_1251 = arith.constant 4 : i32
    %eq3A_1252 = vector.broadcast %eq3A_1251 : i32 to vector<16x128xi32>
    %eq3A_1253 = arith.cmpi eq, %get3A_1, %eq3A_1252 : vector<16x128xi32>
    %get3A_1254 = arith.constant 4 : index
    %get3A_1255 = arith.constant 14 : index
    %get3A_1256 = memref.load %arg2[%get3A_1254, %get3A_1255] : memref<6x16xf32, #tpu.memory_space<smem>>
    %jit3A_1257 = arith.constant 0.000000e+00 : f32
    %broadcast_in_dim3A_1258 = vector.broadcast %get3A_1256 : f32 to vector<16x128xf32>
    %broadcast_in_dim3A_1259 = vector.broadcast %jit3A_1257 : f32 to vector<16x128xf32>
    %select_n3A_1260 = arith.select %eq3A_1253, %broadcast_in_dim3A_1258, %broadcast_in_dim3A_1259 : vector<16x128xi1>, vector<16x128xf32>
    %add3A_1261 = arith.addf %add3A_1250, %select_n3A_1260 : vector<16x128xf32>
    %eq3A_1262 = arith.constant 5 : i32
    %eq3A_1263 = vector.broadcast %eq3A_1262 : i32 to vector<16x128xi32>
    %eq3A_1264 = arith.cmpi eq, %get3A_1, %eq3A_1263 : vector<16x128xi32>
    %get3A_1265 = arith.constant 5 : index
    %get3A_1266 = arith.constant 14 : index
    %get3A_1267 = memref.load %arg2[%get3A_1265, %get3A_1266] : memref<6x16xf32, #tpu.memory_space<smem>>
    %jit3A_1268 = arith.constant 0.000000e+00 : f32
    %broadcast_in_dim3A_1269 = vector.broadcast %get3A_1267 : f32 to vector<16x128xf32>
    %broadcast_in_dim3A_1270 = vector.broadcast %jit3A_1268 : f32 to vector<16x128xf32>
    %select_n3A_1271 = arith.select %eq3A_1264, %broadcast_in_dim3A_1269, %broadcast_in_dim3A_1270 : vector<16x128xi1>, vector<16x128xf32>
    %add3A_1272 = arith.addf %add3A_1261, %select_n3A_1271 : vector<16x128xf32>
    %mul3A_1273 = arith.mulf %add3A_1272, %convert_element_type3A_13 : vector<16x128xf32>
    %swap3A_1274 = arith.constant 0 : index
    %swap3A_1275 = arith.constant 14 : index
    %swap3A_1276 = arith.constant 0 : index
    %swap3A_1277 = vector.load %arg3[%swap3A_1274, %swap3A_1275, %swap3A_1276] : memref<16x16x128xf32, #tpu.memory_space<vmem>>, vector<16x1x128xf32>
    %swap3A_1278 = vector.shape_cast %swap3A_1277 : vector<16x1x128xf32> to vector<16x128xf32>
    %swap3A_1279 = vector.shape_cast %mul3A_1273 : vector<16x128xf32> to vector<16x1x128xf32>
    tpu.vector_store %arg3[%swap3A_1274, %swap3A_1275, %swap3A_1276], %swap3A_1279 {strides = array<i32>} : memref<16x16x128xf32, #tpu.memory_space<vmem>>, vector<16x1x128xf32>,
    %broadcast_in_dim3A_1280 = arith.constant 0.000000e+00 : f32
    %broadcast_in_dim3A_1281 = vector.broadcast %broadcast_in_dim3A_1280 : f32 to vector<16x128xf32>
    %eq3A_1282 = arith.constant 0 : i32
    %eq3A_1283 = vector.broadcast %eq3A_1282 : i32 to vector<16x128xi32>
    %eq3A_1284 = arith.cmpi eq, %get3A_1, %eq3A_1283 : vector<16x128xi32>
    %get3A_1285 = arith.constant 0 : index
    %get3A_1286 = arith.constant 15 : index
    %get3A_1287 = memref.load %arg2[%get3A_1285, %get3A_1286] : memref<6x16xf32, #tpu.memory_space<smem>>
    %jit3A_1288 = arith.constant 0.000000e+00 : f32
    %broadcast_in_dim3A_1289 = vector.broadcast %get3A_1287 : f32 to vector<16x128xf32>
    %broadcast_in_dim3A_1290 = vector.broadcast %jit3A_1288 : f32 to vector<16x128xf32>
    %select_n3A_1291 = arith.select %eq3A_1284, %broadcast_in_dim3A_1289, %broadcast_in_dim3A_1290 : vector<16x128xi1>, vector<16x128xf32>
    %add3A_1292 = arith.addf %broadcast_in_dim3A_1281, %select_n3A_1291 : vector<16x128xf32>
    %eq3A_1293 = arith.constant 1 : i32
    %eq3A_1294 = vector.broadcast %eq3A_1293 : i32 to vector<16x128xi32>
    %eq3A_1295 = arith.cmpi eq, %get3A_1, %eq3A_1294 : vector<16x128xi32>
    %get3A_1296 = arith.constant 1 : index
    %get3A_1297 = arith.constant 15 : index
    %get3A_1298 = memref.load %arg2[%get3A_1296, %get3A_1297] : memref<6x16xf32, #tpu.memory_space<smem>>
    %jit3A_1299 = arith.constant 0.000000e+00 : f32
    %broadcast_in_dim3A_1300 = vector.broadcast %get3A_1298 : f32 to vector<16x128xf32>
    %broadcast_in_dim3A_1301 = vector.broadcast %jit3A_1299 : f32 to vector<16x128xf32>
    %select_n3A_1302 = arith.select %eq3A_1295, %broadcast_in_dim3A_1300, %broadcast_in_dim3A_1301 : vector<16x128xi1>, vector<16x128xf32>
    %add3A_1303 = arith.addf %add3A_1292, %select_n3A_1302 : vector<16x128xf32>
    %eq3A_1304 = arith.constant 2 : i32
    %eq3A_1305 = vector.broadcast %eq3A_1304 : i32 to vector<16x128xi32>
    %eq3A_1306 = arith.cmpi eq, %get3A_1, %eq3A_1305 : vector<16x128xi32>
    %get3A_1307 = arith.constant 2 : index
    %get3A_1308 = arith.constant 15 : index
    %get3A_1309 = memref.load %arg2[%get3A_1307, %get3A_1308] : memref<6x16xf32, #tpu.memory_space<smem>>
    %jit3A_1310 = arith.constant 0.000000e+00 : f32
    %broadcast_in_dim3A_1311 = vector.broadcast %get3A_1309 : f32 to vector<16x128xf32>
    %broadcast_in_dim3A_1312 = vector.broadcast %jit3A_1310 : f32 to vector<16x128xf32>
    %select_n3A_1313 = arith.select %eq3A_1306, %broadcast_in_dim3A_1311, %broadcast_in_dim3A_1312 : vector<16x128xi1>, vector<16x128xf32>
    %add3A_1314 = arith.addf %add3A_1303, %select_n3A_1313 : vector<16x128xf32>
    %eq3A_1315 = arith.constant 3 : i32
    %eq3A_1316 = vector.broadcast %eq3A_1315 : i32 to vector<16x128xi32>
    %eq3A_1317 = arith.cmpi eq, %get3A_1, %eq3A_1316 : vector<16x128xi32>
    %get3A_1318 = arith.constant 3 : index
    %get3A_1319 = arith.constant 15 : index
    %get3A_1320 = memref.load %arg2[%get3A_1318, %get3A_1319] : memref<6x16xf32, #tpu.memory_space<smem>>
    %jit3A_1321 = arith.constant 0.000000e+00 : f32
    %broadcast_in_dim3A_1322 = vector.broadcast %get3A_1320 : f32 to vector<16x128xf32>
    %broadcast_in_dim3A_1323 = vector.broadcast %jit3A_1321 : f32 to vector<16x128xf32>
    %select_n3A_1324 = arith.select %eq3A_1317, %broadcast_in_dim3A_1322, %broadcast_in_dim3A_1323 : vector<16x128xi1>, vector<16x128xf32>
    %add3A_1325 = arith.addf %add3A_1314, %select_n3A_1324 : vector<16x128xf32>
    %eq3A_1326 = arith.constant 4 : i32
    %eq3A_1327 = vector.broadcast %eq3A_1326 : i32 to vector<16x128xi32>
    %eq3A_1328 = arith.cmpi eq, %get3A_1, %eq3A_1327 : vector<16x128xi32>
    %get3A_1329 = arith.constant 4 : index
    %get3A_1330 = arith.constant 15 : index
    %get3A_1331 = memref.load %arg2[%get3A_1329, %get3A_1330] : memref<6x16xf32, #tpu.memory_space<smem>>
    %jit3A_1332 = arith.constant 0.000000e+00 : f32
    %broadcast_in_dim3A_1333 = vector.broadcast %get3A_1331 : f32 to vector<16x128xf32>
    %broadcast_in_dim3A_1334 = vector.broadcast %jit3A_1332 : f32 to vector<16x128xf32>
    %select_n3A_1335 = arith.select %eq3A_1328, %broadcast_in_dim3A_1333, %broadcast_in_dim3A_1334 : vector<16x128xi1>, vector<16x128xf32>
    %add3A_1336 = arith.addf %add3A_1325, %select_n3A_1335 : vector<16x128xf32>
    %eq3A_1337 = arith.constant 5 : i32
    %eq3A_1338 = vector.broadcast %eq3A_1337 : i32 to vector<16x128xi32>
    %eq3A_1339 = arith.cmpi eq, %get3A_1, %eq3A_1338 : vector<16x128xi32>
    %get3A_1340 = arith.constant 5 : index
    %get3A_1341 = arith.constant 15 : index
    %get3A_1342 = memref.load %arg2[%get3A_1340, %get3A_1341] : memref<6x16xf32, #tpu.memory_space<smem>>
    %jit3A_1343 = arith.constant 0.000000e+00 : f32
    %broadcast_in_dim3A_1344 = vector.broadcast %get3A_1342 : f32 to vector<16x128xf32>
    %broadcast_in_dim3A_1345 = vector.broadcast %jit3A_1343 : f32 to vector<16x128xf32>
    %select_n3A_1346 = arith.select %eq3A_1339, %broadcast_in_dim3A_1344, %broadcast_in_dim3A_1345 : vector<16x128xi1>, vector<16x128xf32>
    %add3A_1347 = arith.addf %add3A_1336, %select_n3A_1346 : vector<16x128xf32>
    %mul3A_1348 = arith.mulf %add3A_1347, %convert_element_type3A_13 : vector<16x128xf32>
    %swap3A_1349 = arith.constant 0 : index
    %swap3A_1350 = arith.constant 15 : index
    %swap3A_1351 = arith.constant 0 : index
    %swap3A_1352 = vector.load %arg3[%swap3A_1349, %swap3A_1350, %swap3A_1351] : memref<16x16x128xf32, #tpu.memory_space<vmem>>, vector<16x1x128xf32>
    %swap3A_1353 = vector.shape_cast %swap3A_1352 : vector<16x1x128xf32> to vector<16x128xf32>
    %swap3A_1354 = vector.shape_cast %mul3A_1348 : vector<16x128xf32> to vector<16x1x128xf32>
    tpu.vector_store %arg3[%swap3A_1349, %swap3A_1350, %swap3A_1351], %swap3A_1354 {strides = array<i32>} : memref<16x16x128xf32, #tpu.memory_space<vmem>>, vector<16x1x128xf32>,
    return
  }
}

module attributes {stable_mosaic.version = 14 : i64} {
  func.func @_args_body(%arg0: i32, %arg1: memref<1024x512xf32, #tpu.memory_space<vmem>>, %arg2: memref<1024x1xf32, #tpu.memory_space<vmem>>, %arg3: memref<1024x1xf32, #tpu.memory_space<vmem>>, %arg4: memref<1x1xf32, #tpu.memory_space<smem>>, %arg5: memref<1x1xf32, #tpu.memory_space<smem>>) attributes {dimension_semantics = [#tpu.dimension_semantics<arbitrary>], iteration_bounds = array<i64: 32>, scalar_prefetch = 0 : i64, scratch_operands = 0 : i64, tpu.core_type = #tpu.core_type<tc>, window_params = [{transform_indices = @transform_0, window_bounds = array<i64: 1024, 512>}, {transform_indices = @transform_1, window_bounds = array<i64: 1024, 1>}, {transform_indices = @transform_2, window_bounds = array<i64: 1024, 1>}, {transform_indices = @transform_3, window_bounds = array<i64: 1, 1>}, {transform_indices = @transform_4, window_bounds = array<i64: 1, 1>}]} {
    %eq3A = arith.constant 0 : i32
    %eq3A_0 = arith.cmpi eq, %arg0, %eq3A : i32
    %convert_element_type3A = arith.extui %eq3A_0 : i1 to i32
    %cond3A = arith.constant 0 : i32
    %cond3A_1 = arith.cmpi ne, %convert_element_type3A, %cond3A : i32
    scf.if %cond3A_1 {
      %swap3A_45 = arith.constant 0.000000e+00 : f32
      %swap3A_46 = arith.constant 0 : index
      %swap3A_47 = arith.constant 0 : index
      %swap3A_48 = memref.load %arg4[%swap3A_46, %swap3A_47] : memref<1x1xf32, #tpu.memory_space<smem>>
      memref.store %swap3A_45, %arg4[%swap3A_46, %swap3A_47] : memref<1x1xf32, #tpu.memory_space<smem>>
      %swap3A_49 = arith.constant 0.000000e+00 : f32
      %swap3A_50 = arith.constant 0 : index
      %swap3A_51 = arith.constant 0 : index
      %swap3A_52 = memref.load %arg5[%swap3A_50, %swap3A_51] : memref<1x1xf32, #tpu.memory_space<smem>>
      memref.store %swap3A_49, %arg5[%swap3A_50, %swap3A_51] : memref<1x1xf32, #tpu.memory_space<smem>>
    } else {
    }
    %get3A = arith.constant 0 : index
    %get3A_2 = arith.constant 0 : index
    %get3A_3 = vector.load %arg1[%get3A, %get3A_2] : memref<1024x512xf32, #tpu.memory_space<vmem>>, vector<1024x512xf32>
    %reduce_max3A = arith.constant dense<0xFF800000> : vector<1024xf32>
    %reduce_max3A_4 = vector.multi_reduction <maximumf>, %get3A_3, %reduce_max3A [1] : vector<1024x512xf32> to vector<1024xf32>
    %broadcast_in_dim3A = vector.shape_cast %reduce_max3A_4 : vector<1024xf32> to vector<1024x1xf32>
    %sub3A = vector.broadcast %broadcast_in_dim3A : vector<1024x1xf32> to vector<1024x512xf32>
    %sub3A_5 = arith.subf %get3A_3, %sub3A : vector<1024x512xf32>
    %exp3A = math.exp %sub3A_5 : vector<1024x512xf32>
    %reduce_sum3A = arith.constant dense<0.000000e+00> : vector<1024xf32>
    %reduce_sum3A_6 = vector.multi_reduction <add>, %exp3A, %reduce_sum3A [1] : vector<1024x512xf32> to vector<1024xf32>
    %broadcast_in_dim3A_7 = vector.shape_cast %reduce_sum3A_6 : vector<1024xf32> to vector<1024x1xf32>
    %log3A = math.log %broadcast_in_dim3A_7 : vector<1024x1xf32>
    %add3A = arith.addf %broadcast_in_dim3A, %log3A : vector<1024x1xf32>
    %get3A_8 = arith.constant 0 : index
    %get3A_9 = arith.constant 0 : index
    %get3A_10 = vector.load %arg2[%get3A_8, %get3A_9] : memref<1024x1xf32, #tpu.memory_space<vmem>>, vector<1024x1xf32>
    %mul3A = arith.constant 1.31225932 : f32
    %mul3A_11 = vector.broadcast %mul3A : f32 to vector<1024x1xf32>
    %mul3A_12 = arith.mulf %mul3A_11, %add3A : vector<1024x1xf32>
    %sub3A_13 = arith.subf %mul3A_12, %get3A_10 : vector<1024x1xf32>
    %mul3A_14 = arith.constant 0.762044489 : f32
    %mul3A_15 = vector.broadcast %mul3A_14 : f32 to vector<1024x1xf32>
    %mul3A_16 = arith.mulf %sub3A_13, %mul3A_15 : vector<1024x1xf32>
    %ne3A = arith.cmpf one, %mul3A_16, %mul3A_16 : vector<1024x1xf32>
    %jit3A = arith.constant 0.000000e+00 : f32
    %broadcast_in_dim3A_17 = vector.broadcast %jit3A : f32 to vector<1024x1xf32>
    %select_n3A = arith.select %ne3A, %broadcast_in_dim3A_17, %mul3A_16 : vector<1024x1xi1>, vector<1024x1xf32>
    %get3A_18 = arith.constant 0 : index
    %get3A_19 = arith.constant 0 : index
    %get3A_20 = vector.load %arg3[%get3A_18, %get3A_19] : memref<1024x1xf32, #tpu.memory_space<vmem>>, vector<1024x1xf32>
    %get3A_21 = arith.constant 0 : index
    %get3A_22 = arith.constant 0 : index
    %get3A_23 = memref.load %arg4[%get3A_21, %get3A_22] : memref<1x1xf32, #tpu.memory_space<smem>>
    %mul3A_24 = arith.mulf %select_n3A, %get3A_20 : vector<1024x1xf32>
    %reduce_sum3A_25 = vector.shape_cast %mul3A_24 : vector<1024x1xf32> to vector<1x1024x1xf32>
    %reduce_sum3A_26 = arith.constant dense<0.000000e+00> : vector<1xf32>
    %reduce_sum3A_27 = vector.multi_reduction <add>, %reduce_sum3A_25, %reduce_sum3A_26 [1, 2] : vector<1x1024x1xf32> to vector<1xf32>
    %reduce_sum3A_28 = vector.shape_cast %reduce_sum3A_27 : vector<1xf32> to vector<1x1x1xf32>
    %reduce_sum3A_29 = vector.extract %reduce_sum3A_28[0, 0, 0] : f32 from vector<1x1x1xf32>
    %add3A_30 = arith.addf %get3A_23, %reduce_sum3A_29 : f32
    %swap3A = arith.constant 0 : index
    %swap3A_31 = arith.constant 0 : index
    %swap3A_32 = memref.load %arg4[%swap3A, %swap3A_31] : memref<1x1xf32, #tpu.memory_space<smem>>
    memref.store %add3A_30, %arg4[%swap3A, %swap3A_31] : memref<1x1xf32, #tpu.memory_space<smem>>
    %get3A_33 = arith.constant 0 : index
    %get3A_34 = arith.constant 0 : index
    %get3A_35 = memref.load %arg5[%get3A_33, %get3A_34] : memref<1x1xf32, #tpu.memory_space<smem>>
    %reduce_sum3A_36 = vector.shape_cast %get3A_20 : vector<1024x1xf32> to vector<1x1024x1xf32>
    %reduce_sum3A_37 = arith.constant dense<0.000000e+00> : vector<1xf32>
    %reduce_sum3A_38 = vector.multi_reduction <add>, %reduce_sum3A_36, %reduce_sum3A_37 [1, 2] : vector<1x1024x1xf32> to vector<1xf32>
    %reduce_sum3A_39 = vector.shape_cast %reduce_sum3A_38 : vector<1xf32> to vector<1x1x1xf32>
    %reduce_sum3A_40 = vector.extract %reduce_sum3A_39[0, 0, 0] : f32 from vector<1x1x1xf32>
    %add3A_41 = arith.addf %get3A_35, %reduce_sum3A_40 : f32
    %swap3A_42 = arith.constant 0 : index
    %swap3A_43 = arith.constant 0 : index
    %swap3A_44 = memref.load %arg5[%swap3A_42, %swap3A_43] : memref<1x1xf32, #tpu.memory_space<smem>>
    memref.store %add3A_41, %arg5[%swap3A_42, %swap3A_43] : memref<1x1xf32, #tpu.memory_space<smem>>
    return
  }
  func.func @transform_0(%arg0: i32) -> (i32, i32) {
    %c0_i32 = arith.constant 0 : i32
    %c0_i32_0 = arith.constant 0 : i32
    return %arg0, %c0_i32 : i32, i32
  }
  func.func @transform_1(%arg0: i32) -> (i32, i32) {
    %c0_i32 = arith.constant 0 : i32
    %c0_i32_0 = arith.constant 0 : i32
    return %arg0, %c0_i32 : i32, i32
  }
  func.func @transform_2(%arg0: i32) -> (i32, i32) {
    %c0_i32 = arith.constant 0 : i32
    %c0_i32_0 = arith.constant 0 : i32
    return %arg0, %c0_i32 : i32, i32
  }
  func.func @transform_3(%arg0: i32) -> (i32, i32) {
    %c0_i32 = arith.constant 0 : i32
    %c0_i32_0 = arith.constant 0 : i32
    %c0_i32_1 = arith.constant 0 : i32
    return %c0_i32, %c0_i32_0 : i32, i32
  }
  func.func @transform_4(%arg0: i32) -> (i32, i32) {
    %c0_i32 = arith.constant 0 : i32
    %c0_i32_0 = arith.constant 0 : i32
    %c0_i32_1 = arith.constant 0 : i32
    return %c0_i32, %c0_i32_0 : i32, i32
  }
}

</mosaic_0001>

<sc_bundles>
// kernel: kernel.5.cloned.1.call-start
scs
__scs_entry_jumppad:
0x0: {  	(pc) =	sbr.rel $0x88, $3  }
0x1: {  	(tag) =	ssettag $0x0;
	lr =	simm.s32 $0x1  }
0x2: {  	[smem:$0x3F9C] =	sst lr;
	_ =	strace $0xD0000000  }
0x3: {  	_ = 	snop  }
0x4: {  	_ = 	snop  }
0x5: {  	_ = 	snop  }
0x6: {  	_ = 	snop  }
0x7: {  	_ = 	snop  }
__scs_overlays_trampoline_lowered:
0x8: {  	[smem:$0x3FAB] =	sst s0  }
0x9: {  	[smem:$0x3FAC] =	sst s1  }
0xa: {  	[smem:$0x3FAD] =	sst s2  }
0xb: {  	[smem:$0x3FAE] =	sst s3  }
0xc: {  	[smem:$0x3FAF] =	sst s4  }
0xd: {  	[smem:$0x3FB0] =	sst s5  }
0xe: {  	[smem:$0x3FB1] =	sst s6  }
0xf: {  	[smem:$0x3FB2] =	sst s7  }
0x10: {  	[smem:$0x3FB3] =	sst s8  }
0x11: {  	[smem:$0x3FB4] =	sst s9;
	s0 =	simm.s32 @!p0 $0x0  }
0x12: {  	s1 =	sld [smem:$0x3F9A];
	s0 =	simm.s32 @p0 $0x1  }
0x13: {  	[smem:$0x3FB5] =	sst s0;
	s0 =	simm.s32 @!p1 $0x0  }
0x14: {  	s2 =	sld [smem:$0x3F99];
	s0 =	simm.s32 @p1 $0x1  }
0x15: {  	[smem:$0x3FB6] =	sst s0;
	s0 =	simm.s32 @!p2 $0x0  }
0x16: {  	s3 =	sld [smem:$0x3FDB];
	s0 =	simm.s32 @p2 $0x1  }
0x17: {  	s4 =	simm.s32 $0x1BF5;
	[smem:$0x3FB8] =	sst s0  }
0x18: {  	s0 =	sld [smem:$0x3F9B];
	_ =	swait.ge [sflag:s4], $0x0  }
0x19: {  	s7 =	sld [smem:$0x3F9C]  }
0x1a: {  	s8 =	sadd.s32 $0xFFFFE003, lr  }
0x1b: {  	s9 =	sadd.s32 $0xFFFFFEF7, lr;
	s5 =	simm.s32 $0xFFFFFFFF;
	p2 =	slt.u32 s8, $0xFFFFF086  }
0x1c: {  	p1 =	slt.u32 s9, $0xF7A;
	s5 =	simm.s32 @!p2 $0x0  }
0x1d: {  	s5 =	simm.s32 @p1 $0x1;
	p0 =	seq.s32 s7, s2  }
0x1e: {  	s7 =	smul.u32 @!p0 $0xF7A, s2;
	p2 =	seq.s32 @!p0 s5, $0x0  }
0x1f: {  	s9 =	smul.u32 $0xF7A, s1;
	s8 =	simm.s32 @!p0 $0x1BF5;
	p2 =	por !p2, p0  }
0x20: {  	[sflag:s8] =	ssyncset.s32 @!p0 $0xFFFFF086;
	s6 =	sadd.s32 @!p0 s3, s7;
	s7 =	simm.s32 @!p0 $0x108  }
0x21: {  	s3 =	sadd.s32 s3, s9;
	s6 =	sadd.s32 @!p0 $0x88, s6;
	s7 =	simm.s32 @p2 $0x1082  }
0x22: {  	[simem:s7], [sflag:s8] =	dma.local @!p0 [hbm:s6], $0xF7A  }
0x23: {  	s9 =	sor.u32 $0xD0000000, s2;
	s6 =	simm.s32 $0x108;
	_ =	swait.ge @!p0 [sflag:s8], $0x0  }
0x24: {  	s3 =	sadd.s32 $0x88, s3;
	s6 =	simm.s32 @!p1 $0x1082;
	[sflag:s4] =	ssyncset.s32 $0xFFFFF086  }
0x25: {  	[simem:s6], [sflag:s4] =	dma.local [hbm:s3], $0xF7A  }
0x26: {  	[smem:$0x3F9C] =	sst s1;
	(tag) =	ssettag s2;
	_ =	strace s9  }
0x27: {  	s1 =	sld [smem:$0x3FAC]  }
0x28: {  	s2 =	sld [smem:$0x3FAD]  }
0x29: {  	s4 =	sld [smem:$0x3FAF]  }
0x2a: {  	p0 =	seq.s32 s5, $0x0;
	s5 =	sld [smem:$0x3FB0]  }
0x2b: {  	s6 =	sld [smem:$0x3FB1]  }
0x2c: {  	s7 =	sld [smem:$0x3FB2]  }
0x2d: {  	s3 =	simm.s32 $0x108;
	s8 =	sld [smem:$0x3FB3]  }
0x2e: {  	s3 =	simm.s32 @!p0 $0x1082;
	s9 =	sld [smem:$0x3FB4]  }
0x2f: {  	lr =	sadd.s32 s0, s3;
	s0 =	sld [smem:$0x3FAB]  }
0x30: {  	s3 =	sld [smem:$0x3FAE]  }
0x31: {  	[smem:$0x3FB7] =	sst s10  }
0x32: {  	s10 =	sld [smem:$0x3FB5];
	_ =	sdelay $0x3  }
0x33: {  	p0 =	seq.s32 s10, $0x1;
	s10 =	sld [smem:$0x3FB7];
	_ =	sdelay $0x3  }
0x34: {  	[smem:$0x3FB7] =	sst s10  }
0x35: {  	s10 =	sld [smem:$0x3FB6];
	_ =	sdelay $0x3  }
0x36: {  	p1 =	seq.s32 s10, $0x1;
	s10 =	sld [smem:$0x3FB7];
	_ =	sdelay $0x3  }
0x37: {  	[smem:$0x3FB7] =	sst s10  }
0x38: {  	s10 =	sld [smem:$0x3FB8]  }
0x39: {  	_ = 	snop;
	(pc) =	sbr.ind lr, $3  }
0x3a: {  	_ = 	snop  }
0x3b: {  	_ = 	snop  }
0x3c: {  	p2 =	seq.s32 s10, $0x1;
	s10 =	sld [smem:$0x3FB7]  }
0x3d: {  	_ =	shalt  }
0x3e: {  	_ =	shalt  }
0x3f: {  	_ =	shalt  }
0x40: {  	_ =	shalt  }
0x41: {  	_ =	shalt  }
0x42: {  	_ =	shalt  }
0x43: {  	_ =	shalt  }
0x44: {  	_ =	shalt  }
0x45: {  	_ =	shalt  }
0x46: {  	_ =	shalt  }
0x47: {  	_ =	shalt  }
0x48: {  	_ =	shalt  }
0x49: {  	_ =	shalt  }
0x4a: {  	_ =	shalt  }
0x4b: {  	_ =	shalt  }
0x4c: {  	_ =	shalt  }
0x4d: {  	_ =	shalt  }
0x4e: {  	_ =	shalt  }
0x4f: {  	_ =	shalt  }
0x50: {  	_ =	shalt  }
0x51: {  	_ =	shalt  }
0x52: {  	_ =	shalt  }
0x53: {  	_ =	shalt  }
0x54: {  	_ =	shalt  }
0x55: {  	_ =	shalt  }
0x56: {  	_ =	shalt  }
0x57: {  	_ =	shalt  }
0x58: {  	_ =	shalt  }
0x59: {  	_ =	shalt  }
0x5a: {  	_ =	shalt  }
0x5b: {  	_ =	shalt  }
0x5c: {  	_ =	shalt  }
0x5d: {  	_ =	shalt  }
0x5e: {  	_ =	shalt  }
0x5f: {  	_ =	shalt  }
0x60: {  	_ =	shalt  }
0x61: {  	_ =	shalt  }
0x62: {  	_ =	shalt  }
0x63: {  	_ =	shalt  }
0x64: {  	_ =	shalt  }
0x65: {  	_ =	shalt  }
0x66: {  	_ =	shalt  }
0x67: {  	_ =	shalt  }
0x68: {  	_ =	shalt  }
0x69: {  	_ =	shalt  }
0x6a: {  	_ =	shalt  }
0x6b: {  	_ =	shalt  }
0x6c: {  	_ =	shalt  }
0x6d: {  	_ =	shalt  }
0x6e: {  	_ =	shalt  }
0x6f: {  	_ =	shalt  }
0x70: {  	_ =	shalt  }
0x71: {  	_ =	shalt  }
0x72: {  	_ =	shalt  }
0x73: {  	_ =	shalt  }
0x74: {  	_ =	shalt  }
0x75: {  	_ =	shalt  }
0x76: {  	_ =	shalt  }
0x77: {  	_ =	shalt  }
0x78: {  	_ =	shalt  }
0x79: {  	_ =	shalt  }
0x7a: {  	_ =	shalt  }
0x7b: {  	_ =	shalt  }
0x7c: {  	_ =	shalt  }
0x7d: {  	_ =	shalt  }
0x7e: {  	_ =	shalt  }
0x7f: {  	_ =	shalt  }
0x80: {  	_ =	shalt  }
0x81: {  	_ =	shalt  }
0x82: {  	_ =	shalt  }
0x83: {  	_ =	shalt  }
0x84: {  	_ =	shalt  }
0x85: {  	_ =	shalt  }
0x86: {  	_ =	shalt  }
0x87: {  	_ =	shalt  }
.Lfunc_end0:
.L_simem_size_0:
called_computation.1_lowered:
.L_overlay_start_0:
0x88: {  	s2 =	sld [smem:$0x3FD9]  }
0x89: {  	s3 =	sld [smem:$0x3FFE];
	_ =	sdelay $0x1  }
0x8a: {  	s1 =	srdreg.scid  }
0x8b: {  	s0 =	sand.u32 $0x1, s1  }
0x8c: {  	s16 =	sshll.u32 s0, $0xA;
	s2 =	sadd.s32 s3, s2  }
0x8d: {  	s2 =	sadd.s32 s2, s16  }
0x8e: {  	[smem:$0x3FC3] =	sst s2  }
0x8f: {  	_ = 	snop  }
0x90: {  	(tm) =	ssettm $0x1  }
0x91: {  	s17 =	sld [smem:$0x3FFB];
	_ =	sdelay $0x3  }
0x92: {  	_ =	strace s17  }
0x93: {  	s2 =	sld [smem:$0x3FFC];
	_ =	sdelay $0x3  }
0x94: {  	_ =	strace s2  }
0x95: {  	s2 =	sld [smem:$0x3FFD];
	_ =	sdelay $0x3  }
0x96: {  	_ =	strace s2  }
0x97: {  	_ =	strace $0x8FFFFFFF  }
0x98: {  	s18 =	sld [smem:$0x3FDB];
	_ =	sdelay $0x1  }
0x99: {  	s19 =	simm.s32 $_scs_section_size  }
0x9a: {  	s4 =	simm.s32 $_size__tile_overlayer_lowered;
	s5 =	simm.s32 $_tile_overlayer_lowered  }
0x9b: {  	s22 =	simm.s32 $0x1BFF;
	s21 =	sshll.u32 s5, $0x1;
	s2 =	sadd.s32 s19, s18  }
0x9c: {  	s6 =	simm.s32 $0x0;
	s20 =	sshll.u32 s4, $0x1;
	s4 =	sadd.s32 s21, s2  }
0x9d: {  	[timem:s6], [sflag:s22] =	dma.local [hbm:s4], s20  }
0x9e: {  	_ =	swait.ge [sflag:s22], s20  }
0x9f: {  	s3 =	ssub.s32 $0x0, s20;
	[sflag:s22] =	ssyncset.done $0x0  }
0xa0: {  	[sflag:s22] =	ssyncadd.s32 s3;
	_ =	sdelay $0x1  }
0xa1: {  	s23 =	simm.s32 $0x1B8B  }
0xa2: {  	_ =	swait.ge [sflag:s23], $0x1  }
0xa3: {  	[sflag:s23] =	ssyncset.done $0x0  }
0xa4: {  	s25 =	simm.s32 $0x1B8E;
	s24 =	sld [smem:$0x3FFE];
	[sflag:s23] =	ssyncadd.s32 $0xFFFFFFFF  }
0xa5: {  	s26 =	simm.s32 $execute0_lowered;
	[smem:$0x3FD2] =	sst s25  }
0xa6: {  	s4 =	sshll.u32 s26, $0x1;
	_ =	strace $0x80000049;
	[dreg:$0x1] =	wrdreg $0xFFFFFFFF  }
0xa7: {  	s28 =	simm.s32 $_size_execute0_lowered;
	s2 =	sadd.s32 s2, s4;
	[dreg:$0x0] =	wrdreg $0x0  }
0xa8: {  	s4 =	sshll.u32 s28, $0x1;
	[dreg:$0x2] =	wrdreg s2  }
0xa9: {  	[dreg:$0x3] =	wrdreg s4  }
0xaa: {  	[dreg:$0x4] =	wrdreg $0xC0  }
0xab: {  	_ =	task [dreg:s6], $0x5FFFF  }
0xac: {  	[dreg:$0x1] =	wrdreg $0xFFFFFFFF  }
0xad: {  	[dreg:$0x0] =	wrdreg $0x60  }
0xae: {  	[dreg:$0x2] =	wrdreg s24  }
0xaf: {  	[dreg:$0x3] =	wrdreg $0x9  }
0xb0: {  	_ =	task.clear_ibuf [dreg:s6], $0x4FFFF;
	_ =	strace $0x90000049  }
0xb1: {  	s29 =	simm.s32 $0x9;
	_ =	strace $0x8000004B  }
0xb2: {  	_ =	swait.ge [sflag:s29], $0x1  }
0xb3: {  	[sflag:s29] =	ssyncadd.s32 $0xFFFFFFFF  }
0xb4: {  	_ =	strace $0x9000004B  }
0xb5: {  	_ =	sfence  }
0xb6: {  	s30 =	sld [smem:$0x0];
	_ =	sdelay $0x2  }
0xb7: {  	s31 =	sshll.u32 s1, $0xD;
	s1 =	sshrl.u32 s1, $0x2  }
0xb8: {  	s3 =	sand.u32 $0x4000, s31;
	s1 =	sadd.s32 s1, s30  }
0xb9: {  	s0 =	sor.u32 s3, s0;
	s1 =	sshll.u32 s1, $0x11  }
0xba: {  	s0 =	sor.u32 s1, s0  }
0xbb: {  	s0 =	sadd.s32 $0x8F2B, s0  }
0xbc: {  	[sflag:s0] =	ssyncadd.remote.s32 $0x1  }
0xbd: {  	_ =	sfence.sel $0xFFFF  }
0xbe: {  	[dreg:$0x0] =	wrdreg $0xFFFFFFFF;
	(pc) =	sbr.abs _section_cstart, $3  }
0xbf: {  	[dreg:$0x1] =	wrdreg $0xFFFFFFFF  }
0xc0: {  	_ =	task.clear_ibuf [dreg:s6], $0x2FFFF;
	_ =	strace $0x9FFFFFFF  }
0xc1: {  	(tm) =	ssettm $0x7FFFFFFF  }
tec
execute0_lowered:
.L_overlay_start_1:
0x0: {  	(tag) =	ssettag $0x1  }
0x1: {  	s0 =	rddreg [dreg:$0x0];
	s1 =	srdreg.scid  }
0x2: {  	s3 =	stileid.u32;
	s2 =	simm.s32 $0x0;
	s8 =	simm.s32 $0x2  }
0x3: {  	s9 =	simm.s32 $0x80;
	s16 =	simm.s32 $0x1C80;
	s17 =	simm.s32 $0x3880  }
0x4: {  	s18 =	simm.s32 $0x1D00;
	s19 =	simm.s32 $0x3900;
	s20 =	simm.s32 $0x1D80  }
0x5: {  	s21 =	simm.s32 $0x3980;
	s22 =	simm.s32 $0x1E00;
	s23 =	simm.s32 $0x3A00  }
0x6: {  	s24 =	simm.s32 $0x1E80;
	s25 =	simm.s32 $0x3A80;
	s26 =	simm.s32 $0x1F00  }
0x7: {  	s28 =	simm.s32 $0x3B00;
	s29 =	simm.s32 $0x1F80;
	s1 =	sand.u32 $0x1, s1  }
0x8: {  	s30 =	simm.s32 $0x3B80;
	s3 =	sshll.u32 s3, $0xB;
	s4 =	sshll.u32 s1, $0xA  }
0x9: {  	s31 =	simm.s32 $0x1;
	s1 =	ssub.s32 $0x2, s1;
	s3 =	sor.u32 s4, s3  }
0xa: {  	[smem:$0x7FF] =	sst s2;
	s6 =	sshrl.u32 s1, $0x1;
	s5 =	sshrl.u32 s3, $0x3  }
0xb: {  	s4 =	sadd.s32 $0x1400, s0;
	s1 =	ssub.s32 s1, s6;
	s0 =	sadd.s32 s5, s0  }
0xc: {  	v0 =	vlaneseq.u32;
	v1 =	vimm.s32 $0x3;
	_ =	strace $0x8000004A;
	s7 =	smax.u32 s1, $0x1;
	s5 =	sadd.s32 $0x201400, s0  }
0xd: {  	v2 =	vimm.s32 $0x2;
	v3 =	vimm.s32 $0x1;
	v0 =	vmul.u32 $0x200, v0;
	s1 =	simm.s32 $0x0;
	s6 =	sadd.s32 $0x202400, s0;
	s0 =	simm.s32 $0x3C00  }
.LBB2_1:
0xe: {  	[tilespmem:s2], [sflag:$0x2] =	stream.linear.gather [hbm4b:s5+s2], $0x400, $0x38;
	[tilespmem:$0x4000] =	vst v63  }
0xf: {  	_ =	swait.ge [sflag:s8], $0x400  }
0x10: {  	s10 =	simm.s32 $0xFFFFFFFC;
	s11 =	simm.s32 $0x1020;
	[sflag:s8] =	ssyncset.done $0x0  }
0x11: {  	s12 =	simm.s32 $0x20;
	s13 =	simm.s32 $0x0;
	[sflag:s8] =	ssyncadd.s32 $0xFFFFFC00  }
.LBB2_2:
0x12: {  	v4 =	vld [tilespmem:s12+$0xFFFFFFE0];
	_ =	sdelay $0x4  }
0x13: {  	vm0 =	vgt.s32 v4, $0x0  }
0x14: {  	s14 =	sadd.s32 s13, s3;
	v4 =	vnsel vm0, $0x0, v4  }
0x15: {  	v6 =	vmov s14;
	v5 =	vmin.u32 v4, $0x1FF  }
0x16: {  	v6 =	vshll.u32 v6, $0x9;
	v7 =	vmax.u32 v5, $0x3  }
0x17: {  	v6 =	vor.u32 v0, v6;
	v8 =	vmax.u32 v5, $0x2;
	v7 =	vsub.s32 v7, v1  }
0x18: {  	v9 =	vmax.u32 v5, $0x1;
	v8 =	vsub.s32 v8, v2;
	v7 =	vor.u32 v6, v7  }
0x19: {  	s15 =	sand.u32 $0x3C0, s13;
	v27 =	vmin.u32 v4, $0x1FE;
	v25 =	vsub.s32 v9, v3;
	v24 =	vor.u32 v6, v8;
	[tilespmem:s11+$0xFFFFF3E0] =	vst v7  }
0x1a: {  	v29 =	vmin.u32 v4, $0x1FD;
	v4 =	vmin.u32 v4, $0x1FC;
	v26 =	vor.u32 v6, v25;
	[tilespmem:s15+$0x800] =	vst v24  }
0x1b: {  	v5 =	vor.u32 v6, v5;
	v4 =	vor.u32 v6, v4;
	[tilespmem:s15+$0xC00] =	vst v26  }
0x1c: {  	v28 =	vor.u32 v6, v27;
	v4 =	vadd.s32 $0x3, v4;
	[tilespmem:s15+$0x1000] =	vst v5  }
0x1d: {  	v30 =	vor.u32 v6, v29;
	v5 =	vadd.s32 $0x1, v28;
	[tilespmem:s15+$0x1C00] =	vst v4  }
0x1e: {  	[tilespmem:s15+$0x1400] =	vst v5;
	v5 =	vadd.s32 $0x2, v30  }
0x1f: {  	[tilespmem:s15+$0x1800] =	vst v5  }
0x20: {  	v4 =	vld [tilespmem:s12+$0xFFFFFFF0];
	_ =	sdelay $0x2  }
0x21: {  	s15 =	sadd.s32 $0x10, s14  }
0x22: {  	v31 =	vmov s15  }
0x23: {  	v6 =	vshll.u32 v31, $0x9;
	vm13 =	vgt.s32 v4, $0x0  }
0x24: {  	v6 =	vor.u32 v0, v6;
	v4 =	vnsel vm13, $0x0, v4  }
0x25: {  	v5 =	vmin.u32 v4, $0x1FF;
	v38 =	vmin.u32 v4, $0x1FE;
	v40 =	vmin.u32 v4, $0x1FD  }
0x26: {  	v4 =	vmin.u32 v4, $0x1FC;
	v32 =	vmax.u32 v5, $0x3;
	v33 =	vmax.u32 v5, $0x2  }
0x27: {  	v34 =	vmax.u32 v5, $0x1;
	v5 =	vor.u32 v6, v5;
	v39 =	vor.u32 v6, v38  }
0x28: {  	v4 =	vor.u32 v6, v4;
	[tilespmem:s11+$0xFFFFFFF0] =	vst v5;
	v5 =	vadd.s32 $0x1, v39  }
0x29: {  	v7 =	vsub.s32 v32, v1;
	v4 =	vadd.s32 $0x3, v4;
	[tilespmem:s11+$0x3F0] =	vst v5  }
0x2a: {  	v8 =	vsub.s32 v33, v2;
	v7 =	vor.u32 v6, v7;
	[tilespmem:s11+$0xBF0] =	vst v4  }
0x2b: {  	v36 =	vsub.s32 v34, v3;
	v35 =	vor.u32 v6, v8;
	[tilespmem:s11+$0xFFFFF3F0] =	vst v7  }
0x2c: {  	v41 =	vor.u32 v6, v40;
	v37 =	vor.u32 v6, v36;
	[tilespmem:s11+$0xFFFFF7F0] =	vst v35  }
0x2d: {  	v5 =	vadd.s32 $0x2, v41;
	[tilespmem:s11+$0xFFFFFBF0] =	vst v37  }
0x2e: {  	[tilespmem:s11+$0x7F0] =	vst v5  }
0x2f: {  	v4 =	vld [tilespmem:s12+$0x0];
	_ =	sdelay $0x2  }
0x30: {  	s15 =	sadd.s32 $0x20, s14  }
0x31: {  	v42 =	vmov s15  }
0x32: {  	v6 =	vshll.u32 v42, $0x9;
	vm14 =	vgt.s32 v4, $0x0  }
0x33: {  	v6 =	vor.u32 v0, v6;
	v4 =	vnsel vm14, $0x0, v4  }
0x34: {  	v5 =	vmin.u32 v4, $0x1FF;
	v49 =	vmin.u32 v4, $0x1FE;
	v51 =	vmin.u32 v4, $0x1FD  }
0x35: {  	v4 =	vmin.u32 v4, $0x1FC;
	v43 =	vmax.u32 v5, $0x3;
	v44 =	vmax.u32 v5, $0x2  }
0x36: {  	v45 =	vmax.u32 v5, $0x1;
	v5 =	vor.u32 v6, v5;
	v50 =	vor.u32 v6, v49  }
0x37: {  	v4 =	vor.u32 v6, v4;
	[tilespmem:s11+$0x0] =	vst v5;
	v5 =	vadd.s32 $0x1, v50  }
0x38: {  	v7 =	vsub.s32 v43, v1;
	v4 =	vadd.s32 $0x3, v4;
	[tilespmem:s11+$0x400] =	vst v5  }
0x39: {  	v8 =	vsub.s32 v44, v2;
	v7 =	vor.u32 v6, v7;
	[tilespmem:s11+$0xC00] =	vst v4  }
0x3a: {  	v47 =	vsub.s32 v45, v3;
	v46 =	vor.u32 v6, v8;
	[tilespmem:s11+$0xFFFFF400] =	vst v7  }
0x3b: {  	v52 =	vor.u32 v6, v51;
	v48 =	vor.u32 v6, v47;
	[tilespmem:s11+$0xFFFFF800] =	vst v46  }
0x3c: {  	v5 =	vadd.s32 $0x2, v52;
	[tilespmem:s11+$0xFFFFFC00] =	vst v48  }
0x3d: {  	[tilespmem:s11+$0x800] =	vst v5  }
0x3e: {  	v4 =	vld [tilespmem:s12+$0x10];
	_ =	sdelay $0x2  }
0x3f: {  	s14 =	sadd.s32 $0x30, s14  }
0x40: {  	v53 =	vmov s14  }
0x41: {  	v6 =	vshll.u32 v53, $0x9;
	vm15 =	vgt.s32 v4, $0x0  }
0x42: {  	v6 =	vor.u32 v0, v6;
	v4 =	vnsel vm15, $0x0, v4  }
0x43: {  	v5 =	vmin.u32 v4, $0x1FF;
	v60 =	vmin.u32 v4, $0x1FE;
	v62 =	vmin.u32 v4, $0x1FD  }
0x44: {  	v4 =	vmin.u32 v4, $0x1FC;
	v54 =	vmax.u32 v5, $0x3;
	v55 =	vmax.u32 v5, $0x2  }
0x45: {  	v56 =	vmax.u32 v5, $0x1;
	v5 =	vor.u32 v6, v5;
	v61 =	vor.u32 v6, v60  }
0x46: {  	s10 =	sadd.s32 $0x4, s10;
	v4 =	vor.u32 v6, v4;
	[tilespmem:s11+$0x10] =	vst v5;
	v5 =	vadd.s32 $0x1, v61  }
0x47: {  	p0 =	slt.u32 s10, $0x3C;
	v7 =	vsub.s32 v54, v1;
	v4 =	vadd.s32 $0x3, v4;
	[tilespmem:s11+$0x410] =	vst v5  }
.Ltmp0:
0x48: {  	v8 =	vsub.s32 v55, v2;
	v7 =	vor.u32 v6, v7;
	[tilespmem:s11+$0xC10] =	vst v4;
	(pc) =	sbr.rel @p0 .LBB2_2-.Ltmp0, $4  }
0x49: {  	v58 =	vsub.s32 v56, v3;
	v57 =	vor.u32 v6, v8;
	[tilespmem:s11+$0xFFFFF410] =	vst v7  }
0x4a: {  	v63 =	vor.u32 v6, v62;
	v59 =	vor.u32 v6, v58;
	[tilespmem:s11+$0xFFFFF810] =	vst v57  }
0x4b: {  	v5 =	vadd.s32 $0x2, v63;
	[tilespmem:s11+$0xFFFFFC10] =	vst v59  }
0x4c: {  	s13 =	sadd.s32 $0x40, s13;
	s12 =	sadd.s32 $0x40, s12;
	[tilespmem:s11+$0x810] =	vst v5;
	s11 =	sadd.s32 $0x40, s11  }
0x4d: {  	s10 =	simm.s32 $0x400;
	s11 =	simm.s32 $0x2000  }
0x4e: {  	[tilespmem:s11], [sflag:$0x1] =	stream.indirect.gather [hbm4b:s4+s9], $0x1, s10, s9, $0xb8;
	[tilespmem:$0x4000] =	vst v63  }
0x4f: {  	s14 =	simm.s32 $0x480;
	s15 =	simm.s32 $0x2080  }
0x50: {  	[tilespmem:s15], [sflag:$0x1] =	stream.indirect.gather [hbm4b:s4+s9], $0x1, s14, s9, $0xb8;
	[tilespmem:$0x4000] =	vst v63  }
0x51: {  	s12 =	simm.s32 $0x500;
	s13 =	simm.s32 $0x2100  }
0x52: {  	[tilespmem:s13], [sflag:$0x1] =	stream.indirect.gather [hbm4b:s4+s9], $0x1, s12, s9, $0xb8;
	[tilespmem:$0x4000] =	vst v63  }
0x53: {  	s14 =	simm.s32 $0x580;
	s15 =	simm.s32 $0x2180  }
0x54: {  	[tilespmem:s15], [sflag:$0x1] =	stream.indirect.gather [hbm4b:s4+s9], $0x1, s14, s9, $0xb8;
	[tilespmem:$0x4000] =	vst v63  }
0x55: {  	s12 =	simm.s32 $0x600;
	s13 =	simm.s32 $0x2200  }
0x56: {  	[tilespmem:s13], [sflag:$0x1] =	stream.indirect.gather [hbm4b:s4+s9], $0x1, s12, s9, $0xb8;
	[tilespmem:$0x4000] =	vst v63  }
0x57: {  	s14 =	simm.s32 $0x680;
	s15 =	simm.s32 $0x2280  }
0x58: {  	[tilespmem:s15], [sflag:$0x1] =	stream.indirect.gather [hbm4b:s4+s9], $0x1, s14, s9, $0xb8;
	[tilespmem:$0x4000] =	vst v63  }
0x59: {  	s12 =	simm.s32 $0x700;
	s13 =	simm.s32 $0x2300  }
0x5a: {  	[tilespmem:s13], [sflag:$0x1] =	stream.indirect.gather [hbm4b:s4+s9], $0x1, s12, s9, $0xb8;
	[tilespmem:$0x4000] =	vst v63  }
0x5b: {  	s14 =	simm.s32 $0x780;
	s15 =	simm.s32 $0x2380  }
0x5c: {  	[tilespmem:s15], [sflag:$0x1] =	stream.indirect.gather [hbm4b:s4+s9], $0x1, s14, s9, $0xb8;
	[tilespmem:$0x4000] =	vst v63  }
0x5d: {  	s12 =	simm.s32 $0x800;
	s13 =	simm.s32 $0x2400  }
0x5e: {  	[tilespmem:s13], [sflag:$0x1] =	stream.indirect.gather [hbm4b:s4+s9], $0x1, s12, s9, $0xb8;
	[tilespmem:$0x4000] =	vst v63  }
0x5f: {  	s14 =	simm.s32 $0x880;
	s15 =	simm.s32 $0x2480  }
0x60: {  	[tilespmem:s15], [sflag:$0x1] =	stream.indirect.gather [hbm4b:s4+s9], $0x1, s14, s9, $0xb8;
	[tilespmem:$0x4000] =	vst v63  }
0x61: {  	s12 =	simm.s32 $0x900;
	s13 =	simm.s32 $0x2500  }
0x62: {  	[tilespmem:s13], [sflag:$0x1] =	stream.indirect.gather [hbm4b:s4+s9], $0x1, s12, s9, $0xb8;
	[tilespmem:$0x4000] =	vst v63  }
0x63: {  	s14 =	simm.s32 $0x980;
	s15 =	simm.s32 $0x2580  }
0x64: {  	[tilespmem:s15], [sflag:$0x1] =	stream.indirect.gather [hbm4b:s4+s9], $0x1, s14, s9, $0xb8;
	[tilespmem:$0x4000] =	vst v63  }
0x65: {  	s12 =	simm.s32 $0xA00;
	s13 =	simm.s32 $0x2600  }
0x66: {  	[tilespmem:s13], [sflag:$0x1] =	stream.indirect.gather [hbm4b:s4+s9], $0x1, s12, s9, $0xb8;
	[tilespmem:$0x4000] =	vst v63  }
0x67: {  	s14 =	simm.s32 $0xA80;
	s15 =	simm.s32 $0x2680  }
0x68: {  	[tilespmem:s15], [sflag:$0x1] =	stream.indirect.gather [hbm4b:s4+s9], $0x1, s14, s9, $0xb8;
	[tilespmem:$0x4000] =	vst v63  }
0x69: {  	s12 =	simm.s32 $0xB00;
	s13 =	simm.s32 $0x2700  }
0x6a: {  	[tilespmem:s13], [sflag:$0x1] =	stream.indirect.gather [hbm4b:s4+s9], $0x1, s12, s9, $0xb8;
	[tilespmem:$0x4000] =	vst v63  }
0x6b: {  	s14 =	simm.s32 $0xB80;
	s15 =	simm.s32 $0x2780  }
0x6c: {  	[tilespmem:s15], [sflag:$0x1] =	stream.indirect.gather [hbm4b:s4+s9], $0x1, s14, s9, $0xb8;
	[tilespmem:$0x4000] =	vst v63  }
0x6d: {  	s12 =	simm.s32 $0xC00;
	s13 =	simm.s32 $0x2800  }
0x6e: {  	[tilespmem:s13], [sflag:$0x1] =	stream.indirect.gather [hbm4b:s4+s9], $0x1, s12, s9, $0xb8;
	[tilespmem:$0x4000] =	vst v63  }
0x6f: {  	s14 =	simm.s32 $0xC80;
	s15 =	simm.s32 $0x2880  }
0x70: {  	[tilespmem:s15], [sflag:$0x1] =	stream.indirect.gather [hbm4b:s4+s9], $0x1, s14, s9, $0xb8;
	[tilespmem:$0x4000] =	vst v63  }
0x71: {  	s12 =	simm.s32 $0xD00;
	s13 =	simm.s32 $0x2900  }
0x72: {  	[tilespmem:s13], [sflag:$0x1] =	stream.indirect.gather [hbm4b:s4+s9], $0x1, s12, s9, $0xb8;
	[tilespmem:$0x4000] =	vst v63  }
0x73: {  	s14 =	simm.s32 $0xD80;
	s15 =	simm.s32 $0x2980  }
0x74: {  	[tilespmem:s15], [sflag:$0x1] =	stream.indirect.gather [hbm4b:s4+s9], $0x1, s14, s9, $0xb8;
	[tilespmem:$0x4000] =	vst v63  }
0x75: {  	s12 =	simm.s32 $0xE00;
	s13 =	simm.s32 $0x2A00  }
0x76: {  	[tilespmem:s13], [sflag:$0x1] =	stream.indirect.gather [hbm4b:s4+s9], $0x1, s12, s9, $0xb8;
	[tilespmem:$0x4000] =	vst v63  }
0x77: {  	s14 =	simm.s32 $0xE80;
	s15 =	simm.s32 $0x2A80  }
0x78: {  	[tilespmem:s15], [sflag:$0x1] =	stream.indirect.gather [hbm4b:s4+s9], $0x1, s14, s9, $0xb8;
	[tilespmem:$0x4000] =	vst v63  }
0x79: {  	s12 =	simm.s32 $0xF00;
	s13 =	simm.s32 $0x2B00  }
0x7a: {  	[tilespmem:s13], [sflag:$0x1] =	stream.indirect.gather [hbm4b:s4+s9], $0x1, s12, s9, $0xb8;
	[tilespmem:$0x4000] =	vst v63  }
0x7b: {  	s14 =	simm.s32 $0xF80;
	s15 =	simm.s32 $0x2B80  }
0x7c: {  	[tilespmem:s15], [sflag:$0x1] =	stream.indirect.gather [hbm4b:s4+s9], $0x1, s14, s9, $0xb8;
	[tilespmem:$0x4000] =	vst v63  }
0x7d: {  	s12 =	simm.s32 $0x1000;
	s13 =	simm.s32 $0x2C00  }
0x7e: {  	[tilespmem:s13], [sflag:$0x1] =	stream.indirect.gather [hbm4b:s4+s9], $0x1, s12, s9, $0xb8;
	[tilespmem:$0x4000] =	vst v63  }
0x7f: {  	s14 =	simm.s32 $0x1080;
	s15 =	simm.s32 $0x2C80  }
0x80: {  	[tilespmem:s15], [sflag:$0x1] =	stream.indirect.gather [hbm4b:s4+s9], $0x1, s14, s9, $0xb8;
	[tilespmem:$0x4000] =	vst v63  }
0x81: {  	s12 =	simm.s32 $0x1100;
	s13 =	simm.s32 $0x2D00  }
0x82: {  	[tilespmem:s13], [sflag:$0x1] =	stream.indirect.gather [hbm4b:s4+s9], $0x1, s12, s9, $0xb8;
	[tilespmem:$0x4000] =	vst v63  }
0x83: {  	s14 =	simm.s32 $0x1180;
	s15 =	simm.s32 $0x2D80  }
0x84: {  	[tilespmem:s15], [sflag:$0x1] =	stream.indirect.gather [hbm4b:s4+s9], $0x1, s14, s9, $0xb8;
	[tilespmem:$0x4000] =	vst v63  }
0x85: {  	s12 =	simm.s32 $0x1200;
	s13 =	simm.s32 $0x2E00  }
0x86: {  	[tilespmem:s13], [sflag:$0x1] =	stream.indirect.gather [hbm4b:s4+s9], $0x1, s12, s9, $0xb8;
	[tilespmem:$0x4000] =	vst v63  }
0x87: {  	s14 =	simm.s32 $0x1280;
	s15 =	simm.s32 $0x2E80  }
0x88: {  	[tilespmem:s15], [sflag:$0x1] =	stream.indirect.gather [hbm4b:s4+s9], $0x1, s14, s9, $0xb8;
	[tilespmem:$0x4000] =	vst v63  }
0x89: {  	s12 =	simm.s32 $0x1300;
	s13 =	simm.s32 $0x2F00  }
0x8a: {  	[tilespmem:s13], [sflag:$0x1] =	stream.indirect.gather [hbm4b:s4+s9], $0x1, s12, s9, $0xb8;
	[tilespmem:$0x4000] =	vst v63  }
0x8b: {  	s14 =	simm.s32 $0x1380;
	s15 =	simm.s32 $0x2F80  }
0x8c: {  	[tilespmem:s15], [sflag:$0x1] =	stream.indirect.gather [hbm4b:s4+s9], $0x1, s14, s9, $0xb8;
	[tilespmem:$0x4000] =	vst v63  }
0x8d: {  	s12 =	simm.s32 $0x1400;
	s13 =	simm.s32 $0x3000  }
0x8e: {  	[tilespmem:s13], [sflag:$0x1] =	stream.indirect.gather [hbm4b:s4+s9], $0x1, s12, s9, $0xb8;
	[tilespmem:$0x4000] =	vst v63  }
0x8f: {  	s14 =	simm.s32 $0x1480;
	s15 =	simm.s32 $0x3080  }
0x90: {  	[tilespmem:s15], [sflag:$0x1] =	stream.indirect.gather [hbm4b:s4+s9], $0x1, s14, s9, $0xb8;
	[tilespmem:$0x4000] =	vst v63  }
0x91: {  	s12 =	simm.s32 $0x1500;
	s13 =	simm.s32 $0x3100  }
0x92: {  	[tilespmem:s13], [sflag:$0x1] =	stream.indirect.gather [hbm4b:s4+s9], $0x1, s12, s9, $0xb8;
	[tilespmem:$0x4000] =	vst v63  }
0x93: {  	s14 =	simm.s32 $0x1580;
	s15 =	simm.s32 $0x3180  }
0x94: {  	[tilespmem:s15], [sflag:$0x1] =	stream.indirect.gather [hbm4b:s4+s9], $0x1, s14, s9, $0xb8;
	[tilespmem:$0x4000] =	vst v63  }
0x95: {  	s12 =	simm.s32 $0x1600;
	s13 =	simm.s32 $0x3200  }
0x96: {  	[tilespmem:s13], [sflag:$0x1] =	stream.indirect.gather [hbm4b:s4+s9], $0x1, s12, s9, $0xb8;
	[tilespmem:$0x4000] =	vst v63  }
0x97: {  	s14 =	simm.s32 $0x1680;
	s15 =	simm.s32 $0x3280  }
0x98: {  	[tilespmem:s15], [sflag:$0x1] =	stream.indirect.gather [hbm4b:s4+s9], $0x1, s14, s9, $0xb8;
	[tilespmem:$0x4000] =	vst v63  }
0x99: {  	s12 =	simm.s32 $0x1700;
	s13 =	simm.s32 $0x3300  }
0x9a: {  	[tilespmem:s13], [sflag:$0x1] =	stream.indirect.gather [hbm4b:s4+s9], $0x1, s12, s9, $0xb8;
	[tilespmem:$0x4000] =	vst v63  }
0x9b: {  	s14 =	simm.s32 $0x1780;
	s15 =	simm.s32 $0x3380  }
0x9c: {  	[tilespmem:s15], [sflag:$0x1] =	stream.indirect.gather [hbm4b:s4+s9], $0x1, s14, s9, $0xb8;
	[tilespmem:$0x4000] =	vst v63  }
0x9d: {  	s12 =	simm.s32 $0x1800;
	s13 =	simm.s32 $0x3400  }
0x9e: {  	[tilespmem:s13], [sflag:$0x1] =	stream.indirect.gather [hbm4b:s4+s9], $0x1, s12, s9, $0xb8;
	[tilespmem:$0x4000] =	vst v63  }
0x9f: {  	s14 =	simm.s32 $0x1880;
	s15 =	simm.s32 $0x3480  }
0xa0: {  	[tilespmem:s15], [sflag:$0x1] =	stream.indirect.gather [hbm4b:s4+s9], $0x1, s14, s9, $0xb8;
	[tilespmem:$0x4000] =	vst v63  }
0xa1: {  	s12 =	simm.s32 $0x1900;
	s13 =	simm.s32 $0x3500  }
0xa2: {  	[tilespmem:s13], [sflag:$0x1] =	stream.indirect.gather [hbm4b:s4+s9], $0x1, s12, s9, $0xb8;
	[tilespmem:$0x4000] =	vst v63  }
0xa3: {  	s14 =	simm.s32 $0x1980;
	s15 =	simm.s32 $0x3580  }
0xa4: {  	[tilespmem:s15], [sflag:$0x1] =	stream.indirect.gather [hbm4b:s4+s9], $0x1, s14, s9, $0xb8;
	[tilespmem:$0x4000] =	vst v63  }
0xa5: {  	s12 =	simm.s32 $0x1A00;
	s13 =	simm.s32 $0x3600  }
0xa6: {  	[tilespmem:s13], [sflag:$0x1] =	stream.indirect.gather [hbm4b:s4+s9], $0x1, s12, s9, $0xb8;
	[tilespmem:$0x4000] =	vst v63  }
0xa7: {  	s14 =	simm.s32 $0x1A80;
	s15 =	simm.s32 $0x3680  }
0xa8: {  	[tilespmem:s15], [sflag:$0x1] =	stream.indirect.gather [hbm4b:s4+s9], $0x1, s14, s9, $0xb8;
	[tilespmem:$0x4000] =	vst v63  }
0xa9: {  	s12 =	simm.s32 $0x1B00;
	s13 =	simm.s32 $0x3700  }
0xaa: {  	[tilespmem:s13], [sflag:$0x1] =	stream.indirect.gather [hbm4b:s4+s9], $0x1, s12, s9, $0xb8;
	[tilespmem:$0x4000] =	vst v63  }
0xab: {  	s14 =	simm.s32 $0x1B80;
	s15 =	simm.s32 $0x3780  }
0xac: {  	[tilespmem:s15], [sflag:$0x1] =	stream.indirect.gather [hbm4b:s4+s9], $0x1, s14, s9, $0xb8;
	[tilespmem:$0x4000] =	vst v63  }
0xad: {  	s12 =	simm.s32 $0x1C00;
	s13 =	simm.s32 $0x3800  }
0xae: {  	[tilespmem:s13], [sflag:$0x1] =	stream.indirect.gather [hbm4b:s4+s9], $0x1, s12, s9, $0xb8;
	[tilespmem:$0x4000] =	vst v63  }
0xaf: {  	_ = 	snop  }
0xb0: {  	[tilespmem:s17], [sflag:$0x1] =	stream.indirect.gather [hbm4b:s4+s9], $0x1, s16, s9, $0xb8;
	[tilespmem:$0x4000] =	vst v63  }
0xb1: {  	_ = 	snop  }
0xb2: {  	[tilespmem:s19], [sflag:$0x1] =	stream.indirect.gather [hbm4b:s4+s9], $0x1, s18, s9, $0xb8;
	[tilespmem:$0x4000] =	vst v63  }
0xb3: {  	_ = 	snop  }
0xb4: {  	[tilespmem:s21], [sflag:$0x1] =	stream.indirect.gather [hbm4b:s4+s9], $0x1, s20, s9, $0xb8;
	[tilespmem:$0x4000] =	vst v63  }
0xb5: {  	_ = 	snop  }
0xb6: {  	[tilespmem:s23], [sflag:$0x1] =	stream.indirect.gather [hbm4b:s4+s9], $0x1, s22, s9, $0xb8;
	[tilespmem:$0x4000] =	vst v63  }
0xb7: {  	_ = 	snop  }
0xb8: {  	[tilespmem:s25], [sflag:$0x1] =	stream.indirect.gather [hbm4b:s4+s9], $0x1, s24, s9, $0xb8;
	[tilespmem:$0x4000] =	vst v63  }
0xb9: {  	_ = 	snop  }
0xba: {  	[tilespmem:s28], [sflag:$0x1] =	stream.indirect.gather [hbm4b:s4+s9], $0x1, s26, s9, $0xb8;
	[tilespmem:$0x4000] =	vst v63  }
0xbb: {  	_ = 	snop  }
0xbc: {  	[tilespmem:s30], [sflag:$0x1] =	stream.indirect.gather [hbm4b:s4+s9], $0x1, s29, s9, $0xb8;
	[tilespmem:$0x4000] =	vst v63  }
0xbd: {  	_ =	swait.ge [sflag:s31], $0x80  }
0xbe: {  	[sflag:s31] =	ssyncset.done $0x0  }
0xbf: {  	[sflag:s31] =	ssyncadd.s32 $0xFFFFFF80  }
0xc0: {  	_ =	swait.ge [sflag:s31], $0x80  }
0xc1: {  	[sflag:s31] =	ssyncset.done $0x0  }
0xc2: {  	[sflag:s31] =	ssyncadd.s32 $0xFFFFFF80  }
0xc3: {  	_ =	swait.ge [sflag:s31], $0x80  }
0xc4: {  	[sflag:s31] =	ssyncset.done $0x0  }
0xc5: {  	[sflag:s31] =	ssyncadd.s32 $0xFFFFFF80  }
0xc6: {  	_ =	swait.ge [sflag:s31], $0x80  }
0xc7: {  	[sflag:s31] =	ssyncset.done $0x0  }
0xc8: {  	[sflag:s31] =	ssyncadd.s32 $0xFFFFFF80  }
0xc9: {  	_ =	swait.ge [sflag:s31], $0x80  }
0xca: {  	[sflag:s31] =	ssyncset.done $0x0  }
0xcb: {  	[sflag:s31] =	ssyncadd.s32 $0xFFFFFF80  }
0xcc: {  	_ =	swait.ge [sflag:s31], $0x80  }
0xcd: {  	[sflag:s31] =	ssyncset.done $0x0  }
0xce: {  	[sflag:s31] =	ssyncadd.s32 $0xFFFFFF80  }
0xcf: {  	_ =	swait.ge [sflag:s31], $0x80  }
0xd0: {  	[sflag:s31] =	ssyncset.done $0x0  }
0xd1: {  	[sflag:s31] =	ssyncadd.s32 $0xFFFFFF80  }
0xd2: {  	_ =	swait.ge [sflag:s31], $0x80  }
0xd3: {  	[sflag:s31] =	ssyncset.done $0x0  }
0xd4: {  	[sflag:s31] =	ssyncadd.s32 $0xFFFFFF80  }
0xd5: {  	_ =	swait.ge [sflag:s31], $0x80  }
0xd6: {  	[sflag:s31] =	ssyncset.done $0x0  }
0xd7: {  	[sflag:s31] =	ssyncadd.s32 $0xFFFFFF80  }
0xd8: {  	_ =	swait.ge [sflag:s31], $0x80  }
0xd9: {  	[sflag:s31] =	ssyncset.done $0x0  }
0xda: {  	[sflag:s31] =	ssyncadd.s32 $0xFFFFFF80  }
0xdb: {  	_ =	swait.ge [sflag:s31], $0x80  }
0xdc: {  	[sflag:s31] =	ssyncset.done $0x0  }
0xdd: {  	[sflag:s31] =	ssyncadd.s32 $0xFFFFFF80  }
0xde: {  	_ =	swait.ge [sflag:s31], $0x80  }
0xdf: {  	[sflag:s31] =	ssyncset.done $0x0  }
0xe0: {  	[sflag:s31] =	ssyncadd.s32 $0xFFFFFF80  }
0xe1: {  	_ =	swait.ge [sflag:s31], $0x80  }
0xe2: {  	[sflag:s31] =	ssyncset.done $0x0  }
0xe3: {  	[sflag:s31] =	ssyncadd.s32 $0xFFFFFF80  }
0xe4: {  	_ =	swait.ge [sflag:s31], $0x80  }
0xe5: {  	[sflag:s31] =	ssyncset.done $0x0  }
0xe6: {  	[sflag:s31] =	ssyncadd.s32 $0xFFFFFF80  }
0xe7: {  	_ =	swait.ge [sflag:s31], $0x80  }
0xe8: {  	[sflag:s31] =	ssyncset.done $0x0  }
0xe9: {  	[sflag:s31] =	ssyncadd.s32 $0xFFFFFF80  }
0xea: {  	_ =	swait.ge [sflag:s31], $0x80  }
0xeb: {  	[sflag:s31] =	ssyncset.done $0x0  }
0xec: {  	[sflag:s31] =	ssyncadd.s32 $0xFFFFFF80  }
0xed: {  	_ =	swait.ge [sflag:s31], $0x80  }
0xee: {  	[sflag:s31] =	ssyncset.done $0x0  }
0xef: {  	[sflag:s31] =	ssyncadd.s32 $0xFFFFFF80  }
0xf0: {  	_ =	swait.ge [sflag:s31], $0x80  }
0xf1: {  	[sflag:s31] =	ssyncset.done $0x0  }
0xf2: {  	[sflag:s31] =	ssyncadd.s32 $0xFFFFFF80  }
0xf3: {  	_ =	swait.ge [sflag:s31], $0x80  }
0xf4: {  	[sflag:s31] =	ssyncset.done $0x0  }
0xf5: {  	[sflag:s31] =	ssyncadd.s32 $0xFFFFFF80  }
0xf6: {  	_ =	swait.ge [sflag:s31], $0x80  }
0xf7: {  	[sflag:s31] =	ssyncset.done $0x0  }
0xf8: {  	[sflag:s31] =	ssyncadd.s32 $0xFFFFFF80  }
0xf9: {  	_ =	swait.ge [sflag:s31], $0x80  }
0xfa: {  	[sflag:s31] =	ssyncset.done $0x0  }
0xfb: {  	[sflag:s31] =	ssyncadd.s32 $0xFFFFFF80  }
0xfc: {  	_ =	swait.ge [sflag:s31], $0x80  }
0xfd: {  	[sflag:s31] =	ssyncset.done $0x0  }
0xfe: {  	[sflag:s31] =	ssyncadd.s32 $0xFFFFFF80  }
0xff: {  	_ =	swait.ge [sflag:s31], $0x80  }
0x100: {  	[sflag:s31] =	ssyncset.done $0x0  }
0x101: {  	[sflag:s31] =	ssyncadd.s32 $0xFFFFFF80  }
0x102: {  	_ =	swait.ge [sflag:s31], $0x80  }
0x103: {  	[sflag:s31] =	ssyncset.done $0x0  }
0x104: {  	[sflag:s31] =	ssyncadd.s32 $0xFFFFFF80  }
0x105: {  	_ =	swait.ge [sflag:s31], $0x80  }
0x106: {  	[sflag:s31] =	ssyncset.done $0x0  }
0x107: {  	[sflag:s31] =	ssyncadd.s32 $0xFFFFFF80  }
0x108: {  	_ =	swait.ge [sflag:s31], $0x80  }
0x109: {  	[sflag:s31] =	ssyncset.done $0x0  }
0x10a: {  	[sflag:s31] =	ssyncadd.s32 $0xFFFFFF80  }
0x10b: {  	_ =	swait.ge [sflag:s31], $0x80  }
0x10c: {  	[sflag:s31] =	ssyncset.done $0x0  }
0x10d: {  	[sflag:s31] =	ssyncadd.s32 $0xFFFFFF80  }
0x10e: {  	_ =	swait.ge [sflag:s31], $0x80  }
0x10f: {  	[sflag:s31] =	ssyncset.done $0x0  }
0x110: {  	[sflag:s31] =	ssyncadd.s32 $0xFFFFFF80  }
0x111: {  	_ =	swait.ge [sflag:s31], $0x80  }
0x112: {  	[sflag:s31] =	ssyncset.done $0x0  }
0x113: {  	[sflag:s31] =	ssyncadd.s32 $0xFFFFFF80  }
0x114: {  	_ =	swait.ge [sflag:s31], $0x80  }
0x115: {  	[sflag:s31] =	ssyncset.done $0x0  }
0x116: {  	[sflag:s31] =	ssyncadd.s32 $0xFFFFFF80  }
0x117: {  	_ =	swait.ge [sflag:s31], $0x80  }
0x118: {  	[sflag:s31] =	ssyncset.done $0x0  }
0x119: {  	[sflag:s31] =	ssyncadd.s32 $0xFFFFFF80  }
0x11a: {  	_ =	swait.ge [sflag:s31], $0x80  }
0x11b: {  	[sflag:s31] =	ssyncset.done $0x0  }
0x11c: {  	[sflag:s31] =	ssyncadd.s32 $0xFFFFFF80  }
0x11d: {  	_ =	swait.ge [sflag:s31], $0x80  }
0x11e: {  	[sflag:s31] =	ssyncset.done $0x0  }
0x11f: {  	[sflag:s31] =	ssyncadd.s32 $0xFFFFFF80  }
0x120: {  	_ =	swait.ge [sflag:s31], $0x80  }
0x121: {  	[sflag:s31] =	ssyncset.done $0x0  }
0x122: {  	[sflag:s31] =	ssyncadd.s32 $0xFFFFFF80  }
0x123: {  	_ =	swait.ge [sflag:s31], $0x80  }
0x124: {  	[sflag:s31] =	ssyncset.done $0x0  }
0x125: {  	[sflag:s31] =	ssyncadd.s32 $0xFFFFFF80  }
0x126: {  	_ =	swait.ge [sflag:s31], $0x80  }
0x127: {  	[sflag:s31] =	ssyncset.done $0x0  }
0x128: {  	[sflag:s31] =	ssyncadd.s32 $0xFFFFFF80  }
0x129: {  	_ =	swait.ge [sflag:s31], $0x80  }
0x12a: {  	[sflag:s31] =	ssyncset.done $0x0  }
0x12b: {  	[sflag:s31] =	ssyncadd.s32 $0xFFFFFF80  }
0x12c: {  	_ =	swait.ge [sflag:s31], $0x80  }
0x12d: {  	[sflag:s31] =	ssyncset.done $0x0  }
0x12e: {  	[sflag:s31] =	ssyncadd.s32 $0xFFFFFF80  }
0x12f: {  	_ =	swait.ge [sflag:s31], $0x80  }
0x130: {  	[sflag:s31] =	ssyncset.done $0x0  }
0x131: {  	[sflag:s31] =	ssyncadd.s32 $0xFFFFFF80  }
0x132: {  	_ =	swait.ge [sflag:s31], $0x80  }
0x133: {  	[sflag:s31] =	ssyncset.done $0x0  }
0x134: {  	[sflag:s31] =	ssyncadd.s32 $0xFFFFFF80  }
0x135: {  	_ =	swait.ge [sflag:s31], $0x80  }
0x136: {  	[sflag:s31] =	ssyncset.done $0x0  }
0x137: {  	[sflag:s31] =	ssyncadd.s32 $0xFFFFFF80  }
0x138: {  	_ =	swait.ge [sflag:s31], $0x80  }
0x139: {  	[sflag:s31] =	ssyncset.done $0x0  }
0x13a: {  	[sflag:s31] =	ssyncadd.s32 $0xFFFFFF80  }
0x13b: {  	_ =	swait.ge [sflag:s31], $0x80  }
0x13c: {  	[sflag:s31] =	ssyncset.done $0x0  }
0x13d: {  	[sflag:s31] =	ssyncadd.s32 $0xFFFFFF80  }
0x13e: {  	_ =	swait.ge [sflag:s31], $0x80  }
0x13f: {  	[sflag:s31] =	ssyncset.done $0x0  }
0x140: {  	[sflag:s31] =	ssyncadd.s32 $0xFFFFFF80  }
0x141: {  	_ =	swait.ge [sflag:s31], $0x80  }
0x142: {  	[sflag:s31] =	ssyncset.done $0x0  }
0x143: {  	[sflag:s31] =	ssyncadd.s32 $0xFFFFFF80  }
0x144: {  	_ =	swait.ge [sflag:s31], $0x80  }
0x145: {  	[sflag:s31] =	ssyncset.done $0x0  }
0x146: {  	[sflag:s31] =	ssyncadd.s32 $0xFFFFFF80  }
0x147: {  	_ =	swait.ge [sflag:s31], $0x80  }
0x148: {  	[sflag:s31] =	ssyncset.done $0x0  }
0x149: {  	[sflag:s31] =	ssyncadd.s32 $0xFFFFFF80  }
0x14a: {  	_ =	swait.ge [sflag:s31], $0x80  }
0x14b: {  	[sflag:s31] =	ssyncset.done $0x0  }
0x14c: {  	[sflag:s31] =	ssyncadd.s32 $0xFFFFFF80  }
0x14d: {  	_ =	swait.ge [sflag:s31], $0x80  }
0x14e: {  	[sflag:s31] =	ssyncset.done $0x0  }
0x14f: {  	[sflag:s31] =	ssyncadd.s32 $0xFFFFFF80  }
0x150: {  	_ =	swait.ge [sflag:s31], $0x80  }
0x151: {  	[sflag:s31] =	ssyncset.done $0x0  }
0x152: {  	[sflag:s31] =	ssyncadd.s32 $0xFFFFFF80  }
0x153: {  	_ =	swait.ge [sflag:s31], $0x80  }
0x154: {  	[sflag:s31] =	ssyncset.done $0x0  }
0x155: {  	[sflag:s31] =	ssyncadd.s32 $0xFFFFFF80  }
0x156: {  	_ =	swait.ge [sflag:s31], $0x80  }
0x157: {  	[sflag:s31] =	ssyncset.done $0x0  }
0x158: {  	[sflag:s31] =	ssyncadd.s32 $0xFFFFFF80  }
0x159: {  	_ =	swait.ge [sflag:s31], $0x80  }
0x15a: {  	[sflag:s31] =	ssyncset.done $0x0  }
0x15b: {  	[sflag:s31] =	ssyncadd.s32 $0xFFFFFF80  }
0x15c: {  	_ =	swait.ge [sflag:s31], $0x80  }
0x15d: {  	[sflag:s31] =	ssyncset.done $0x0  }
0x15e: {  	[sflag:s31] =	ssyncadd.s32 $0xFFFFFF80  }
0x15f: {  	_ =	swait.ge [sflag:s31], $0x80  }
0x160: {  	[sflag:s31] =	ssyncset.done $0x0  }
0x161: {  	[sflag:s31] =	ssyncadd.s32 $0xFFFFFF80  }
0x162: {  	_ =	swait.ge [sflag:s31], $0x80  }
0x163: {  	[sflag:s31] =	ssyncset.done $0x0  }
0x164: {  	s14 =	simm.s32 $0x2C20;
	[sflag:s31] =	ssyncadd.s32 $0xFFFFFF80  }
0x165: {  	s15 =	simm.s32 $0x0;
	v4 =	vld [tilespmem:s14+$0xFFFFF3E0]  }
0x166: {  	s10 =	sand.u32 $0x3C0, s15  }
0x167: {  	v5 =	vld [tilespmem:s10+$0x2400];
	_ =	sdelay $0x1  }
0x168: {  	v6 =	vld [tilespmem:s10+$0x2800]  }
0x169: {  	v4 =	vmul.f32 $2.478752290e-03, v4;
	_ =	sdelay $0x1  }
0x16a: {  	v7 =	vld [tilespmem:s10+$0x2C00];
	v5 =	vmul.f32 $1.831563930e-02, v5;
	v4 =	vadd.f32 $0.0e+00, v4  }
0x16b: {  	v8 =	vld [tilespmem:s10+$0x3000]  }
0x16c: {  	v4 =	vadd.f32 v5, v4;
	v5 =	vmul.f32 $1.353352810e-01, v6  }
0x16d: {  	v48 =	vld [tilespmem:s10+$0x3400]  }
0x16e: {  	v4 =	vadd.f32 v5, v4  }
0x16f: {  	v5 =	vld [tilespmem:s10+$0x3800]  }
0x170: {  	v49 =	vmul.f32 $1.353352810e-01, v8;
	v4 =	vadd.f32 v4, v7;
	_ =	sdelay $0x1  }
0x171: {  	v6 =	vmul.f32 $1.831563930e-02, v48;
	v4 =	vadd.f32 v49, v4;
	_ =	sdelay $0x1  }
0x172: {  	v5 =	vmul.f32 $2.478752290e-03, v5;
	v4 =	vadd.f32 v6, v4;
	_ =	sdelay $0x1  }
0x173: {  	v4 =	vadd.f32 v5, v4  }
0x174: {  	s10 =	simm.s32 $0x3C20  }
0x175: {  	[tilespmem:s10+$0xFFFFFFE0] =	vst v4  }
0x176: {  	v4 =	vld [tilespmem:s14+$0xFFFFF3F0];
	_ =	sdelay $0x1  }
0x177: {  	v5 =	vld [tilespmem:s14+$0xFFFFF7F0];
	_ =	sdelay $0x1  }
0x178: {  	v50 =	vld [tilespmem:s14+$0xFFFFFBF0]  }
0x179: {  	v4 =	vmul.f32 $2.478752290e-03, v4;
	_ =	sdelay $0x1  }
0x17a: {  	v51 =	vld [tilespmem:s14+$0xFFFFFFF0];
	v5 =	vmul.f32 $1.831563930e-02, v5;
	v4 =	vadd.f32 $0.0e+00, v4  }
0x17b: {  	v52 =	vld [tilespmem:s14+$0x3F0]  }
0x17c: {  	v4 =	vadd.f32 v5, v4;
	v5 =	vmul.f32 $1.353352810e-01, v50  }
0x17d: {  	v53 =	vld [tilespmem:s14+$0x7F0]  }
0x17e: {  	v4 =	vadd.f32 v5, v4  }
0x17f: {  	v5 =	vld [tilespmem:s14+$0xBF0]  }
0x180: {  	v54 =	vmul.f32 $1.353352810e-01, v52;
	v4 =	vadd.f32 v4, v51;
	_ =	sdelay $0x1  }
0x181: {  	v6 =	vmul.f32 $1.831563930e-02, v53;
	v4 =	vadd.f32 v54, v4;
	_ =	sdelay $0x1  }
0x182: {  	v5 =	vmul.f32 $2.478752290e-03, v5;
	v4 =	vadd.f32 v6, v4;
	_ =	sdelay $0x1  }
0x183: {  	v4 =	vadd.f32 v5, v4;
	_ =	sdelay $0x1  }
0x184: {  	[tilespmem:s10+$0xFFFFFFF0] =	vst v4  }
0x185: {  	v4 =	vld [tilespmem:s14+$0xFFFFF400];
	_ =	sdelay $0x1  }
0x186: {  	v5 =	vld [tilespmem:s14+$0xFFFFF800];
	_ =	sdelay $0x1  }
0x187: {  	v55 =	vld [tilespmem:s14+$0xFFFFFC00]  }
0x188: {  	v4 =	vmul.f32 $2.478752290e-03, v4;
	_ =	sdelay $0x1  }
0x189: {  	v56 =	vld [tilespmem:s14+$0x400];
	v5 =	vmul.f32 $1.831563930e-02, v5;
	v4 =	vadd.f32 $0.0e+00, v4  }
0x18a: {  	v57 =	vld [tilespmem:s14+$0x0]  }
0x18b: {  	v4 =	vadd.f32 v5, v4;
	v5 =	vmul.f32 $1.353352810e-01, v55  }
0x18c: {  	v58 =	vld [tilespmem:s14+$0x800]  }
0x18d: {  	v4 =	vadd.f32 v5, v4  }
0x18e: {  	v5 =	vld [tilespmem:s14+$0xC00]  }
0x18f: {  	v7 =	vmul.f32 $1.353352810e-01, v56;
	v4 =	vadd.f32 v4, v57;
	_ =	sdelay $0x1  }
0x190: {  	v6 =	vmul.f32 $1.831563930e-02, v58;
	v4 =	vadd.f32 v7, v4;
	_ =	sdelay $0x1  }
0x191: {  	v5 =	vmul.f32 $2.478752290e-03, v5;
	v4 =	vadd.f32 v6, v4;
	_ =	sdelay $0x1  }
0x192: {  	v4 =	vadd.f32 v5, v4;
	_ =	sdelay $0x1  }
0x193: {  	[tilespmem:s10+$0x0] =	vst v4  }
0x194: {  	v4 =	vld [tilespmem:s14+$0xFFFFF410];
	_ =	sdelay $0x1  }
0x195: {  	v5 =	vld [tilespmem:s14+$0xFFFFF810];
	_ =	sdelay $0x1  }
0x196: {  	v59 =	vld [tilespmem:s14+$0xFFFFFC10]  }
0x197: {  	v4 =	vmul.f32 $2.478752290e-03, v4;
	_ =	sdelay $0x1  }
0x198: {  	v60 =	vld [tilespmem:s14+$0x10];
	v5 =	vmul.f32 $1.831563930e-02, v5;
	v4 =	vadd.f32 $0.0e+00, v4  }
0x199: {  	v61 =	vld [tilespmem:s14+$0x410]  }
0x19a: {  	v4 =	vadd.f32 v5, v4;
	v5 =	vmul.f32 $1.353352810e-01, v59  }
0x19b: {  	v62 =	vld [tilespmem:s14+$0x810]  }
0x19c: {  	v4 =	vadd.f32 v5, v4  }
0x19d: {  	v5 =	vld [tilespmem:s14+$0xC10]  }
0x19e: {  	v63 =	vmul.f32 $1.353352810e-01, v61;
	v4 =	vadd.f32 v4, v60;
	_ =	sdelay $0x1  }
0x19f: {  	v6 =	vmul.f32 $1.831563930e-02, v62;
	v4 =	vadd.f32 v63, v4;
	_ =	sdelay $0x1  }
0x1a0: {  	v5 =	vmul.f32 $2.478752290e-03, v5;
	v4 =	vadd.f32 v6, v4;
	_ =	sdelay $0x1  }
0x1a1: {  	v4 =	vadd.f32 v5, v4;
	_ =	sdelay $0x1  }
0x1a2: {  	s11 =	simm.s32 $0x0;
	s12 =	simm.s32 $0x2C60;
	s13 =	simm.s32 $0x40;
	[tilespmem:s10+$0x10] =	vst v4  }
.LBB2_4:
0x1a3: {  	v4 =	vld [tilespmem:s12+$0xFFFFF3E0];
	s14 =	sand.u32 $0x3C0, s13;
	s11 =	sadd.s32 $0x4, s11  }
0x1a4: {  	v5 =	vld [tilespmem:s14+$0x2400];
	p0 =	slt.u32 s11, $0x3C  }
0x1a5: {  	v6 =	vld [tilespmem:s14+$0x2800]  }
0x1a6: {  	v7 =	vld [tilespmem:s14+$0x2C00]  }
0x1a7: {  	v8 =	vld [tilespmem:s14+$0x3000]  }
0x1a8: {  	v4 =	vmul.f32 $2.478752290e-03, v4;
	v9 =	vld [tilespmem:s14+$0x3800]  }
0x1a9: {  	v10 =	vld [tilespmem:s14+$0x3400]  }
0x1aa: {  	v5 =	vmul.f32 $1.831563930e-02, v5;
	v4 =	vadd.f32 $0.0e+00, v4;
	_ =	sdelay $0x1  }
0x1ab: {  	v4 =	vadd.f32 v5, v4;
	v5 =	vmul.f32 $1.353352810e-01, v6;
	_ =	sdelay $0x1  }
0x1ac: {  	v4 =	vadd.f32 v5, v4;
	_ =	sdelay $0x1  }
0x1ad: {  	v5 =	vmul.f32 $1.353352810e-01, v8;
	v4 =	vadd.f32 v4, v7;
	_ =	sdelay $0x1  }
0x1ae: {  	v4 =	vadd.f32 v5, v4;
	v5 =	vmul.f32 $1.831563930e-02, v10;
	_ =	sdelay $0x1  }
0x1af: {  	v4 =	vadd.f32 v5, v4;
	v5 =	vmul.f32 $2.478752290e-03, v9;
	_ =	sdelay $0x1  }
0x1b0: {  	v4 =	vadd.f32 v5, v4  }
0x1b1: {  	s10 =	sadd.s32 $0x40, s10  }
0x1b2: {  	[tilespmem:s10+$0xFFFFFFE0] =	vst v4  }
0x1b3: {  	v4 =	vld [tilespmem:s12+$0xFFFFF3F0];
	_ =	sdelay $0x1  }
0x1b4: {  	v5 =	vld [tilespmem:s12+$0xFFFFF7F0];
	_ =	sdelay $0x1  }
0x1b5: {  	v6 =	vld [tilespmem:s12+$0xFFFFFBF0]  }
0x1b6: {  	v4 =	vmul.f32 $2.478752290e-03, v4;
	_ =	sdelay $0x1  }
0x1b7: {  	v4 =	vadd.f32 $0.0e+00, v4;
	v5 =	vmul.f32 $1.831563930e-02, v5;
	v7 =	vld [tilespmem:s12+$0xFFFFFFF0]  }
0x1b8: {  	v8 =	vld [tilespmem:s12+$0x3F0]  }
0x1b9: {  	v4 =	vadd.f32 v5, v4;
	v5 =	vmul.f32 $1.353352810e-01, v6  }
0x1ba: {  	v6 =	vld [tilespmem:s12+$0x7F0]  }
0x1bb: {  	v4 =	vadd.f32 v5, v4  }
0x1bc: {  	v5 =	vld [tilespmem:s12+$0xBF0]  }
0x1bd: {  	v4 =	vadd.f32 v4, v7;
	v7 =	vmul.f32 $1.353352810e-01, v8;
	_ =	sdelay $0x1  }
0x1be: {  	v4 =	vadd.f32 v7, v4;
	v6 =	vmul.f32 $1.831563930e-02, v6;
	_ =	sdelay $0x1  }
0x1bf: {  	v4 =	vadd.f32 v6, v4;
	v5 =	vmul.f32 $2.478752290e-03, v5;
	_ =	sdelay $0x1  }
0x1c0: {  	v4 =	vadd.f32 v5, v4;
	_ =	sdelay $0x1  }
0x1c1: {  	[tilespmem:s10+$0xFFFFFFF0] =	vst v4  }
0x1c2: {  	v4 =	vld [tilespmem:s12+$0xFFFFF400]  }
0x1c3: {  	v5 =	vld [tilespmem:s12+$0xFFFFF800]  }
0x1c4: {  	v6 =	vld [tilespmem:s12+$0xFFFFFC00]  }
0x1c5: {  	v7 =	vld [tilespmem:s12+$0x400]  }
0x1c6: {  	v8 =	vld [tilespmem:s12+$0x0]  }
0x1c7: {  	v4 =	vmul.f32 $2.478752290e-03, v4;
	v9 =	vld [tilespmem:s12+$0x800]  }
0x1c8: {  	v10 =	vld [tilespmem:s12+$0xC00]  }
0x1c9: {  	v5 =	vmul.f32 $1.831563930e-02, v5;
	v4 =	vadd.f32 $0.0e+00, v4;
	_ =	sdelay $0x1  }
0x1ca: {  	v4 =	vadd.f32 v5, v4;
	v5 =	vmul.f32 $1.353352810e-01, v6;
	_ =	sdelay $0x1  }
0x1cb: {  	v4 =	vadd.f32 v5, v4;
	_ =	sdelay $0x1  }
0x1cc: {  	v5 =	vmul.f32 $1.353352810e-01, v7;
	v4 =	vadd.f32 v4, v8;
	_ =	sdelay $0x1  }
0x1cd: {  	v4 =	vadd.f32 v5, v4;
	v5 =	vmul.f32 $1.831563930e-02, v9;
	_ =	sdelay $0x1  }
0x1ce: {  	v4 =	vadd.f32 v5, v4;
	v5 =	vmul.f32 $2.478752290e-03, v10;
	_ =	sdelay $0x1  }
0x1cf: {  	v4 =	vadd.f32 v5, v4;
	_ =	sdelay $0x1  }
0x1d0: {  	[tilespmem:s10+$0x0] =	vst v4  }
0x1d1: {  	v4 =	vld [tilespmem:s12+$0xFFFFF410]  }
0x1d2: {  	v5 =	vld [tilespmem:s12+$0xFFFFF810]  }
0x1d3: {  	v6 =	vld [tilespmem:s12+$0xFFFFFC10]  }
0x1d4: {  	v7 =	vld [tilespmem:s12+$0x10]  }
0x1d5: {  	v8 =	vld [tilespmem:s12+$0x410]  }
0x1d6: {  	v4 =	vmul.f32 $2.478752290e-03, v4;
	v9 =	vld [tilespmem:s12+$0x810]  }
0x1d7: {  	v10 =	vld [tilespmem:s12+$0xC10]  }
0x1d8: {  	v5 =	vmul.f32 $1.831563930e-02, v5;
	v4 =	vadd.f32 $0.0e+00, v4;
	_ =	sdelay $0x1  }
0x1d9: {  	v4 =	vadd.f32 v5, v4;
	v5 =	vmul.f32 $1.353352810e-01, v6;
	_ =	sdelay $0x1  }
0x1da: {  	v4 =	vadd.f32 v5, v4;
	_ =	sdelay $0x1  }
0x1db: {  	v5 =	vmul.f32 $1.353352810e-01, v8;
	v4 =	vadd.f32 v4, v7;
	_ =	sdelay $0x1  }
0x1dc: {  	v4 =	vadd.f32 v5, v4;
	v5 =	vmul.f32 $1.831563930e-02, v9;
	_ =	sdelay $0x1  }
.Ltmp1:
0x1dd: {  	v4 =	vadd.f32 v5, v4;
	v5 =	vmul.f32 $2.478752290e-03, v10;
	(pc) =	sbr.rel @p0 .LBB2_4-.Ltmp1, $3  }
0x1de: {  	_ = 	snop  }
0x1df: {  	v4 =	vadd.f32 v5, v4;
	_ =	sdelay $0x1  }
0x1e0: {  	s13 =	sadd.s32 $0x40, s13;
	s12 =	sadd.s32 $0x40, s12;
	[tilespmem:s10+$0x10] =	vst v4  }
0x1e1: {  	s1 =	sadd.s32 $0x1, s1  }
0x1e2: {  	p0 =	sne.s32 s1, s7  }
.Ltmp2:
0x1e3: {  	_ = 	snop;
	(pc) =	sbr.rel @p0 .LBB2_1-.Ltmp2, $4  }
0x1e4: {  	[hbm4b:s6+s2] =	stream.linear.scatter [tilespmem:s0], [sflag:$0x2], $0x400, $0x38;
	[tilespmem:$0x4000] =	vst v63  }
0x1e5: {  	_ =	swait.ge [sflag:s8], $0x400  }
0x1e6: {  	[sflag:s8] =	ssyncset.done $0x0  }
0x1e7: {  	[sflag:s8] =	ssyncadd.s32 $0xFFFFFC00  }
0x1e8: {  	_ =	sfence.sel $0x180000  }
0x1e9: {  	[bflag:$0x0] =	sbarrier.arrive $0xFFFF  }
0x1ea: {  	_ =	strace $0x9000004A  }
0x1eb: {  	s0 =	stileid.u32;
	[bflag:$0x2] =	sbarrier.arrive $0xFFFF  }
0x1ec: {  	p0 =	sne.s32 s0, $0x0;
	s0 =	rddreg [dreg:$0x1]  }
0x1ed: {  	s0 =	sadd.s32 @!p0 $0x100000, s0  }
0x1ee: {  	[sflag:s0] =	ssyncadd.tile.s32 @!p0 $0x1;
	_ =	shalt  }
.Lfunc_end2:
_tile_overlayer_lowered:
.L_overlay_start_2:
0x1ef: {  	(tag) =	ssettag $0x2  }
0x1f0: {  	s0 =	rddreg [dreg:$0x0];
	s2 =	stileid.u32  }
0x1f1: {  	s1 =	rddreg [dreg:$0x1];
	p0 =	sne.s32 s2, $0x0  }
0x1f2: {  	s3 =	rddreg [dreg:$0x2];
	[bflag:$0x3] =	sbarrier.arrive $0xFFFF;
	s2 =	simm.s32 @!p0 $0x1C02  }
0x1f3: {  	[timem:s3], [sflag:s2] =	dma.local @!p0 [hbm:s0], s1  }
0x1f4: {  	s0 =	simm.s32 @!p0 $0x2  }
0x1f5: {  	_ =	swait.ge @!p0 [sflag:s0], s1  }
0x1f6: {  	s1 =	ssub.s32 @!p0 $0x0, s1;
	[sflag:s0] =	ssyncset.done @!p0 $0x0  }
0x1f7: {  	[sflag:s0] =	ssyncadd.s32 @!p0 s1  }
0x1f8: {  	[bflag:$0x3] =	sbarrier.arrive $0xFFFF  }
0x1f9: {  	_ =	shalt  }

// kernel: sparse-core-data-format-call.cloned.1.call-start
scs
called_computation_lowered:
.L_overlay_start_0:
0x0: {  	s2 =	sld [smem:$0x3FD9]  }
0x1: {  	s3 =	sld [smem:$0x3FFE];
	_ =	sdelay $0x1  }
0x2: {  	s1 =	srdreg.scid  }
0x3: {  	s0 =	sand.u32 $0x1, s1  }
0x4: {  	s18 =	sshll.u32 s0, $0xA;
	s2 =	sadd.s32 s3, s2  }
0x5: {  	s2 =	sadd.s32 s2, s18  }
0x6: {  	[smem:$0x3FC3] =	sst s2  }
0x7: {  	_ = 	snop  }
0x8: {  	s2 =	sld [smem:$0x3FC8];
	(tm) =	ssettm $0x1  }
0x9: {  	s19 =	sld [smem:$0x3FFB];
	_ =	sdelay $0x3  }
0xa: {  	_ =	strace s19  }
0xb: {  	s3 =	sld [smem:$0x3FFC];
	_ =	sdelay $0x3  }
0xc: {  	_ =	strace s3  }
0xd: {  	s3 =	sld [smem:$0x3FFD];
	_ =	sdelay $0x3  }
0xe: {  	_ =	strace s3  }
0xf: {  	_ =	strace $0x8FFFFFFF  }
0x10: {  	s20 =	sld [smem:$0x3FDB];
	_ =	sdelay $0x1  }
0x11: {  	s4 =	simm.s32 $_scs_section_size  }
0x12: {  	s5 =	simm.s32 $_size__tile_overlayer_lowered;
	s6 =	simm.s32 $_tile_overlayer_lowered  }
0x13: {  	s23 =	simm.s32 $0x1BFF;
	s22 =	sshll.u32 s6, $0x1;
	s3 =	sadd.s32 s4, s20  }
0x14: {  	s7 =	simm.s32 $0x0;
	s21 =	sshll.u32 s5, $0x1;
	s5 =	sadd.s32 s22, s3  }
0x15: {  	[timem:s7], [sflag:s23] =	dma.local [hbm:s5], s21  }
0x16: {  	_ =	swait.ge [sflag:s23], s21  }
0x17: {  	s4 =	ssub.s32 $0x0, s21;
	[sflag:s23] =	ssyncset.done $0x0  }
0x18: {  	[sflag:s23] =	ssyncadd.s32 s4;
	_ =	sdelay $0x1  }
0x19: {  	s24 =	simm.s32 $0x1B8B  }
0x1a: {  	_ =	swait.ge [sflag:s24], $0x1  }
0x1b: {  	[sflag:s24] =	ssyncset.done $0x0  }
0x1c: {  	s26 =	simm.s32 $0x1B8E;
	s25 =	sld [smem:$0x3FFE];
	[sflag:s24] =	ssyncadd.s32 $0xFFFFFFFF  }
0x1d: {  	s27 =	simm.s32 $execute0_lowered;
	[smem:$0x3FD2] =	sst s26  }
0x1e: {  	s5 =	sshll.u32 s27, $0x1;
	_ =	strace $0x80000046;
	[dreg:$0x1] =	wrdreg $0xFFFFFFFF  }
0x1f: {  	s28 =	simm.s32 $_size_execute0_lowered;
	s3 =	sadd.s32 s3, s5;
	[dreg:$0x0] =	wrdreg $0x0  }
0x20: {  	s5 =	sshll.u32 s28, $0x1;
	[dreg:$0x2] =	wrdreg s3  }
0x21: {  	[dreg:$0x3] =	wrdreg s5  }
0x22: {  	[dreg:$0x4] =	wrdreg $0xC0  }
0x23: {  	_ =	task [dreg:s7], $0x5FFFF  }
0x24: {  	[dreg:$0x1] =	wrdreg $0xFFFFFFFF  }
0x25: {  	[dreg:$0x0] =	wrdreg $0x60  }
0x26: {  	[dreg:$0x2] =	wrdreg s2  }
0x27: {  	[dreg:$0x3] =	wrdreg s25  }
0x28: {  	[dreg:$0x4] =	wrdreg $0x9  }
0x29: {  	_ =	task.clear_ibuf [dreg:s7], $0x5FFFF;
	_ =	strace $0x90000046  }
0x2a: {  	s29 =	simm.s32 $0x9;
	_ =	strace $0x80000048  }
0x2b: {  	_ =	swait.ge [sflag:s29], $0x1  }
0x2c: {  	[sflag:s29] =	ssyncadd.s32 $0xFFFFFFFF  }
0x2d: {  	_ =	strace $0x90000048  }
0x2e: {  	_ =	sfence  }
0x2f: {  	s30 =	sld [smem:$0x0];
	_ =	sdelay $0x2  }
0x30: {  	s31 =	sshll.u32 s1, $0xD;
	s1 =	sshrl.u32 s1, $0x2  }
0x31: {  	s3 =	sand.u32 $0x4000, s31;
	s1 =	sadd.s32 s1, s30  }
0x32: {  	s0 =	sor.u32 s3, s0;
	s1 =	sshll.u32 s1, $0x11  }
0x33: {  	s0 =	sor.u32 s1, s0  }
0x34: {  	s0 =	sadd.s32 $0x8F2B, s0  }
0x35: {  	[sflag:s0] =	ssyncadd.remote.s32 $0x1  }
0x36: {  	_ =	sfence.sel $0xFFFF  }
0x37: {  	[dreg:$0x0] =	wrdreg $0xFFFFFFFF;
	(pc) =	sbr.abs _section_cstart, $3  }
0x38: {  	[dreg:$0x1] =	wrdreg $0xFFFFFFFF  }
0x39: {  	_ =	task.clear_ibuf [dreg:s7], $0x2FFFF;
	_ =	strace $0x9FFFFFFF  }
0x3a: {  	(tm) =	ssettm $0x7FFFFFFF  }
0x3b: {  	_ =	shalt  }
tec
execute0_lowered:
.L_overlay_start_1:
0x0: {  	(tag) =	ssettag $0x1  }
0x1: {  	s0 =	srdreg.scid  }
0x2: {  	s1 =	sshll.u32 s0, $0x4  }
0x3: {  	s2 =	rddreg [dreg:$0x0];
	s0 =	stileid.u32;
	s1 =	sand.u32 $0x10, s1  }
0x4: {  	s4 =	rddreg [dreg:$0x1];
	s7 =	simm.s32 $0x1;
	s1 =	sor.u32 s0, s1  }
0x5: {  	s8 =	simm.s32 $0x2;
	s9 =	simm.s32 $0x0;
	s3 =	sshll.u32 s1, $0x2  }
0x6: {  	s12 =	simm.s32 $0x0;
	s11 =	simm.s32 $0x0;
	s6 =	ssub.s32 $0x1000, s3  }
.Ltmp0:
0x7: {  	s4 =	sadd.s32 $0x1400, s4;
	s5 =	sand.u32 $0x7C, s6;
	(pc) =	sbr.rel .LBB1_1-.Ltmp0, $4  }
0x8: {  	s1 =	rddreg [dreg:$0x2];
	_ =	strace $0x80000047;
	p0 =	sne.s32 s5, $0x0  }
0x9: {  	s6 =	sshrl.u32 s6, $0x7;
	s5 =	simm.s32 $0x1;
	s7 =	simm.s32 @!p0 $0x0  }
0xa: {  	s10 =	smov.u32 s3;
	[sflag:s5] =	ssyncpa.u1 $0x0;
	s6 =	sadd.s32 s7, s6  }
0xb: {  	[sflag:s8] =	ssyncpa.u1 $0x0;
	s8 =	simm.s32 $0x0;
	s7 =	sadd.s32 $0x1, s6  }
.LBB1_9:
0xc: {  	s14 =	sadd.s32 $0x80, s10  }
0xd: {  	p1 =	sgt.s32 s14, $0xFFF  }
0xe: {  	s14 =	smov.u32 @p1 s3;
	p1 =	sne.s32 s11, s7  }
.Ltmp1:
0xf: {  	p0 =	slt.u32 s11, $0x2;
	(pc) =	sbr.rel @!p1 .LBB1_10-.Ltmp1, $4  }
0x10: {  	s13 =	simm.s32 @!p0 $0x2  }
0x11: {  	s15 =	sadd.s32 $0x1, s11;
	_ =	swait.ge @!p0 [sflag:s13], $0x4000  }
0x12: {  	s12 =	smov.u32 s10;
	s9 =	sadd.s32 $0x4000, s9;
	[sflag:s13] =	ssyncset.done @!p0 $0x0  }
0x13: {  	s11 =	smov.u32 s15;
	s10 =	smov.u32 s14;
	[sflag:s13] =	ssyncadd.s32 @!p0 $0xFFFFC000  }
.LBB1_1:
0x14: {  	p0 =	sge.u32 s11, s6  }
0x15: {  	s13 =	sxor.u32 @!p0 $0xFFFFFFFF, s11  }
0x16: {  	s31 =	sadd.s32 $0xFFFFFFFF, s11;
	s14 =	sshll.u32 @!p0 s10, $0x9;
	s13 =	sshll.u32 @!p0 s13, $0xE  }
0x17: {  	s15 =	simm.s32 @!p0 $0x0;
	s14 =	sadd.s32 @!p0 s2, s14;
	s13 =	sand.u32 @!p0 $0x4000, s13  }
0x18: {  	[tilespmem:s13], [sflag:$0x1] =	stream.linear.gather @!p0 [hbm4b:s14+s15], $0x4000, $0x38;
	[tilespmem:$0x10000] =	vst v63  }
0x19: {  	p0 =	sge.u32 s31, s6  }
.Ltmp2:
0x1a: {  	_ = 	snop;
	(pc) =	sbr.rel @p0 .LBB1_9-.Ltmp2, $1  }
0x1b: {  	_ =	sdelay $0x3  }
0x1c: {  	s14 =	sand.u32 $0x4000, s9  }
0x1d: {  	_ =	swait.ge [sflag:s5], $0x4000;
	s15 =	sshll.u32 s11, $0xE;
	s16 =	simm.s32 $0x0  }
0x1e: {  	s13 =	sor.u32 $0x40, s14;
	[sflag:s5] =	ssyncset.done $0x0;
	s15 =	sand.u32 $0x4000, s15  }
0x1f: {  	s14 =	sor.u32 $0x8040, s14;
	[sflag:s5] =	ssyncadd.s32 $0xFFFFC000;
	s15 =	sor.u32 $0x8000, s15  }
.LBB1_3:
0x20: {  	s17 =	smov.u32 s14;
	s18 =	smov.u32 s13;
	s19 =	simm.s32 $0x0  }
.LBB1_4:
0x21: {  	v0 =	vmov s17;
	v2 =	vld [tilespmem:s18+$0x30]  }
0x22: {  	v4 =	vld [tilespmem:s18+$0xFFFFFFD0]  }
0x23: {  	v6 =	vld [tilespmem:s18+$0xFFFFFFE0]  }
0x24: {  	v7 =	vld [tilespmem:s18+$0xFFFFFFF0]  }
0x25: {  	s20 =	simm.s32 $0x0;
	v1 =	vld [tilespmem:s18+$0x0]  }
0x26: {  	v3 =	vld [tilespmem:s18+$0x10];
	[tilespmem:v0+s20+$0x30 ss:$0x1] =	vst.idx.msk $0xffff, v2  }
0x27: {  	v5 =	vld [tilespmem:s18+$0x20];
	[tilespmem:v0+s20+$0xFFFFFFD0 ss:$0x1] =	vst.idx.msk $0xffff, v4  }
0x28: {  	s21 =	sadd.s32 $0x80, s18;
	v2 =	vld [tilespmem:s18+$0xFFFFFFC0];
	[tilespmem:v0+s20+$0xFFFFFFE0 ss:$0x1] =	vst.idx.msk $0xffff, v6  }
0x29: {  	s22 =	simm.s32 $0x800;
	s23 =	simm.s32 $0x1000;
	v4 =	vld [tilespmem:s21+$0x30];
	[tilespmem:v0+s20+$0xFFFFFFF0 ss:$0x1] =	vst.idx.msk $0xffff, v7  }
.LBB1_5:
0x2a: {  	p0 =	sne.s32 s23, $0x3800;
	v6 =	vld [tilespmem:s21+$0xFFFFFFD0];
	[tilespmem:v0+s20+$0x0 ss:$0x1] =	vst.idx.msk $0xffff, v1  }
0x2b: {  	v7 =	vld [tilespmem:s21+$0xFFFFFFE0];
	[tilespmem:v0+s20+$0x10 ss:$0x1] =	vst.idx.msk $0xffff, v3  }
0x2c: {  	v8 =	vld [tilespmem:s21+$0xFFFFFFF0];
	[tilespmem:v0+s20+$0x20 ss:$0x1] =	vst.idx.msk $0xffff, v5  }
.Ltmp3:
0x2d: {  	v1 =	vld [tilespmem:s21+$0x0];
	[tilespmem:v0+s20+$0xFFFFFFC0 ss:$0x1] =	vst.idx.msk $0xffff, v2;
	s20 =	sshra.s32 s22, $0x2;
	s22 =	smov.u32 s23;
	(pc) =	sbr.rel @p0 .LBB1_5-.Ltmp3, $4  }
0x2e: {  	v3 =	vld [tilespmem:s21+$0x10];
	[tilespmem:v0+s20+$0x30 ss:$0x1] =	vst.idx.msk $0xffff, v4  }
0x2f: {  	[tilespmem:v0+s20+$0xFFFFFFD0 ss:$0x1] =	vst.idx.msk $0xffff, v6;
	v5 =	vld [tilespmem:s21+$0x20]  }
0x30: {  	v2 =	vld [tilespmem:s21+$0xFFFFFFC0];
	[tilespmem:v0+s20+$0xFFFFFFE0 ss:$0x1] =	vst.idx.msk $0xffff, v7;
	s21 =	sadd.s32 $0x80, s21  }
0x31: {  	s23 =	sadd.s32 $0x800, s23;
	v4 =	vld [tilespmem:s21+$0x30];
	[tilespmem:v0+s20+$0xFFFFFFF0 ss:$0x1] =	vst.idx.msk $0xffff, v8  }
0x32: {  	_ =	sdelay $0x3  }
0x33: {  	v6 =	vld [tilespmem:s21+$0xFFFFFFD0];
	[tilespmem:v0+s20+$0x0 ss:$0x1] =	vst.idx.msk $0xffff, v1  }
0x34: {  	v58 =	vld [tilespmem:s21+$0xFFFFFFE0];
	[tilespmem:v0+s20+$0x10 ss:$0x1] =	vst.idx.msk $0xffff, v3  }
0x35: {  	v59 =	vld [tilespmem:s21+$0xFFFFFFF0];
	[tilespmem:v0+s20+$0x20 ss:$0x1] =	vst.idx.msk $0xffff, v5  }
0x36: {  	s22 =	sshra.s32 s22, $0x2;
	v60 =	vld [tilespmem:s21+$0x0];
	[tilespmem:v0+s20+$0xFFFFFFC0 ss:$0x1] =	vst.idx.msk $0xffff, v2  }
0x37: {  	v61 =	vld [tilespmem:s21+$0x10];
	[tilespmem:v0+s22+$0x30 ss:$0x1] =	vst.idx.msk $0xffff, v4  }
0x38: {  	v62 =	vld [tilespmem:s21+$0x20];
	s19 =	sadd.s32 $0x1, s19;
	[tilespmem:v0+s22+$0xFFFFFFD0 ss:$0x1] =	vst.idx.msk $0xffff, v6  }
0x39: {  	v63 =	vld [tilespmem:s21+$0xFFFFFFC0];
	p0 =	sne.s32 s19, $0x4;
	[tilespmem:v0+s22+$0xFFFFFFE0 ss:$0x1] =	vst.idx.msk $0xffff, v58  }
.Ltmp4:
0x3a: {  	[tilespmem:v0+s22+$0xFFFFFFF0 ss:$0x1] =	vst.idx.msk $0xffff, v59;
	(pc) =	sbr.rel @p0 .LBB1_4-.Ltmp4, $4  }
0x3b: {  	[tilespmem:v0+s22+$0x0 ss:$0x1] =	vst.idx.msk $0xffff, v60  }
0x3c: {  	[tilespmem:v0+s22+$0x10 ss:$0x1] =	vst.idx.msk $0xffff, v61  }
0x3d: {  	[tilespmem:v0+s22+$0x20 ss:$0x1] =	vst.idx.msk $0xffff, v62  }
0x3e: {  	s18 =	sadd.s32 $0x400, s18;
	s17 =	sadd.s32 $0x80, s17;
	[tilespmem:v0+s22+$0xFFFFFFC0 ss:$0x1] =	vst.idx.msk $0xffff, v63  }
0x3f: {  	s16 =	sadd.s32 $0x1, s16  }
0x40: {  	p0 =	sne.s32 s16, $0x4  }
.Ltmp5:
0x41: {  	_ = 	snop;
	(pc) =	sbr.rel @p0 .LBB1_3-.Ltmp5, $2  }
0x42: {  	_ =	sdelay $0x2  }
0x43: {  	s13 =	sadd.s32 $0x1000, s13;
	s14 =	sadd.s32 $0x1000, s14  }
.Ltmp6:
0x44: {  	(pc) =	sbr.rel .LBB1_9-.Ltmp6, $4  }
0x45: {  	_ = 	snop  }
0x46: {  	s12 =	sshll.u32 s12, $0x9  }
0x47: {  	s12 =	sadd.s32 s4, s12  }
0x48: {  	[hbm4b:s12+s8] =	stream.linear.scatter [tilespmem:s15], [sflag:$0x2], $0x4000, $0x38;
	[tilespmem:$0x10000] =	vst v63  }
.LBB1_10:
0x49: {  	_ =	sfence.sel $0x180000  }
0x4a: {  	s2 =	simm.s32 $0x1;
	[bflag:$0x0] =	sbarrier.arrive $0xFFFF  }
0x4b: {  	s31 =	simm.s32 $0x2;
	[sflag:s2] =	ssyncpa.u1 $0x1  }
0x4c: {  	[sflag:s31] =	ssyncpa.u1 $0x1  }
0x4d: {  	p0 =	sne.s32 s0, $0x0;
	_ =	strace $0x90000047  }
0x4e: {  	s0 =	sadd.s32 @!p0 $0x100000, s1;
	[bflag:$0x2] =	sbarrier.arrive $0xFFFF  }
0x4f: {  	[sflag:s0] =	ssyncadd.tile.s32 @!p0 $0x1;
	_ =	shalt  }
.Lfunc_end1:
_tile_overlayer_lowered:
.L_overlay_start_2:
0x50: {  	(tag) =	ssettag $0x2  }
0x51: {  	s0 =	rddreg [dreg:$0x0];
	s2 =	stileid.u32  }
0x52: {  	s1 =	rddreg [dreg:$0x1];
	p0 =	sne.s32 s2, $0x0  }
0x53: {  	s3 =	rddreg [dreg:$0x2];
	[bflag:$0x3] =	sbarrier.arrive $0xFFFF;
	s2 =	simm.s32 @!p0 $0x1C01  }
0x54: {  	[timem:s3], [sflag:s2] =	dma.local @!p0 [hbm:s0], s1  }
0x55: {  	s0 =	simm.s32 @!p0 $0x1  }
0x56: {  	_ =	swait.ge @!p0 [sflag:s0], s1  }
0x57: {  	s1 =	ssub.s32 @!p0 $0x0, s1;
	[sflag:s0] =	ssyncset.done @!p0 $0x0  }
0x58: {  	[sflag:s0] =	ssyncadd.s32 @!p0 s1  }
0x59: {  	[bflag:$0x3] =	sbarrier.arrive $0xFFFF  }
0x5a: {  	_ =	shalt  }

</sc_bundles>
